<compile_context>
chip_gen: v7x
topology: tpu7x:2x2x1
jax: 0.10.2.dev20260603
libtpu: 0.0.44.dev20260713+nightly
codegen_flags: <defaults>
</compile_context>

<pallas_src>
import jax
import jax.numpy as jnp
from jax import lax
from jax.experimental import pallas as pl
from jax.experimental.pallas import tpu as pltpu
from jax.experimental.pallas import tpu_sc as plsc

VOCAB_SIZE = 100000
N_EMBED = 768
CONTEXT_SIZE = 2048
BATCH = 4
SEQ_LEN = 2048

NUM_CORES = 2
NUM_SUBCORES = 16
NUM_WORKERS = NUM_CORES * NUM_SUBCORES
S_PER_W = SEQ_LEN // NUM_WORKERS
LANES = 16
CHUNKS = N_EMBED // LANES
NQ = 4
Q = S_PER_W // NQ


def _body(ids_hbm, wte_hbm, wpe_hbm, out_hbm,
          idx_v, wpe_v, r0, r1, r2, r3,
          sg0, sg1, sg2, sg3, so0, so1, so2, so3):
    wid = lax.axis_index("s") * NUM_CORES + lax.axis_index("c")
    s0 = wid * S_PER_W

    bufs = (r0, r1, r2, r3)
    gsems = (sg0, sg1, sg2, sg3)
    osems = (so0, so1, so2, so3)

    for b in range(BATCH):
        pltpu.sync_copy(ids_hbm.at[b, pl.ds(s0, S_PER_W)], idx_v.at[b])
    pltpu.sync_copy(wpe_hbm.at[pl.ds(s0, S_PER_W)], wpe_v)

    def gd(bat, q):
        return pltpu.make_async_copy(
            wte_hbm.at[idx_v.at[bat, pl.ds(q * Q, Q)]], bufs[q], gsems[q])

    def wr(bat, q):
        return pltpu.make_async_copy(
            bufs[q], out_hbm.at[bat, pl.ds(s0 + q * Q, Q)], osems[q])

    def add_wpe(q):
        buf = bufs[q]

        def add_row(i, _):
            for j in range(CHUNKS):
                x = wpe_v[q * Q + i, pl.ds(j * LANES, LANES)]
                plsc.addupdate(buf.at[i, pl.ds(j * LANES, LANES)], x)
            return 0

        lax.fori_loop(0, Q, add_row, 0)

    gd(0, 0).start()
    gd(0, 1).start()

    def batch_body(g, _):
        for q in range(NQ):
            gd(g, q).wait()
            if q < 2:
                @pl.when(g > 0)
                def _w(g=g, q=q):
                    wr(g - 1, q + 2).wait()
                gd(g, q + 2).start()
            else:
                @pl.when(g < BATCH - 1)
                def _p(g=g, q=q):
                    wr(g, q - 2).wait()
                    gd(g + 1, q - 2).start()
            add_wpe(q)
            wr(g, q).start()
        return 0

    lax.fori_loop(0, BATCH, batch_body, 0)
    for q in range(NQ):
        wr(BATCH - 1, q).wait()


@jax.jit
def _embed(input_ids, wte, wpe):
    mesh = plsc.VectorSubcoreMesh(core_axis_name="c", subcore_axis_name="s")
    return pl.kernel(
        _body,
        out_type=jax.ShapeDtypeStruct((BATCH, SEQ_LEN, N_EMBED), jnp.float32),
        mesh=mesh,
        scratch_types=(
            [pltpu.VMEM((BATCH, S_PER_W), jnp.int32),
             pltpu.VMEM((S_PER_W, N_EMBED), jnp.float32)]
            + [pltpu.VMEM((Q, N_EMBED), jnp.float32) for _ in range(NQ)]
            + [pltpu.SemaphoreType.DMA for _ in range(2 * NQ)]
        ),
    )(input_ids, wte, wpe)


def kernel(input_ids, wte, wpe):
    return _embed(input_ids.astype(jnp.int32), wte, wpe)

# --- scband reference (transcript-rebuilt; emitter-appended) ---
"""Pipeline reference for scband-embeddings-74122545594578 (READ-ONLY COPY).

The authoritative reference and input builder live on the scoring server;
editing this copy changes nothing except your own understanding.
"""

import jax, jax.numpy as jnp
import numpy as np

VOCAB_SIZE = 100000
N_EMBED = 768
CONTEXT_SIZE = 2048
BATCH = 4
SEQ_LEN = 2048

def setup_inputs(seed: int = 0) -> dict:
    key = jax.random.key(seed)
    k1, k2, k3 = jax.random.split(key, 3)
    input_ids = jax.random.randint(k1, (BATCH, SEQ_LEN), 0, VOCAB_SIZE, dtype=jnp.int64 if jax.config.read('jax_enable_x64') else jnp.int32)
    wte = jax.random.normal(k2, (VOCAB_SIZE, N_EMBED), dtype=jnp.float32) * 0.02
    wpe = jax.random.normal(k3, (CONTEXT_SIZE, N_EMBED), dtype=jnp.float32) * 0.02
    return {"input_ids": input_ids, "wte": wte, "wpe": wpe}

def reference(input_ids, wte, wpe):
    # token embedding lookup (gather)
    token_embeddings = jnp.take(wte, input_ids, axis=0)  # (B, S, D)
    seq_len = input_ids.shape[1]
    positions = jnp.arange(seq_len)
    position_embeddings = jnp.take(wpe, positions, axis=0)  # (S, D)
    position_embeddings = jnp.broadcast_to(position_embeddings[None, :, :], token_embeddings.shape)
    embeddings = token_embeddings + position_embeddings
    # dropout p=0.0 -> identity (eval / p=0)
    return embeddings

if __name__ == "__main__":
    import jax
    _d = setup_inputs()
    print(jax.jit(kernel)(*tuple(_d.values())))

</pallas_src>

<mosaic_0001>
#map = affine_map<(d0, d1) -> (0, 0)>
#map1 = affine_map<(d0, d1) -> (0, 0, 0)>
module attributes {stable_mosaic.version = 14 : i64} {
  func.func @_body(%arg0: i32, %arg1: i32, %arg2: memref<4x2048xi32, #tpu.memory_space<hbm>>, %arg3: memref<100000x768xf32, #tpu.memory_space<hbm>>, %arg4: memref<2048x768xf32, #tpu.memory_space<hbm>>, %arg5: memref<4x2048x768xf32, #tpu.memory_space<hbm>>, %arg6: memref<4x64xi32, #tpu.memory_space<vmem>>, %arg7: memref<64x768xf32, #tpu.memory_space<vmem>>, %arg8: memref<16x768xf32, #tpu.memory_space<vmem>>, %arg9: memref<16x768xf32, #tpu.memory_space<vmem>>, %arg10: memref<16x768xf32, #tpu.memory_space<vmem>>, %arg11: memref<16x768xf32, #tpu.memory_space<vmem>>, %arg12: memref<!tpu.dma_semaphore, #tpu.memory_space<semaphore_mem>>, %arg13: memref<!tpu.dma_semaphore, #tpu.memory_space<semaphore_mem>>, %arg14: memref<!tpu.dma_semaphore, #tpu.memory_space<semaphore_mem>>, %arg15: memref<!tpu.dma_semaphore, #tpu.memory_space<semaphore_mem>>, %arg16: memref<!tpu.dma_semaphore, #tpu.memory_space<semaphore_mem>>, %arg17: memref<!tpu.dma_semaphore, #tpu.memory_space<semaphore_mem>>, %arg18: memref<!tpu.dma_semaphore, #tpu.memory_space<semaphore_mem>>, %arg19: memref<!tpu.dma_semaphore, #tpu.memory_space<semaphore_mem>>) attributes {dimension_semantics = [#tpu.dimension_semantics<core_parallel>, #tpu.dimension_semantics<subcore_parallel>], iteration_bounds = array<i64: 2, 16>, scalar_prefetch = 0 : i64, scratch_operands = 14 : i64, tpu.core_type = #tpu.core_type<sc_vector_subcore>, window_params = [{transform_indices = #map}, {transform_indices = #map}, {transform_indices = #map}, {transform_indices = #map1}]} {
    %mul3A = arith.constant 2 : i32
    %mul3A_0 = arith.muli %arg1, %mul3A : i32
    %add3A = arith.addi %mul3A_0, %arg0 : i32
    %mul3A_1 = arith.constant 64 : i32
    %mul3A_2 = arith.muli %add3A, %mul3A_1 : i32
    %run_scoped3A = arith.constant 0 : i32
    %run_scoped3A_3 = arith.constant 0 : i32
    "tpu.region"() ({
      %run_scoped3A_64 = tpu.sem_alloc : memref<!tpu.dma_semaphore, #tpu.memory_space<semaphore_mem>>
      %dma_start3A_65 = arith.constant 0 : i32
      %dma_start3A_66 = tpu.memref_slice %arg6[%run_scoped3A_3, %dma_start3A_65] : memref<4x64xi32, #tpu.memory_space<vmem>> -> memref<1x64xi32, #tpu.memory_space<vmem>>
      %dma_start3A_67 = tpu.memref_squeeze %dma_start3A_66 : memref<1x64xi32, #tpu.memory_space<vmem>> -> memref<64xi32, #tpu.memory_space<vmem>>
      %dma_start3A_68 = tpu.memref_slice %arg2[%run_scoped3A, %mul3A_2] : memref<4x2048xi32, #tpu.memory_space<hbm>> -> memref<1x64xi32, #tpu.memory_space<hbm>>
      %dma_start3A_69 = tpu.memref_squeeze %dma_start3A_68 : memref<1x64xi32, #tpu.memory_space<hbm>> -> memref<64xi32, #tpu.memory_space<hbm>>
      %dma_start3A_70 = arith.constant 0 : i32
      %dma_start3A_71 = tpu.memref_slice %arg6[%run_scoped3A_3, %dma_start3A_70] : memref<4x64xi32, #tpu.memory_space<vmem>> -> memref<1x64xi32, #tpu.memory_space<vmem>>
      %dma_start3A_72 = tpu.memref_squeeze %dma_start3A_71 : memref<1x64xi32, #tpu.memory_space<vmem>> -> memref<64xi32, #tpu.memory_space<vmem>>
      %dma_start3A_73 = tpu.memref_slice %arg2[%run_scoped3A, %mul3A_2] : memref<4x2048xi32, #tpu.memory_space<hbm>> -> memref<1x64xi32, #tpu.memory_space<hbm>>
      %dma_start3A_74 = tpu.memref_squeeze %dma_start3A_73 : memref<1x64xi32, #tpu.memory_space<hbm>> -> memref<64xi32, #tpu.memory_space<hbm>>
      tpu.enqueue_dma source(%dma_start3A_74 : memref<64xi32, #tpu.memory_space<hbm>>) target(%dma_start3A_72 : memref<64xi32, #tpu.memory_space<vmem>>) target_semaphore(%run_scoped3A_64 : memref<!tpu.dma_semaphore, #tpu.memory_space<semaphore_mem>>)
      %dma_wait3A_75 = arith.constant 0 : i32
      %dma_wait3A_76 = tpu.memref_slice %arg6[%run_scoped3A_3, %dma_wait3A_75] : memref<4x64xi32, #tpu.memory_space<vmem>> -> memref<1x64xi32, #tpu.memory_space<vmem>>
      %dma_wait3A_77 = tpu.memref_squeeze %dma_wait3A_76 : memref<1x64xi32, #tpu.memory_space<vmem>> -> memref<64xi32, #tpu.memory_space<vmem>>
      %dma_wait3A_78 = tpu.memref_slice %arg2[%run_scoped3A, %mul3A_2] : memref<4x2048xi32, #tpu.memory_space<hbm>> -> memref<1x64xi32, #tpu.memory_space<hbm>>
      %dma_wait3A_79 = tpu.memref_squeeze %dma_wait3A_78 : memref<1x64xi32, #tpu.memory_space<hbm>> -> memref<64xi32, #tpu.memory_space<hbm>>
      %dma_wait3A_80 = arith.constant 0 : i32
      %dma_wait3A_81 = tpu.memref_slice %arg6[%run_scoped3A_3, %dma_wait3A_80] : memref<4x64xi32, #tpu.memory_space<vmem>> -> memref<1x64xi32, #tpu.memory_space<vmem>>
      %dma_wait3A_82 = tpu.memref_squeeze %dma_wait3A_81 : memref<1x64xi32, #tpu.memory_space<vmem>> -> memref<64xi32, #tpu.memory_space<vmem>>
      %dma_wait3A_83 = tpu.memref_slice %arg2[%run_scoped3A, %mul3A_2] : memref<4x2048xi32, #tpu.memory_space<hbm>> -> memref<1x64xi32, #tpu.memory_space<hbm>>
      %dma_wait3A_84 = tpu.memref_squeeze %dma_wait3A_83 : memref<1x64xi32, #tpu.memory_space<hbm>> -> memref<64xi32, #tpu.memory_space<hbm>>
      tpu.wait_dma2 semaphore(%run_scoped3A_64 : memref<!tpu.dma_semaphore, #tpu.memory_space<semaphore_mem>>) src(%dma_wait3A_84 : memref<64xi32, #tpu.memory_space<hbm>>) dst(%dma_wait3A_82 : memref<64xi32, #tpu.memory_space<vmem>>)
      tpu.yield
    }) : () -> ()
    %run_scoped3A_4 = arith.constant 1 : i32
    %run_scoped3A_5 = arith.constant 1 : i32
    "tpu.region"() ({
      %run_scoped3A_64 = tpu.sem_alloc : memref<!tpu.dma_semaphore, #tpu.memory_space<semaphore_mem>>
      %dma_start3A_65 = arith.constant 0 : i32
      %dma_start3A_66 = tpu.memref_slice %arg6[%run_scoped3A_5, %dma_start3A_65] : memref<4x64xi32, #tpu.memory_space<vmem>> -> memref<1x64xi32, #tpu.memory_space<vmem>>
      %dma_start3A_67 = tpu.memref_squeeze %dma_start3A_66 : memref<1x64xi32, #tpu.memory_space<vmem>> -> memref<64xi32, #tpu.memory_space<vmem>>
      %dma_start3A_68 = tpu.memref_slice %arg2[%run_scoped3A_4, %mul3A_2] : memref<4x2048xi32, #tpu.memory_space<hbm>> -> memref<1x64xi32, #tpu.memory_space<hbm>>
      %dma_start3A_69 = tpu.memref_squeeze %dma_start3A_68 : memref<1x64xi32, #tpu.memory_space<hbm>> -> memref<64xi32, #tpu.memory_space<hbm>>
      %dma_start3A_70 = arith.constant 0 : i32
      %dma_start3A_71 = tpu.memref_slice %arg6[%run_scoped3A_5, %dma_start3A_70] : memref<4x64xi32, #tpu.memory_space<vmem>> -> memref<1x64xi32, #tpu.memory_space<vmem>>
      %dma_start3A_72 = tpu.memref_squeeze %dma_start3A_71 : memref<1x64xi32, #tpu.memory_space<vmem>> -> memref<64xi32, #tpu.memory_space<vmem>>
      %dma_start3A_73 = tpu.memref_slice %arg2[%run_scoped3A_4, %mul3A_2] : memref<4x2048xi32, #tpu.memory_space<hbm>> -> memref<1x64xi32, #tpu.memory_space<hbm>>
      %dma_start3A_74 = tpu.memref_squeeze %dma_start3A_73 : memref<1x64xi32, #tpu.memory_space<hbm>> -> memref<64xi32, #tpu.memory_space<hbm>>
      tpu.enqueue_dma source(%dma_start3A_74 : memref<64xi32, #tpu.memory_space<hbm>>) target(%dma_start3A_72 : memref<64xi32, #tpu.memory_space<vmem>>) target_semaphore(%run_scoped3A_64 : memref<!tpu.dma_semaphore, #tpu.memory_space<semaphore_mem>>)
      %dma_wait3A_75 = arith.constant 0 : i32
      %dma_wait3A_76 = tpu.memref_slice %arg6[%run_scoped3A_5, %dma_wait3A_75] : memref<4x64xi32, #tpu.memory_space<vmem>> -> memref<1x64xi32, #tpu.memory_space<vmem>>
      %dma_wait3A_77 = tpu.memref_squeeze %dma_wait3A_76 : memref<1x64xi32, #tpu.memory_space<vmem>> -> memref<64xi32, #tpu.memory_space<vmem>>
      %dma_wait3A_78 = tpu.memref_slice %arg2[%run_scoped3A_4, %mul3A_2] : memref<4x2048xi32, #tpu.memory_space<hbm>> -> memref<1x64xi32, #tpu.memory_space<hbm>>
      %dma_wait3A_79 = tpu.memref_squeeze %dma_wait3A_78 : memref<1x64xi32, #tpu.memory_space<hbm>> -> memref<64xi32, #tpu.memory_space<hbm>>
      %dma_wait3A_80 = arith.constant 0 : i32
      %dma_wait3A_81 = tpu.memref_slice %arg6[%run_scoped3A_5, %dma_wait3A_80] : memref<4x64xi32, #tpu.memory_space<vmem>> -> memref<1x64xi32, #tpu.memory_space<vmem>>
      %dma_wait3A_82 = tpu.memref_squeeze %dma_wait3A_81 : memref<1x64xi32, #tpu.memory_space<vmem>> -> memref<64xi32, #tpu.memory_space<vmem>>
      %dma_wait3A_83 = tpu.memref_slice %arg2[%run_scoped3A_4, %mul3A_2] : memref<4x2048xi32, #tpu.memory_space<hbm>> -> memref<1x64xi32, #tpu.memory_space<hbm>>
      %dma_wait3A_84 = tpu.memref_squeeze %dma_wait3A_83 : memref<1x64xi32, #tpu.memory_space<hbm>> -> memref<64xi32, #tpu.memory_space<hbm>>
      tpu.wait_dma2 semaphore(%run_scoped3A_64 : memref<!tpu.dma_semaphore, #tpu.memory_space<semaphore_mem>>) src(%dma_wait3A_84 : memref<64xi32, #tpu.memory_space<hbm>>) dst(%dma_wait3A_82 : memref<64xi32, #tpu.memory_space<vmem>>)
      tpu.yield
    }) : () -> ()
    %run_scoped3A_6 = arith.constant 2 : i32
    %run_scoped3A_7 = arith.constant 2 : i32
    "tpu.region"() ({
      %run_scoped3A_64 = tpu.sem_alloc : memref<!tpu.dma_semaphore, #tpu.memory_space<semaphore_mem>>
      %dma_start3A_65 = arith.constant 0 : i32
      %dma_start3A_66 = tpu.memref_slice %arg6[%run_scoped3A_7, %dma_start3A_65] : memref<4x64xi32, #tpu.memory_space<vmem>> -> memref<1x64xi32, #tpu.memory_space<vmem>>
      %dma_start3A_67 = tpu.memref_squeeze %dma_start3A_66 : memref<1x64xi32, #tpu.memory_space<vmem>> -> memref<64xi32, #tpu.memory_space<vmem>>
      %dma_start3A_68 = tpu.memref_slice %arg2[%run_scoped3A_6, %mul3A_2] : memref<4x2048xi32, #tpu.memory_space<hbm>> -> memref<1x64xi32, #tpu.memory_space<hbm>>
      %dma_start3A_69 = tpu.memref_squeeze %dma_start3A_68 : memref<1x64xi32, #tpu.memory_space<hbm>> -> memref<64xi32, #tpu.memory_space<hbm>>
      %dma_start3A_70 = arith.constant 0 : i32
      %dma_start3A_71 = tpu.memref_slice %arg6[%run_scoped3A_7, %dma_start3A_70] : memref<4x64xi32, #tpu.memory_space<vmem>> -> memref<1x64xi32, #tpu.memory_space<vmem>>
      %dma_start3A_72 = tpu.memref_squeeze %dma_start3A_71 : memref<1x64xi32, #tpu.memory_space<vmem>> -> memref<64xi32, #tpu.memory_space<vmem>>
      %dma_start3A_73 = tpu.memref_slice %arg2[%run_scoped3A_6, %mul3A_2] : memref<4x2048xi32, #tpu.memory_space<hbm>> -> memref<1x64xi32, #tpu.memory_space<hbm>>
      %dma_start3A_74 = tpu.memref_squeeze %dma_start3A_73 : memref<1x64xi32, #tpu.memory_space<hbm>> -> memref<64xi32, #tpu.memory_space<hbm>>
      tpu.enqueue_dma source(%dma_start3A_74 : memref<64xi32, #tpu.memory_space<hbm>>) target(%dma_start3A_72 : memref<64xi32, #tpu.memory_space<vmem>>) target_semaphore(%run_scoped3A_64 : memref<!tpu.dma_semaphore, #tpu.memory_space<semaphore_mem>>)
      %dma_wait3A_75 = arith.constant 0 : i32
      %dma_wait3A_76 = tpu.memref_slice %arg6[%run_scoped3A_7, %dma_wait3A_75] : memref<4x64xi32, #tpu.memory_space<vmem>> -> memref<1x64xi32, #tpu.memory_space<vmem>>
      %dma_wait3A_77 = tpu.memref_squeeze %dma_wait3A_76 : memref<1x64xi32, #tpu.memory_space<vmem>> -> memref<64xi32, #tpu.memory_space<vmem>>
      %dma_wait3A_78 = tpu.memref_slice %arg2[%run_scoped3A_6, %mul3A_2] : memref<4x2048xi32, #tpu.memory_space<hbm>> -> memref<1x64xi32, #tpu.memory_space<hbm>>
      %dma_wait3A_79 = tpu.memref_squeeze %dma_wait3A_78 : memref<1x64xi32, #tpu.memory_space<hbm>> -> memref<64xi32, #tpu.memory_space<hbm>>
      %dma_wait3A_80 = arith.constant 0 : i32
      %dma_wait3A_81 = tpu.memref_slice %arg6[%run_scoped3A_7, %dma_wait3A_80] : memref<4x64xi32, #tpu.memory_space<vmem>> -> memref<1x64xi32, #tpu.memory_space<vmem>>
      %dma_wait3A_82 = tpu.memref_squeeze %dma_wait3A_81 : memref<1x64xi32, #tpu.memory_space<vmem>> -> memref<64xi32, #tpu.memory_space<vmem>>
      %dma_wait3A_83 = tpu.memref_slice %arg2[%run_scoped3A_6, %mul3A_2] : memref<4x2048xi32, #tpu.memory_space<hbm>> -> memref<1x64xi32, #tpu.memory_space<hbm>>
      %dma_wait3A_84 = tpu.memref_squeeze %dma_wait3A_83 : memref<1x64xi32, #tpu.memory_space<hbm>> -> memref<64xi32, #tpu.memory_space<hbm>>
      tpu.wait_dma2 semaphore(%run_scoped3A_64 : memref<!tpu.dma_semaphore, #tpu.memory_space<semaphore_mem>>) src(%dma_wait3A_84 : memref<64xi32, #tpu.memory_space<hbm>>) dst(%dma_wait3A_82 : memref<64xi32, #tpu.memory_space<vmem>>)
      tpu.yield
    }) : () -> ()
    %run_scoped3A_8 = arith.constant 3 : i32
    %run_scoped3A_9 = arith.constant 3 : i32
    "tpu.region"() ({
      %run_scoped3A_64 = tpu.sem_alloc : memref<!tpu.dma_semaphore, #tpu.memory_space<semaphore_mem>>
      %dma_start3A_65 = arith.constant 0 : i32
      %dma_start3A_66 = tpu.memref_slice %arg6[%run_scoped3A_9, %dma_start3A_65] : memref<4x64xi32, #tpu.memory_space<vmem>> -> memref<1x64xi32, #tpu.memory_space<vmem>>
      %dma_start3A_67 = tpu.memref_squeeze %dma_start3A_66 : memref<1x64xi32, #tpu.memory_space<vmem>> -> memref<64xi32, #tpu.memory_space<vmem>>
      %dma_start3A_68 = tpu.memref_slice %arg2[%run_scoped3A_8, %mul3A_2] : memref<4x2048xi32, #tpu.memory_space<hbm>> -> memref<1x64xi32, #tpu.memory_space<hbm>>
      %dma_start3A_69 = tpu.memref_squeeze %dma_start3A_68 : memref<1x64xi32, #tpu.memory_space<hbm>> -> memref<64xi32, #tpu.memory_space<hbm>>
      %dma_start3A_70 = arith.constant 0 : i32
      %dma_start3A_71 = tpu.memref_slice %arg6[%run_scoped3A_9, %dma_start3A_70] : memref<4x64xi32, #tpu.memory_space<vmem>> -> memref<1x64xi32, #tpu.memory_space<vmem>>
      %dma_start3A_72 = tpu.memref_squeeze %dma_start3A_71 : memref<1x64xi32, #tpu.memory_space<vmem>> -> memref<64xi32, #tpu.memory_space<vmem>>
      %dma_start3A_73 = tpu.memref_slice %arg2[%run_scoped3A_8, %mul3A_2] : memref<4x2048xi32, #tpu.memory_space<hbm>> -> memref<1x64xi32, #tpu.memory_space<hbm>>
      %dma_start3A_74 = tpu.memref_squeeze %dma_start3A_73 : memref<1x64xi32, #tpu.memory_space<hbm>> -> memref<64xi32, #tpu.memory_space<hbm>>
      tpu.enqueue_dma source(%dma_start3A_74 : memref<64xi32, #tpu.memory_space<hbm>>) target(%dma_start3A_72 : memref<64xi32, #tpu.memory_space<vmem>>) target_semaphore(%run_scoped3A_64 : memref<!tpu.dma_semaphore, #tpu.memory_space<semaphore_mem>>)
      %dma_wait3A_75 = arith.constant 0 : i32
      %dma_wait3A_76 = tpu.memref_slice %arg6[%run_scoped3A_9, %dma_wait3A_75] : memref<4x64xi32, #tpu.memory_space<vmem>> -> memref<1x64xi32, #tpu.memory_space<vmem>>
      %dma_wait3A_77 = tpu.memref_squeeze %dma_wait3A_76 : memref<1x64xi32, #tpu.memory_space<vmem>> -> memref<64xi32, #tpu.memory_space<vmem>>
      %dma_wait3A_78 = tpu.memref_slice %arg2[%run_scoped3A_8, %mul3A_2] : memref<4x2048xi32, #tpu.memory_space<hbm>> -> memref<1x64xi32, #tpu.memory_space<hbm>>
      %dma_wait3A_79 = tpu.memref_squeeze %dma_wait3A_78 : memref<1x64xi32, #tpu.memory_space<hbm>> -> memref<64xi32, #tpu.memory_space<hbm>>
      %dma_wait3A_80 = arith.constant 0 : i32
      %dma_wait3A_81 = tpu.memref_slice %arg6[%run_scoped3A_9, %dma_wait3A_80] : memref<4x64xi32, #tpu.memory_space<vmem>> -> memref<1x64xi32, #tpu.memory_space<vmem>>
      %dma_wait3A_82 = tpu.memref_squeeze %dma_wait3A_81 : memref<1x64xi32, #tpu.memory_space<vmem>> -> memref<64xi32, #tpu.memory_space<vmem>>
      %dma_wait3A_83 = tpu.memref_slice %arg2[%run_scoped3A_8, %mul3A_2] : memref<4x2048xi32, #tpu.memory_space<hbm>> -> memref<1x64xi32, #tpu.memory_space<hbm>>
      %dma_wait3A_84 = tpu.memref_squeeze %dma_wait3A_83 : memref<1x64xi32, #tpu.memory_space<hbm>> -> memref<64xi32, #tpu.memory_space<hbm>>
      tpu.wait_dma2 semaphore(%run_scoped3A_64 : memref<!tpu.dma_semaphore, #tpu.memory_space<semaphore_mem>>) src(%dma_wait3A_84 : memref<64xi32, #tpu.memory_space<hbm>>) dst(%dma_wait3A_82 : memref<64xi32, #tpu.memory_space<vmem>>)
      tpu.yield
    }) : () -> ()
    "tpu.region"() ({
      %run_scoped3A_64 = tpu.sem_alloc : memref<!tpu.dma_semaphore, #tpu.memory_space<semaphore_mem>>
      %dma_start3A_65 = arith.constant 0 : i32
      %dma_start3A_66 = tpu.memref_slice %arg4[%mul3A_2, %dma_start3A_65] : memref<2048x768xf32, #tpu.memory_space<hbm>> -> memref<64x768xf32, #tpu.memory_space<hbm>>
      %dma_start3A_67 = arith.constant 0 : i32
      %dma_start3A_68 = tpu.memref_slice %arg4[%mul3A_2, %dma_start3A_67] : memref<2048x768xf32, #tpu.memory_space<hbm>> -> memref<64x768xf32, #tpu.memory_space<hbm>>
      tpu.enqueue_dma source(%dma_start3A_68 : memref<64x768xf32, #tpu.memory_space<hbm>>) target(%arg7 : memref<64x768xf32, #tpu.memory_space<vmem>>) target_semaphore(%run_scoped3A_64 : memref<!tpu.dma_semaphore, #tpu.memory_space<semaphore_mem>>)
      %dma_wait3A_69 = arith.constant 0 : i32
      %dma_wait3A_70 = tpu.memref_slice %arg4[%mul3A_2, %dma_wait3A_69] : memref<2048x768xf32, #tpu.memory_space<hbm>> -> memref<64x768xf32, #tpu.memory_space<hbm>>
      %dma_wait3A_71 = arith.constant 0 : i32
      %dma_wait3A_72 = tpu.memref_slice %arg4[%mul3A_2, %dma_wait3A_71] : memref<2048x768xf32, #tpu.memory_space<hbm>> -> memref<64x768xf32, #tpu.memory_space<hbm>>
      tpu.wait_dma2 semaphore(%run_scoped3A_64 : memref<!tpu.dma_semaphore, #tpu.memory_space<semaphore_mem>>) src(%dma_wait3A_72 : memref<64x768xf32, #tpu.memory_space<hbm>>) dst(%arg7 : memref<64x768xf32, #tpu.memory_space<vmem>>)
      tpu.yield
    }) : () -> ()
    %dma_start3A = arith.constant 0 : i32
    %dma_start3A_10 = arith.constant 0 : i32
    %dma_start3A_11 = tpu.memref_slice %arg6[%dma_start3A, %dma_start3A_10] : memref<4x64xi32, #tpu.memory_space<vmem>> -> memref<1x16xi32, #tpu.memory_space<vmem>>
    %dma_start3A_12 = tpu.memref_squeeze %dma_start3A_11 : memref<1x16xi32, #tpu.memory_space<vmem>> -> memref<16xi32, #tpu.memory_space<vmem>>
    %dma_start3A_13 = arith.constant 0 : i32
    %dma_start3A_14 = arith.constant 0 : i32
    %dma_start3A_15 = tpu.memref_slice %arg3[%dma_start3A_13, %dma_start3A_14] : memref<100000x768xf32, #tpu.memory_space<hbm>> -> memref<100000x768xf32, #tpu.memory_space<hbm>>
    tpu.enqueue_indirect_dma source(%dma_start3A_15 : memref<100000x768xf32, #tpu.memory_space<hbm>>) target(%arg8 : memref<16x768xf32, #tpu.memory_space<vmem>>) offsets(%dma_start3A_12 : memref<16xi32, #tpu.memory_space<vmem>>) semaphore(%arg12 : memref<!tpu.dma_semaphore, #tpu.memory_space<semaphore_mem>>)
    %dma_start3A_16 = arith.constant 0 : i32
    %dma_start3A_17 = arith.constant 16 : i32
    %dma_start3A_18 = tpu.memref_slice %arg6[%dma_start3A_16, %dma_start3A_17] : memref<4x64xi32, #tpu.memory_space<vmem>> -> memref<1x16xi32, #tpu.memory_space<vmem>>
    %dma_start3A_19 = tpu.memref_squeeze %dma_start3A_18 : memref<1x16xi32, #tpu.memory_space<vmem>> -> memref<16xi32, #tpu.memory_space<vmem>>
    %dma_start3A_20 = arith.constant 0 : i32
    %dma_start3A_21 = arith.constant 0 : i32
    %dma_start3A_22 = tpu.memref_slice %arg3[%dma_start3A_20, %dma_start3A_21] : memref<100000x768xf32, #tpu.memory_space<hbm>> -> memref<100000x768xf32, #tpu.memory_space<hbm>>
    tpu.enqueue_indirect_dma source(%dma_start3A_22 : memref<100000x768xf32, #tpu.memory_space<hbm>>) target(%arg9 : memref<16x768xf32, #tpu.memory_space<vmem>>) offsets(%dma_start3A_19 : memref<16xi32, #tpu.memory_space<vmem>>) semaphore(%arg13 : memref<!tpu.dma_semaphore, #tpu.memory_space<semaphore_mem>>)
    %scan3A = arith.constant 0 : i32
    %scan3A_23 = arith.constant 0 : i32
    %scan3A_24 = arith.constant 4 : i32
    %scan3A_25 = arith.addi %scan3A_23, %scan3A_24 : i32
    %scan3A_26 = arith.constant 1 : i32
    %scan3A_27 = scf.for %scan3A_64 = %scan3A_23 to %scan3A_25 step %scan3A_26 iter_args(%scan3A_65 = %scan3A) -> (i32)  : i32 {
      %dma_wait3A_66 = arith.constant 0 : i32
      %dma_wait3A_67 = tpu.memref_slice %arg6[%scan3A_64, %dma_wait3A_66] : memref<4x64xi32, #tpu.memory_space<vmem>> -> memref<1x16xi32, #tpu.memory_space<vmem>>
      %dma_wait3A_68 = tpu.memref_squeeze %dma_wait3A_67 : memref<1x16xi32, #tpu.memory_space<vmem>> -> memref<16xi32, #tpu.memory_space<vmem>>
      %dma_wait3A_69 = arith.constant 0 : i32
      %dma_wait3A_70 = arith.constant 0 : i32
      %dma_wait3A_71 = tpu.memref_slice %arg3[%dma_wait3A_69, %dma_wait3A_70] : memref<100000x768xf32, #tpu.memory_space<hbm>> -> memref<100000x768xf32, #tpu.memory_space<hbm>>
      tpu.wait_indirect_dma semaphore(%arg12 : memref<!tpu.dma_semaphore, #tpu.memory_space<semaphore_mem>>) src(%dma_wait3A_71 : memref<100000x768xf32, #tpu.memory_space<hbm>>) dst(%arg8 : memref<16x768xf32, #tpu.memory_space<vmem>>)
      %gt3A = arith.constant 0 : i32
      %gt3A_72 = arith.cmpi sgt, %scan3A_64, %gt3A : i32
      %convert_element_type3A = arith.extui %gt3A_72 : i1 to i32
      %cond3A = arith.constant 0 : i32
      %cond3A_73 = arith.cmpi ne, %convert_element_type3A, %cond3A : i32
      scf.if %cond3A_73 {
        %sub3A = arith.constant 1 : i32
        %sub3A_179 = arith.subi %scan3A_64, %sub3A : i32
        %add3A_180 = arith.constant 32 : i32
        %add3A_181 = arith.addi %mul3A_2, %add3A_180 : i32
        %dma_wait3A_182 = arith.constant 0 : i32
        %dma_wait3A_183 = tpu.memref_slice %arg5[%sub3A_179, %add3A_181, %dma_wait3A_182] : memref<4x2048x768xf32, #tpu.memory_space<hbm>> -> memref<1x16x768xf32, #tpu.memory_space<hbm>>
        %dma_wait3A_184 = tpu.memref_squeeze %dma_wait3A_183 : memref<1x16x768xf32, #tpu.memory_space<hbm>> -> memref<16x768xf32, #tpu.memory_space<hbm>>
        %dma_wait3A_185 = arith.constant 0 : i32
        %dma_wait3A_186 = tpu.memref_slice %arg5[%sub3A_179, %add3A_181, %dma_wait3A_185] : memref<4x2048x768xf32, #tpu.memory_space<hbm>> -> memref<1x16x768xf32, #tpu.memory_space<hbm>>
        %dma_wait3A_187 = tpu.memref_squeeze %dma_wait3A_186 : memref<1x16x768xf32, #tpu.memory_space<hbm>> -> memref<16x768xf32, #tpu.memory_space<hbm>>
        tpu.wait_dma2 semaphore(%arg18 : memref<!tpu.dma_semaphore, #tpu.memory_space<semaphore_mem>>) src(%arg10 : memref<16x768xf32, #tpu.memory_space<vmem>>) dst(%dma_wait3A_187 : memref<16x768xf32, #tpu.memory_space<hbm>>)
      } else {
      }
      %dma_start3A_74 = arith.constant 32 : i32
      %dma_start3A_75 = tpu.memref_slice %arg6[%scan3A_64, %dma_start3A_74] : memref<4x64xi32, #tpu.memory_space<vmem>> -> memref<1x16xi32, #tpu.memory_space<vmem>>
      %dma_start3A_76 = tpu.memref_squeeze %dma_start3A_75 : memref<1x16xi32, #tpu.memory_space<vmem>> -> memref<16xi32, #tpu.memory_space<vmem>>
      %dma_start3A_77 = arith.constant 0 : i32
      %dma_start3A_78 = arith.constant 0 : i32
      %dma_start3A_79 = tpu.memref_slice %arg3[%dma_start3A_77, %dma_start3A_78] : memref<100000x768xf32, #tpu.memory_space<hbm>> -> memref<100000x768xf32, #tpu.memory_space<hbm>>
      tpu.enqueue_indirect_dma source(%dma_start3A_79 : memref<100000x768xf32, #tpu.memory_space<hbm>>) target(%arg10 : memref<16x768xf32, #tpu.memory_space<vmem>>) offsets(%dma_start3A_76 : memref<16xi32, #tpu.memory_space<vmem>>) semaphore(%arg14 : memref<!tpu.dma_semaphore, #tpu.memory_space<semaphore_mem>>)
      %scan3A_80 = arith.constant 0 : i32
      %scan3A_81 = arith.constant 0 : i32
      %scan3A_82 = arith.constant 16 : i32
      %scan3A_83 = arith.addi %scan3A_81, %scan3A_82 : i32
      %scan3A_84 = arith.constant 1 : i32
      %scan3A_85 = scf.for %scan3A_179 = %scan3A_81 to %scan3A_83 step %scan3A_84 iter_args(%scan3A_180 = %scan3A_80) -> (i32)  : i32 {
        %add3A_181 = arith.constant 0 : i32
        %add3A_182 = arith.addi %add3A_181, %scan3A_179 : i32
        %get3A = arith.index_cast %add3A_182 : i32 to index
        %get3A_183 = arith.constant 0 : index
        %get3A_184 = tpu.vector_load %arg7[%get3A, %get3A_183] {strides = array<i32>} : memref<64x768xf32, #tpu.memory_space<vmem>>, vector<1x16xf32>,
        %get3A_185 = vector.shape_cast %get3A_184 : vector<1x16xf32> to vector<16xf32>
        %swap3A = arith.index_cast %scan3A_179 : i32 to index
        %swap3A_186 = arith.constant 0 : index
        %swap3A_187 = tpu.vector_load %arg8[%swap3A, %swap3A_186] {strides = array<i32>} : memref<16x768xf32, #tpu.memory_space<vmem>>, vector<1x16xf32>,
        %swap3A_188 = vector.shape_cast %swap3A_187 : vector<1x16xf32> to vector<16xf32>
        %swap3A_189 = vector.shape_cast %get3A_185 : vector<16xf32> to vector<1x16xf32>
        tpu.vector_store %arg8[%swap3A, %swap3A_186], %swap3A_189 {add = true, strides = array<i32>} : memref<16x768xf32, #tpu.memory_space<vmem>>, vector<1x16xf32>,
        %add3A_190 = arith.constant 0 : i32
        %add3A_191 = arith.addi %add3A_190, %scan3A_179 : i32
        %get3A_192 = arith.index_cast %add3A_191 : i32 to index
        %get3A_193 = arith.constant 16 : index
        %get3A_194 = tpu.vector_load %arg7[%get3A_192, %get3A_193] {strides = array<i32>} : memref<64x768xf32, #tpu.memory_space<vmem>>, vector<1x16xf32>,
        %get3A_195 = vector.shape_cast %get3A_194 : vector<1x16xf32> to vector<16xf32>
        %swap3A_196 = arith.index_cast %scan3A_179 : i32 to index
        %swap3A_197 = arith.constant 16 : index
        %swap3A_198 = tpu.vector_load %arg8[%swap3A_196, %swap3A_197] {strides = array<i32>} : memref<16x768xf32, #tpu.memory_space<vmem>>, vector<1x16xf32>,
        %swap3A_199 = vector.shape_cast %swap3A_198 : vector<1x16xf32> to vector<16xf32>
        %swap3A_200 = vector.shape_cast %get3A_195 : vector<16xf32> to vector<1x16xf32>
        tpu.vector_store %arg8[%swap3A_196, %swap3A_197], %swap3A_200 {add = true, strides = array<i32>} : memref<16x768xf32, #tpu.memory_space<vmem>>, vector<1x16xf32>,
        %add3A_201 = arith.constant 0 : i32
        %add3A_202 = arith.addi %add3A_201, %scan3A_179 : i32
        %get3A_203 = arith.index_cast %add3A_202 : i32 to index
        %get3A_204 = arith.constant 32 : index
        %get3A_205 = tpu.vector_load %arg7[%get3A_203, %get3A_204] {strides = array<i32>} : memref<64x768xf32, #tpu.memory_space<vmem>>, vector<1x16xf32>,
        %get3A_206 = vector.shape_cast %get3A_205 : vector<1x16xf32> to vector<16xf32>
        %swap3A_207 = arith.index_cast %scan3A_179 : i32 to index
        %swap3A_208 = arith.constant 32 : index
        %swap3A_209 = tpu.vector_load %arg8[%swap3A_207, %swap3A_208] {strides = array<i32>} : memref<16x768xf32, #tpu.memory_space<vmem>>, vector<1x16xf32>,
        %swap3A_210 = vector.shape_cast %swap3A_209 : vector<1x16xf32> to vector<16xf32>
        %swap3A_211 = vector.shape_cast %get3A_206 : vector<16xf32> to vector<1x16xf32>
        tpu.vector_store %arg8[%swap3A_207, %swap3A_208], %swap3A_211 {add = true, strides = array<i32>} : memref<16x768xf32, #tpu.memory_space<vmem>>, vector<1x16xf32>,
        %add3A_212 = arith.constant 0 : i32
        %add3A_213 = arith.addi %add3A_212, %scan3A_179 : i32
        %get3A_214 = arith.index_cast %add3A_213 : i32 to index
        %get3A_215 = arith.constant 48 : index
        %get3A_216 = tpu.vector_load %arg7[%get3A_214, %get3A_215] {strides = array<i32>} : memref<64x768xf32, #tpu.memory_space<vmem>>, vector<1x16xf32>,
        %get3A_217 = vector.shape_cast %get3A_216 : vector<1x16xf32> to vector<16xf32>
        %swap3A_218 = arith.index_cast %scan3A_179 : i32 to index
        %swap3A_219 = arith.constant 48 : index
        %swap3A_220 = tpu.vector_load %arg8[%swap3A_218, %swap3A_219] {strides = array<i32>} : memref<16x768xf32, #tpu.memory_space<vmem>>, vector<1x16xf32>,
        %swap3A_221 = vector.shape_cast %swap3A_220 : vector<1x16xf32> to vector<16xf32>
        %swap3A_222 = vector.shape_cast %get3A_217 : vector<16xf32> to vector<1x16xf32>
        tpu.vector_store %arg8[%swap3A_218, %swap3A_219], %swap3A_222 {add = true, strides = array<i32>} : memref<16x768xf32, #tpu.memory_space<vmem>>, vector<1x16xf32>,
        %add3A_223 = arith.constant 0 : i32
        %add3A_224 = arith.addi %add3A_223, %scan3A_179 : i32
        %get3A_225 = arith.index_cast %add3A_224 : i32 to index
        %get3A_226 = arith.constant 64 : index
        %get3A_227 = tpu.vector_load %arg7[%get3A_225, %get3A_226] {strides = array<i32>} : memref<64x768xf32, #tpu.memory_space<vmem>>, vector<1x16xf32>,
        %get3A_228 = vector.shape_cast %get3A_227 : vector<1x16xf32> to vector<16xf32>
        %swap3A_229 = arith.index_cast %scan3A_179 : i32 to index
        %swap3A_230 = arith.constant 64 : index
        %swap3A_231 = tpu.vector_load %arg8[%swap3A_229, %swap3A_230] {strides = array<i32>} : memref<16x768xf32, #tpu.memory_space<vmem>>, vector<1x16xf32>,
        %swap3A_232 = vector.shape_cast %swap3A_231 : vector<1x16xf32> to vector<16xf32>
        %swap3A_233 = vector.shape_cast %get3A_228 : vector<16xf32> to vector<1x16xf32>
        tpu.vector_store %arg8[%swap3A_229, %swap3A_230], %swap3A_233 {add = true, strides = array<i32>} : memref<16x768xf32, #tpu.memory_space<vmem>>, vector<1x16xf32>,
        %add3A_234 = arith.constant 0 : i32
        %add3A_235 = arith.addi %add3A_234, %scan3A_179 : i32
        %get3A_236 = arith.index_cast %add3A_235 : i32 to index
        %get3A_237 = arith.constant 80 : index
        %get3A_238 = tpu.vector_load %arg7[%get3A_236, %get3A_237] {strides = array<i32>} : memref<64x768xf32, #tpu.memory_space<vmem>>, vector<1x16xf32>,
        %get3A_239 = vector.shape_cast %get3A_238 : vector<1x16xf32> to vector<16xf32>
        %swap3A_240 = arith.index_cast %scan3A_179 : i32 to index
        %swap3A_241 = arith.constant 80 : index
        %swap3A_242 = tpu.vector_load %arg8[%swap3A_240, %swap3A_241] {strides = array<i32>} : memref<16x768xf32, #tpu.memory_space<vmem>>, vector<1x16xf32>,
        %swap3A_243 = vector.shape_cast %swap3A_242 : vector<1x16xf32> to vector<16xf32>
        %swap3A_244 = vector.shape_cast %get3A_239 : vector<16xf32> to vector<1x16xf32>
        tpu.vector_store %arg8[%swap3A_240, %swap3A_241], %swap3A_244 {add = true, strides = array<i32>} : memref<16x768xf32, #tpu.memory_space<vmem>>, vector<1x16xf32>,
        %add3A_245 = arith.constant 0 : i32
        %add3A_246 = arith.addi %add3A_245, %scan3A_179 : i32
        %get3A_247 = arith.index_cast %add3A_246 : i32 to index
        %get3A_248 = arith.constant 96 : index
        %get3A_249 = tpu.vector_load %arg7[%get3A_247, %get3A_248] {strides = array<i32>} : memref<64x768xf32, #tpu.memory_space<vmem>>, vector<1x16xf32>,
        %get3A_250 = vector.shape_cast %get3A_249 : vector<1x16xf32> to vector<16xf32>
        %swap3A_251 = arith.index_cast %scan3A_179 : i32 to index
        %swap3A_252 = arith.constant 96 : index
        %swap3A_253 = tpu.vector_load %arg8[%swap3A_251, %swap3A_252] {strides = array<i32>} : memref<16x768xf32, #tpu.memory_space<vmem>>, vector<1x16xf32>,
        %swap3A_254 = vector.shape_cast %swap3A_253 : vector<1x16xf32> to vector<16xf32>
        %swap3A_255 = vector.shape_cast %get3A_250 : vector<16xf32> to vector<1x16xf32>
        tpu.vector_store %arg8[%swap3A_251, %swap3A_252], %swap3A_255 {add = true, strides = array<i32>} : memref<16x768xf32, #tpu.memory_space<vmem>>, vector<1x16xf32>,
        %add3A_256 = arith.constant 0 : i32
        %add3A_257 = arith.addi %add3A_256, %scan3A_179 : i32
        %get3A_258 = arith.index_cast %add3A_257 : i32 to index
        %get3A_259 = arith.constant 112 : index
        %get3A_260 = tpu.vector_load %arg7[%get3A_258, %get3A_259] {strides = array<i32>} : memref<64x768xf32, #tpu.memory_space<vmem>>, vector<1x16xf32>,
        %get3A_261 = vector.shape_cast %get3A_260 : vector<1x16xf32> to vector<16xf32>
        %swap3A_262 = arith.index_cast %scan3A_179 : i32 to index
        %swap3A_263 = arith.constant 112 : index
        %swap3A_264 = tpu.vector_load %arg8[%swap3A_262, %swap3A_263] {strides = array<i32>} : memref<16x768xf32, #tpu.memory_space<vmem>>, vector<1x16xf32>,
        %swap3A_265 = vector.shape_cast %swap3A_264 : vector<1x16xf32> to vector<16xf32>
        %swap3A_266 = vector.shape_cast %get3A_261 : vector<16xf32> to vector<1x16xf32>
        tpu.vector_store %arg8[%swap3A_262, %swap3A_263], %swap3A_266 {add = true, strides = array<i32>} : memref<16x768xf32, #tpu.memory_space<vmem>>, vector<1x16xf32>,
        %add3A_267 = arith.constant 0 : i32
        %add3A_268 = arith.addi %add3A_267, %scan3A_179 : i32
        %get3A_269 = arith.index_cast %add3A_268 : i32 to index
        %get3A_270 = arith.constant 128 : index
        %get3A_271 = tpu.vector_load %arg7[%get3A_269, %get3A_270] {strides = array<i32>} : memref<64x768xf32, #tpu.memory_space<vmem>>, vector<1x16xf32>,
        %get3A_272 = vector.shape_cast %get3A_271 : vector<1x16xf32> to vector<16xf32>
        %swap3A_273 = arith.index_cast %scan3A_179 : i32 to index
        %swap3A_274 = arith.constant 128 : index
        %swap3A_275 = tpu.vector_load %arg8[%swap3A_273, %swap3A_274] {strides = array<i32>} : memref<16x768xf32, #tpu.memory_space<vmem>>, vector<1x16xf32>,
        %swap3A_276 = vector.shape_cast %swap3A_275 : vector<1x16xf32> to vector<16xf32>
        %swap3A_277 = vector.shape_cast %get3A_272 : vector<16xf32> to vector<1x16xf32>
        tpu.vector_store %arg8[%swap3A_273, %swap3A_274], %swap3A_277 {add = true, strides = array<i32>} : memref<16x768xf32, #tpu.memory_space<vmem>>, vector<1x16xf32>,
        %add3A_278 = arith.constant 0 : i32
        %add3A_279 = arith.addi %add3A_278, %scan3A_179 : i32
        %get3A_280 = arith.index_cast %add3A_279 : i32 to index
        %get3A_281 = arith.constant 144 : index
        %get3A_282 = tpu.vector_load %arg7[%get3A_280, %get3A_281] {strides = array<i32>} : memref<64x768xf32, #tpu.memory_space<vmem>>, vector<1x16xf32>,
        %get3A_283 = vector.shape_cast %get3A_282 : vector<1x16xf32> to vector<16xf32>
        %swap3A_284 = arith.index_cast %scan3A_179 : i32 to index
        %swap3A_285 = arith.constant 144 : index
        %swap3A_286 = tpu.vector_load %arg8[%swap3A_284, %swap3A_285] {strides = array<i32>} : memref<16x768xf32, #tpu.memory_space<vmem>>, vector<1x16xf32>,
        %swap3A_287 = vector.shape_cast %swap3A_286 : vector<1x16xf32> to vector<16xf32>
        %swap3A_288 = vector.shape_cast %get3A_283 : vector<16xf32> to vector<1x16xf32>
        tpu.vector_store %arg8[%swap3A_284, %swap3A_285], %swap3A_288 {add = true, strides = array<i32>} : memref<16x768xf32, #tpu.memory_space<vmem>>, vector<1x16xf32>,
        %add3A_289 = arith.constant 0 : i32
        %add3A_290 = arith.addi %add3A_289, %scan3A_179 : i32
        %get3A_291 = arith.index_cast %add3A_290 : i32 to index
        %get3A_292 = arith.constant 160 : index
        %get3A_293 = tpu.vector_load %arg7[%get3A_291, %get3A_292] {strides = array<i32>} : memref<64x768xf32, #tpu.memory_space<vmem>>, vector<1x16xf32>,
        %get3A_294 = vector.shape_cast %get3A_293 : vector<1x16xf32> to vector<16xf32>
        %swap3A_295 = arith.index_cast %scan3A_179 : i32 to index
        %swap3A_296 = arith.constant 160 : index
        %swap3A_297 = tpu.vector_load %arg8[%swap3A_295, %swap3A_296] {strides = array<i32>} : memref<16x768xf32, #tpu.memory_space<vmem>>, vector<1x16xf32>,
        %swap3A_298 = vector.shape_cast %swap3A_297 : vector<1x16xf32> to vector<16xf32>
        %swap3A_299 = vector.shape_cast %get3A_294 : vector<16xf32> to vector<1x16xf32>
        tpu.vector_store %arg8[%swap3A_295, %swap3A_296], %swap3A_299 {add = true, strides = array<i32>} : memref<16x768xf32, #tpu.memory_space<vmem>>, vector<1x16xf32>,
        %add3A_300 = arith.constant 0 : i32
        %add3A_301 = arith.addi %add3A_300, %scan3A_179 : i32
        %get3A_302 = arith.index_cast %add3A_301 : i32 to index
        %get3A_303 = arith.constant 176 : index
        %get3A_304 = tpu.vector_load %arg7[%get3A_302, %get3A_303] {strides = array<i32>} : memref<64x768xf32, #tpu.memory_space<vmem>>, vector<1x16xf32>,
        %get3A_305 = vector.shape_cast %get3A_304 : vector<1x16xf32> to vector<16xf32>
        %swap3A_306 = arith.index_cast %scan3A_179 : i32 to index
        %swap3A_307 = arith.constant 176 : index
        %swap3A_308 = tpu.vector_load %arg8[%swap3A_306, %swap3A_307] {strides = array<i32>} : memref<16x768xf32, #tpu.memory_space<vmem>>, vector<1x16xf32>,
        %swap3A_309 = vector.shape_cast %swap3A_308 : vector<1x16xf32> to vector<16xf32>
        %swap3A_310 = vector.shape_cast %get3A_305 : vector<16xf32> to vector<1x16xf32>
        tpu.vector_store %arg8[%swap3A_306, %swap3A_307], %swap3A_310 {add = true, strides = array<i32>} : memref<16x768xf32, #tpu.memory_space<vmem>>, vector<1x16xf32>,
        %add3A_311 = arith.constant 0 : i32
        %add3A_312 = arith.addi %add3A_311, %scan3A_179 : i32
        %get3A_313 = arith.index_cast %add3A_312 : i32 to index
        %get3A_314 = arith.constant 192 : index
        %get3A_315 = tpu.vector_load %arg7[%get3A_313, %get3A_314] {strides = array<i32>} : memref<64x768xf32, #tpu.memory_space<vmem>>, vector<1x16xf32>,
        %get3A_316 = vector.shape_cast %get3A_315 : vector<1x16xf32> to vector<16xf32>
        %swap3A_317 = arith.index_cast %scan3A_179 : i32 to index
        %swap3A_318 = arith.constant 192 : index
        %swap3A_319 = tpu.vector_load %arg8[%swap3A_317, %swap3A_318] {strides = array<i32>} : memref<16x768xf32, #tpu.memory_space<vmem>>, vector<1x16xf32>,
        %swap3A_320 = vector.shape_cast %swap3A_319 : vector<1x16xf32> to vector<16xf32>
        %swap3A_321 = vector.shape_cast %get3A_316 : vector<16xf32> to vector<1x16xf32>
        tpu.vector_store %arg8[%swap3A_317, %swap3A_318], %swap3A_321 {add = true, strides = array<i32>} : memref<16x768xf32, #tpu.memory_space<vmem>>, vector<1x16xf32>,
        %add3A_322 = arith.constant 0 : i32
        %add3A_323 = arith.addi %add3A_322, %scan3A_179 : i32
        %get3A_324 = arith.index_cast %add3A_323 : i32 to index
        %get3A_325 = arith.constant 208 : index
        %get3A_326 = tpu.vector_load %arg7[%get3A_324, %get3A_325] {strides = array<i32>} : memref<64x768xf32, #tpu.memory_space<vmem>>, vector<1x16xf32>,
        %get3A_327 = vector.shape_cast %get3A_326 : vector<1x16xf32> to vector<16xf32>
        %swap3A_328 = arith.index_cast %scan3A_179 : i32 to index
        %swap3A_329 = arith.constant 208 : index
        %swap3A_330 = tpu.vector_load %arg8[%swap3A_328, %swap3A_329] {strides = array<i32>} : memref<16x768xf32, #tpu.memory_space<vmem>>, vector<1x16xf32>,
        %swap3A_331 = vector.shape_cast %swap3A_330 : vector<1x16xf32> to vector<16xf32>
        %swap3A_332 = vector.shape_cast %get3A_327 : vector<16xf32> to vector<1x16xf32>
        tpu.vector_store %arg8[%swap3A_328, %swap3A_329], %swap3A_332 {add = true, strides = array<i32>} : memref<16x768xf32, #tpu.memory_space<vmem>>, vector<1x16xf32>,
        %add3A_333 = arith.constant 0 : i32
        %add3A_334 = arith.addi %add3A_333, %scan3A_179 : i32
        %get3A_335 = arith.index_cast %add3A_334 : i32 to index
        %get3A_336 = arith.constant 224 : index
        %get3A_337 = tpu.vector_load %arg7[%get3A_335, %get3A_336] {strides = array<i32>} : memref<64x768xf32, #tpu.memory_space<vmem>>, vector<1x16xf32>,
        %get3A_338 = vector.shape_cast %get3A_337 : vector<1x16xf32> to vector<16xf32>
        %swap3A_339 = arith.index_cast %scan3A_179 : i32 to index
        %swap3A_340 = arith.constant 224 : index
        %swap3A_341 = tpu.vector_load %arg8[%swap3A_339, %swap3A_340] {strides = array<i32>} : memref<16x768xf32, #tpu.memory_space<vmem>>, vector<1x16xf32>,
        %swap3A_342 = vector.shape_cast %swap3A_341 : vector<1x16xf32> to vector<16xf32>
        %swap3A_343 = vector.shape_cast %get3A_338 : vector<16xf32> to vector<1x16xf32>
        tpu.vector_store %arg8[%swap3A_339, %swap3A_340], %swap3A_343 {add = true, strides = array<i32>} : memref<16x768xf32, #tpu.memory_space<vmem>>, vector<1x16xf32>,
        %add3A_344 = arith.constant 0 : i32
        %add3A_345 = arith.addi %add3A_344, %scan3A_179 : i32
        %get3A_346 = arith.index_cast %add3A_345 : i32 to index
        %get3A_347 = arith.constant 240 : index
        %get3A_348 = tpu.vector_load %arg7[%get3A_346, %get3A_347] {strides = array<i32>} : memref<64x768xf32, #tpu.memory_space<vmem>>, vector<1x16xf32>,
        %get3A_349 = vector.shape_cast %get3A_348 : vector<1x16xf32> to vector<16xf32>
        %swap3A_350 = arith.index_cast %scan3A_179 : i32 to index
        %swap3A_351 = arith.constant 240 : index
        %swap3A_352 = tpu.vector_load %arg8[%swap3A_350, %swap3A_351] {strides = array<i32>} : memref<16x768xf32, #tpu.memory_space<vmem>>, vector<1x16xf32>,
        %swap3A_353 = vector.shape_cast %swap3A_352 : vector<1x16xf32> to vector<16xf32>
        %swap3A_354 = vector.shape_cast %get3A_349 : vector<16xf32> to vector<1x16xf32>
        tpu.vector_store %arg8[%swap3A_350, %swap3A_351], %swap3A_354 {add = true, strides = array<i32>} : memref<16x768xf32, #tpu.memory_space<vmem>>, vector<1x16xf32>,
        %add3A_355 = arith.constant 0 : i32
        %add3A_356 = arith.addi %add3A_355, %scan3A_179 : i32
        %get3A_357 = arith.index_cast %add3A_356 : i32 to index
        %get3A_358 = arith.constant 256 : index
        %get3A_359 = tpu.vector_load %arg7[%get3A_357, %get3A_358] {strides = array<i32>} : memref<64x768xf32, #tpu.memory_space<vmem>>, vector<1x16xf32>,
        %get3A_360 = vector.shape_cast %get3A_359 : vector<1x16xf32> to vector<16xf32>
        %swap3A_361 = arith.index_cast %scan3A_179 : i32 to index
        %swap3A_362 = arith.constant 256 : index
        %swap3A_363 = tpu.vector_load %arg8[%swap3A_361, %swap3A_362] {strides = array<i32>} : memref<16x768xf32, #tpu.memory_space<vmem>>, vector<1x16xf32>,
        %swap3A_364 = vector.shape_cast %swap3A_363 : vector<1x16xf32> to vector<16xf32>
        %swap3A_365 = vector.shape_cast %get3A_360 : vector<16xf32> to vector<1x16xf32>
        tpu.vector_store %arg8[%swap3A_361, %swap3A_362], %swap3A_365 {add = true, strides = array<i32>} : memref<16x768xf32, #tpu.memory_space<vmem>>, vector<1x16xf32>,
        %add3A_366 = arith.constant 0 : i32
        %add3A_367 = arith.addi %add3A_366, %scan3A_179 : i32
        %get3A_368 = arith.index_cast %add3A_367 : i32 to index
        %get3A_369 = arith.constant 272 : index
        %get3A_370 = tpu.vector_load %arg7[%get3A_368, %get3A_369] {strides = array<i32>} : memref<64x768xf32, #tpu.memory_space<vmem>>, vector<1x16xf32>,
        %get3A_371 = vector.shape_cast %get3A_370 : vector<1x16xf32> to vector<16xf32>
        %swap3A_372 = arith.index_cast %scan3A_179 : i32 to index
        %swap3A_373 = arith.constant 272 : index
        %swap3A_374 = tpu.vector_load %arg8[%swap3A_372, %swap3A_373] {strides = array<i32>} : memref<16x768xf32, #tpu.memory_space<vmem>>, vector<1x16xf32>,
        %swap3A_375 = vector.shape_cast %swap3A_374 : vector<1x16xf32> to vector<16xf32>
        %swap3A_376 = vector.shape_cast %get3A_371 : vector<16xf32> to vector<1x16xf32>
        tpu.vector_store %arg8[%swap3A_372, %swap3A_373], %swap3A_376 {add = true, strides = array<i32>} : memref<16x768xf32, #tpu.memory_space<vmem>>, vector<1x16xf32>,
        %add3A_377 = arith.constant 0 : i32
        %add3A_378 = arith.addi %add3A_377, %scan3A_179 : i32
        %get3A_379 = arith.index_cast %add3A_378 : i32 to index
        %get3A_380 = arith.constant 288 : index
        %get3A_381 = tpu.vector_load %arg7[%get3A_379, %get3A_380] {strides = array<i32>} : memref<64x768xf32, #tpu.memory_space<vmem>>, vector<1x16xf32>,
        %get3A_382 = vector.shape_cast %get3A_381 : vector<1x16xf32> to vector<16xf32>
        %swap3A_383 = arith.index_cast %scan3A_179 : i32 to index
        %swap3A_384 = arith.constant 288 : index
        %swap3A_385 = tpu.vector_load %arg8[%swap3A_383, %swap3A_384] {strides = array<i32>} : memref<16x768xf32, #tpu.memory_space<vmem>>, vector<1x16xf32>,
        %swap3A_386 = vector.shape_cast %swap3A_385 : vector<1x16xf32> to vector<16xf32>
        %swap3A_387 = vector.shape_cast %get3A_382 : vector<16xf32> to vector<1x16xf32>
        tpu.vector_store %arg8[%swap3A_383, %swap3A_384], %swap3A_387 {add = true, strides = array<i32>} : memref<16x768xf32, #tpu.memory_space<vmem>>, vector<1x16xf32>,
        %add3A_388 = arith.constant 0 : i32
        %add3A_389 = arith.addi %add3A_388, %scan3A_179 : i32
        %get3A_390 = arith.index_cast %add3A_389 : i32 to index
        %get3A_391 = arith.constant 304 : index
        %get3A_392 = tpu.vector_load %arg7[%get3A_390, %get3A_391] {strides = array<i32>} : memref<64x768xf32, #tpu.memory_space<vmem>>, vector<1x16xf32>,
        %get3A_393 = vector.shape_cast %get3A_392 : vector<1x16xf32> to vector<16xf32>
        %swap3A_394 = arith.index_cast %scan3A_179 : i32 to index
        %swap3A_395 = arith.constant 304 : index
        %swap3A_396 = tpu.vector_load %arg8[%swap3A_394, %swap3A_395] {strides = array<i32>} : memref<16x768xf32, #tpu.memory_space<vmem>>, vector<1x16xf32>,
        %swap3A_397 = vector.shape_cast %swap3A_396 : vector<1x16xf32> to vector<16xf32>
        %swap3A_398 = vector.shape_cast %get3A_393 : vector<16xf32> to vector<1x16xf32>
        tpu.vector_store %arg8[%swap3A_394, %swap3A_395], %swap3A_398 {add = true, strides = array<i32>} : memref<16x768xf32, #tpu.memory_space<vmem>>, vector<1x16xf32>,
        %add3A_399 = arith.constant 0 : i32
        %add3A_400 = arith.addi %add3A_399, %scan3A_179 : i32
        %get3A_401 = arith.index_cast %add3A_400 : i32 to index
        %get3A_402 = arith.constant 320 : index
        %get3A_403 = tpu.vector_load %arg7[%get3A_401, %get3A_402] {strides = array<i32>} : memref<64x768xf32, #tpu.memory_space<vmem>>, vector<1x16xf32>,
        %get3A_404 = vector.shape_cast %get3A_403 : vector<1x16xf32> to vector<16xf32>
        %swap3A_405 = arith.index_cast %scan3A_179 : i32 to index
        %swap3A_406 = arith.constant 320 : index
        %swap3A_407 = tpu.vector_load %arg8[%swap3A_405, %swap3A_406] {strides = array<i32>} : memref<16x768xf32, #tpu.memory_space<vmem>>, vector<1x16xf32>,
        %swap3A_408 = vector.shape_cast %swap3A_407 : vector<1x16xf32> to vector<16xf32>
        %swap3A_409 = vector.shape_cast %get3A_404 : vector<16xf32> to vector<1x16xf32>
        tpu.vector_store %arg8[%swap3A_405, %swap3A_406], %swap3A_409 {add = true, strides = array<i32>} : memref<16x768xf32, #tpu.memory_space<vmem>>, vector<1x16xf32>,
        %add3A_410 = arith.constant 0 : i32
        %add3A_411 = arith.addi %add3A_410, %scan3A_179 : i32
        %get3A_412 = arith.index_cast %add3A_411 : i32 to index
        %get3A_413 = arith.constant 336 : index
        %get3A_414 = tpu.vector_load %arg7[%get3A_412, %get3A_413] {strides = array<i32>} : memref<64x768xf32, #tpu.memory_space<vmem>>, vector<1x16xf32>,
        %get3A_415 = vector.shape_cast %get3A_414 : vector<1x16xf32> to vector<16xf32>
        %swap3A_416 = arith.index_cast %scan3A_179 : i32 to index
        %swap3A_417 = arith.constant 336 : index
        %swap3A_418 = tpu.vector_load %arg8[%swap3A_416, %swap3A_417] {strides = array<i32>} : memref<16x768xf32, #tpu.memory_space<vmem>>, vector<1x16xf32>,
        %swap3A_419 = vector.shape_cast %swap3A_418 : vector<1x16xf32> to vector<16xf32>
        %swap3A_420 = vector.shape_cast %get3A_415 : vector<16xf32> to vector<1x16xf32>
        tpu.vector_store %arg8[%swap3A_416, %swap3A_417], %swap3A_420 {add = true, strides = array<i32>} : memref<16x768xf32, #tpu.memory_space<vmem>>, vector<1x16xf32>,
        %add3A_421 = arith.constant 0 : i32
        %add3A_422 = arith.addi %add3A_421, %scan3A_179 : i32
        %get3A_423 = arith.index_cast %add3A_422 : i32 to index
        %get3A_424 = arith.constant 352 : index
        %get3A_425 = tpu.vector_load %arg7[%get3A_423, %get3A_424] {strides = array<i32>} : memref<64x768xf32, #tpu.memory_space<vmem>>, vector<1x16xf32>,
        %get3A_426 = vector.shape_cast %get3A_425 : vector<1x16xf32> to vector<16xf32>
        %swap3A_427 = arith.index_cast %scan3A_179 : i32 to index
        %swap3A_428 = arith.constant 352 : index
        %swap3A_429 = tpu.vector_load %arg8[%swap3A_427, %swap3A_428] {strides = array<i32>} : memref<16x768xf32, #tpu.memory_space<vmem>>, vector<1x16xf32>,
        %swap3A_430 = vector.shape_cast %swap3A_429 : vector<1x16xf32> to vector<16xf32>
        %swap3A_431 = vector.shape_cast %get3A_426 : vector<16xf32> to vector<1x16xf32>
        tpu.vector_store %arg8[%swap3A_427, %swap3A_428], %swap3A_431 {add = true, strides = array<i32>} : memref<16x768xf32, #tpu.memory_space<vmem>>, vector<1x16xf32>,
        %add3A_432 = arith.constant 0 : i32
        %add3A_433 = arith.addi %add3A_432, %scan3A_179 : i32
        %get3A_434 = arith.index_cast %add3A_433 : i32 to index
        %get3A_435 = arith.constant 368 : index
        %get3A_436 = tpu.vector_load %arg7[%get3A_434, %get3A_435] {strides = array<i32>} : memref<64x768xf32, #tpu.memory_space<vmem>>, vector<1x16xf32>,
        %get3A_437 = vector.shape_cast %get3A_436 : vector<1x16xf32> to vector<16xf32>
        %swap3A_438 = arith.index_cast %scan3A_179 : i32 to index
        %swap3A_439 = arith.constant 368 : index
        %swap3A_440 = tpu.vector_load %arg8[%swap3A_438, %swap3A_439] {strides = array<i32>} : memref<16x768xf32, #tpu.memory_space<vmem>>, vector<1x16xf32>,
        %swap3A_441 = vector.shape_cast %swap3A_440 : vector<1x16xf32> to vector<16xf32>
        %swap3A_442 = vector.shape_cast %get3A_437 : vector<16xf32> to vector<1x16xf32>
        tpu.vector_store %arg8[%swap3A_438, %swap3A_439], %swap3A_442 {add = true, strides = array<i32>} : memref<16x768xf32, #tpu.memory_space<vmem>>, vector<1x16xf32>,
        %add3A_443 = arith.constant 0 : i32
        %add3A_444 = arith.addi %add3A_443, %scan3A_179 : i32
        %get3A_445 = arith.index_cast %add3A_444 : i32 to index
        %get3A_446 = arith.constant 384 : index
        %get3A_447 = tpu.vector_load %arg7[%get3A_445, %get3A_446] {strides = array<i32>} : memref<64x768xf32, #tpu.memory_space<vmem>>, vector<1x16xf32>,
        %get3A_448 = vector.shape_cast %get3A_447 : vector<1x16xf32> to vector<16xf32>
        %swap3A_449 = arith.index_cast %scan3A_179 : i32 to index
        %swap3A_450 = arith.constant 384 : index
        %swap3A_451 = tpu.vector_load %arg8[%swap3A_449, %swap3A_450] {strides = array<i32>} : memref<16x768xf32, #tpu.memory_space<vmem>>, vector<1x16xf32>,
        %swap3A_452 = vector.shape_cast %swap3A_451 : vector<1x16xf32> to vector<16xf32>
        %swap3A_453 = vector.shape_cast %get3A_448 : vector<16xf32> to vector<1x16xf32>
        tpu.vector_store %arg8[%swap3A_449, %swap3A_450], %swap3A_453 {add = true, strides = array<i32>} : memref<16x768xf32, #tpu.memory_space<vmem>>, vector<1x16xf32>,
        %add3A_454 = arith.constant 0 : i32
        %add3A_455 = arith.addi %add3A_454, %scan3A_179 : i32
        %get3A_456 = arith.index_cast %add3A_455 : i32 to index
        %get3A_457 = arith.constant 400 : index
        %get3A_458 = tpu.vector_load %arg7[%get3A_456, %get3A_457] {strides = array<i32>} : memref<64x768xf32, #tpu.memory_space<vmem>>, vector<1x16xf32>,
        %get3A_459 = vector.shape_cast %get3A_458 : vector<1x16xf32> to vector<16xf32>
        %swap3A_460 = arith.index_cast %scan3A_179 : i32 to index
        %swap3A_461 = arith.constant 400 : index
        %swap3A_462 = tpu.vector_load %arg8[%swap3A_460, %swap3A_461] {strides = array<i32>} : memref<16x768xf32, #tpu.memory_space<vmem>>, vector<1x16xf32>,
        %swap3A_463 = vector.shape_cast %swap3A_462 : vector<1x16xf32> to vector<16xf32>
        %swap3A_464 = vector.shape_cast %get3A_459 : vector<16xf32> to vector<1x16xf32>
        tpu.vector_store %arg8[%swap3A_460, %swap3A_461], %swap3A_464 {add = true, strides = array<i32>} : memref<16x768xf32, #tpu.memory_space<vmem>>, vector<1x16xf32>,
        %add3A_465 = arith.constant 0 : i32
        %add3A_466 = arith.addi %add3A_465, %scan3A_179 : i32
        %get3A_467 = arith.index_cast %add3A_466 : i32 to index
        %get3A_468 = arith.constant 416 : index
        %get3A_469 = tpu.vector_load %arg7[%get3A_467, %get3A_468] {strides = array<i32>} : memref<64x768xf32, #tpu.memory_space<vmem>>, vector<1x16xf32>,
        %get3A_470 = vector.shape_cast %get3A_469 : vector<1x16xf32> to vector<16xf32>
        %swap3A_471 = arith.index_cast %scan3A_179 : i32 to index
        %swap3A_472 = arith.constant 416 : index
        %swap3A_473 = tpu.vector_load %arg8[%swap3A_471, %swap3A_472] {strides = array<i32>} : memref<16x768xf32, #tpu.memory_space<vmem>>, vector<1x16xf32>,
        %swap3A_474 = vector.shape_cast %swap3A_473 : vector<1x16xf32> to vector<16xf32>
        %swap3A_475 = vector.shape_cast %get3A_470 : vector<16xf32> to vector<1x16xf32>
        tpu.vector_store %arg8[%swap3A_471, %swap3A_472], %swap3A_475 {add = true, strides = array<i32>} : memref<16x768xf32, #tpu.memory_space<vmem>>, vector<1x16xf32>,
        %add3A_476 = arith.constant 0 : i32
        %add3A_477 = arith.addi %add3A_476, %scan3A_179 : i32
        %get3A_478 = arith.index_cast %add3A_477 : i32 to index
        %get3A_479 = arith.constant 432 : index
        %get3A_480 = tpu.vector_load %arg7[%get3A_478, %get3A_479] {strides = array<i32>} : memref<64x768xf32, #tpu.memory_space<vmem>>, vector<1x16xf32>,
        %get3A_481 = vector.shape_cast %get3A_480 : vector<1x16xf32> to vector<16xf32>
        %swap3A_482 = arith.index_cast %scan3A_179 : i32 to index
        %swap3A_483 = arith.constant 432 : index
        %swap3A_484 = tpu.vector_load %arg8[%swap3A_482, %swap3A_483] {strides = array<i32>} : memref<16x768xf32, #tpu.memory_space<vmem>>, vector<1x16xf32>,
        %swap3A_485 = vector.shape_cast %swap3A_484 : vector<1x16xf32> to vector<16xf32>
        %swap3A_486 = vector.shape_cast %get3A_481 : vector<16xf32> to vector<1x16xf32>
        tpu.vector_store %arg8[%swap3A_482, %swap3A_483], %swap3A_486 {add = true, strides = array<i32>} : memref<16x768xf32, #tpu.memory_space<vmem>>, vector<1x16xf32>,
        %add3A_487 = arith.constant 0 : i32
        %add3A_488 = arith.addi %add3A_487, %scan3A_179 : i32
        %get3A_489 = arith.index_cast %add3A_488 : i32 to index
        %get3A_490 = arith.constant 448 : index
        %get3A_491 = tpu.vector_load %arg7[%get3A_489, %get3A_490] {strides = array<i32>} : memref<64x768xf32, #tpu.memory_space<vmem>>, vector<1x16xf32>,
        %get3A_492 = vector.shape_cast %get3A_491 : vector<1x16xf32> to vector<16xf32>
        %swap3A_493 = arith.index_cast %scan3A_179 : i32 to index
        %swap3A_494 = arith.constant 448 : index
        %swap3A_495 = tpu.vector_load %arg8[%swap3A_493, %swap3A_494] {strides = array<i32>} : memref<16x768xf32, #tpu.memory_space<vmem>>, vector<1x16xf32>,
        %swap3A_496 = vector.shape_cast %swap3A_495 : vector<1x16xf32> to vector<16xf32>
        %swap3A_497 = vector.shape_cast %get3A_492 : vector<16xf32> to vector<1x16xf32>
        tpu.vector_store %arg8[%swap3A_493, %swap3A_494], %swap3A_497 {add = true, strides = array<i32>} : memref<16x768xf32, #tpu.memory_space<vmem>>, vector<1x16xf32>,
        %add3A_498 = arith.constant 0 : i32
        %add3A_499 = arith.addi %add3A_498, %scan3A_179 : i32
        %get3A_500 = arith.index_cast %add3A_499 : i32 to index
        %get3A_501 = arith.constant 464 : index
        %get3A_502 = tpu.vector_load %arg7[%get3A_500, %get3A_501] {strides = array<i32>} : memref<64x768xf32, #tpu.memory_space<vmem>>, vector<1x16xf32>,
        %get3A_503 = vector.shape_cast %get3A_502 : vector<1x16xf32> to vector<16xf32>
        %swap3A_504 = arith.index_cast %scan3A_179 : i32 to index
        %swap3A_505 = arith.constant 464 : index
        %swap3A_506 = tpu.vector_load %arg8[%swap3A_504, %swap3A_505] {strides = array<i32>} : memref<16x768xf32, #tpu.memory_space<vmem>>, vector<1x16xf32>,
        %swap3A_507 = vector.shape_cast %swap3A_506 : vector<1x16xf32> to vector<16xf32>
        %swap3A_508 = vector.shape_cast %get3A_503 : vector<16xf32> to vector<1x16xf32>
        tpu.vector_store %arg8[%swap3A_504, %swap3A_505], %swap3A_508 {add = true, strides = array<i32>} : memref<16x768xf32, #tpu.memory_space<vmem>>, vector<1x16xf32>,
        %add3A_509 = arith.constant 0 : i32
        %add3A_510 = arith.addi %add3A_509, %scan3A_179 : i32
        %get3A_511 = arith.index_cast %add3A_510 : i32 to index
        %get3A_512 = arith.constant 480 : index
        %get3A_513 = tpu.vector_load %arg7[%get3A_511, %get3A_512] {strides = array<i32>} : memref<64x768xf32, #tpu.memory_space<vmem>>, vector<1x16xf32>,
        %get3A_514 = vector.shape_cast %get3A_513 : vector<1x16xf32> to vector<16xf32>
        %swap3A_515 = arith.index_cast %scan3A_179 : i32 to index
        %swap3A_516 = arith.constant 480 : index
        %swap3A_517 = tpu.vector_load %arg8[%swap3A_515, %swap3A_516] {strides = array<i32>} : memref<16x768xf32, #tpu.memory_space<vmem>>, vector<1x16xf32>,
        %swap3A_518 = vector.shape_cast %swap3A_517 : vector<1x16xf32> to vector<16xf32>
        %swap3A_519 = vector.shape_cast %get3A_514 : vector<16xf32> to vector<1x16xf32>
        tpu.vector_store %arg8[%swap3A_515, %swap3A_516], %swap3A_519 {add = true, strides = array<i32>} : memref<16x768xf32, #tpu.memory_space<vmem>>, vector<1x16xf32>,
        %add3A_520 = arith.constant 0 : i32
        %add3A_521 = arith.addi %add3A_520, %scan3A_179 : i32
        %get3A_522 = arith.index_cast %add3A_521 : i32 to index
        %get3A_523 = arith.constant 496 : index
        %get3A_524 = tpu.vector_load %arg7[%get3A_522, %get3A_523] {strides = array<i32>} : memref<64x768xf32, #tpu.memory_space<vmem>>, vector<1x16xf32>,
        %get3A_525 = vector.shape_cast %get3A_524 : vector<1x16xf32> to vector<16xf32>
        %swap3A_526 = arith.index_cast %scan3A_179 : i32 to index
        %swap3A_527 = arith.constant 496 : index
        %swap3A_528 = tpu.vector_load %arg8[%swap3A_526, %swap3A_527] {strides = array<i32>} : memref<16x768xf32, #tpu.memory_space<vmem>>, vector<1x16xf32>,
        %swap3A_529 = vector.shape_cast %swap3A_528 : vector<1x16xf32> to vector<16xf32>
        %swap3A_530 = vector.shape_cast %get3A_525 : vector<16xf32> to vector<1x16xf32>
        tpu.vector_store %arg8[%swap3A_526, %swap3A_527], %swap3A_530 {add = true, strides = array<i32>} : memref<16x768xf32, #tpu.memory_space<vmem>>, vector<1x16xf32>,
        %add3A_531 = arith.constant 0 : i32
        %add3A_532 = arith.addi %add3A_531, %scan3A_179 : i32
        %get3A_533 = arith.index_cast %add3A_532 : i32 to index
        %get3A_534 = arith.constant 512 : index
        %get3A_535 = tpu.vector_load %arg7[%get3A_533, %get3A_534] {strides = array<i32>} : memref<64x768xf32, #tpu.memory_space<vmem>>, vector<1x16xf32>,
        %get3A_536 = vector.shape_cast %get3A_535 : vector<1x16xf32> to vector<16xf32>
        %swap3A_537 = arith.index_cast %scan3A_179 : i32 to index
        %swap3A_538 = arith.constant 512 : index
        %swap3A_539 = tpu.vector_load %arg8[%swap3A_537, %swap3A_538] {strides = array<i32>} : memref<16x768xf32, #tpu.memory_space<vmem>>, vector<1x16xf32>,
        %swap3A_540 = vector.shape_cast %swap3A_539 : vector<1x16xf32> to vector<16xf32>
        %swap3A_541 = vector.shape_cast %get3A_536 : vector<16xf32> to vector<1x16xf32>
        tpu.vector_store %arg8[%swap3A_537, %swap3A_538], %swap3A_541 {add = true, strides = array<i32>} : memref<16x768xf32, #tpu.memory_space<vmem>>, vector<1x16xf32>,
        %add3A_542 = arith.constant 0 : i32
        %add3A_543 = arith.addi %add3A_542, %scan3A_179 : i32
        %get3A_544 = arith.index_cast %add3A_543 : i32 to index
        %get3A_545 = arith.constant 528 : index
        %get3A_546 = tpu.vector_load %arg7[%get3A_544, %get3A_545] {strides = array<i32>} : memref<64x768xf32, #tpu.memory_space<vmem>>, vector<1x16xf32>,
        %get3A_547 = vector.shape_cast %get3A_546 : vector<1x16xf32> to vector<16xf32>
        %swap3A_548 = arith.index_cast %scan3A_179 : i32 to index
        %swap3A_549 = arith.constant 528 : index
        %swap3A_550 = tpu.vector_load %arg8[%swap3A_548, %swap3A_549] {strides = array<i32>} : memref<16x768xf32, #tpu.memory_space<vmem>>, vector<1x16xf32>,
        %swap3A_551 = vector.shape_cast %swap3A_550 : vector<1x16xf32> to vector<16xf32>
        %swap3A_552 = vector.shape_cast %get3A_547 : vector<16xf32> to vector<1x16xf32>
        tpu.vector_store %arg8[%swap3A_548, %swap3A_549], %swap3A_552 {add = true, strides = array<i32>} : memref<16x768xf32, #tpu.memory_space<vmem>>, vector<1x16xf32>,
        %add3A_553 = arith.constant 0 : i32
        %add3A_554 = arith.addi %add3A_553, %scan3A_179 : i32
        %get3A_555 = arith.index_cast %add3A_554 : i32 to index
        %get3A_556 = arith.constant 544 : index
        %get3A_557 = tpu.vector_load %arg7[%get3A_555, %get3A_556] {strides = array<i32>} : memref<64x768xf32, #tpu.memory_space<vmem>>, vector<1x16xf32>,
        %get3A_558 = vector.shape_cast %get3A_557 : vector<1x16xf32> to vector<16xf32>
        %swap3A_559 = arith.index_cast %scan3A_179 : i32 to index
        %swap3A_560 = arith.constant 544 : index
        %swap3A_561 = tpu.vector_load %arg8[%swap3A_559, %swap3A_560] {strides = array<i32>} : memref<16x768xf32, #tpu.memory_space<vmem>>, vector<1x16xf32>,
        %swap3A_562 = vector.shape_cast %swap3A_561 : vector<1x16xf32> to vector<16xf32>
        %swap3A_563 = vector.shape_cast %get3A_558 : vector<16xf32> to vector<1x16xf32>
        tpu.vector_store %arg8[%swap3A_559, %swap3A_560], %swap3A_563 {add = true, strides = array<i32>} : memref<16x768xf32, #tpu.memory_space<vmem>>, vector<1x16xf32>,
        %add3A_564 = arith.constant 0 : i32
        %add3A_565 = arith.addi %add3A_564, %scan3A_179 : i32
        %get3A_566 = arith.index_cast %add3A_565 : i32 to index
        %get3A_567 = arith.constant 560 : index
        %get3A_568 = tpu.vector_load %arg7[%get3A_566, %get3A_567] {strides = array<i32>} : memref<64x768xf32, #tpu.memory_space<vmem>>, vector<1x16xf32>,
        %get3A_569 = vector.shape_cast %get3A_568 : vector<1x16xf32> to vector<16xf32>
        %swap3A_570 = arith.index_cast %scan3A_179 : i32 to index
        %swap3A_571 = arith.constant 560 : index
        %swap3A_572 = tpu.vector_load %arg8[%swap3A_570, %swap3A_571] {strides = array<i32>} : memref<16x768xf32, #tpu.memory_space<vmem>>, vector<1x16xf32>,
        %swap3A_573 = vector.shape_cast %swap3A_572 : vector<1x16xf32> to vector<16xf32>
        %swap3A_574 = vector.shape_cast %get3A_569 : vector<16xf32> to vector<1x16xf32>
        tpu.vector_store %arg8[%swap3A_570, %swap3A_571], %swap3A_574 {add = true, strides = array<i32>} : memref<16x768xf32, #tpu.memory_space<vmem>>, vector<1x16xf32>,
        %add3A_575 = arith.constant 0 : i32
        %add3A_576 = arith.addi %add3A_575, %scan3A_179 : i32
        %get3A_577 = arith.index_cast %add3A_576 : i32 to index
        %get3A_578 = arith.constant 576 : index
        %get3A_579 = tpu.vector_load %arg7[%get3A_577, %get3A_578] {strides = array<i32>} : memref<64x768xf32, #tpu.memory_space<vmem>>, vector<1x16xf32>,
        %get3A_580 = vector.shape_cast %get3A_579 : vector<1x16xf32> to vector<16xf32>
        %swap3A_581 = arith.index_cast %scan3A_179 : i32 to index
        %swap3A_582 = arith.constant 576 : index
        %swap3A_583 = tpu.vector_load %arg8[%swap3A_581, %swap3A_582] {strides = array<i32>} : memref<16x768xf32, #tpu.memory_space<vmem>>, vector<1x16xf32>,
        %swap3A_584 = vector.shape_cast %swap3A_583 : vector<1x16xf32> to vector<16xf32>
        %swap3A_585 = vector.shape_cast %get3A_580 : vector<16xf32> to vector<1x16xf32>
        tpu.vector_store %arg8[%swap3A_581, %swap3A_582], %swap3A_585 {add = true, strides = array<i32>} : memref<16x768xf32, #tpu.memory_space<vmem>>, vector<1x16xf32>,
        %add3A_586 = arith.constant 0 : i32
        %add3A_587 = arith.addi %add3A_586, %scan3A_179 : i32
        %get3A_588 = arith.index_cast %add3A_587 : i32 to index
        %get3A_589 = arith.constant 592 : index
        %get3A_590 = tpu.vector_load %arg7[%get3A_588, %get3A_589] {strides = array<i32>} : memref<64x768xf32, #tpu.memory_space<vmem>>, vector<1x16xf32>,
        %get3A_591 = vector.shape_cast %get3A_590 : vector<1x16xf32> to vector<16xf32>
        %swap3A_592 = arith.index_cast %scan3A_179 : i32 to index
        %swap3A_593 = arith.constant 592 : index
        %swap3A_594 = tpu.vector_load %arg8[%swap3A_592, %swap3A_593] {strides = array<i32>} : memref<16x768xf32, #tpu.memory_space<vmem>>, vector<1x16xf32>,
        %swap3A_595 = vector.shape_cast %swap3A_594 : vector<1x16xf32> to vector<16xf32>
        %swap3A_596 = vector.shape_cast %get3A_591 : vector<16xf32> to vector<1x16xf32>
        tpu.vector_store %arg8[%swap3A_592, %swap3A_593], %swap3A_596 {add = true, strides = array<i32>} : memref<16x768xf32, #tpu.memory_space<vmem>>, vector<1x16xf32>,
        %add3A_597 = arith.constant 0 : i32
        %add3A_598 = arith.addi %add3A_597, %scan3A_179 : i32
        %get3A_599 = arith.index_cast %add3A_598 : i32 to index
        %get3A_600 = arith.constant 608 : index
        %get3A_601 = tpu.vector_load %arg7[%get3A_599, %get3A_600] {strides = array<i32>} : memref<64x768xf32, #tpu.memory_space<vmem>>, vector<1x16xf32>,
        %get3A_602 = vector.shape_cast %get3A_601 : vector<1x16xf32> to vector<16xf32>
        %swap3A_603 = arith.index_cast %scan3A_179 : i32 to index
        %swap3A_604 = arith.constant 608 : index
        %swap3A_605 = tpu.vector_load %arg8[%swap3A_603, %swap3A_604] {strides = array<i32>} : memref<16x768xf32, #tpu.memory_space<vmem>>, vector<1x16xf32>,
        %swap3A_606 = vector.shape_cast %swap3A_605 : vector<1x16xf32> to vector<16xf32>
        %swap3A_607 = vector.shape_cast %get3A_602 : vector<16xf32> to vector<1x16xf32>
        tpu.vector_store %arg8[%swap3A_603, %swap3A_604], %swap3A_607 {add = true, strides = array<i32>} : memref<16x768xf32, #tpu.memory_space<vmem>>, vector<1x16xf32>,
        %add3A_608 = arith.constant 0 : i32
        %add3A_609 = arith.addi %add3A_608, %scan3A_179 : i32
        %get3A_610 = arith.index_cast %add3A_609 : i32 to index
        %get3A_611 = arith.constant 624 : index
        %get3A_612 = tpu.vector_load %arg7[%get3A_610, %get3A_611] {strides = array<i32>} : memref<64x768xf32, #tpu.memory_space<vmem>>, vector<1x16xf32>,
        %get3A_613 = vector.shape_cast %get3A_612 : vector<1x16xf32> to vector<16xf32>
        %swap3A_614 = arith.index_cast %scan3A_179 : i32 to index
        %swap3A_615 = arith.constant 624 : index
        %swap3A_616 = tpu.vector_load %arg8[%swap3A_614, %swap3A_615] {strides = array<i32>} : memref<16x768xf32, #tpu.memory_space<vmem>>, vector<1x16xf32>,
        %swap3A_617 = vector.shape_cast %swap3A_616 : vector<1x16xf32> to vector<16xf32>
        %swap3A_618 = vector.shape_cast %get3A_613 : vector<16xf32> to vector<1x16xf32>
        tpu.vector_store %arg8[%swap3A_614, %swap3A_615], %swap3A_618 {add = true, strides = array<i32>} : memref<16x768xf32, #tpu.memory_space<vmem>>, vector<1x16xf32>,
        %add3A_619 = arith.constant 0 : i32
        %add3A_620 = arith.addi %add3A_619, %scan3A_179 : i32
        %get3A_621 = arith.index_cast %add3A_620 : i32 to index
        %get3A_622 = arith.constant 640 : index
        %get3A_623 = tpu.vector_load %arg7[%get3A_621, %get3A_622] {strides = array<i32>} : memref<64x768xf32, #tpu.memory_space<vmem>>, vector<1x16xf32>,
        %get3A_624 = vector.shape_cast %get3A_623 : vector<1x16xf32> to vector<16xf32>
        %swap3A_625 = arith.index_cast %scan3A_179 : i32 to index
        %swap3A_626 = arith.constant 640 : index
        %swap3A_627 = tpu.vector_load %arg8[%swap3A_625, %swap3A_626] {strides = array<i32>} : memref<16x768xf32, #tpu.memory_space<vmem>>, vector<1x16xf32>,
        %swap3A_628 = vector.shape_cast %swap3A_627 : vector<1x16xf32> to vector<16xf32>
        %swap3A_629 = vector.shape_cast %get3A_624 : vector<16xf32> to vector<1x16xf32>
        tpu.vector_store %arg8[%swap3A_625, %swap3A_626], %swap3A_629 {add = true, strides = array<i32>} : memref<16x768xf32, #tpu.memory_space<vmem>>, vector<1x16xf32>,
        %add3A_630 = arith.constant 0 : i32
        %add3A_631 = arith.addi %add3A_630, %scan3A_179 : i32
        %get3A_632 = arith.index_cast %add3A_631 : i32 to index
        %get3A_633 = arith.constant 656 : index
        %get3A_634 = tpu.vector_load %arg7[%get3A_632, %get3A_633] {strides = array<i32>} : memref<64x768xf32, #tpu.memory_space<vmem>>, vector<1x16xf32>,
        %get3A_635 = vector.shape_cast %get3A_634 : vector<1x16xf32> to vector<16xf32>
        %swap3A_636 = arith.index_cast %scan3A_179 : i32 to index
        %swap3A_637 = arith.constant 656 : index
        %swap3A_638 = tpu.vector_load %arg8[%swap3A_636, %swap3A_637] {strides = array<i32>} : memref<16x768xf32, #tpu.memory_space<vmem>>, vector<1x16xf32>,
        %swap3A_639 = vector.shape_cast %swap3A_638 : vector<1x16xf32> to vector<16xf32>
        %swap3A_640 = vector.shape_cast %get3A_635 : vector<16xf32> to vector<1x16xf32>
        tpu.vector_store %arg8[%swap3A_636, %swap3A_637], %swap3A_640 {add = true, strides = array<i32>} : memref<16x768xf32, #tpu.memory_space<vmem>>, vector<1x16xf32>,
        %add3A_641 = arith.constant 0 : i32
        %add3A_642 = arith.addi %add3A_641, %scan3A_179 : i32
        %get3A_643 = arith.index_cast %add3A_642 : i32 to index
        %get3A_644 = arith.constant 672 : index
        %get3A_645 = tpu.vector_load %arg7[%get3A_643, %get3A_644] {strides = array<i32>} : memref<64x768xf32, #tpu.memory_space<vmem>>, vector<1x16xf32>,
        %get3A_646 = vector.shape_cast %get3A_645 : vector<1x16xf32> to vector<16xf32>
        %swap3A_647 = arith.index_cast %scan3A_179 : i32 to index
        %swap3A_648 = arith.constant 672 : index
        %swap3A_649 = tpu.vector_load %arg8[%swap3A_647, %swap3A_648] {strides = array<i32>} : memref<16x768xf32, #tpu.memory_space<vmem>>, vector<1x16xf32>,
        %swap3A_650 = vector.shape_cast %swap3A_649 : vector<1x16xf32> to vector<16xf32>
        %swap3A_651 = vector.shape_cast %get3A_646 : vector<16xf32> to vector<1x16xf32>
        tpu.vector_store %arg8[%swap3A_647, %swap3A_648], %swap3A_651 {add = true, strides = array<i32>} : memref<16x768xf32, #tpu.memory_space<vmem>>, vector<1x16xf32>,
        %add3A_652 = arith.constant 0 : i32
        %add3A_653 = arith.addi %add3A_652, %scan3A_179 : i32
        %get3A_654 = arith.index_cast %add3A_653 : i32 to index
        %get3A_655 = arith.constant 688 : index
        %get3A_656 = tpu.vector_load %arg7[%get3A_654, %get3A_655] {strides = array<i32>} : memref<64x768xf32, #tpu.memory_space<vmem>>, vector<1x16xf32>,
        %get3A_657 = vector.shape_cast %get3A_656 : vector<1x16xf32> to vector<16xf32>
        %swap3A_658 = arith.index_cast %scan3A_179 : i32 to index
        %swap3A_659 = arith.constant 688 : index
        %swap3A_660 = tpu.vector_load %arg8[%swap3A_658, %swap3A_659] {strides = array<i32>} : memref<16x768xf32, #tpu.memory_space<vmem>>, vector<1x16xf32>,
        %swap3A_661 = vector.shape_cast %swap3A_660 : vector<1x16xf32> to vector<16xf32>
        %swap3A_662 = vector.shape_cast %get3A_657 : vector<16xf32> to vector<1x16xf32>
        tpu.vector_store %arg8[%swap3A_658, %swap3A_659], %swap3A_662 {add = true, strides = array<i32>} : memref<16x768xf32, #tpu.memory_space<vmem>>, vector<1x16xf32>,
        %add3A_663 = arith.constant 0 : i32
        %add3A_664 = arith.addi %add3A_663, %scan3A_179 : i32
        %get3A_665 = arith.index_cast %add3A_664 : i32 to index
        %get3A_666 = arith.constant 704 : index
        %get3A_667 = tpu.vector_load %arg7[%get3A_665, %get3A_666] {strides = array<i32>} : memref<64x768xf32, #tpu.memory_space<vmem>>, vector<1x16xf32>,
        %get3A_668 = vector.shape_cast %get3A_667 : vector<1x16xf32> to vector<16xf32>
        %swap3A_669 = arith.index_cast %scan3A_179 : i32 to index
        %swap3A_670 = arith.constant 704 : index
        %swap3A_671 = tpu.vector_load %arg8[%swap3A_669, %swap3A_670] {strides = array<i32>} : memref<16x768xf32, #tpu.memory_space<vmem>>, vector<1x16xf32>,
        %swap3A_672 = vector.shape_cast %swap3A_671 : vector<1x16xf32> to vector<16xf32>
        %swap3A_673 = vector.shape_cast %get3A_668 : vector<16xf32> to vector<1x16xf32>
        tpu.vector_store %arg8[%swap3A_669, %swap3A_670], %swap3A_673 {add = true, strides = array<i32>} : memref<16x768xf32, #tpu.memory_space<vmem>>, vector<1x16xf32>,
        %add3A_674 = arith.constant 0 : i32
        %add3A_675 = arith.addi %add3A_674, %scan3A_179 : i32
        %get3A_676 = arith.index_cast %add3A_675 : i32 to index
        %get3A_677 = arith.constant 720 : index
        %get3A_678 = tpu.vector_load %arg7[%get3A_676, %get3A_677] {strides = array<i32>} : memref<64x768xf32, #tpu.memory_space<vmem>>, vector<1x16xf32>,
        %get3A_679 = vector.shape_cast %get3A_678 : vector<1x16xf32> to vector<16xf32>
        %swap3A_680 = arith.index_cast %scan3A_179 : i32 to index
        %swap3A_681 = arith.constant 720 : index
        %swap3A_682 = tpu.vector_load %arg8[%swap3A_680, %swap3A_681] {strides = array<i32>} : memref<16x768xf32, #tpu.memory_space<vmem>>, vector<1x16xf32>,
        %swap3A_683 = vector.shape_cast %swap3A_682 : vector<1x16xf32> to vector<16xf32>
        %swap3A_684 = vector.shape_cast %get3A_679 : vector<16xf32> to vector<1x16xf32>
        tpu.vector_store %arg8[%swap3A_680, %swap3A_681], %swap3A_684 {add = true, strides = array<i32>} : memref<16x768xf32, #tpu.memory_space<vmem>>, vector<1x16xf32>,
        %add3A_685 = arith.constant 0 : i32
        %add3A_686 = arith.addi %add3A_685, %scan3A_179 : i32
        %get3A_687 = arith.index_cast %add3A_686 : i32 to index
        %get3A_688 = arith.constant 736 : index
        %get3A_689 = tpu.vector_load %arg7[%get3A_687, %get3A_688] {strides = array<i32>} : memref<64x768xf32, #tpu.memory_space<vmem>>, vector<1x16xf32>,
        %get3A_690 = vector.shape_cast %get3A_689 : vector<1x16xf32> to vector<16xf32>
        %swap3A_691 = arith.index_cast %scan3A_179 : i32 to index
        %swap3A_692 = arith.constant 736 : index
        %swap3A_693 = tpu.vector_load %arg8[%swap3A_691, %swap3A_692] {strides = array<i32>} : memref<16x768xf32, #tpu.memory_space<vmem>>, vector<1x16xf32>,
        %swap3A_694 = vector.shape_cast %swap3A_693 : vector<1x16xf32> to vector<16xf32>
        %swap3A_695 = vector.shape_cast %get3A_690 : vector<16xf32> to vector<1x16xf32>
        tpu.vector_store %arg8[%swap3A_691, %swap3A_692], %swap3A_695 {add = true, strides = array<i32>} : memref<16x768xf32, #tpu.memory_space<vmem>>, vector<1x16xf32>,
        %add3A_696 = arith.constant 0 : i32
        %add3A_697 = arith.addi %add3A_696, %scan3A_179 : i32
        %get3A_698 = arith.index_cast %add3A_697 : i32 to index
        %get3A_699 = arith.constant 752 : index
        %get3A_700 = tpu.vector_load %arg7[%get3A_698, %get3A_699] {strides = array<i32>} : memref<64x768xf32, #tpu.memory_space<vmem>>, vector<1x16xf32>,
        %get3A_701 = vector.shape_cast %get3A_700 : vector<1x16xf32> to vector<16xf32>
        %swap3A_702 = arith.index_cast %scan3A_179 : i32 to index
        %swap3A_703 = arith.constant 752 : index
        %swap3A_704 = tpu.vector_load %arg8[%swap3A_702, %swap3A_703] {strides = array<i32>} : memref<16x768xf32, #tpu.memory_space<vmem>>, vector<1x16xf32>,
        %swap3A_705 = vector.shape_cast %swap3A_704 : vector<1x16xf32> to vector<16xf32>
        %swap3A_706 = vector.shape_cast %get3A_701 : vector<16xf32> to vector<1x16xf32>
        tpu.vector_store %arg8[%swap3A_702, %swap3A_703], %swap3A_706 {add = true, strides = array<i32>} : memref<16x768xf32, #tpu.memory_space<vmem>>, vector<1x16xf32>,
        %scan3A_707 = arith.constant 0 : i32
        scf.yield %scan3A_707 : i32
      }
      %scan3A_86 = arith.constant 16 : i32
      %add3A_87 = arith.constant 0 : i32
      %add3A_88 = arith.addi %mul3A_2, %add3A_87 : i32
      %dma_start3A_89 = arith.constant 0 : i32
      %dma_start3A_90 = tpu.memref_slice %arg5[%scan3A_64, %add3A_88, %dma_start3A_89] : memref<4x2048x768xf32, #tpu.memory_space<hbm>> -> memref<1x16x768xf32, #tpu.memory_space<hbm>>
      %dma_start3A_91 = tpu.memref_squeeze %dma_start3A_90 : memref<1x16x768xf32, #tpu.memory_space<hbm>> -> memref<16x768xf32, #tpu.memory_space<hbm>>
      %dma_start3A_92 = arith.constant 0 : i32
      %dma_start3A_93 = tpu.memref_slice %arg5[%scan3A_64, %add3A_88, %dma_start3A_92] : memref<4x2048x768xf32, #tpu.memory_space<hbm>> -> memref<1x16x768xf32, #tpu.memory_space<hbm>>
      %dma_start3A_94 = tpu.memref_squeeze %dma_start3A_93 : memref<1x16x768xf32, #tpu.memory_space<hbm>> -> memref<16x768xf32, #tpu.memory_space<hbm>>
      tpu.enqueue_dma source(%arg8 : memref<16x768xf32, #tpu.memory_space<vmem>>) target(%dma_start3A_94 : memref<16x768xf32, #tpu.memory_space<hbm>>) target_semaphore(%arg16 : memref<!tpu.dma_semaphore, #tpu.memory_space<semaphore_mem>>)
      %dma_wait3A_95 = arith.constant 16 : i32
      %dma_wait3A_96 = tpu.memref_slice %arg6[%scan3A_64, %dma_wait3A_95] : memref<4x64xi32, #tpu.memory_space<vmem>> -> memref<1x16xi32, #tpu.memory_space<vmem>>
      %dma_wait3A_97 = tpu.memref_squeeze %dma_wait3A_96 : memref<1x16xi32, #tpu.memory_space<vmem>> -> memref<16xi32, #tpu.memory_space<vmem>>
      %dma_wait3A_98 = arith.constant 0 : i32
      %dma_wait3A_99 = arith.constant 0 : i32
      %dma_wait3A_100 = tpu.memref_slice %arg3[%dma_wait3A_98, %dma_wait3A_99] : memref<100000x768xf32, #tpu.memory_space<hbm>> -> memref<100000x768xf32, #tpu.memory_space<hbm>>
      tpu.wait_indirect_dma semaphore(%arg13 : memref<!tpu.dma_semaphore, #tpu.memory_space<semaphore_mem>>) src(%dma_wait3A_100 : memref<100000x768xf32, #tpu.memory_space<hbm>>) dst(%arg9 : memref<16x768xf32, #tpu.memory_space<vmem>>)
      %gt3A_101 = arith.constant 0 : i32
      %gt3A_102 = arith.cmpi sgt, %scan3A_64, %gt3A_101 : i32
      %convert_element_type3A_103 = arith.extui %gt3A_102 : i1 to i32
      %cond3A_104 = arith.constant 0 : i32
      %cond3A_105 = arith.cmpi ne, %convert_element_type3A_103, %cond3A_104 : i32
      scf.if %cond3A_105 {
        %sub3A = arith.constant 1 : i32
        %sub3A_179 = arith.subi %scan3A_64, %sub3A : i32
        %add3A_180 = arith.constant 48 : i32
        %add3A_181 = arith.addi %mul3A_2, %add3A_180 : i32
        %dma_wait3A_182 = arith.constant 0 : i32
        %dma_wait3A_183 = tpu.memref_slice %arg5[%sub3A_179, %add3A_181, %dma_wait3A_182] : memref<4x2048x768xf32, #tpu.memory_space<hbm>> -> memref<1x16x768xf32, #tpu.memory_space<hbm>>
        %dma_wait3A_184 = tpu.memref_squeeze %dma_wait3A_183 : memref<1x16x768xf32, #tpu.memory_space<hbm>> -> memref<16x768xf32, #tpu.memory_space<hbm>>
        %dma_wait3A_185 = arith.constant 0 : i32
        %dma_wait3A_186 = tpu.memref_slice %arg5[%sub3A_179, %add3A_181, %dma_wait3A_185] : memref<4x2048x768xf32, #tpu.memory_space<hbm>> -> memref<1x16x768xf32, #tpu.memory_space<hbm>>
        %dma_wait3A_187 = tpu.memref_squeeze %dma_wait3A_186 : memref<1x16x768xf32, #tpu.memory_space<hbm>> -> memref<16x768xf32, #tpu.memory_space<hbm>>
        tpu.wait_dma2 semaphore(%arg19 : memref<!tpu.dma_semaphore, #tpu.memory_space<semaphore_mem>>) src(%arg11 : memref<16x768xf32, #tpu.memory_space<vmem>>) dst(%dma_wait3A_187 : memref<16x768xf32, #tpu.memory_space<hbm>>)
      } else {
      }
      %dma_start3A_106 = arith.constant 48 : i32
      %dma_start3A_107 = tpu.memref_slice %arg6[%scan3A_64, %dma_start3A_106] : memref<4x64xi32, #tpu.memory_space<vmem>> -> memref<1x16xi32, #tpu.memory_space<vmem>>
      %dma_start3A_108 = tpu.memref_squeeze %dma_start3A_107 : memref<1x16xi32, #tpu.memory_space<vmem>> -> memref<16xi32, #tpu.memory_space<vmem>>
      %dma_start3A_109 = arith.constant 0 : i32
      %dma_start3A_110 = arith.constant 0 : i32
      %dma_start3A_111 = tpu.memref_slice %arg3[%dma_start3A_109, %dma_start3A_110] : memref<100000x768xf32, #tpu.memory_space<hbm>> -> memref<100000x768xf32, #tpu.memory_space<hbm>>
      tpu.enqueue_indirect_dma source(%dma_start3A_111 : memref<100000x768xf32, #tpu.memory_space<hbm>>) target(%arg11 : memref<16x768xf32, #tpu.memory_space<vmem>>) offsets(%dma_start3A_108 : memref<16xi32, #tpu.memory_space<vmem>>) semaphore(%arg15 : memref<!tpu.dma_semaphore, #tpu.memory_space<semaphore_mem>>)
      %scan3A_112 = arith.constant 0 : i32
      %scan3A_113 = arith.constant 0 : i32
      %scan3A_114 = arith.constant 16 : i32
      %scan3A_115 = arith.addi %scan3A_113, %scan3A_114 : i32
      %scan3A_116 = arith.constant 1 : i32
      %scan3A_117 = scf.for %scan3A_179 = %scan3A_113 to %scan3A_115 step %scan3A_116 iter_args(%scan3A_180 = %scan3A_112) -> (i32)  : i32 {
        %add3A_181 = arith.constant 16 : i32
        %add3A_182 = arith.addi %add3A_181, %scan3A_179 : i32
        %get3A = arith.index_cast %add3A_182 : i32 to index
        %get3A_183 = arith.constant 0 : index
        %get3A_184 = tpu.vector_load %arg7[%get3A, %get3A_183] {strides = array<i32>} : memref<64x768xf32, #tpu.memory_space<vmem>>, vector<1x16xf32>,
        %get3A_185 = vector.shape_cast %get3A_184 : vector<1x16xf32> to vector<16xf32>
        %swap3A = arith.index_cast %scan3A_179 : i32 to index
        %swap3A_186 = arith.constant 0 : index
        %swap3A_187 = tpu.vector_load %arg9[%swap3A, %swap3A_186] {strides = array<i32>} : memref<16x768xf32, #tpu.memory_space<vmem>>, vector<1x16xf32>,
        %swap3A_188 = vector.shape_cast %swap3A_187 : vector<1x16xf32> to vector<16xf32>
        %swap3A_189 = vector.shape_cast %get3A_185 : vector<16xf32> to vector<1x16xf32>
        tpu.vector_store %arg9[%swap3A, %swap3A_186], %swap3A_189 {add = true, strides = array<i32>} : memref<16x768xf32, #tpu.memory_space<vmem>>, vector<1x16xf32>,
        %add3A_190 = arith.constant 16 : i32
        %add3A_191 = arith.addi %add3A_190, %scan3A_179 : i32
        %get3A_192 = arith.index_cast %add3A_191 : i32 to index
        %get3A_193 = arith.constant 16 : index
        %get3A_194 = tpu.vector_load %arg7[%get3A_192, %get3A_193] {strides = array<i32>} : memref<64x768xf32, #tpu.memory_space<vmem>>, vector<1x16xf32>,
        %get3A_195 = vector.shape_cast %get3A_194 : vector<1x16xf32> to vector<16xf32>
        %swap3A_196 = arith.index_cast %scan3A_179 : i32 to index
        %swap3A_197 = arith.constant 16 : index
        %swap3A_198 = tpu.vector_load %arg9[%swap3A_196, %swap3A_197] {strides = array<i32>} : memref<16x768xf32, #tpu.memory_space<vmem>>, vector<1x16xf32>,
        %swap3A_199 = vector.shape_cast %swap3A_198 : vector<1x16xf32> to vector<16xf32>
        %swap3A_200 = vector.shape_cast %get3A_195 : vector<16xf32> to vector<1x16xf32>
        tpu.vector_store %arg9[%swap3A_196, %swap3A_197], %swap3A_200 {add = true, strides = array<i32>} : memref<16x768xf32, #tpu.memory_space<vmem>>, vector<1x16xf32>,
        %add3A_201 = arith.constant 16 : i32
        %add3A_202 = arith.addi %add3A_201, %scan3A_179 : i32
        %get3A_203 = arith.index_cast %add3A_202 : i32 to index
        %get3A_204 = arith.constant 32 : index
        %get3A_205 = tpu.vector_load %arg7[%get3A_203, %get3A_204] {strides = array<i32>} : memref<64x768xf32, #tpu.memory_space<vmem>>, vector<1x16xf32>,
        %get3A_206 = vector.shape_cast %get3A_205 : vector<1x16xf32> to vector<16xf32>
        %swap3A_207 = arith.index_cast %scan3A_179 : i32 to index
        %swap3A_208 = arith.constant 32 : index
        %swap3A_209 = tpu.vector_load %arg9[%swap3A_207, %swap3A_208] {strides = array<i32>} : memref<16x768xf32, #tpu.memory_space<vmem>>, vector<1x16xf32>,
        %swap3A_210 = vector.shape_cast %swap3A_209 : vector<1x16xf32> to vector<16xf32>
        %swap3A_211 = vector.shape_cast %get3A_206 : vector<16xf32> to vector<1x16xf32>
        tpu.vector_store %arg9[%swap3A_207, %swap3A_208], %swap3A_211 {add = true, strides = array<i32>} : memref<16x768xf32, #tpu.memory_space<vmem>>, vector<1x16xf32>,
        %add3A_212 = arith.constant 16 : i32
        %add3A_213 = arith.addi %add3A_212, %scan3A_179 : i32
        %get3A_214 = arith.index_cast %add3A_213 : i32 to index
        %get3A_215 = arith.constant 48 : index
        %get3A_216 = tpu.vector_load %arg7[%get3A_214, %get3A_215] {strides = array<i32>} : memref<64x768xf32, #tpu.memory_space<vmem>>, vector<1x16xf32>,
        %get3A_217 = vector.shape_cast %get3A_216 : vector<1x16xf32> to vector<16xf32>
        %swap3A_218 = arith.index_cast %scan3A_179 : i32 to index
        %swap3A_219 = arith.constant 48 : index
        %swap3A_220 = tpu.vector_load %arg9[%swap3A_218, %swap3A_219] {strides = array<i32>} : memref<16x768xf32, #tpu.memory_space<vmem>>, vector<1x16xf32>,
        %swap3A_221 = vector.shape_cast %swap3A_220 : vector<1x16xf32> to vector<16xf32>
        %swap3A_222 = vector.shape_cast %get3A_217 : vector<16xf32> to vector<1x16xf32>
        tpu.vector_store %arg9[%swap3A_218, %swap3A_219], %swap3A_222 {add = true, strides = array<i32>} : memref<16x768xf32, #tpu.memory_space<vmem>>, vector<1x16xf32>,
        %add3A_223 = arith.constant 16 : i32
        %add3A_224 = arith.addi %add3A_223, %scan3A_179 : i32
        %get3A_225 = arith.index_cast %add3A_224 : i32 to index
        %get3A_226 = arith.constant 64 : index
        %get3A_227 = tpu.vector_load %arg7[%get3A_225, %get3A_226] {strides = array<i32>} : memref<64x768xf32, #tpu.memory_space<vmem>>, vector<1x16xf32>,
        %get3A_228 = vector.shape_cast %get3A_227 : vector<1x16xf32> to vector<16xf32>
        %swap3A_229 = arith.index_cast %scan3A_179 : i32 to index
        %swap3A_230 = arith.constant 64 : index
        %swap3A_231 = tpu.vector_load %arg9[%swap3A_229, %swap3A_230] {strides = array<i32>} : memref<16x768xf32, #tpu.memory_space<vmem>>, vector<1x16xf32>,
        %swap3A_232 = vector.shape_cast %swap3A_231 : vector<1x16xf32> to vector<16xf32>
        %swap3A_233 = vector.shape_cast %get3A_228 : vector<16xf32> to vector<1x16xf32>
        tpu.vector_store %arg9[%swap3A_229, %swap3A_230], %swap3A_233 {add = true, strides = array<i32>} : memref<16x768xf32, #tpu.memory_space<vmem>>, vector<1x16xf32>,
        %add3A_234 = arith.constant 16 : i32
        %add3A_235 = arith.addi %add3A_234, %scan3A_179 : i32
        %get3A_236 = arith.index_cast %add3A_235 : i32 to index
        %get3A_237 = arith.constant 80 : index
        %get3A_238 = tpu.vector_load %arg7[%get3A_236, %get3A_237] {strides = array<i32>} : memref<64x768xf32, #tpu.memory_space<vmem>>, vector<1x16xf32>,
        %get3A_239 = vector.shape_cast %get3A_238 : vector<1x16xf32> to vector<16xf32>
        %swap3A_240 = arith.index_cast %scan3A_179 : i32 to index
        %swap3A_241 = arith.constant 80 : index
        %swap3A_242 = tpu.vector_load %arg9[%swap3A_240, %swap3A_241] {strides = array<i32>} : memref<16x768xf32, #tpu.memory_space<vmem>>, vector<1x16xf32>,
        %swap3A_243 = vector.shape_cast %swap3A_242 : vector<1x16xf32> to vector<16xf32>
        %swap3A_244 = vector.shape_cast %get3A_239 : vector<16xf32> to vector<1x16xf32>
        tpu.vector_store %arg9[%swap3A_240, %swap3A_241], %swap3A_244 {add = true, strides = array<i32>} : memref<16x768xf32, #tpu.memory_space<vmem>>, vector<1x16xf32>,
        %add3A_245 = arith.constant 16 : i32
        %add3A_246 = arith.addi %add3A_245, %scan3A_179 : i32
        %get3A_247 = arith.index_cast %add3A_246 : i32 to index
        %get3A_248 = arith.constant 96 : index
        %get3A_249 = tpu.vector_load %arg7[%get3A_247, %get3A_248] {strides = array<i32>} : memref<64x768xf32, #tpu.memory_space<vmem>>, vector<1x16xf32>,
        %get3A_250 = vector.shape_cast %get3A_249 : vector<1x16xf32> to vector<16xf32>
        %swap3A_251 = arith.index_cast %scan3A_179 : i32 to index
        %swap3A_252 = arith.constant 96 : index
        %swap3A_253 = tpu.vector_load %arg9[%swap3A_251, %swap3A_252] {strides = array<i32>} : memref<16x768xf32, #tpu.memory_space<vmem>>, vector<1x16xf32>,
        %swap3A_254 = vector.shape_cast %swap3A_253 : vector<1x16xf32> to vector<16xf32>
        %swap3A_255 = vector.shape_cast %get3A_250 : vector<16xf32> to vector<1x16xf32>
        tpu.vector_store %arg9[%swap3A_251, %swap3A_252], %swap3A_255 {add = true, strides = array<i32>} : memref<16x768xf32, #tpu.memory_space<vmem>>, vector<1x16xf32>,
        %add3A_256 = arith.constant 16 : i32
        %add3A_257 = arith.addi %add3A_256, %scan3A_179 : i32
        %get3A_258 = arith.index_cast %add3A_257 : i32 to index
        %get3A_259 = arith.constant 112 : index
        %get3A_260 = tpu.vector_load %arg7[%get3A_258, %get3A_259] {strides = array<i32>} : memref<64x768xf32, #tpu.memory_space<vmem>>, vector<1x16xf32>,
        %get3A_261 = vector.shape_cast %get3A_260 : vector<1x16xf32> to vector<16xf32>
        %swap3A_262 = arith.index_cast %scan3A_179 : i32 to index
        %swap3A_263 = arith.constant 112 : index
        %swap3A_264 = tpu.vector_load %arg9[%swap3A_262, %swap3A_263] {strides = array<i32>} : memref<16x768xf32, #tpu.memory_space<vmem>>, vector<1x16xf32>,
        %swap3A_265 = vector.shape_cast %swap3A_264 : vector<1x16xf32> to vector<16xf32>
        %swap3A_266 = vector.shape_cast %get3A_261 : vector<16xf32> to vector<1x16xf32>
        tpu.vector_store %arg9[%swap3A_262, %swap3A_263], %swap3A_266 {add = true, strides = array<i32>} : memref<16x768xf32, #tpu.memory_space<vmem>>, vector<1x16xf32>,
        %add3A_267 = arith.constant 16 : i32
        %add3A_268 = arith.addi %add3A_267, %scan3A_179 : i32
        %get3A_269 = arith.index_cast %add3A_268 : i32 to index
        %get3A_270 = arith.constant 128 : index
        %get3A_271 = tpu.vector_load %arg7[%get3A_269, %get3A_270] {strides = array<i32>} : memref<64x768xf32, #tpu.memory_space<vmem>>, vector<1x16xf32>,
        %get3A_272 = vector.shape_cast %get3A_271 : vector<1x16xf32> to vector<16xf32>
        %swap3A_273 = arith.index_cast %scan3A_179 : i32 to index
        %swap3A_274 = arith.constant 128 : index
        %swap3A_275 = tpu.vector_load %arg9[%swap3A_273, %swap3A_274] {strides = array<i32>} : memref<16x768xf32, #tpu.memory_space<vmem>>, vector<1x16xf32>,
        %swap3A_276 = vector.shape_cast %swap3A_275 : vector<1x16xf32> to vector<16xf32>
        %swap3A_277 = vector.shape_cast %get3A_272 : vector<16xf32> to vector<1x16xf32>
        tpu.vector_store %arg9[%swap3A_273, %swap3A_274], %swap3A_277 {add = true, strides = array<i32>} : memref<16x768xf32, #tpu.memory_space<vmem>>, vector<1x16xf32>,
        %add3A_278 = arith.constant 16 : i32
        %add3A_279 = arith.addi %add3A_278, %scan3A_179 : i32
        %get3A_280 = arith.index_cast %add3A_279 : i32 to index
        %get3A_281 = arith.constant 144 : index
        %get3A_282 = tpu.vector_load %arg7[%get3A_280, %get3A_281] {strides = array<i32>} : memref<64x768xf32, #tpu.memory_space<vmem>>, vector<1x16xf32>,
        %get3A_283 = vector.shape_cast %get3A_282 : vector<1x16xf32> to vector<16xf32>
        %swap3A_284 = arith.index_cast %scan3A_179 : i32 to index
        %swap3A_285 = arith.constant 144 : index
        %swap3A_286 = tpu.vector_load %arg9[%swap3A_284, %swap3A_285] {strides = array<i32>} : memref<16x768xf32, #tpu.memory_space<vmem>>, vector<1x16xf32>,
        %swap3A_287 = vector.shape_cast %swap3A_286 : vector<1x16xf32> to vector<16xf32>
        %swap3A_288 = vector.shape_cast %get3A_283 : vector<16xf32> to vector<1x16xf32>
        tpu.vector_store %arg9[%swap3A_284, %swap3A_285], %swap3A_288 {add = true, strides = array<i32>} : memref<16x768xf32, #tpu.memory_space<vmem>>, vector<1x16xf32>,
        %add3A_289 = arith.constant 16 : i32
        %add3A_290 = arith.addi %add3A_289, %scan3A_179 : i32
        %get3A_291 = arith.index_cast %add3A_290 : i32 to index
        %get3A_292 = arith.constant 160 : index
        %get3A_293 = tpu.vector_load %arg7[%get3A_291, %get3A_292] {strides = array<i32>} : memref<64x768xf32, #tpu.memory_space<vmem>>, vector<1x16xf32>,
        %get3A_294 = vector.shape_cast %get3A_293 : vector<1x16xf32> to vector<16xf32>
        %swap3A_295 = arith.index_cast %scan3A_179 : i32 to index
        %swap3A_296 = arith.constant 160 : index
        %swap3A_297 = tpu.vector_load %arg9[%swap3A_295, %swap3A_296] {strides = array<i32>} : memref<16x768xf32, #tpu.memory_space<vmem>>, vector<1x16xf32>,
        %swap3A_298 = vector.shape_cast %swap3A_297 : vector<1x16xf32> to vector<16xf32>
        %swap3A_299 = vector.shape_cast %get3A_294 : vector<16xf32> to vector<1x16xf32>
        tpu.vector_store %arg9[%swap3A_295, %swap3A_296], %swap3A_299 {add = true, strides = array<i32>} : memref<16x768xf32, #tpu.memory_space<vmem>>, vector<1x16xf32>,
        %add3A_300 = arith.constant 16 : i32
        %add3A_301 = arith.addi %add3A_300, %scan3A_179 : i32
        %get3A_302 = arith.index_cast %add3A_301 : i32 to index
        %get3A_303 = arith.constant 176 : index
        %get3A_304 = tpu.vector_load %arg7[%get3A_302, %get3A_303] {strides = array<i32>} : memref<64x768xf32, #tpu.memory_space<vmem>>, vector<1x16xf32>,
        %get3A_305 = vector.shape_cast %get3A_304 : vector<1x16xf32> to vector<16xf32>
        %swap3A_306 = arith.index_cast %scan3A_179 : i32 to index
        %swap3A_307 = arith.constant 176 : index
        %swap3A_308 = tpu.vector_load %arg9[%swap3A_306, %swap3A_307] {strides = array<i32>} : memref<16x768xf32, #tpu.memory_space<vmem>>, vector<1x16xf32>,
        %swap3A_309 = vector.shape_cast %swap3A_308 : vector<1x16xf32> to vector<16xf32>
        %swap3A_310 = vector.shape_cast %get3A_305 : vector<16xf32> to vector<1x16xf32>
        tpu.vector_store %arg9[%swap3A_306, %swap3A_307], %swap3A_310 {add = true, strides = array<i32>} : memref<16x768xf32, #tpu.memory_space<vmem>>, vector<1x16xf32>,
        %add3A_311 = arith.constant 16 : i32
        %add3A_312 = arith.addi %add3A_311, %scan3A_179 : i32
        %get3A_313 = arith.index_cast %add3A_312 : i32 to index
        %get3A_314 = arith.constant 192 : index
        %get3A_315 = tpu.vector_load %arg7[%get3A_313, %get3A_314] {strides = array<i32>} : memref<64x768xf32, #tpu.memory_space<vmem>>, vector<1x16xf32>,
        %get3A_316 = vector.shape_cast %get3A_315 : vector<1x16xf32> to vector<16xf32>
        %swap3A_317 = arith.index_cast %scan3A_179 : i32 to index
        %swap3A_318 = arith.constant 192 : index
        %swap3A_319 = tpu.vector_load %arg9[%swap3A_317, %swap3A_318] {strides = array<i32>} : memref<16x768xf32, #tpu.memory_space<vmem>>, vector<1x16xf32>,
        %swap3A_320 = vector.shape_cast %swap3A_319 : vector<1x16xf32> to vector<16xf32>
        %swap3A_321 = vector.shape_cast %get3A_316 : vector<16xf32> to vector<1x16xf32>
        tpu.vector_store %arg9[%swap3A_317, %swap3A_318], %swap3A_321 {add = true, strides = array<i32>} : memref<16x768xf32, #tpu.memory_space<vmem>>, vector<1x16xf32>,
        %add3A_322 = arith.constant 16 : i32
        %add3A_323 = arith.addi %add3A_322, %scan3A_179 : i32
        %get3A_324 = arith.index_cast %add3A_323 : i32 to index
        %get3A_325 = arith.constant 208 : index
        %get3A_326 = tpu.vector_load %arg7[%get3A_324, %get3A_325] {strides = array<i32>} : memref<64x768xf32, #tpu.memory_space<vmem>>, vector<1x16xf32>,
        %get3A_327 = vector.shape_cast %get3A_326 : vector<1x16xf32> to vector<16xf32>
        %swap3A_328 = arith.index_cast %scan3A_179 : i32 to index
        %swap3A_329 = arith.constant 208 : index
        %swap3A_330 = tpu.vector_load %arg9[%swap3A_328, %swap3A_329] {strides = array<i32>} : memref<16x768xf32, #tpu.memory_space<vmem>>, vector<1x16xf32>,
        %swap3A_331 = vector.shape_cast %swap3A_330 : vector<1x16xf32> to vector<16xf32>
        %swap3A_332 = vector.shape_cast %get3A_327 : vector<16xf32> to vector<1x16xf32>
        tpu.vector_store %arg9[%swap3A_328, %swap3A_329], %swap3A_332 {add = true, strides = array<i32>} : memref<16x768xf32, #tpu.memory_space<vmem>>, vector<1x16xf32>,
        %add3A_333 = arith.constant 16 : i32
        %add3A_334 = arith.addi %add3A_333, %scan3A_179 : i32
        %get3A_335 = arith.index_cast %add3A_334 : i32 to index
        %get3A_336 = arith.constant 224 : index
        %get3A_337 = tpu.vector_load %arg7[%get3A_335, %get3A_336] {strides = array<i32>} : memref<64x768xf32, #tpu.memory_space<vmem>>, vector<1x16xf32>,
        %get3A_338 = vector.shape_cast %get3A_337 : vector<1x16xf32> to vector<16xf32>
        %swap3A_339 = arith.index_cast %scan3A_179 : i32 to index
        %swap3A_340 = arith.constant 224 : index
        %swap3A_341 = tpu.vector_load %arg9[%swap3A_339, %swap3A_340] {strides = array<i32>} : memref<16x768xf32, #tpu.memory_space<vmem>>, vector<1x16xf32>,
        %swap3A_342 = vector.shape_cast %swap3A_341 : vector<1x16xf32> to vector<16xf32>
        %swap3A_343 = vector.shape_cast %get3A_338 : vector<16xf32> to vector<1x16xf32>
        tpu.vector_store %arg9[%swap3A_339, %swap3A_340], %swap3A_343 {add = true, strides = array<i32>} : memref<16x768xf32, #tpu.memory_space<vmem>>, vector<1x16xf32>,
        %add3A_344 = arith.constant 16 : i32
        %add3A_345 = arith.addi %add3A_344, %scan3A_179 : i32
        %get3A_346 = arith.index_cast %add3A_345 : i32 to index
        %get3A_347 = arith.constant 240 : index
        %get3A_348 = tpu.vector_load %arg7[%get3A_346, %get3A_347] {strides = array<i32>} : memref<64x768xf32, #tpu.memory_space<vmem>>, vector<1x16xf32>,
        %get3A_349 = vector.shape_cast %get3A_348 : vector<1x16xf32> to vector<16xf32>
        %swap3A_350 = arith.index_cast %scan3A_179 : i32 to index
        %swap3A_351 = arith.constant 240 : index
        %swap3A_352 = tpu.vector_load %arg9[%swap3A_350, %swap3A_351] {strides = array<i32>} : memref<16x768xf32, #tpu.memory_space<vmem>>, vector<1x16xf32>,
        %swap3A_353 = vector.shape_cast %swap3A_352 : vector<1x16xf32> to vector<16xf32>
        %swap3A_354 = vector.shape_cast %get3A_349 : vector<16xf32> to vector<1x16xf32>
        tpu.vector_store %arg9[%swap3A_350, %swap3A_351], %swap3A_354 {add = true, strides = array<i32>} : memref<16x768xf32, #tpu.memory_space<vmem>>, vector<1x16xf32>,
        %add3A_355 = arith.constant 16 : i32
        %add3A_356 = arith.addi %add3A_355, %scan3A_179 : i32
        %get3A_357 = arith.index_cast %add3A_356 : i32 to index
        %get3A_358 = arith.constant 256 : index
        %get3A_359 = tpu.vector_load %arg7[%get3A_357, %get3A_358] {strides = array<i32>} : memref<64x768xf32, #tpu.memory_space<vmem>>, vector<1x16xf32>,
        %get3A_360 = vector.shape_cast %get3A_359 : vector<1x16xf32> to vector<16xf32>
        %swap3A_361 = arith.index_cast %scan3A_179 : i32 to index
        %swap3A_362 = arith.constant 256 : index
        %swap3A_363 = tpu.vector_load %arg9[%swap3A_361, %swap3A_362] {strides = array<i32>} : memref<16x768xf32, #tpu.memory_space<vmem>>, vector<1x16xf32>,
        %swap3A_364 = vector.shape_cast %swap3A_363 : vector<1x16xf32> to vector<16xf32>
        %swap3A_365 = vector.shape_cast %get3A_360 : vector<16xf32> to vector<1x16xf32>
        tpu.vector_store %arg9[%swap3A_361, %swap3A_362], %swap3A_365 {add = true, strides = array<i32>} : memref<16x768xf32, #tpu.memory_space<vmem>>, vector<1x16xf32>,
        %add3A_366 = arith.constant 16 : i32
        %add3A_367 = arith.addi %add3A_366, %scan3A_179 : i32
        %get3A_368 = arith.index_cast %add3A_367 : i32 to index
        %get3A_369 = arith.constant 272 : index
        %get3A_370 = tpu.vector_load %arg7[%get3A_368, %get3A_369] {strides = array<i32>} : memref<64x768xf32, #tpu.memory_space<vmem>>, vector<1x16xf32>,
        %get3A_371 = vector.shape_cast %get3A_370 : vector<1x16xf32> to vector<16xf32>
        %swap3A_372 = arith.index_cast %scan3A_179 : i32 to index
        %swap3A_373 = arith.constant 272 : index
        %swap3A_374 = tpu.vector_load %arg9[%swap3A_372, %swap3A_373] {strides = array<i32>} : memref<16x768xf32, #tpu.memory_space<vmem>>, vector<1x16xf32>,
        %swap3A_375 = vector.shape_cast %swap3A_374 : vector<1x16xf32> to vector<16xf32>
        %swap3A_376 = vector.shape_cast %get3A_371 : vector<16xf32> to vector<1x16xf32>
        tpu.vector_store %arg9[%swap3A_372, %swap3A_373], %swap3A_376 {add = true, strides = array<i32>} : memref<16x768xf32, #tpu.memory_space<vmem>>, vector<1x16xf32>,
        %add3A_377 = arith.constant 16 : i32
        %add3A_378 = arith.addi %add3A_377, %scan3A_179 : i32
        %get3A_379 = arith.index_cast %add3A_378 : i32 to index
        %get3A_380 = arith.constant 288 : index
        %get3A_381 = tpu.vector_load %arg7[%get3A_379, %get3A_380] {strides = array<i32>} : memref<64x768xf32, #tpu.memory_space<vmem>>, vector<1x16xf32>,
        %get3A_382 = vector.shape_cast %get3A_381 : vector<1x16xf32> to vector<16xf32>
        %swap3A_383 = arith.index_cast %scan3A_179 : i32 to index
        %swap3A_384 = arith.constant 288 : index
        %swap3A_385 = tpu.vector_load %arg9[%swap3A_383, %swap3A_384] {strides = array<i32>} : memref<16x768xf32, #tpu.memory_space<vmem>>, vector<1x16xf32>,
        %swap3A_386 = vector.shape_cast %swap3A_385 : vector<1x16xf32> to vector<16xf32>
        %swap3A_387 = vector.shape_cast %get3A_382 : vector<16xf32> to vector<1x16xf32>
        tpu.vector_store %arg9[%swap3A_383, %swap3A_384], %swap3A_387 {add = true, strides = array<i32>} : memref<16x768xf32, #tpu.memory_space<vmem>>, vector<1x16xf32>,
        %add3A_388 = arith.constant 16 : i32
        %add3A_389 = arith.addi %add3A_388, %scan3A_179 : i32
        %get3A_390 = arith.index_cast %add3A_389 : i32 to index
        %get3A_391 = arith.constant 304 : index
        %get3A_392 = tpu.vector_load %arg7[%get3A_390, %get3A_391] {strides = array<i32>} : memref<64x768xf32, #tpu.memory_space<vmem>>, vector<1x16xf32>,
        %get3A_393 = vector.shape_cast %get3A_392 : vector<1x16xf32> to vector<16xf32>
        %swap3A_394 = arith.index_cast %scan3A_179 : i32 to index
        %swap3A_395 = arith.constant 304 : index
        %swap3A_396 = tpu.vector_load %arg9[%swap3A_394, %swap3A_395] {strides = array<i32>} : memref<16x768xf32, #tpu.memory_space<vmem>>, vector<1x16xf32>,
        %swap3A_397 = vector.shape_cast %swap3A_396 : vector<1x16xf32> to vector<16xf32>
        %swap3A_398 = vector.shape_cast %get3A_393 : vector<16xf32> to vector<1x16xf32>
        tpu.vector_store %arg9[%swap3A_394, %swap3A_395], %swap3A_398 {add = true, strides = array<i32>} : memref<16x768xf32, #tpu.memory_space<vmem>>, vector<1x16xf32>,
        %add3A_399 = arith.constant 16 : i32
        %add3A_400 = arith.addi %add3A_399, %scan3A_179 : i32
        %get3A_401 = arith.index_cast %add3A_400 : i32 to index
        %get3A_402 = arith.constant 320 : index
        %get3A_403 = tpu.vector_load %arg7[%get3A_401, %get3A_402] {strides = array<i32>} : memref<64x768xf32, #tpu.memory_space<vmem>>, vector<1x16xf32>,
        %get3A_404 = vector.shape_cast %get3A_403 : vector<1x16xf32> to vector<16xf32>
        %swap3A_405 = arith.index_cast %scan3A_179 : i32 to index
        %swap3A_406 = arith.constant 320 : index
        %swap3A_407 = tpu.vector_load %arg9[%swap3A_405, %swap3A_406] {strides = array<i32>} : memref<16x768xf32, #tpu.memory_space<vmem>>, vector<1x16xf32>,
        %swap3A_408 = vector.shape_cast %swap3A_407 : vector<1x16xf32> to vector<16xf32>
        %swap3A_409 = vector.shape_cast %get3A_404 : vector<16xf32> to vector<1x16xf32>
        tpu.vector_store %arg9[%swap3A_405, %swap3A_406], %swap3A_409 {add = true, strides = array<i32>} : memref<16x768xf32, #tpu.memory_space<vmem>>, vector<1x16xf32>,
        %add3A_410 = arith.constant 16 : i32
        %add3A_411 = arith.addi %add3A_410, %scan3A_179 : i32
        %get3A_412 = arith.index_cast %add3A_411 : i32 to index
        %get3A_413 = arith.constant 336 : index
        %get3A_414 = tpu.vector_load %arg7[%get3A_412, %get3A_413] {strides = array<i32>} : memref<64x768xf32, #tpu.memory_space<vmem>>, vector<1x16xf32>,
        %get3A_415 = vector.shape_cast %get3A_414 : vector<1x16xf32> to vector<16xf32>
        %swap3A_416 = arith.index_cast %scan3A_179 : i32 to index
        %swap3A_417 = arith.constant 336 : index
        %swap3A_418 = tpu.vector_load %arg9[%swap3A_416, %swap3A_417] {strides = array<i32>} : memref<16x768xf32, #tpu.memory_space<vmem>>, vector<1x16xf32>,
        %swap3A_419 = vector.shape_cast %swap3A_418 : vector<1x16xf32> to vector<16xf32>
        %swap3A_420 = vector.shape_cast %get3A_415 : vector<16xf32> to vector<1x16xf32>
        tpu.vector_store %arg9[%swap3A_416, %swap3A_417], %swap3A_420 {add = true, strides = array<i32>} : memref<16x768xf32, #tpu.memory_space<vmem>>, vector<1x16xf32>,
        %add3A_421 = arith.constant 16 : i32
        %add3A_422 = arith.addi %add3A_421, %scan3A_179 : i32
        %get3A_423 = arith.index_cast %add3A_422 : i32 to index
        %get3A_424 = arith.constant 352 : index
        %get3A_425 = tpu.vector_load %arg7[%get3A_423, %get3A_424] {strides = array<i32>} : memref<64x768xf32, #tpu.memory_space<vmem>>, vector<1x16xf32>,
        %get3A_426 = vector.shape_cast %get3A_425 : vector<1x16xf32> to vector<16xf32>
        %swap3A_427 = arith.index_cast %scan3A_179 : i32 to index
        %swap3A_428 = arith.constant 352 : index
        %swap3A_429 = tpu.vector_load %arg9[%swap3A_427, %swap3A_428] {strides = array<i32>} : memref<16x768xf32, #tpu.memory_space<vmem>>, vector<1x16xf32>,
        %swap3A_430 = vector.shape_cast %swap3A_429 : vector<1x16xf32> to vector<16xf32>
        %swap3A_431 = vector.shape_cast %get3A_426 : vector<16xf32> to vector<1x16xf32>
        tpu.vector_store %arg9[%swap3A_427, %swap3A_428], %swap3A_431 {add = true, strides = array<i32>} : memref<16x768xf32, #tpu.memory_space<vmem>>, vector<1x16xf32>,
        %add3A_432 = arith.constant 16 : i32
        %add3A_433 = arith.addi %add3A_432, %scan3A_179 : i32
        %get3A_434 = arith.index_cast %add3A_433 : i32 to index
        %get3A_435 = arith.constant 368 : index
        %get3A_436 = tpu.vector_load %arg7[%get3A_434, %get3A_435] {strides = array<i32>} : memref<64x768xf32, #tpu.memory_space<vmem>>, vector<1x16xf32>,
        %get3A_437 = vector.shape_cast %get3A_436 : vector<1x16xf32> to vector<16xf32>
        %swap3A_438 = arith.index_cast %scan3A_179 : i32 to index
        %swap3A_439 = arith.constant 368 : index
        %swap3A_440 = tpu.vector_load %arg9[%swap3A_438, %swap3A_439] {strides = array<i32>} : memref<16x768xf32, #tpu.memory_space<vmem>>, vector<1x16xf32>,
        %swap3A_441 = vector.shape_cast %swap3A_440 : vector<1x16xf32> to vector<16xf32>
        %swap3A_442 = vector.shape_cast %get3A_437 : vector<16xf32> to vector<1x16xf32>
        tpu.vector_store %arg9[%swap3A_438, %swap3A_439], %swap3A_442 {add = true, strides = array<i32>} : memref<16x768xf32, #tpu.memory_space<vmem>>, vector<1x16xf32>,
        %add3A_443 = arith.constant 16 : i32
        %add3A_444 = arith.addi %add3A_443, %scan3A_179 : i32
        %get3A_445 = arith.index_cast %add3A_444 : i32 to index
        %get3A_446 = arith.constant 384 : index
        %get3A_447 = tpu.vector_load %arg7[%get3A_445, %get3A_446] {strides = array<i32>} : memref<64x768xf32, #tpu.memory_space<vmem>>, vector<1x16xf32>,
        %get3A_448 = vector.shape_cast %get3A_447 : vector<1x16xf32> to vector<16xf32>
        %swap3A_449 = arith.index_cast %scan3A_179 : i32 to index
        %swap3A_450 = arith.constant 384 : index
        %swap3A_451 = tpu.vector_load %arg9[%swap3A_449, %swap3A_450] {strides = array<i32>} : memref<16x768xf32, #tpu.memory_space<vmem>>, vector<1x16xf32>,
        %swap3A_452 = vector.shape_cast %swap3A_451 : vector<1x16xf32> to vector<16xf32>
        %swap3A_453 = vector.shape_cast %get3A_448 : vector<16xf32> to vector<1x16xf32>
        tpu.vector_store %arg9[%swap3A_449, %swap3A_450], %swap3A_453 {add = true, strides = array<i32>} : memref<16x768xf32, #tpu.memory_space<vmem>>, vector<1x16xf32>,
        %add3A_454 = arith.constant 16 : i32
        %add3A_455 = arith.addi %add3A_454, %scan3A_179 : i32
        %get3A_456 = arith.index_cast %add3A_455 : i32 to index
        %get3A_457 = arith.constant 400 : index
        %get3A_458 = tpu.vector_load %arg7[%get3A_456, %get3A_457] {strides = array<i32>} : memref<64x768xf32, #tpu.memory_space<vmem>>, vector<1x16xf32>,
        %get3A_459 = vector.shape_cast %get3A_458 : vector<1x16xf32> to vector<16xf32>
        %swap3A_460 = arith.index_cast %scan3A_179 : i32 to index
        %swap3A_461 = arith.constant 400 : index
        %swap3A_462 = tpu.vector_load %arg9[%swap3A_460, %swap3A_461] {strides = array<i32>} : memref<16x768xf32, #tpu.memory_space<vmem>>, vector<1x16xf32>,
        %swap3A_463 = vector.shape_cast %swap3A_462 : vector<1x16xf32> to vector<16xf32>
        %swap3A_464 = vector.shape_cast %get3A_459 : vector<16xf32> to vector<1x16xf32>
        tpu.vector_store %arg9[%swap3A_460, %swap3A_461], %swap3A_464 {add = true, strides = array<i32>} : memref<16x768xf32, #tpu.memory_space<vmem>>, vector<1x16xf32>,
        %add3A_465 = arith.constant 16 : i32
        %add3A_466 = arith.addi %add3A_465, %scan3A_179 : i32
        %get3A_467 = arith.index_cast %add3A_466 : i32 to index
        %get3A_468 = arith.constant 416 : index
        %get3A_469 = tpu.vector_load %arg7[%get3A_467, %get3A_468] {strides = array<i32>} : memref<64x768xf32, #tpu.memory_space<vmem>>, vector<1x16xf32>,
        %get3A_470 = vector.shape_cast %get3A_469 : vector<1x16xf32> to vector<16xf32>
        %swap3A_471 = arith.index_cast %scan3A_179 : i32 to index
        %swap3A_472 = arith.constant 416 : index
        %swap3A_473 = tpu.vector_load %arg9[%swap3A_471, %swap3A_472] {strides = array<i32>} : memref<16x768xf32, #tpu.memory_space<vmem>>, vector<1x16xf32>,
        %swap3A_474 = vector.shape_cast %swap3A_473 : vector<1x16xf32> to vector<16xf32>
        %swap3A_475 = vector.shape_cast %get3A_470 : vector<16xf32> to vector<1x16xf32>
        tpu.vector_store %arg9[%swap3A_471, %swap3A_472], %swap3A_475 {add = true, strides = array<i32>} : memref<16x768xf32, #tpu.memory_space<vmem>>, vector<1x16xf32>,
        %add3A_476 = arith.constant 16 : i32
        %add3A_477 = arith.addi %add3A_476, %scan3A_179 : i32
        %get3A_478 = arith.index_cast %add3A_477 : i32 to index
        %get3A_479 = arith.constant 432 : index
        %get3A_480 = tpu.vector_load %arg7[%get3A_478, %get3A_479] {strides = array<i32>} : memref<64x768xf32, #tpu.memory_space<vmem>>, vector<1x16xf32>,
        %get3A_481 = vector.shape_cast %get3A_480 : vector<1x16xf32> to vector<16xf32>
        %swap3A_482 = arith.index_cast %scan3A_179 : i32 to index
        %swap3A_483 = arith.constant 432 : index
        %swap3A_484 = tpu.vector_load %arg9[%swap3A_482, %swap3A_483] {strides = array<i32>} : memref<16x768xf32, #tpu.memory_space<vmem>>, vector<1x16xf32>,
        %swap3A_485 = vector.shape_cast %swap3A_484 : vector<1x16xf32> to vector<16xf32>
        %swap3A_486 = vector.shape_cast %get3A_481 : vector<16xf32> to vector<1x16xf32>
        tpu.vector_store %arg9[%swap3A_482, %swap3A_483], %swap3A_486 {add = true, strides = array<i32>} : memref<16x768xf32, #tpu.memory_space<vmem>>, vector<1x16xf32>,
        %add3A_487 = arith.constant 16 : i32
        %add3A_488 = arith.addi %add3A_487, %scan3A_179 : i32
        %get3A_489 = arith.index_cast %add3A_488 : i32 to index
        %get3A_490 = arith.constant 448 : index
        %get3A_491 = tpu.vector_load %arg7[%get3A_489, %get3A_490] {strides = array<i32>} : memref<64x768xf32, #tpu.memory_space<vmem>>, vector<1x16xf32>,
        %get3A_492 = vector.shape_cast %get3A_491 : vector<1x16xf32> to vector<16xf32>
        %swap3A_493 = arith.index_cast %scan3A_179 : i32 to index
        %swap3A_494 = arith.constant 448 : index
        %swap3A_495 = tpu.vector_load %arg9[%swap3A_493, %swap3A_494] {strides = array<i32>} : memref<16x768xf32, #tpu.memory_space<vmem>>, vector<1x16xf32>,
        %swap3A_496 = vector.shape_cast %swap3A_495 : vector<1x16xf32> to vector<16xf32>
        %swap3A_497 = vector.shape_cast %get3A_492 : vector<16xf32> to vector<1x16xf32>
        tpu.vector_store %arg9[%swap3A_493, %swap3A_494], %swap3A_497 {add = true, strides = array<i32>} : memref<16x768xf32, #tpu.memory_space<vmem>>, vector<1x16xf32>,
        %add3A_498 = arith.constant 16 : i32
        %add3A_499 = arith.addi %add3A_498, %scan3A_179 : i32
        %get3A_500 = arith.index_cast %add3A_499 : i32 to index
        %get3A_501 = arith.constant 464 : index
        %get3A_502 = tpu.vector_load %arg7[%get3A_500, %get3A_501] {strides = array<i32>} : memref<64x768xf32, #tpu.memory_space<vmem>>, vector<1x16xf32>,
        %get3A_503 = vector.shape_cast %get3A_502 : vector<1x16xf32> to vector<16xf32>
        %swap3A_504 = arith.index_cast %scan3A_179 : i32 to index
        %swap3A_505 = arith.constant 464 : index
        %swap3A_506 = tpu.vector_load %arg9[%swap3A_504, %swap3A_505] {strides = array<i32>} : memref<16x768xf32, #tpu.memory_space<vmem>>, vector<1x16xf32>,
        %swap3A_507 = vector.shape_cast %swap3A_506 : vector<1x16xf32> to vector<16xf32>
        %swap3A_508 = vector.shape_cast %get3A_503 : vector<16xf32> to vector<1x16xf32>
        tpu.vector_store %arg9[%swap3A_504, %swap3A_505], %swap3A_508 {add = true, strides = array<i32>} : memref<16x768xf32, #tpu.memory_space<vmem>>, vector<1x16xf32>,
        %add3A_509 = arith.constant 16 : i32
        %add3A_510 = arith.addi %add3A_509, %scan3A_179 : i32
        %get3A_511 = arith.index_cast %add3A_510 : i32 to index
        %get3A_512 = arith.constant 480 : index
        %get3A_513 = tpu.vector_load %arg7[%get3A_511, %get3A_512] {strides = array<i32>} : memref<64x768xf32, #tpu.memory_space<vmem>>, vector<1x16xf32>,
        %get3A_514 = vector.shape_cast %get3A_513 : vector<1x16xf32> to vector<16xf32>
        %swap3A_515 = arith.index_cast %scan3A_179 : i32 to index
        %swap3A_516 = arith.constant 480 : index
        %swap3A_517 = tpu.vector_load %arg9[%swap3A_515, %swap3A_516] {strides = array<i32>} : memref<16x768xf32, #tpu.memory_space<vmem>>, vector<1x16xf32>,
        %swap3A_518 = vector.shape_cast %swap3A_517 : vector<1x16xf32> to vector<16xf32>
        %swap3A_519 = vector.shape_cast %get3A_514 : vector<16xf32> to vector<1x16xf32>
        tpu.vector_store %arg9[%swap3A_515, %swap3A_516], %swap3A_519 {add = true, strides = array<i32>} : memref<16x768xf32, #tpu.memory_space<vmem>>, vector<1x16xf32>,
        %add3A_520 = arith.constant 16 : i32
        %add3A_521 = arith.addi %add3A_520, %scan3A_179 : i32
        %get3A_522 = arith.index_cast %add3A_521 : i32 to index
        %get3A_523 = arith.constant 496 : index
        %get3A_524 = tpu.vector_load %arg7[%get3A_522, %get3A_523] {strides = array<i32>} : memref<64x768xf32, #tpu.memory_space<vmem>>, vector<1x16xf32>,
        %get3A_525 = vector.shape_cast %get3A_524 : vector<1x16xf32> to vector<16xf32>
        %swap3A_526 = arith.index_cast %scan3A_179 : i32 to index
        %swap3A_527 = arith.constant 496 : index
        %swap3A_528 = tpu.vector_load %arg9[%swap3A_526, %swap3A_527] {strides = array<i32>} : memref<16x768xf32, #tpu.memory_space<vmem>>, vector<1x16xf32>,
        %swap3A_529 = vector.shape_cast %swap3A_528 : vector<1x16xf32> to vector<16xf32>
        %swap3A_530 = vector.shape_cast %get3A_525 : vector<16xf32> to vector<1x16xf32>
        tpu.vector_store %arg9[%swap3A_526, %swap3A_527], %swap3A_530 {add = true, strides = array<i32>} : memref<16x768xf32, #tpu.memory_space<vmem>>, vector<1x16xf32>,
        %add3A_531 = arith.constant 16 : i32
        %add3A_532 = arith.addi %add3A_531, %scan3A_179 : i32
        %get3A_533 = arith.index_cast %add3A_532 : i32 to index
        %get3A_534 = arith.constant 512 : index
        %get3A_535 = tpu.vector_load %arg7[%get3A_533, %get3A_534] {strides = array<i32>} : memref<64x768xf32, #tpu.memory_space<vmem>>, vector<1x16xf32>,
        %get3A_536 = vector.shape_cast %get3A_535 : vector<1x16xf32> to vector<16xf32>
        %swap3A_537 = arith.index_cast %scan3A_179 : i32 to index
        %swap3A_538 = arith.constant 512 : index
        %swap3A_539 = tpu.vector_load %arg9[%swap3A_537, %swap3A_538] {strides = array<i32>} : memref<16x768xf32, #tpu.memory_space<vmem>>, vector<1x16xf32>,
        %swap3A_540 = vector.shape_cast %swap3A_539 : vector<1x16xf32> to vector<16xf32>
        %swap3A_541 = vector.shape_cast %get3A_536 : vector<16xf32> to vector<1x16xf32>
        tpu.vector_store %arg9[%swap3A_537, %swap3A_538], %swap3A_541 {add = true, strides = array<i32>} : memref<16x768xf32, #tpu.memory_space<vmem>>, vector<1x16xf32>,
        %add3A_542 = arith.constant 16 : i32
        %add3A_543 = arith.addi %add3A_542, %scan3A_179 : i32
        %get3A_544 = arith.index_cast %add3A_543 : i32 to index
        %get3A_545 = arith.constant 528 : index
        %get3A_546 = tpu.vector_load %arg7[%get3A_544, %get3A_545] {strides = array<i32>} : memref<64x768xf32, #tpu.memory_space<vmem>>, vector<1x16xf32>,
        %get3A_547 = vector.shape_cast %get3A_546 : vector<1x16xf32> to vector<16xf32>
        %swap3A_548 = arith.index_cast %scan3A_179 : i32 to index
        %swap3A_549 = arith.constant 528 : index
        %swap3A_550 = tpu.vector_load %arg9[%swap3A_548, %swap3A_549] {strides = array<i32>} : memref<16x768xf32, #tpu.memory_space<vmem>>, vector<1x16xf32>,
        %swap3A_551 = vector.shape_cast %swap3A_550 : vector<1x16xf32> to vector<16xf32>
        %swap3A_552 = vector.shape_cast %get3A_547 : vector<16xf32> to vector<1x16xf32>
        tpu.vector_store %arg9[%swap3A_548, %swap3A_549], %swap3A_552 {add = true, strides = array<i32>} : memref<16x768xf32, #tpu.memory_space<vmem>>, vector<1x16xf32>,
        %add3A_553 = arith.constant 16 : i32
        %add3A_554 = arith.addi %add3A_553, %scan3A_179 : i32
        %get3A_555 = arith.index_cast %add3A_554 : i32 to index
        %get3A_556 = arith.constant 544 : index
        %get3A_557 = tpu.vector_load %arg7[%get3A_555, %get3A_556] {strides = array<i32>} : memref<64x768xf32, #tpu.memory_space<vmem>>, vector<1x16xf32>,
        %get3A_558 = vector.shape_cast %get3A_557 : vector<1x16xf32> to vector<16xf32>
        %swap3A_559 = arith.index_cast %scan3A_179 : i32 to index
        %swap3A_560 = arith.constant 544 : index
        %swap3A_561 = tpu.vector_load %arg9[%swap3A_559, %swap3A_560] {strides = array<i32>} : memref<16x768xf32, #tpu.memory_space<vmem>>, vector<1x16xf32>,
        %swap3A_562 = vector.shape_cast %swap3A_561 : vector<1x16xf32> to vector<16xf32>
        %swap3A_563 = vector.shape_cast %get3A_558 : vector<16xf32> to vector<1x16xf32>
        tpu.vector_store %arg9[%swap3A_559, %swap3A_560], %swap3A_563 {add = true, strides = array<i32>} : memref<16x768xf32, #tpu.memory_space<vmem>>, vector<1x16xf32>,
        %add3A_564 = arith.constant 16 : i32
        %add3A_565 = arith.addi %add3A_564, %scan3A_179 : i32
        %get3A_566 = arith.index_cast %add3A_565 : i32 to index
        %get3A_567 = arith.constant 560 : index
        %get3A_568 = tpu.vector_load %arg7[%get3A_566, %get3A_567] {strides = array<i32>} : memref<64x768xf32, #tpu.memory_space<vmem>>, vector<1x16xf32>,
        %get3A_569 = vector.shape_cast %get3A_568 : vector<1x16xf32> to vector<16xf32>
        %swap3A_570 = arith.index_cast %scan3A_179 : i32 to index
        %swap3A_571 = arith.constant 560 : index
        %swap3A_572 = tpu.vector_load %arg9[%swap3A_570, %swap3A_571] {strides = array<i32>} : memref<16x768xf32, #tpu.memory_space<vmem>>, vector<1x16xf32>,
        %swap3A_573 = vector.shape_cast %swap3A_572 : vector<1x16xf32> to vector<16xf32>
        %swap3A_574 = vector.shape_cast %get3A_569 : vector<16xf32> to vector<1x16xf32>
        tpu.vector_store %arg9[%swap3A_570, %swap3A_571], %swap3A_574 {add = true, strides = array<i32>} : memref<16x768xf32, #tpu.memory_space<vmem>>, vector<1x16xf32>,
        %add3A_575 = arith.constant 16 : i32
        %add3A_576 = arith.addi %add3A_575, %scan3A_179 : i32
        %get3A_577 = arith.index_cast %add3A_576 : i32 to index
        %get3A_578 = arith.constant 576 : index
        %get3A_579 = tpu.vector_load %arg7[%get3A_577, %get3A_578] {strides = array<i32>} : memref<64x768xf32, #tpu.memory_space<vmem>>, vector<1x16xf32>,
        %get3A_580 = vector.shape_cast %get3A_579 : vector<1x16xf32> to vector<16xf32>
        %swap3A_581 = arith.index_cast %scan3A_179 : i32 to index
        %swap3A_582 = arith.constant 576 : index
        %swap3A_583 = tpu.vector_load %arg9[%swap3A_581, %swap3A_582] {strides = array<i32>} : memref<16x768xf32, #tpu.memory_space<vmem>>, vector<1x16xf32>,
        %swap3A_584 = vector.shape_cast %swap3A_583 : vector<1x16xf32> to vector<16xf32>
        %swap3A_585 = vector.shape_cast %get3A_580 : vector<16xf32> to vector<1x16xf32>
        tpu.vector_store %arg9[%swap3A_581, %swap3A_582], %swap3A_585 {add = true, strides = array<i32>} : memref<16x768xf32, #tpu.memory_space<vmem>>, vector<1x16xf32>,
        %add3A_586 = arith.constant 16 : i32
        %add3A_587 = arith.addi %add3A_586, %scan3A_179 : i32
        %get3A_588 = arith.index_cast %add3A_587 : i32 to index
        %get3A_589 = arith.constant 592 : index
        %get3A_590 = tpu.vector_load %arg7[%get3A_588, %get3A_589] {strides = array<i32>} : memref<64x768xf32, #tpu.memory_space<vmem>>, vector<1x16xf32>,
        %get3A_591 = vector.shape_cast %get3A_590 : vector<1x16xf32> to vector<16xf32>
        %swap3A_592 = arith.index_cast %scan3A_179 : i32 to index
        %swap3A_593 = arith.constant 592 : index
        %swap3A_594 = tpu.vector_load %arg9[%swap3A_592, %swap3A_593] {strides = array<i32>} : memref<16x768xf32, #tpu.memory_space<vmem>>, vector<1x16xf32>,
        %swap3A_595 = vector.shape_cast %swap3A_594 : vector<1x16xf32> to vector<16xf32>
        %swap3A_596 = vector.shape_cast %get3A_591 : vector<16xf32> to vector<1x16xf32>
        tpu.vector_store %arg9[%swap3A_592, %swap3A_593], %swap3A_596 {add = true, strides = array<i32>} : memref<16x768xf32, #tpu.memory_space<vmem>>, vector<1x16xf32>,
        %add3A_597 = arith.constant 16 : i32
        %add3A_598 = arith.addi %add3A_597, %scan3A_179 : i32
        %get3A_599 = arith.index_cast %add3A_598 : i32 to index
        %get3A_600 = arith.constant 608 : index
        %get3A_601 = tpu.vector_load %arg7[%get3A_599, %get3A_600] {strides = array<i32>} : memref<64x768xf32, #tpu.memory_space<vmem>>, vector<1x16xf32>,
        %get3A_602 = vector.shape_cast %get3A_601 : vector<1x16xf32> to vector<16xf32>
        %swap3A_603 = arith.index_cast %scan3A_179 : i32 to index
        %swap3A_604 = arith.constant 608 : index
        %swap3A_605 = tpu.vector_load %arg9[%swap3A_603, %swap3A_604] {strides = array<i32>} : memref<16x768xf32, #tpu.memory_space<vmem>>, vector<1x16xf32>,
        %swap3A_606 = vector.shape_cast %swap3A_605 : vector<1x16xf32> to vector<16xf32>
        %swap3A_607 = vector.shape_cast %get3A_602 : vector<16xf32> to vector<1x16xf32>
        tpu.vector_store %arg9[%swap3A_603, %swap3A_604], %swap3A_607 {add = true, strides = array<i32>} : memref<16x768xf32, #tpu.memory_space<vmem>>, vector<1x16xf32>,
        %add3A_608 = arith.constant 16 : i32
        %add3A_609 = arith.addi %add3A_608, %scan3A_179 : i32
        %get3A_610 = arith.index_cast %add3A_609 : i32 to index
        %get3A_611 = arith.constant 624 : index
        %get3A_612 = tpu.vector_load %arg7[%get3A_610, %get3A_611] {strides = array<i32>} : memref<64x768xf32, #tpu.memory_space<vmem>>, vector<1x16xf32>,
        %get3A_613 = vector.shape_cast %get3A_612 : vector<1x16xf32> to vector<16xf32>
        %swap3A_614 = arith.index_cast %scan3A_179 : i32 to index
        %swap3A_615 = arith.constant 624 : index
        %swap3A_616 = tpu.vector_load %arg9[%swap3A_614, %swap3A_615] {strides = array<i32>} : memref<16x768xf32, #tpu.memory_space<vmem>>, vector<1x16xf32>,
        %swap3A_617 = vector.shape_cast %swap3A_616 : vector<1x16xf32> to vector<16xf32>
        %swap3A_618 = vector.shape_cast %get3A_613 : vector<16xf32> to vector<1x16xf32>
        tpu.vector_store %arg9[%swap3A_614, %swap3A_615], %swap3A_618 {add = true, strides = array<i32>} : memref<16x768xf32, #tpu.memory_space<vmem>>, vector<1x16xf32>,
        %add3A_619 = arith.constant 16 : i32
        %add3A_620 = arith.addi %add3A_619, %scan3A_179 : i32
        %get3A_621 = arith.index_cast %add3A_620 : i32 to index
        %get3A_622 = arith.constant 640 : index
        %get3A_623 = tpu.vector_load %arg7[%get3A_621, %get3A_622] {strides = array<i32>} : memref<64x768xf32, #tpu.memory_space<vmem>>, vector<1x16xf32>,
        %get3A_624 = vector.shape_cast %get3A_623 : vector<1x16xf32> to vector<16xf32>
        %swap3A_625 = arith.index_cast %scan3A_179 : i32 to index
        %swap3A_626 = arith.constant 640 : index
        %swap3A_627 = tpu.vector_load %arg9[%swap3A_625, %swap3A_626] {strides = array<i32>} : memref<16x768xf32, #tpu.memory_space<vmem>>, vector<1x16xf32>,
        %swap3A_628 = vector.shape_cast %swap3A_627 : vector<1x16xf32> to vector<16xf32>
        %swap3A_629 = vector.shape_cast %get3A_624 : vector<16xf32> to vector<1x16xf32>
        tpu.vector_store %arg9[%swap3A_625, %swap3A_626], %swap3A_629 {add = true, strides = array<i32>} : memref<16x768xf32, #tpu.memory_space<vmem>>, vector<1x16xf32>,
        %add3A_630 = arith.constant 16 : i32
        %add3A_631 = arith.addi %add3A_630, %scan3A_179 : i32
        %get3A_632 = arith.index_cast %add3A_631 : i32 to index
        %get3A_633 = arith.constant 656 : index
        %get3A_634 = tpu.vector_load %arg7[%get3A_632, %get3A_633] {strides = array<i32>} : memref<64x768xf32, #tpu.memory_space<vmem>>, vector<1x16xf32>,
        %get3A_635 = vector.shape_cast %get3A_634 : vector<1x16xf32> to vector<16xf32>
        %swap3A_636 = arith.index_cast %scan3A_179 : i32 to index
        %swap3A_637 = arith.constant 656 : index
        %swap3A_638 = tpu.vector_load %arg9[%swap3A_636, %swap3A_637] {strides = array<i32>} : memref<16x768xf32, #tpu.memory_space<vmem>>, vector<1x16xf32>,
        %swap3A_639 = vector.shape_cast %swap3A_638 : vector<1x16xf32> to vector<16xf32>
        %swap3A_640 = vector.shape_cast %get3A_635 : vector<16xf32> to vector<1x16xf32>
        tpu.vector_store %arg9[%swap3A_636, %swap3A_637], %swap3A_640 {add = true, strides = array<i32>} : memref<16x768xf32, #tpu.memory_space<vmem>>, vector<1x16xf32>,
        %add3A_641 = arith.constant 16 : i32
        %add3A_642 = arith.addi %add3A_641, %scan3A_179 : i32
        %get3A_643 = arith.index_cast %add3A_642 : i32 to index
        %get3A_644 = arith.constant 672 : index
        %get3A_645 = tpu.vector_load %arg7[%get3A_643, %get3A_644] {strides = array<i32>} : memref<64x768xf32, #tpu.memory_space<vmem>>, vector<1x16xf32>,
        %get3A_646 = vector.shape_cast %get3A_645 : vector<1x16xf32> to vector<16xf32>
        %swap3A_647 = arith.index_cast %scan3A_179 : i32 to index
        %swap3A_648 = arith.constant 672 : index
        %swap3A_649 = tpu.vector_load %arg9[%swap3A_647, %swap3A_648] {strides = array<i32>} : memref<16x768xf32, #tpu.memory_space<vmem>>, vector<1x16xf32>,
        %swap3A_650 = vector.shape_cast %swap3A_649 : vector<1x16xf32> to vector<16xf32>
        %swap3A_651 = vector.shape_cast %get3A_646 : vector<16xf32> to vector<1x16xf32>
        tpu.vector_store %arg9[%swap3A_647, %swap3A_648], %swap3A_651 {add = true, strides = array<i32>} : memref<16x768xf32, #tpu.memory_space<vmem>>, vector<1x16xf32>,
        %add3A_652 = arith.constant 16 : i32
        %add3A_653 = arith.addi %add3A_652, %scan3A_179 : i32
        %get3A_654 = arith.index_cast %add3A_653 : i32 to index
        %get3A_655 = arith.constant 688 : index
        %get3A_656 = tpu.vector_load %arg7[%get3A_654, %get3A_655] {strides = array<i32>} : memref<64x768xf32, #tpu.memory_space<vmem>>, vector<1x16xf32>,
        %get3A_657 = vector.shape_cast %get3A_656 : vector<1x16xf32> to vector<16xf32>
        %swap3A_658 = arith.index_cast %scan3A_179 : i32 to index
        %swap3A_659 = arith.constant 688 : index
        %swap3A_660 = tpu.vector_load %arg9[%swap3A_658, %swap3A_659] {strides = array<i32>} : memref<16x768xf32, #tpu.memory_space<vmem>>, vector<1x16xf32>,
        %swap3A_661 = vector.shape_cast %swap3A_660 : vector<1x16xf32> to vector<16xf32>
        %swap3A_662 = vector.shape_cast %get3A_657 : vector<16xf32> to vector<1x16xf32>
        tpu.vector_store %arg9[%swap3A_658, %swap3A_659], %swap3A_662 {add = true, strides = array<i32>} : memref<16x768xf32, #tpu.memory_space<vmem>>, vector<1x16xf32>,
        %add3A_663 = arith.constant 16 : i32
        %add3A_664 = arith.addi %add3A_663, %scan3A_179 : i32
        %get3A_665 = arith.index_cast %add3A_664 : i32 to index
        %get3A_666 = arith.constant 704 : index
        %get3A_667 = tpu.vector_load %arg7[%get3A_665, %get3A_666] {strides = array<i32>} : memref<64x768xf32, #tpu.memory_space<vmem>>, vector<1x16xf32>,
        %get3A_668 = vector.shape_cast %get3A_667 : vector<1x16xf32> to vector<16xf32>
        %swap3A_669 = arith.index_cast %scan3A_179 : i32 to index
        %swap3A_670 = arith.constant 704 : index
        %swap3A_671 = tpu.vector_load %arg9[%swap3A_669, %swap3A_670] {strides = array<i32>} : memref<16x768xf32, #tpu.memory_space<vmem>>, vector<1x16xf32>,
        %swap3A_672 = vector.shape_cast %swap3A_671 : vector<1x16xf32> to vector<16xf32>
        %swap3A_673 = vector.shape_cast %get3A_668 : vector<16xf32> to vector<1x16xf32>
        tpu.vector_store %arg9[%swap3A_669, %swap3A_670], %swap3A_673 {add = true, strides = array<i32>} : memref<16x768xf32, #tpu.memory_space<vmem>>, vector<1x16xf32>,
        %add3A_674 = arith.constant 16 : i32
        %add3A_675 = arith.addi %add3A_674, %scan3A_179 : i32
        %get3A_676 = arith.index_cast %add3A_675 : i32 to index
        %get3A_677 = arith.constant 720 : index
        %get3A_678 = tpu.vector_load %arg7[%get3A_676, %get3A_677] {strides = array<i32>} : memref<64x768xf32, #tpu.memory_space<vmem>>, vector<1x16xf32>,
        %get3A_679 = vector.shape_cast %get3A_678 : vector<1x16xf32> to vector<16xf32>
        %swap3A_680 = arith.index_cast %scan3A_179 : i32 to index
        %swap3A_681 = arith.constant 720 : index
        %swap3A_682 = tpu.vector_load %arg9[%swap3A_680, %swap3A_681] {strides = array<i32>} : memref<16x768xf32, #tpu.memory_space<vmem>>, vector<1x16xf32>,
        %swap3A_683 = vector.shape_cast %swap3A_682 : vector<1x16xf32> to vector<16xf32>
        %swap3A_684 = vector.shape_cast %get3A_679 : vector<16xf32> to vector<1x16xf32>
        tpu.vector_store %arg9[%swap3A_680, %swap3A_681], %swap3A_684 {add = true, strides = array<i32>} : memref<16x768xf32, #tpu.memory_space<vmem>>, vector<1x16xf32>,
        %add3A_685 = arith.constant 16 : i32
        %add3A_686 = arith.addi %add3A_685, %scan3A_179 : i32
        %get3A_687 = arith.index_cast %add3A_686 : i32 to index
        %get3A_688 = arith.constant 736 : index
        %get3A_689 = tpu.vector_load %arg7[%get3A_687, %get3A_688] {strides = array<i32>} : memref<64x768xf32, #tpu.memory_space<vmem>>, vector<1x16xf32>,
        %get3A_690 = vector.shape_cast %get3A_689 : vector<1x16xf32> to vector<16xf32>
        %swap3A_691 = arith.index_cast %scan3A_179 : i32 to index
        %swap3A_692 = arith.constant 736 : index
        %swap3A_693 = tpu.vector_load %arg9[%swap3A_691, %swap3A_692] {strides = array<i32>} : memref<16x768xf32, #tpu.memory_space<vmem>>, vector<1x16xf32>,
        %swap3A_694 = vector.shape_cast %swap3A_693 : vector<1x16xf32> to vector<16xf32>
        %swap3A_695 = vector.shape_cast %get3A_690 : vector<16xf32> to vector<1x16xf32>
        tpu.vector_store %arg9[%swap3A_691, %swap3A_692], %swap3A_695 {add = true, strides = array<i32>} : memref<16x768xf32, #tpu.memory_space<vmem>>, vector<1x16xf32>,
        %add3A_696 = arith.constant 16 : i32
        %add3A_697 = arith.addi %add3A_696, %scan3A_179 : i32
        %get3A_698 = arith.index_cast %add3A_697 : i32 to index
        %get3A_699 = arith.constant 752 : index
        %get3A_700 = tpu.vector_load %arg7[%get3A_698, %get3A_699] {strides = array<i32>} : memref<64x768xf32, #tpu.memory_space<vmem>>, vector<1x16xf32>,
        %get3A_701 = vector.shape_cast %get3A_700 : vector<1x16xf32> to vector<16xf32>
        %swap3A_702 = arith.index_cast %scan3A_179 : i32 to index
        %swap3A_703 = arith.constant 752 : index
        %swap3A_704 = tpu.vector_load %arg9[%swap3A_702, %swap3A_703] {strides = array<i32>} : memref<16x768xf32, #tpu.memory_space<vmem>>, vector<1x16xf32>,
        %swap3A_705 = vector.shape_cast %swap3A_704 : vector<1x16xf32> to vector<16xf32>
        %swap3A_706 = vector.shape_cast %get3A_701 : vector<16xf32> to vector<1x16xf32>
        tpu.vector_store %arg9[%swap3A_702, %swap3A_703], %swap3A_706 {add = true, strides = array<i32>} : memref<16x768xf32, #tpu.memory_space<vmem>>, vector<1x16xf32>,
        %scan3A_707 = arith.constant 0 : i32
        scf.yield %scan3A_707 : i32
      }
      %scan3A_118 = arith.constant 16 : i32
      %add3A_119 = arith.constant 16 : i32
      %add3A_120 = arith.addi %mul3A_2, %add3A_119 : i32
      %dma_start3A_121 = arith.constant 0 : i32
      %dma_start3A_122 = tpu.memref_slice %arg5[%scan3A_64, %add3A_120, %dma_start3A_121] : memref<4x2048x768xf32, #tpu.memory_space<hbm>> -> memref<1x16x768xf32, #tpu.memory_space<hbm>>
      %dma_start3A_123 = tpu.memref_squeeze %dma_start3A_122 : memref<1x16x768xf32, #tpu.memory_space<hbm>> -> memref<16x768xf32, #tpu.memory_space<hbm>>
      %dma_start3A_124 = arith.constant 0 : i32
      %dma_start3A_125 = tpu.memref_slice %arg5[%scan3A_64, %add3A_120, %dma_start3A_124] : memref<4x2048x768xf32, #tpu.memory_space<hbm>> -> memref<1x16x768xf32, #tpu.memory_space<hbm>>
      %dma_start3A_126 = tpu.memref_squeeze %dma_start3A_125 : memref<1x16x768xf32, #tpu.memory_space<hbm>> -> memref<16x768xf32, #tpu.memory_space<hbm>>
      tpu.enqueue_dma source(%arg9 : memref<16x768xf32, #tpu.memory_space<vmem>>) target(%dma_start3A_126 : memref<16x768xf32, #tpu.memory_space<hbm>>) target_semaphore(%arg17 : memref<!tpu.dma_semaphore, #tpu.memory_space<semaphore_mem>>)
      %dma_wait3A_127 = arith.constant 32 : i32
      %dma_wait3A_128 = tpu.memref_slice %arg6[%scan3A_64, %dma_wait3A_127] : memref<4x64xi32, #tpu.memory_space<vmem>> -> memref<1x16xi32, #tpu.memory_space<vmem>>
      %dma_wait3A_129 = tpu.memref_squeeze %dma_wait3A_128 : memref<1x16xi32, #tpu.memory_space<vmem>> -> memref<16xi32, #tpu.memory_space<vmem>>
      %dma_wait3A_130 = arith.constant 0 : i32
      %dma_wait3A_131 = arith.constant 0 : i32
      %dma_wait3A_132 = tpu.memref_slice %arg3[%dma_wait3A_130, %dma_wait3A_131] : memref<100000x768xf32, #tpu.memory_space<hbm>> -> memref<100000x768xf32, #tpu.memory_space<hbm>>
      tpu.wait_indirect_dma semaphore(%arg14 : memref<!tpu.dma_semaphore, #tpu.memory_space<semaphore_mem>>) src(%dma_wait3A_132 : memref<100000x768xf32, #tpu.memory_space<hbm>>) dst(%arg10 : memref<16x768xf32, #tpu.memory_space<vmem>>)
      %lt3A = arith.constant 3 : i32
      %lt3A_133 = arith.cmpi slt, %scan3A_64, %lt3A : i32
      %convert_element_type3A_134 = arith.extui %lt3A_133 : i1 to i32
      %cond3A_135 = arith.constant 0 : i32
      %cond3A_136 = arith.cmpi ne, %convert_element_type3A_134, %cond3A_135 : i32
      scf.if %cond3A_136 {
        %add3A_179 = arith.constant 0 : i32
        %add3A_180 = arith.addi %mul3A_2, %add3A_179 : i32
        %dma_wait3A_181 = arith.constant 0 : i32
        %dma_wait3A_182 = tpu.memref_slice %arg5[%scan3A_64, %add3A_180, %dma_wait3A_181] : memref<4x2048x768xf32, #tpu.memory_space<hbm>> -> memref<1x16x768xf32, #tpu.memory_space<hbm>>
        %dma_wait3A_183 = tpu.memref_squeeze %dma_wait3A_182 : memref<1x16x768xf32, #tpu.memory_space<hbm>> -> memref<16x768xf32, #tpu.memory_space<hbm>>
        %dma_wait3A_184 = arith.constant 0 : i32
        %dma_wait3A_185 = tpu.memref_slice %arg5[%scan3A_64, %add3A_180, %dma_wait3A_184] : memref<4x2048x768xf32, #tpu.memory_space<hbm>> -> memref<1x16x768xf32, #tpu.memory_space<hbm>>
        %dma_wait3A_186 = tpu.memref_squeeze %dma_wait3A_185 : memref<1x16x768xf32, #tpu.memory_space<hbm>> -> memref<16x768xf32, #tpu.memory_space<hbm>>
        tpu.wait_dma2 semaphore(%arg16 : memref<!tpu.dma_semaphore, #tpu.memory_space<semaphore_mem>>) src(%arg8 : memref<16x768xf32, #tpu.memory_space<vmem>>) dst(%dma_wait3A_186 : memref<16x768xf32, #tpu.memory_space<hbm>>)
        %add3A_187 = arith.constant 1 : i32
        %add3A_188 = arith.addi %scan3A_64, %add3A_187 : i32
        %dma_start3A_189 = arith.constant 0 : i32
        %dma_start3A_190 = tpu.memref_slice %arg6[%add3A_188, %dma_start3A_189] : memref<4x64xi32, #tpu.memory_space<vmem>> -> memref<1x16xi32, #tpu.memory_space<vmem>>
        %dma_start3A_191 = tpu.memref_squeeze %dma_start3A_190 : memref<1x16xi32, #tpu.memory_space<vmem>> -> memref<16xi32, #tpu.memory_space<vmem>>
        %dma_start3A_192 = arith.constant 0 : i32
        %dma_start3A_193 = arith.constant 0 : i32
        %dma_start3A_194 = tpu.memref_slice %arg3[%dma_start3A_192, %dma_start3A_193] : memref<100000x768xf32, #tpu.memory_space<hbm>> -> memref<100000x768xf32, #tpu.memory_space<hbm>>
        tpu.enqueue_indirect_dma source(%dma_start3A_194 : memref<100000x768xf32, #tpu.memory_space<hbm>>) target(%arg8 : memref<16x768xf32, #tpu.memory_space<vmem>>) offsets(%dma_start3A_191 : memref<16xi32, #tpu.memory_space<vmem>>) semaphore(%arg12 : memref<!tpu.dma_semaphore, #tpu.memory_space<semaphore_mem>>)
      } else {
      }
      %scan3A_137 = arith.constant 0 : i32
      %scan3A_138 = arith.constant 0 : i32
      %scan3A_139 = arith.constant 16 : i32
      %scan3A_140 = arith.addi %scan3A_138, %scan3A_139 : i32
      %scan3A_141 = arith.constant 1 : i32
      %scan3A_142 = scf.for %scan3A_179 = %scan3A_138 to %scan3A_140 step %scan3A_141 iter_args(%scan3A_180 = %scan3A_137) -> (i32)  : i32 {
        %add3A_181 = arith.constant 32 : i32
        %add3A_182 = arith.addi %add3A_181, %scan3A_179 : i32
        %get3A = arith.index_cast %add3A_182 : i32 to index
        %get3A_183 = arith.constant 0 : index
        %get3A_184 = tpu.vector_load %arg7[%get3A, %get3A_183] {strides = array<i32>} : memref<64x768xf32, #tpu.memory_space<vmem>>, vector<1x16xf32>,
        %get3A_185 = vector.shape_cast %get3A_184 : vector<1x16xf32> to vector<16xf32>
        %swap3A = arith.index_cast %scan3A_179 : i32 to index
        %swap3A_186 = arith.constant 0 : index
        %swap3A_187 = tpu.vector_load %arg10[%swap3A, %swap3A_186] {strides = array<i32>} : memref<16x768xf32, #tpu.memory_space<vmem>>, vector<1x16xf32>,
        %swap3A_188 = vector.shape_cast %swap3A_187 : vector<1x16xf32> to vector<16xf32>
        %swap3A_189 = vector.shape_cast %get3A_185 : vector<16xf32> to vector<1x16xf32>
        tpu.vector_store %arg10[%swap3A, %swap3A_186], %swap3A_189 {add = true, strides = array<i32>} : memref<16x768xf32, #tpu.memory_space<vmem>>, vector<1x16xf32>,
        %add3A_190 = arith.constant 32 : i32
        %add3A_191 = arith.addi %add3A_190, %scan3A_179 : i32
        %get3A_192 = arith.index_cast %add3A_191 : i32 to index
        %get3A_193 = arith.constant 16 : index
        %get3A_194 = tpu.vector_load %arg7[%get3A_192, %get3A_193] {strides = array<i32>} : memref<64x768xf32, #tpu.memory_space<vmem>>, vector<1x16xf32>,
        %get3A_195 = vector.shape_cast %get3A_194 : vector<1x16xf32> to vector<16xf32>
        %swap3A_196 = arith.index_cast %scan3A_179 : i32 to index
        %swap3A_197 = arith.constant 16 : index
        %swap3A_198 = tpu.vector_load %arg10[%swap3A_196, %swap3A_197] {strides = array<i32>} : memref<16x768xf32, #tpu.memory_space<vmem>>, vector<1x16xf32>,
        %swap3A_199 = vector.shape_cast %swap3A_198 : vector<1x16xf32> to vector<16xf32>
        %swap3A_200 = vector.shape_cast %get3A_195 : vector<16xf32> to vector<1x16xf32>
        tpu.vector_store %arg10[%swap3A_196, %swap3A_197], %swap3A_200 {add = true, strides = array<i32>} : memref<16x768xf32, #tpu.memory_space<vmem>>, vector<1x16xf32>,
        %add3A_201 = arith.constant 32 : i32
        %add3A_202 = arith.addi %add3A_201, %scan3A_179 : i32
        %get3A_203 = arith.index_cast %add3A_202 : i32 to index
        %get3A_204 = arith.constant 32 : index
        %get3A_205 = tpu.vector_load %arg7[%get3A_203, %get3A_204] {strides = array<i32>} : memref<64x768xf32, #tpu.memory_space<vmem>>, vector<1x16xf32>,
        %get3A_206 = vector.shape_cast %get3A_205 : vector<1x16xf32> to vector<16xf32>
        %swap3A_207 = arith.index_cast %scan3A_179 : i32 to index
        %swap3A_208 = arith.constant 32 : index
        %swap3A_209 = tpu.vector_load %arg10[%swap3A_207, %swap3A_208] {strides = array<i32>} : memref<16x768xf32, #tpu.memory_space<vmem>>, vector<1x16xf32>,
        %swap3A_210 = vector.shape_cast %swap3A_209 : vector<1x16xf32> to vector<16xf32>
        %swap3A_211 = vector.shape_cast %get3A_206 : vector<16xf32> to vector<1x16xf32>
        tpu.vector_store %arg10[%swap3A_207, %swap3A_208], %swap3A_211 {add = true, strides = array<i32>} : memref<16x768xf32, #tpu.memory_space<vmem>>, vector<1x16xf32>,
        %add3A_212 = arith.constant 32 : i32
        %add3A_213 = arith.addi %add3A_212, %scan3A_179 : i32
        %get3A_214 = arith.index_cast %add3A_213 : i32 to index
        %get3A_215 = arith.constant 48 : index
        %get3A_216 = tpu.vector_load %arg7[%get3A_214, %get3A_215] {strides = array<i32>} : memref<64x768xf32, #tpu.memory_space<vmem>>, vector<1x16xf32>,
        %get3A_217 = vector.shape_cast %get3A_216 : vector<1x16xf32> to vector<16xf32>
        %swap3A_218 = arith.index_cast %scan3A_179 : i32 to index
        %swap3A_219 = arith.constant 48 : index
        %swap3A_220 = tpu.vector_load %arg10[%swap3A_218, %swap3A_219] {strides = array<i32>} : memref<16x768xf32, #tpu.memory_space<vmem>>, vector<1x16xf32>,
        %swap3A_221 = vector.shape_cast %swap3A_220 : vector<1x16xf32> to vector<16xf32>
        %swap3A_222 = vector.shape_cast %get3A_217 : vector<16xf32> to vector<1x16xf32>
        tpu.vector_store %arg10[%swap3A_218, %swap3A_219], %swap3A_222 {add = true, strides = array<i32>} : memref<16x768xf32, #tpu.memory_space<vmem>>, vector<1x16xf32>,
        %add3A_223 = arith.constant 32 : i32
        %add3A_224 = arith.addi %add3A_223, %scan3A_179 : i32
        %get3A_225 = arith.index_cast %add3A_224 : i32 to index
        %get3A_226 = arith.constant 64 : index
        %get3A_227 = tpu.vector_load %arg7[%get3A_225, %get3A_226] {strides = array<i32>} : memref<64x768xf32, #tpu.memory_space<vmem>>, vector<1x16xf32>,
        %get3A_228 = vector.shape_cast %get3A_227 : vector<1x16xf32> to vector<16xf32>
        %swap3A_229 = arith.index_cast %scan3A_179 : i32 to index
        %swap3A_230 = arith.constant 64 : index
        %swap3A_231 = tpu.vector_load %arg10[%swap3A_229, %swap3A_230] {strides = array<i32>} : memref<16x768xf32, #tpu.memory_space<vmem>>, vector<1x16xf32>,
        %swap3A_232 = vector.shape_cast %swap3A_231 : vector<1x16xf32> to vector<16xf32>
        %swap3A_233 = vector.shape_cast %get3A_228 : vector<16xf32> to vector<1x16xf32>
        tpu.vector_store %arg10[%swap3A_229, %swap3A_230], %swap3A_233 {add = true, strides = array<i32>} : memref<16x768xf32, #tpu.memory_space<vmem>>, vector<1x16xf32>,
        %add3A_234 = arith.constant 32 : i32
        %add3A_235 = arith.addi %add3A_234, %scan3A_179 : i32
        %get3A_236 = arith.index_cast %add3A_235 : i32 to index
        %get3A_237 = arith.constant 80 : index
        %get3A_238 = tpu.vector_load %arg7[%get3A_236, %get3A_237] {strides = array<i32>} : memref<64x768xf32, #tpu.memory_space<vmem>>, vector<1x16xf32>,
        %get3A_239 = vector.shape_cast %get3A_238 : vector<1x16xf32> to vector<16xf32>
        %swap3A_240 = arith.index_cast %scan3A_179 : i32 to index
        %swap3A_241 = arith.constant 80 : index
        %swap3A_242 = tpu.vector_load %arg10[%swap3A_240, %swap3A_241] {strides = array<i32>} : memref<16x768xf32, #tpu.memory_space<vmem>>, vector<1x16xf32>,
        %swap3A_243 = vector.shape_cast %swap3A_242 : vector<1x16xf32> to vector<16xf32>
        %swap3A_244 = vector.shape_cast %get3A_239 : vector<16xf32> to vector<1x16xf32>
        tpu.vector_store %arg10[%swap3A_240, %swap3A_241], %swap3A_244 {add = true, strides = array<i32>} : memref<16x768xf32, #tpu.memory_space<vmem>>, vector<1x16xf32>,
        %add3A_245 = arith.constant 32 : i32
        %add3A_246 = arith.addi %add3A_245, %scan3A_179 : i32
        %get3A_247 = arith.index_cast %add3A_246 : i32 to index
        %get3A_248 = arith.constant 96 : index
        %get3A_249 = tpu.vector_load %arg7[%get3A_247, %get3A_248] {strides = array<i32>} : memref<64x768xf32, #tpu.memory_space<vmem>>, vector<1x16xf32>,
        %get3A_250 = vector.shape_cast %get3A_249 : vector<1x16xf32> to vector<16xf32>
        %swap3A_251 = arith.index_cast %scan3A_179 : i32 to index
        %swap3A_252 = arith.constant 96 : index
        %swap3A_253 = tpu.vector_load %arg10[%swap3A_251, %swap3A_252] {strides = array<i32>} : memref<16x768xf32, #tpu.memory_space<vmem>>, vector<1x16xf32>,
        %swap3A_254 = vector.shape_cast %swap3A_253 : vector<1x16xf32> to vector<16xf32>
        %swap3A_255 = vector.shape_cast %get3A_250 : vector<16xf32> to vector<1x16xf32>
        tpu.vector_store %arg10[%swap3A_251, %swap3A_252], %swap3A_255 {add = true, strides = array<i32>} : memref<16x768xf32, #tpu.memory_space<vmem>>, vector<1x16xf32>,
        %add3A_256 = arith.constant 32 : i32
        %add3A_257 = arith.addi %add3A_256, %scan3A_179 : i32
        %get3A_258 = arith.index_cast %add3A_257 : i32 to index
        %get3A_259 = arith.constant 112 : index
        %get3A_260 = tpu.vector_load %arg7[%get3A_258, %get3A_259] {strides = array<i32>} : memref<64x768xf32, #tpu.memory_space<vmem>>, vector<1x16xf32>,
        %get3A_261 = vector.shape_cast %get3A_260 : vector<1x16xf32> to vector<16xf32>
        %swap3A_262 = arith.index_cast %scan3A_179 : i32 to index
        %swap3A_263 = arith.constant 112 : index
        %swap3A_264 = tpu.vector_load %arg10[%swap3A_262, %swap3A_263] {strides = array<i32>} : memref<16x768xf32, #tpu.memory_space<vmem>>, vector<1x16xf32>,
        %swap3A_265 = vector.shape_cast %swap3A_264 : vector<1x16xf32> to vector<16xf32>
        %swap3A_266 = vector.shape_cast %get3A_261 : vector<16xf32> to vector<1x16xf32>
        tpu.vector_store %arg10[%swap3A_262, %swap3A_263], %swap3A_266 {add = true, strides = array<i32>} : memref<16x768xf32, #tpu.memory_space<vmem>>, vector<1x16xf32>,
        %add3A_267 = arith.constant 32 : i32
        %add3A_268 = arith.addi %add3A_267, %scan3A_179 : i32
        %get3A_269 = arith.index_cast %add3A_268 : i32 to index
        %get3A_270 = arith.constant 128 : index
        %get3A_271 = tpu.vector_load %arg7[%get3A_269, %get3A_270] {strides = array<i32>} : memref<64x768xf32, #tpu.memory_space<vmem>>, vector<1x16xf32>,
        %get3A_272 = vector.shape_cast %get3A_271 : vector<1x16xf32> to vector<16xf32>
        %swap3A_273 = arith.index_cast %scan3A_179 : i32 to index
        %swap3A_274 = arith.constant 128 : index
        %swap3A_275 = tpu.vector_load %arg10[%swap3A_273, %swap3A_274] {strides = array<i32>} : memref<16x768xf32, #tpu.memory_space<vmem>>, vector<1x16xf32>,
        %swap3A_276 = vector.shape_cast %swap3A_275 : vector<1x16xf32> to vector<16xf32>
        %swap3A_277 = vector.shape_cast %get3A_272 : vector<16xf32> to vector<1x16xf32>
        tpu.vector_store %arg10[%swap3A_273, %swap3A_274], %swap3A_277 {add = true, strides = array<i32>} : memref<16x768xf32, #tpu.memory_space<vmem>>, vector<1x16xf32>,
        %add3A_278 = arith.constant 32 : i32
        %add3A_279 = arith.addi %add3A_278, %scan3A_179 : i32
        %get3A_280 = arith.index_cast %add3A_279 : i32 to index
        %get3A_281 = arith.constant 144 : index
        %get3A_282 = tpu.vector_load %arg7[%get3A_280, %get3A_281] {strides = array<i32>} : memref<64x768xf32, #tpu.memory_space<vmem>>, vector<1x16xf32>,
        %get3A_283 = vector.shape_cast %get3A_282 : vector<1x16xf32> to vector<16xf32>
        %swap3A_284 = arith.index_cast %scan3A_179 : i32 to index
        %swap3A_285 = arith.constant 144 : index
        %swap3A_286 = tpu.vector_load %arg10[%swap3A_284, %swap3A_285] {strides = array<i32>} : memref<16x768xf32, #tpu.memory_space<vmem>>, vector<1x16xf32>,
        %swap3A_287 = vector.shape_cast %swap3A_286 : vector<1x16xf32> to vector<16xf32>
        %swap3A_288 = vector.shape_cast %get3A_283 : vector<16xf32> to vector<1x16xf32>
        tpu.vector_store %arg10[%swap3A_284, %swap3A_285], %swap3A_288 {add = true, strides = array<i32>} : memref<16x768xf32, #tpu.memory_space<vmem>>, vector<1x16xf32>,
        %add3A_289 = arith.constant 32 : i32
        %add3A_290 = arith.addi %add3A_289, %scan3A_179 : i32
        %get3A_291 = arith.index_cast %add3A_290 : i32 to index
        %get3A_292 = arith.constant 160 : index
        %get3A_293 = tpu.vector_load %arg7[%get3A_291, %get3A_292] {strides = array<i32>} : memref<64x768xf32, #tpu.memory_space<vmem>>, vector<1x16xf32>,
        %get3A_294 = vector.shape_cast %get3A_293 : vector<1x16xf32> to vector<16xf32>
        %swap3A_295 = arith.index_cast %scan3A_179 : i32 to index
        %swap3A_296 = arith.constant 160 : index
        %swap3A_297 = tpu.vector_load %arg10[%swap3A_295, %swap3A_296] {strides = array<i32>} : memref<16x768xf32, #tpu.memory_space<vmem>>, vector<1x16xf32>,
        %swap3A_298 = vector.shape_cast %swap3A_297 : vector<1x16xf32> to vector<16xf32>
        %swap3A_299 = vector.shape_cast %get3A_294 : vector<16xf32> to vector<1x16xf32>
        tpu.vector_store %arg10[%swap3A_295, %swap3A_296], %swap3A_299 {add = true, strides = array<i32>} : memref<16x768xf32, #tpu.memory_space<vmem>>, vector<1x16xf32>,
        %add3A_300 = arith.constant 32 : i32
        %add3A_301 = arith.addi %add3A_300, %scan3A_179 : i32
        %get3A_302 = arith.index_cast %add3A_301 : i32 to index
        %get3A_303 = arith.constant 176 : index
        %get3A_304 = tpu.vector_load %arg7[%get3A_302, %get3A_303] {strides = array<i32>} : memref<64x768xf32, #tpu.memory_space<vmem>>, vector<1x16xf32>,
        %get3A_305 = vector.shape_cast %get3A_304 : vector<1x16xf32> to vector<16xf32>
        %swap3A_306 = arith.index_cast %scan3A_179 : i32 to index
        %swap3A_307 = arith.constant 176 : index
        %swap3A_308 = tpu.vector_load %arg10[%swap3A_306, %swap3A_307] {strides = array<i32>} : memref<16x768xf32, #tpu.memory_space<vmem>>, vector<1x16xf32>,
        %swap3A_309 = vector.shape_cast %swap3A_308 : vector<1x16xf32> to vector<16xf32>
        %swap3A_310 = vector.shape_cast %get3A_305 : vector<16xf32> to vector<1x16xf32>
        tpu.vector_store %arg10[%swap3A_306, %swap3A_307], %swap3A_310 {add = true, strides = array<i32>} : memref<16x768xf32, #tpu.memory_space<vmem>>, vector<1x16xf32>,
        %add3A_311 = arith.constant 32 : i32
        %add3A_312 = arith.addi %add3A_311, %scan3A_179 : i32
        %get3A_313 = arith.index_cast %add3A_312 : i32 to index
        %get3A_314 = arith.constant 192 : index
        %get3A_315 = tpu.vector_load %arg7[%get3A_313, %get3A_314] {strides = array<i32>} : memref<64x768xf32, #tpu.memory_space<vmem>>, vector<1x16xf32>,
        %get3A_316 = vector.shape_cast %get3A_315 : vector<1x16xf32> to vector<16xf32>
        %swap3A_317 = arith.index_cast %scan3A_179 : i32 to index
        %swap3A_318 = arith.constant 192 : index
        %swap3A_319 = tpu.vector_load %arg10[%swap3A_317, %swap3A_318] {strides = array<i32>} : memref<16x768xf32, #tpu.memory_space<vmem>>, vector<1x16xf32>,
        %swap3A_320 = vector.shape_cast %swap3A_319 : vector<1x16xf32> to vector<16xf32>
        %swap3A_321 = vector.shape_cast %get3A_316 : vector<16xf32> to vector<1x16xf32>
        tpu.vector_store %arg10[%swap3A_317, %swap3A_318], %swap3A_321 {add = true, strides = array<i32>} : memref<16x768xf32, #tpu.memory_space<vmem>>, vector<1x16xf32>,
        %add3A_322 = arith.constant 32 : i32
        %add3A_323 = arith.addi %add3A_322, %scan3A_179 : i32
        %get3A_324 = arith.index_cast %add3A_323 : i32 to index
        %get3A_325 = arith.constant 208 : index
        %get3A_326 = tpu.vector_load %arg7[%get3A_324, %get3A_325] {strides = array<i32>} : memref<64x768xf32, #tpu.memory_space<vmem>>, vector<1x16xf32>,
        %get3A_327 = vector.shape_cast %get3A_326 : vector<1x16xf32> to vector<16xf32>
        %swap3A_328 = arith.index_cast %scan3A_179 : i32 to index
        %swap3A_329 = arith.constant 208 : index
        %swap3A_330 = tpu.vector_load %arg10[%swap3A_328, %swap3A_329] {strides = array<i32>} : memref<16x768xf32, #tpu.memory_space<vmem>>, vector<1x16xf32>,
        %swap3A_331 = vector.shape_cast %swap3A_330 : vector<1x16xf32> to vector<16xf32>
        %swap3A_332 = vector.shape_cast %get3A_327 : vector<16xf32> to vector<1x16xf32>
        tpu.vector_store %arg10[%swap3A_328, %swap3A_329], %swap3A_332 {add = true, strides = array<i32>} : memref<16x768xf32, #tpu.memory_space<vmem>>, vector<1x16xf32>,
        %add3A_333 = arith.constant 32 : i32
        %add3A_334 = arith.addi %add3A_333, %scan3A_179 : i32
        %get3A_335 = arith.index_cast %add3A_334 : i32 to index
        %get3A_336 = arith.constant 224 : index
        %get3A_337 = tpu.vector_load %arg7[%get3A_335, %get3A_336] {strides = array<i32>} : memref<64x768xf32, #tpu.memory_space<vmem>>, vector<1x16xf32>,
        %get3A_338 = vector.shape_cast %get3A_337 : vector<1x16xf32> to vector<16xf32>
        %swap3A_339 = arith.index_cast %scan3A_179 : i32 to index
        %swap3A_340 = arith.constant 224 : index
        %swap3A_341 = tpu.vector_load %arg10[%swap3A_339, %swap3A_340] {strides = array<i32>} : memref<16x768xf32, #tpu.memory_space<vmem>>, vector<1x16xf32>,
        %swap3A_342 = vector.shape_cast %swap3A_341 : vector<1x16xf32> to vector<16xf32>
        %swap3A_343 = vector.shape_cast %get3A_338 : vector<16xf32> to vector<1x16xf32>
        tpu.vector_store %arg10[%swap3A_339, %swap3A_340], %swap3A_343 {add = true, strides = array<i32>} : memref<16x768xf32, #tpu.memory_space<vmem>>, vector<1x16xf32>,
        %add3A_344 = arith.constant 32 : i32
        %add3A_345 = arith.addi %add3A_344, %scan3A_179 : i32
        %get3A_346 = arith.index_cast %add3A_345 : i32 to index
        %get3A_347 = arith.constant 240 : index
        %get3A_348 = tpu.vector_load %arg7[%get3A_346, %get3A_347] {strides = array<i32>} : memref<64x768xf32, #tpu.memory_space<vmem>>, vector<1x16xf32>,
        %get3A_349 = vector.shape_cast %get3A_348 : vector<1x16xf32> to vector<16xf32>
        %swap3A_350 = arith.index_cast %scan3A_179 : i32 to index
        %swap3A_351 = arith.constant 240 : index
        %swap3A_352 = tpu.vector_load %arg10[%swap3A_350, %swap3A_351] {strides = array<i32>} : memref<16x768xf32, #tpu.memory_space<vmem>>, vector<1x16xf32>,
        %swap3A_353 = vector.shape_cast %swap3A_352 : vector<1x16xf32> to vector<16xf32>
        %swap3A_354 = vector.shape_cast %get3A_349 : vector<16xf32> to vector<1x16xf32>
        tpu.vector_store %arg10[%swap3A_350, %swap3A_351], %swap3A_354 {add = true, strides = array<i32>} : memref<16x768xf32, #tpu.memory_space<vmem>>, vector<1x16xf32>,
        %add3A_355 = arith.constant 32 : i32
        %add3A_356 = arith.addi %add3A_355, %scan3A_179 : i32
        %get3A_357 = arith.index_cast %add3A_356 : i32 to index
        %get3A_358 = arith.constant 256 : index
        %get3A_359 = tpu.vector_load %arg7[%get3A_357, %get3A_358] {strides = array<i32>} : memref<64x768xf32, #tpu.memory_space<vmem>>, vector<1x16xf32>,
        %get3A_360 = vector.shape_cast %get3A_359 : vector<1x16xf32> to vector<16xf32>
        %swap3A_361 = arith.index_cast %scan3A_179 : i32 to index
        %swap3A_362 = arith.constant 256 : index
        %swap3A_363 = tpu.vector_load %arg10[%swap3A_361, %swap3A_362] {strides = array<i32>} : memref<16x768xf32, #tpu.memory_space<vmem>>, vector<1x16xf32>,
        %swap3A_364 = vector.shape_cast %swap3A_363 : vector<1x16xf32> to vector<16xf32>
        %swap3A_365 = vector.shape_cast %get3A_360 : vector<16xf32> to vector<1x16xf32>
        tpu.vector_store %arg10[%swap3A_361, %swap3A_362], %swap3A_365 {add = true, strides = array<i32>} : memref<16x768xf32, #tpu.memory_space<vmem>>, vector<1x16xf32>,
        %add3A_366 = arith.constant 32 : i32
        %add3A_367 = arith.addi %add3A_366, %scan3A_179 : i32
        %get3A_368 = arith.index_cast %add3A_367 : i32 to index
        %get3A_369 = arith.constant 272 : index
        %get3A_370 = tpu.vector_load %arg7[%get3A_368, %get3A_369] {strides = array<i32>} : memref<64x768xf32, #tpu.memory_space<vmem>>, vector<1x16xf32>,
        %get3A_371 = vector.shape_cast %get3A_370 : vector<1x16xf32> to vector<16xf32>
        %swap3A_372 = arith.index_cast %scan3A_179 : i32 to index
        %swap3A_373 = arith.constant 272 : index
        %swap3A_374 = tpu.vector_load %arg10[%swap3A_372, %swap3A_373] {strides = array<i32>} : memref<16x768xf32, #tpu.memory_space<vmem>>, vector<1x16xf32>,
        %swap3A_375 = vector.shape_cast %swap3A_374 : vector<1x16xf32> to vector<16xf32>
        %swap3A_376 = vector.shape_cast %get3A_371 : vector<16xf32> to vector<1x16xf32>
        tpu.vector_store %arg10[%swap3A_372, %swap3A_373], %swap3A_376 {add = true, strides = array<i32>} : memref<16x768xf32, #tpu.memory_space<vmem>>, vector<1x16xf32>,
        %add3A_377 = arith.constant 32 : i32
        %add3A_378 = arith.addi %add3A_377, %scan3A_179 : i32
        %get3A_379 = arith.index_cast %add3A_378 : i32 to index
        %get3A_380 = arith.constant 288 : index
        %get3A_381 = tpu.vector_load %arg7[%get3A_379, %get3A_380] {strides = array<i32>} : memref<64x768xf32, #tpu.memory_space<vmem>>, vector<1x16xf32>,
        %get3A_382 = vector.shape_cast %get3A_381 : vector<1x16xf32> to vector<16xf32>
        %swap3A_383 = arith.index_cast %scan3A_179 : i32 to index
        %swap3A_384 = arith.constant 288 : index
        %swap3A_385 = tpu.vector_load %arg10[%swap3A_383, %swap3A_384] {strides = array<i32>} : memref<16x768xf32, #tpu.memory_space<vmem>>, vector<1x16xf32>,
        %swap3A_386 = vector.shape_cast %swap3A_385 : vector<1x16xf32> to vector<16xf32>
        %swap3A_387 = vector.shape_cast %get3A_382 : vector<16xf32> to vector<1x16xf32>
        tpu.vector_store %arg10[%swap3A_383, %swap3A_384], %swap3A_387 {add = true, strides = array<i32>} : memref<16x768xf32, #tpu.memory_space<vmem>>, vector<1x16xf32>,
        %add3A_388 = arith.constant 32 : i32
        %add3A_389 = arith.addi %add3A_388, %scan3A_179 : i32
        %get3A_390 = arith.index_cast %add3A_389 : i32 to index
        %get3A_391 = arith.constant 304 : index
        %get3A_392 = tpu.vector_load %arg7[%get3A_390, %get3A_391] {strides = array<i32>} : memref<64x768xf32, #tpu.memory_space<vmem>>, vector<1x16xf32>,
        %get3A_393 = vector.shape_cast %get3A_392 : vector<1x16xf32> to vector<16xf32>
        %swap3A_394 = arith.index_cast %scan3A_179 : i32 to index
        %swap3A_395 = arith.constant 304 : index
        %swap3A_396 = tpu.vector_load %arg10[%swap3A_394, %swap3A_395] {strides = array<i32>} : memref<16x768xf32, #tpu.memory_space<vmem>>, vector<1x16xf32>,
        %swap3A_397 = vector.shape_cast %swap3A_396 : vector<1x16xf32> to vector<16xf32>
        %swap3A_398 = vector.shape_cast %get3A_393 : vector<16xf32> to vector<1x16xf32>
        tpu.vector_store %arg10[%swap3A_394, %swap3A_395], %swap3A_398 {add = true, strides = array<i32>} : memref<16x768xf32, #tpu.memory_space<vmem>>, vector<1x16xf32>,
        %add3A_399 = arith.constant 32 : i32
        %add3A_400 = arith.addi %add3A_399, %scan3A_179 : i32
        %get3A_401 = arith.index_cast %add3A_400 : i32 to index
        %get3A_402 = arith.constant 320 : index
        %get3A_403 = tpu.vector_load %arg7[%get3A_401, %get3A_402] {strides = array<i32>} : memref<64x768xf32, #tpu.memory_space<vmem>>, vector<1x16xf32>,
        %get3A_404 = vector.shape_cast %get3A_403 : vector<1x16xf32> to vector<16xf32>
        %swap3A_405 = arith.index_cast %scan3A_179 : i32 to index
        %swap3A_406 = arith.constant 320 : index
        %swap3A_407 = tpu.vector_load %arg10[%swap3A_405, %swap3A_406] {strides = array<i32>} : memref<16x768xf32, #tpu.memory_space<vmem>>, vector<1x16xf32>,
        %swap3A_408 = vector.shape_cast %swap3A_407 : vector<1x16xf32> to vector<16xf32>
        %swap3A_409 = vector.shape_cast %get3A_404 : vector<16xf32> to vector<1x16xf32>
        tpu.vector_store %arg10[%swap3A_405, %swap3A_406], %swap3A_409 {add = true, strides = array<i32>} : memref<16x768xf32, #tpu.memory_space<vmem>>, vector<1x16xf32>,
        %add3A_410 = arith.constant 32 : i32
        %add3A_411 = arith.addi %add3A_410, %scan3A_179 : i32
        %get3A_412 = arith.index_cast %add3A_411 : i32 to index
        %get3A_413 = arith.constant 336 : index
        %get3A_414 = tpu.vector_load %arg7[%get3A_412, %get3A_413] {strides = array<i32>} : memref<64x768xf32, #tpu.memory_space<vmem>>, vector<1x16xf32>,
        %get3A_415 = vector.shape_cast %get3A_414 : vector<1x16xf32> to vector<16xf32>
        %swap3A_416 = arith.index_cast %scan3A_179 : i32 to index
        %swap3A_417 = arith.constant 336 : index
        %swap3A_418 = tpu.vector_load %arg10[%swap3A_416, %swap3A_417] {strides = array<i32>} : memref<16x768xf32, #tpu.memory_space<vmem>>, vector<1x16xf32>,
        %swap3A_419 = vector.shape_cast %swap3A_418 : vector<1x16xf32> to vector<16xf32>
        %swap3A_420 = vector.shape_cast %get3A_415 : vector<16xf32> to vector<1x16xf32>
        tpu.vector_store %arg10[%swap3A_416, %swap3A_417], %swap3A_420 {add = true, strides = array<i32>} : memref<16x768xf32, #tpu.memory_space<vmem>>, vector<1x16xf32>,
        %add3A_421 = arith.constant 32 : i32
        %add3A_422 = arith.addi %add3A_421, %scan3A_179 : i32
        %get3A_423 = arith.index_cast %add3A_422 : i32 to index
        %get3A_424 = arith.constant 352 : index
        %get3A_425 = tpu.vector_load %arg7[%get3A_423, %get3A_424] {strides = array<i32>} : memref<64x768xf32, #tpu.memory_space<vmem>>, vector<1x16xf32>,
        %get3A_426 = vector.shape_cast %get3A_425 : vector<1x16xf32> to vector<16xf32>
        %swap3A_427 = arith.index_cast %scan3A_179 : i32 to index
        %swap3A_428 = arith.constant 352 : index
        %swap3A_429 = tpu.vector_load %arg10[%swap3A_427, %swap3A_428] {strides = array<i32>} : memref<16x768xf32, #tpu.memory_space<vmem>>, vector<1x16xf32>,
        %swap3A_430 = vector.shape_cast %swap3A_429 : vector<1x16xf32> to vector<16xf32>
        %swap3A_431 = vector.shape_cast %get3A_426 : vector<16xf32> to vector<1x16xf32>
        tpu.vector_store %arg10[%swap3A_427, %swap3A_428], %swap3A_431 {add = true, strides = array<i32>} : memref<16x768xf32, #tpu.memory_space<vmem>>, vector<1x16xf32>,
        %add3A_432 = arith.constant 32 : i32
        %add3A_433 = arith.addi %add3A_432, %scan3A_179 : i32
        %get3A_434 = arith.index_cast %add3A_433 : i32 to index
        %get3A_435 = arith.constant 368 : index
        %get3A_436 = tpu.vector_load %arg7[%get3A_434, %get3A_435] {strides = array<i32>} : memref<64x768xf32, #tpu.memory_space<vmem>>, vector<1x16xf32>,
        %get3A_437 = vector.shape_cast %get3A_436 : vector<1x16xf32> to vector<16xf32>
        %swap3A_438 = arith.index_cast %scan3A_179 : i32 to index
        %swap3A_439 = arith.constant 368 : index
        %swap3A_440 = tpu.vector_load %arg10[%swap3A_438, %swap3A_439] {strides = array<i32>} : memref<16x768xf32, #tpu.memory_space<vmem>>, vector<1x16xf32>,
        %swap3A_441 = vector.shape_cast %swap3A_440 : vector<1x16xf32> to vector<16xf32>
        %swap3A_442 = vector.shape_cast %get3A_437 : vector<16xf32> to vector<1x16xf32>
        tpu.vector_store %arg10[%swap3A_438, %swap3A_439], %swap3A_442 {add = true, strides = array<i32>} : memref<16x768xf32, #tpu.memory_space<vmem>>, vector<1x16xf32>,
        %add3A_443 = arith.constant 32 : i32
        %add3A_444 = arith.addi %add3A_443, %scan3A_179 : i32
        %get3A_445 = arith.index_cast %add3A_444 : i32 to index
        %get3A_446 = arith.constant 384 : index
        %get3A_447 = tpu.vector_load %arg7[%get3A_445, %get3A_446] {strides = array<i32>} : memref<64x768xf32, #tpu.memory_space<vmem>>, vector<1x16xf32>,
        %get3A_448 = vector.shape_cast %get3A_447 : vector<1x16xf32> to vector<16xf32>
        %swap3A_449 = arith.index_cast %scan3A_179 : i32 to index
        %swap3A_450 = arith.constant 384 : index
        %swap3A_451 = tpu.vector_load %arg10[%swap3A_449, %swap3A_450] {strides = array<i32>} : memref<16x768xf32, #tpu.memory_space<vmem>>, vector<1x16xf32>,
        %swap3A_452 = vector.shape_cast %swap3A_451 : vector<1x16xf32> to vector<16xf32>
        %swap3A_453 = vector.shape_cast %get3A_448 : vector<16xf32> to vector<1x16xf32>
        tpu.vector_store %arg10[%swap3A_449, %swap3A_450], %swap3A_453 {add = true, strides = array<i32>} : memref<16x768xf32, #tpu.memory_space<vmem>>, vector<1x16xf32>,
        %add3A_454 = arith.constant 32 : i32
        %add3A_455 = arith.addi %add3A_454, %scan3A_179 : i32
        %get3A_456 = arith.index_cast %add3A_455 : i32 to index
        %get3A_457 = arith.constant 400 : index
        %get3A_458 = tpu.vector_load %arg7[%get3A_456, %get3A_457] {strides = array<i32>} : memref<64x768xf32, #tpu.memory_space<vmem>>, vector<1x16xf32>,
        %get3A_459 = vector.shape_cast %get3A_458 : vector<1x16xf32> to vector<16xf32>
        %swap3A_460 = arith.index_cast %scan3A_179 : i32 to index
        %swap3A_461 = arith.constant 400 : index
        %swap3A_462 = tpu.vector_load %arg10[%swap3A_460, %swap3A_461] {strides = array<i32>} : memref<16x768xf32, #tpu.memory_space<vmem>>, vector<1x16xf32>,
        %swap3A_463 = vector.shape_cast %swap3A_462 : vector<1x16xf32> to vector<16xf32>
        %swap3A_464 = vector.shape_cast %get3A_459 : vector<16xf32> to vector<1x16xf32>
        tpu.vector_store %arg10[%swap3A_460, %swap3A_461], %swap3A_464 {add = true, strides = array<i32>} : memref<16x768xf32, #tpu.memory_space<vmem>>, vector<1x16xf32>,
        %add3A_465 = arith.constant 32 : i32
        %add3A_466 = arith.addi %add3A_465, %scan3A_179 : i32
        %get3A_467 = arith.index_cast %add3A_466 : i32 to index
        %get3A_468 = arith.constant 416 : index
        %get3A_469 = tpu.vector_load %arg7[%get3A_467, %get3A_468] {strides = array<i32>} : memref<64x768xf32, #tpu.memory_space<vmem>>, vector<1x16xf32>,
        %get3A_470 = vector.shape_cast %get3A_469 : vector<1x16xf32> to vector<16xf32>
        %swap3A_471 = arith.index_cast %scan3A_179 : i32 to index
        %swap3A_472 = arith.constant 416 : index
        %swap3A_473 = tpu.vector_load %arg10[%swap3A_471, %swap3A_472] {strides = array<i32>} : memref<16x768xf32, #tpu.memory_space<vmem>>, vector<1x16xf32>,
        %swap3A_474 = vector.shape_cast %swap3A_473 : vector<1x16xf32> to vector<16xf32>
        %swap3A_475 = vector.shape_cast %get3A_470 : vector<16xf32> to vector<1x16xf32>
        tpu.vector_store %arg10[%swap3A_471, %swap3A_472], %swap3A_475 {add = true, strides = array<i32>} : memref<16x768xf32, #tpu.memory_space<vmem>>, vector<1x16xf32>,
        %add3A_476 = arith.constant 32 : i32
        %add3A_477 = arith.addi %add3A_476, %scan3A_179 : i32
        %get3A_478 = arith.index_cast %add3A_477 : i32 to index
        %get3A_479 = arith.constant 432 : index
        %get3A_480 = tpu.vector_load %arg7[%get3A_478, %get3A_479] {strides = array<i32>} : memref<64x768xf32, #tpu.memory_space<vmem>>, vector<1x16xf32>,
        %get3A_481 = vector.shape_cast %get3A_480 : vector<1x16xf32> to vector<16xf32>
        %swap3A_482 = arith.index_cast %scan3A_179 : i32 to index
        %swap3A_483 = arith.constant 432 : index
        %swap3A_484 = tpu.vector_load %arg10[%swap3A_482, %swap3A_483] {strides = array<i32>} : memref<16x768xf32, #tpu.memory_space<vmem>>, vector<1x16xf32>,
        %swap3A_485 = vector.shape_cast %swap3A_484 : vector<1x16xf32> to vector<16xf32>
        %swap3A_486 = vector.shape_cast %get3A_481 : vector<16xf32> to vector<1x16xf32>
        tpu.vector_store %arg10[%swap3A_482, %swap3A_483], %swap3A_486 {add = true, strides = array<i32>} : memref<16x768xf32, #tpu.memory_space<vmem>>, vector<1x16xf32>,
        %add3A_487 = arith.constant 32 : i32
        %add3A_488 = arith.addi %add3A_487, %scan3A_179 : i32
        %get3A_489 = arith.index_cast %add3A_488 : i32 to index
        %get3A_490 = arith.constant 448 : index
        %get3A_491 = tpu.vector_load %arg7[%get3A_489, %get3A_490] {strides = array<i32>} : memref<64x768xf32, #tpu.memory_space<vmem>>, vector<1x16xf32>,
        %get3A_492 = vector.shape_cast %get3A_491 : vector<1x16xf32> to vector<16xf32>
        %swap3A_493 = arith.index_cast %scan3A_179 : i32 to index
        %swap3A_494 = arith.constant 448 : index
        %swap3A_495 = tpu.vector_load %arg10[%swap3A_493, %swap3A_494] {strides = array<i32>} : memref<16x768xf32, #tpu.memory_space<vmem>>, vector<1x16xf32>,
        %swap3A_496 = vector.shape_cast %swap3A_495 : vector<1x16xf32> to vector<16xf32>
        %swap3A_497 = vector.shape_cast %get3A_492 : vector<16xf32> to vector<1x16xf32>
        tpu.vector_store %arg10[%swap3A_493, %swap3A_494], %swap3A_497 {add = true, strides = array<i32>} : memref<16x768xf32, #tpu.memory_space<vmem>>, vector<1x16xf32>,
        %add3A_498 = arith.constant 32 : i32
        %add3A_499 = arith.addi %add3A_498, %scan3A_179 : i32
        %get3A_500 = arith.index_cast %add3A_499 : i32 to index
        %get3A_501 = arith.constant 464 : index
        %get3A_502 = tpu.vector_load %arg7[%get3A_500, %get3A_501] {strides = array<i32>} : memref<64x768xf32, #tpu.memory_space<vmem>>, vector<1x16xf32>,
        %get3A_503 = vector.shape_cast %get3A_502 : vector<1x16xf32> to vector<16xf32>
        %swap3A_504 = arith.index_cast %scan3A_179 : i32 to index
        %swap3A_505 = arith.constant 464 : index
        %swap3A_506 = tpu.vector_load %arg10[%swap3A_504, %swap3A_505] {strides = array<i32>} : memref<16x768xf32, #tpu.memory_space<vmem>>, vector<1x16xf32>,
        %swap3A_507 = vector.shape_cast %swap3A_506 : vector<1x16xf32> to vector<16xf32>
        %swap3A_508 = vector.shape_cast %get3A_503 : vector<16xf32> to vector<1x16xf32>
        tpu.vector_store %arg10[%swap3A_504, %swap3A_505], %swap3A_508 {add = true, strides = array<i32>} : memref<16x768xf32, #tpu.memory_space<vmem>>, vector<1x16xf32>,
        %add3A_509 = arith.constant 32 : i32
        %add3A_510 = arith.addi %add3A_509, %scan3A_179 : i32
        %get3A_511 = arith.index_cast %add3A_510 : i32 to index
        %get3A_512 = arith.constant 480 : index
        %get3A_513 = tpu.vector_load %arg7[%get3A_511, %get3A_512] {strides = array<i32>} : memref<64x768xf32, #tpu.memory_space<vmem>>, vector<1x16xf32>,
        %get3A_514 = vector.shape_cast %get3A_513 : vector<1x16xf32> to vector<16xf32>
        %swap3A_515 = arith.index_cast %scan3A_179 : i32 to index
        %swap3A_516 = arith.constant 480 : index
        %swap3A_517 = tpu.vector_load %arg10[%swap3A_515, %swap3A_516] {strides = array<i32>} : memref<16x768xf32, #tpu.memory_space<vmem>>, vector<1x16xf32>,
        %swap3A_518 = vector.shape_cast %swap3A_517 : vector<1x16xf32> to vector<16xf32>
        %swap3A_519 = vector.shape_cast %get3A_514 : vector<16xf32> to vector<1x16xf32>
        tpu.vector_store %arg10[%swap3A_515, %swap3A_516], %swap3A_519 {add = true, strides = array<i32>} : memref<16x768xf32, #tpu.memory_space<vmem>>, vector<1x16xf32>,
        %add3A_520 = arith.constant 32 : i32
        %add3A_521 = arith.addi %add3A_520, %scan3A_179 : i32
        %get3A_522 = arith.index_cast %add3A_521 : i32 to index
        %get3A_523 = arith.constant 496 : index
        %get3A_524 = tpu.vector_load %arg7[%get3A_522, %get3A_523] {strides = array<i32>} : memref<64x768xf32, #tpu.memory_space<vmem>>, vector<1x16xf32>,
        %get3A_525 = vector.shape_cast %get3A_524 : vector<1x16xf32> to vector<16xf32>
        %swap3A_526 = arith.index_cast %scan3A_179 : i32 to index
        %swap3A_527 = arith.constant 496 : index
        %swap3A_528 = tpu.vector_load %arg10[%swap3A_526, %swap3A_527] {strides = array<i32>} : memref<16x768xf32, #tpu.memory_space<vmem>>, vector<1x16xf32>,
        %swap3A_529 = vector.shape_cast %swap3A_528 : vector<1x16xf32> to vector<16xf32>
        %swap3A_530 = vector.shape_cast %get3A_525 : vector<16xf32> to vector<1x16xf32>
        tpu.vector_store %arg10[%swap3A_526, %swap3A_527], %swap3A_530 {add = true, strides = array<i32>} : memref<16x768xf32, #tpu.memory_space<vmem>>, vector<1x16xf32>,
        %add3A_531 = arith.constant 32 : i32
        %add3A_532 = arith.addi %add3A_531, %scan3A_179 : i32
        %get3A_533 = arith.index_cast %add3A_532 : i32 to index
        %get3A_534 = arith.constant 512 : index
        %get3A_535 = tpu.vector_load %arg7[%get3A_533, %get3A_534] {strides = array<i32>} : memref<64x768xf32, #tpu.memory_space<vmem>>, vector<1x16xf32>,
        %get3A_536 = vector.shape_cast %get3A_535 : vector<1x16xf32> to vector<16xf32>
        %swap3A_537 = arith.index_cast %scan3A_179 : i32 to index
        %swap3A_538 = arith.constant 512 : index
        %swap3A_539 = tpu.vector_load %arg10[%swap3A_537, %swap3A_538] {strides = array<i32>} : memref<16x768xf32, #tpu.memory_space<vmem>>, vector<1x16xf32>,
        %swap3A_540 = vector.shape_cast %swap3A_539 : vector<1x16xf32> to vector<16xf32>
        %swap3A_541 = vector.shape_cast %get3A_536 : vector<16xf32> to vector<1x16xf32>
        tpu.vector_store %arg10[%swap3A_537, %swap3A_538], %swap3A_541 {add = true, strides = array<i32>} : memref<16x768xf32, #tpu.memory_space<vmem>>, vector<1x16xf32>,
        %add3A_542 = arith.constant 32 : i32
        %add3A_543 = arith.addi %add3A_542, %scan3A_179 : i32
        %get3A_544 = arith.index_cast %add3A_543 : i32 to index
        %get3A_545 = arith.constant 528 : index
        %get3A_546 = tpu.vector_load %arg7[%get3A_544, %get3A_545] {strides = array<i32>} : memref<64x768xf32, #tpu.memory_space<vmem>>, vector<1x16xf32>,
        %get3A_547 = vector.shape_cast %get3A_546 : vector<1x16xf32> to vector<16xf32>
        %swap3A_548 = arith.index_cast %scan3A_179 : i32 to index
        %swap3A_549 = arith.constant 528 : index
        %swap3A_550 = tpu.vector_load %arg10[%swap3A_548, %swap3A_549] {strides = array<i32>} : memref<16x768xf32, #tpu.memory_space<vmem>>, vector<1x16xf32>,
        %swap3A_551 = vector.shape_cast %swap3A_550 : vector<1x16xf32> to vector<16xf32>
        %swap3A_552 = vector.shape_cast %get3A_547 : vector<16xf32> to vector<1x16xf32>
        tpu.vector_store %arg10[%swap3A_548, %swap3A_549], %swap3A_552 {add = true, strides = array<i32>} : memref<16x768xf32, #tpu.memory_space<vmem>>, vector<1x16xf32>,
        %add3A_553 = arith.constant 32 : i32
        %add3A_554 = arith.addi %add3A_553, %scan3A_179 : i32
        %get3A_555 = arith.index_cast %add3A_554 : i32 to index
        %get3A_556 = arith.constant 544 : index
        %get3A_557 = tpu.vector_load %arg7[%get3A_555, %get3A_556] {strides = array<i32>} : memref<64x768xf32, #tpu.memory_space<vmem>>, vector<1x16xf32>,
        %get3A_558 = vector.shape_cast %get3A_557 : vector<1x16xf32> to vector<16xf32>
        %swap3A_559 = arith.index_cast %scan3A_179 : i32 to index
        %swap3A_560 = arith.constant 544 : index
        %swap3A_561 = tpu.vector_load %arg10[%swap3A_559, %swap3A_560] {strides = array<i32>} : memref<16x768xf32, #tpu.memory_space<vmem>>, vector<1x16xf32>,
        %swap3A_562 = vector.shape_cast %swap3A_561 : vector<1x16xf32> to vector<16xf32>
        %swap3A_563 = vector.shape_cast %get3A_558 : vector<16xf32> to vector<1x16xf32>
        tpu.vector_store %arg10[%swap3A_559, %swap3A_560], %swap3A_563 {add = true, strides = array<i32>} : memref<16x768xf32, #tpu.memory_space<vmem>>, vector<1x16xf32>,
        %add3A_564 = arith.constant 32 : i32
        %add3A_565 = arith.addi %add3A_564, %scan3A_179 : i32
        %get3A_566 = arith.index_cast %add3A_565 : i32 to index
        %get3A_567 = arith.constant 560 : index
        %get3A_568 = tpu.vector_load %arg7[%get3A_566, %get3A_567] {strides = array<i32>} : memref<64x768xf32, #tpu.memory_space<vmem>>, vector<1x16xf32>,
        %get3A_569 = vector.shape_cast %get3A_568 : vector<1x16xf32> to vector<16xf32>
        %swap3A_570 = arith.index_cast %scan3A_179 : i32 to index
        %swap3A_571 = arith.constant 560 : index
        %swap3A_572 = tpu.vector_load %arg10[%swap3A_570, %swap3A_571] {strides = array<i32>} : memref<16x768xf32, #tpu.memory_space<vmem>>, vector<1x16xf32>,
        %swap3A_573 = vector.shape_cast %swap3A_572 : vector<1x16xf32> to vector<16xf32>
        %swap3A_574 = vector.shape_cast %get3A_569 : vector<16xf32> to vector<1x16xf32>
        tpu.vector_store %arg10[%swap3A_570, %swap3A_571], %swap3A_574 {add = true, strides = array<i32>} : memref<16x768xf32, #tpu.memory_space<vmem>>, vector<1x16xf32>,
        %add3A_575 = arith.constant 32 : i32
        %add3A_576 = arith.addi %add3A_575, %scan3A_179 : i32
        %get3A_577 = arith.index_cast %add3A_576 : i32 to index
        %get3A_578 = arith.constant 576 : index
        %get3A_579 = tpu.vector_load %arg7[%get3A_577, %get3A_578] {strides = array<i32>} : memref<64x768xf32, #tpu.memory_space<vmem>>, vector<1x16xf32>,
        %get3A_580 = vector.shape_cast %get3A_579 : vector<1x16xf32> to vector<16xf32>
        %swap3A_581 = arith.index_cast %scan3A_179 : i32 to index
        %swap3A_582 = arith.constant 576 : index
        %swap3A_583 = tpu.vector_load %arg10[%swap3A_581, %swap3A_582] {strides = array<i32>} : memref<16x768xf32, #tpu.memory_space<vmem>>, vector<1x16xf32>,
        %swap3A_584 = vector.shape_cast %swap3A_583 : vector<1x16xf32> to vector<16xf32>
        %swap3A_585 = vector.shape_cast %get3A_580 : vector<16xf32> to vector<1x16xf32>
        tpu.vector_store %arg10[%swap3A_581, %swap3A_582], %swap3A_585 {add = true, strides = array<i32>} : memref<16x768xf32, #tpu.memory_space<vmem>>, vector<1x16xf32>,
        %add3A_586 = arith.constant 32 : i32
        %add3A_587 = arith.addi %add3A_586, %scan3A_179 : i32
        %get3A_588 = arith.index_cast %add3A_587 : i32 to index
        %get3A_589 = arith.constant 592 : index
        %get3A_590 = tpu.vector_load %arg7[%get3A_588, %get3A_589] {strides = array<i32>} : memref<64x768xf32, #tpu.memory_space<vmem>>, vector<1x16xf32>,
        %get3A_591 = vector.shape_cast %get3A_590 : vector<1x16xf32> to vector<16xf32>
        %swap3A_592 = arith.index_cast %scan3A_179 : i32 to index
        %swap3A_593 = arith.constant 592 : index
        %swap3A_594 = tpu.vector_load %arg10[%swap3A_592, %swap3A_593] {strides = array<i32>} : memref<16x768xf32, #tpu.memory_space<vmem>>, vector<1x16xf32>,
        %swap3A_595 = vector.shape_cast %swap3A_594 : vector<1x16xf32> to vector<16xf32>
        %swap3A_596 = vector.shape_cast %get3A_591 : vector<16xf32> to vector<1x16xf32>
        tpu.vector_store %arg10[%swap3A_592, %swap3A_593], %swap3A_596 {add = true, strides = array<i32>} : memref<16x768xf32, #tpu.memory_space<vmem>>, vector<1x16xf32>,
        %add3A_597 = arith.constant 32 : i32
        %add3A_598 = arith.addi %add3A_597, %scan3A_179 : i32
        %get3A_599 = arith.index_cast %add3A_598 : i32 to index
        %get3A_600 = arith.constant 608 : index
        %get3A_601 = tpu.vector_load %arg7[%get3A_599, %get3A_600] {strides = array<i32>} : memref<64x768xf32, #tpu.memory_space<vmem>>, vector<1x16xf32>,
        %get3A_602 = vector.shape_cast %get3A_601 : vector<1x16xf32> to vector<16xf32>
        %swap3A_603 = arith.index_cast %scan3A_179 : i32 to index
        %swap3A_604 = arith.constant 608 : index
        %swap3A_605 = tpu.vector_load %arg10[%swap3A_603, %swap3A_604] {strides = array<i32>} : memref<16x768xf32, #tpu.memory_space<vmem>>, vector<1x16xf32>,
        %swap3A_606 = vector.shape_cast %swap3A_605 : vector<1x16xf32> to vector<16xf32>
        %swap3A_607 = vector.shape_cast %get3A_602 : vector<16xf32> to vector<1x16xf32>
        tpu.vector_store %arg10[%swap3A_603, %swap3A_604], %swap3A_607 {add = true, strides = array<i32>} : memref<16x768xf32, #tpu.memory_space<vmem>>, vector<1x16xf32>,
        %add3A_608 = arith.constant 32 : i32
        %add3A_609 = arith.addi %add3A_608, %scan3A_179 : i32
        %get3A_610 = arith.index_cast %add3A_609 : i32 to index
        %get3A_611 = arith.constant 624 : index
        %get3A_612 = tpu.vector_load %arg7[%get3A_610, %get3A_611] {strides = array<i32>} : memref<64x768xf32, #tpu.memory_space<vmem>>, vector<1x16xf32>,
        %get3A_613 = vector.shape_cast %get3A_612 : vector<1x16xf32> to vector<16xf32>
        %swap3A_614 = arith.index_cast %scan3A_179 : i32 to index
        %swap3A_615 = arith.constant 624 : index
        %swap3A_616 = tpu.vector_load %arg10[%swap3A_614, %swap3A_615] {strides = array<i32>} : memref<16x768xf32, #tpu.memory_space<vmem>>, vector<1x16xf32>,
        %swap3A_617 = vector.shape_cast %swap3A_616 : vector<1x16xf32> to vector<16xf32>
        %swap3A_618 = vector.shape_cast %get3A_613 : vector<16xf32> to vector<1x16xf32>
        tpu.vector_store %arg10[%swap3A_614, %swap3A_615], %swap3A_618 {add = true, strides = array<i32>} : memref<16x768xf32, #tpu.memory_space<vmem>>, vector<1x16xf32>,
        %add3A_619 = arith.constant 32 : i32
        %add3A_620 = arith.addi %add3A_619, %scan3A_179 : i32
        %get3A_621 = arith.index_cast %add3A_620 : i32 to index
        %get3A_622 = arith.constant 640 : index
        %get3A_623 = tpu.vector_load %arg7[%get3A_621, %get3A_622] {strides = array<i32>} : memref<64x768xf32, #tpu.memory_space<vmem>>, vector<1x16xf32>,
        %get3A_624 = vector.shape_cast %get3A_623 : vector<1x16xf32> to vector<16xf32>
        %swap3A_625 = arith.index_cast %scan3A_179 : i32 to index
        %swap3A_626 = arith.constant 640 : index
        %swap3A_627 = tpu.vector_load %arg10[%swap3A_625, %swap3A_626] {strides = array<i32>} : memref<16x768xf32, #tpu.memory_space<vmem>>, vector<1x16xf32>,
        %swap3A_628 = vector.shape_cast %swap3A_627 : vector<1x16xf32> to vector<16xf32>
        %swap3A_629 = vector.shape_cast %get3A_624 : vector<16xf32> to vector<1x16xf32>
        tpu.vector_store %arg10[%swap3A_625, %swap3A_626], %swap3A_629 {add = true, strides = array<i32>} : memref<16x768xf32, #tpu.memory_space<vmem>>, vector<1x16xf32>,
        %add3A_630 = arith.constant 32 : i32
        %add3A_631 = arith.addi %add3A_630, %scan3A_179 : i32
        %get3A_632 = arith.index_cast %add3A_631 : i32 to index
        %get3A_633 = arith.constant 656 : index
        %get3A_634 = tpu.vector_load %arg7[%get3A_632, %get3A_633] {strides = array<i32>} : memref<64x768xf32, #tpu.memory_space<vmem>>, vector<1x16xf32>,
        %get3A_635 = vector.shape_cast %get3A_634 : vector<1x16xf32> to vector<16xf32>
        %swap3A_636 = arith.index_cast %scan3A_179 : i32 to index
        %swap3A_637 = arith.constant 656 : index
        %swap3A_638 = tpu.vector_load %arg10[%swap3A_636, %swap3A_637] {strides = array<i32>} : memref<16x768xf32, #tpu.memory_space<vmem>>, vector<1x16xf32>,
        %swap3A_639 = vector.shape_cast %swap3A_638 : vector<1x16xf32> to vector<16xf32>
        %swap3A_640 = vector.shape_cast %get3A_635 : vector<16xf32> to vector<1x16xf32>
        tpu.vector_store %arg10[%swap3A_636, %swap3A_637], %swap3A_640 {add = true, strides = array<i32>} : memref<16x768xf32, #tpu.memory_space<vmem>>, vector<1x16xf32>,
        %add3A_641 = arith.constant 32 : i32
        %add3A_642 = arith.addi %add3A_641, %scan3A_179 : i32
        %get3A_643 = arith.index_cast %add3A_642 : i32 to index
        %get3A_644 = arith.constant 672 : index
        %get3A_645 = tpu.vector_load %arg7[%get3A_643, %get3A_644] {strides = array<i32>} : memref<64x768xf32, #tpu.memory_space<vmem>>, vector<1x16xf32>,
        %get3A_646 = vector.shape_cast %get3A_645 : vector<1x16xf32> to vector<16xf32>
        %swap3A_647 = arith.index_cast %scan3A_179 : i32 to index
        %swap3A_648 = arith.constant 672 : index
        %swap3A_649 = tpu.vector_load %arg10[%swap3A_647, %swap3A_648] {strides = array<i32>} : memref<16x768xf32, #tpu.memory_space<vmem>>, vector<1x16xf32>,
        %swap3A_650 = vector.shape_cast %swap3A_649 : vector<1x16xf32> to vector<16xf32>
        %swap3A_651 = vector.shape_cast %get3A_646 : vector<16xf32> to vector<1x16xf32>
        tpu.vector_store %arg10[%swap3A_647, %swap3A_648], %swap3A_651 {add = true, strides = array<i32>} : memref<16x768xf32, #tpu.memory_space<vmem>>, vector<1x16xf32>,
        %add3A_652 = arith.constant 32 : i32
        %add3A_653 = arith.addi %add3A_652, %scan3A_179 : i32
        %get3A_654 = arith.index_cast %add3A_653 : i32 to index
        %get3A_655 = arith.constant 688 : index
        %get3A_656 = tpu.vector_load %arg7[%get3A_654, %get3A_655] {strides = array<i32>} : memref<64x768xf32, #tpu.memory_space<vmem>>, vector<1x16xf32>,
        %get3A_657 = vector.shape_cast %get3A_656 : vector<1x16xf32> to vector<16xf32>
        %swap3A_658 = arith.index_cast %scan3A_179 : i32 to index
        %swap3A_659 = arith.constant 688 : index
        %swap3A_660 = tpu.vector_load %arg10[%swap3A_658, %swap3A_659] {strides = array<i32>} : memref<16x768xf32, #tpu.memory_space<vmem>>, vector<1x16xf32>,
        %swap3A_661 = vector.shape_cast %swap3A_660 : vector<1x16xf32> to vector<16xf32>
        %swap3A_662 = vector.shape_cast %get3A_657 : vector<16xf32> to vector<1x16xf32>
        tpu.vector_store %arg10[%swap3A_658, %swap3A_659], %swap3A_662 {add = true, strides = array<i32>} : memref<16x768xf32, #tpu.memory_space<vmem>>, vector<1x16xf32>,
        %add3A_663 = arith.constant 32 : i32
        %add3A_664 = arith.addi %add3A_663, %scan3A_179 : i32
        %get3A_665 = arith.index_cast %add3A_664 : i32 to index
        %get3A_666 = arith.constant 704 : index
        %get3A_667 = tpu.vector_load %arg7[%get3A_665, %get3A_666] {strides = array<i32>} : memref<64x768xf32, #tpu.memory_space<vmem>>, vector<1x16xf32>,
        %get3A_668 = vector.shape_cast %get3A_667 : vector<1x16xf32> to vector<16xf32>
        %swap3A_669 = arith.index_cast %scan3A_179 : i32 to index
        %swap3A_670 = arith.constant 704 : index
        %swap3A_671 = tpu.vector_load %arg10[%swap3A_669, %swap3A_670] {strides = array<i32>} : memref<16x768xf32, #tpu.memory_space<vmem>>, vector<1x16xf32>,
        %swap3A_672 = vector.shape_cast %swap3A_671 : vector<1x16xf32> to vector<16xf32>
        %swap3A_673 = vector.shape_cast %get3A_668 : vector<16xf32> to vector<1x16xf32>
        tpu.vector_store %arg10[%swap3A_669, %swap3A_670], %swap3A_673 {add = true, strides = array<i32>} : memref<16x768xf32, #tpu.memory_space<vmem>>, vector<1x16xf32>,
        %add3A_674 = arith.constant 32 : i32
        %add3A_675 = arith.addi %add3A_674, %scan3A_179 : i32
        %get3A_676 = arith.index_cast %add3A_675 : i32 to index
        %get3A_677 = arith.constant 720 : index
        %get3A_678 = tpu.vector_load %arg7[%get3A_676, %get3A_677] {strides = array<i32>} : memref<64x768xf32, #tpu.memory_space<vmem>>, vector<1x16xf32>,
        %get3A_679 = vector.shape_cast %get3A_678 : vector<1x16xf32> to vector<16xf32>
        %swap3A_680 = arith.index_cast %scan3A_179 : i32 to index
        %swap3A_681 = arith.constant 720 : index
        %swap3A_682 = tpu.vector_load %arg10[%swap3A_680, %swap3A_681] {strides = array<i32>} : memref<16x768xf32, #tpu.memory_space<vmem>>, vector<1x16xf32>,
        %swap3A_683 = vector.shape_cast %swap3A_682 : vector<1x16xf32> to vector<16xf32>
        %swap3A_684 = vector.shape_cast %get3A_679 : vector<16xf32> to vector<1x16xf32>
        tpu.vector_store %arg10[%swap3A_680, %swap3A_681], %swap3A_684 {add = true, strides = array<i32>} : memref<16x768xf32, #tpu.memory_space<vmem>>, vector<1x16xf32>,
        %add3A_685 = arith.constant 32 : i32
        %add3A_686 = arith.addi %add3A_685, %scan3A_179 : i32
        %get3A_687 = arith.index_cast %add3A_686 : i32 to index
        %get3A_688 = arith.constant 736 : index
        %get3A_689 = tpu.vector_load %arg7[%get3A_687, %get3A_688] {strides = array<i32>} : memref<64x768xf32, #tpu.memory_space<vmem>>, vector<1x16xf32>,
        %get3A_690 = vector.shape_cast %get3A_689 : vector<1x16xf32> to vector<16xf32>
        %swap3A_691 = arith.index_cast %scan3A_179 : i32 to index
        %swap3A_692 = arith.constant 736 : index
        %swap3A_693 = tpu.vector_load %arg10[%swap3A_691, %swap3A_692] {strides = array<i32>} : memref<16x768xf32, #tpu.memory_space<vmem>>, vector<1x16xf32>,
        %swap3A_694 = vector.shape_cast %swap3A_693 : vector<1x16xf32> to vector<16xf32>
        %swap3A_695 = vector.shape_cast %get3A_690 : vector<16xf32> to vector<1x16xf32>
        tpu.vector_store %arg10[%swap3A_691, %swap3A_692], %swap3A_695 {add = true, strides = array<i32>} : memref<16x768xf32, #tpu.memory_space<vmem>>, vector<1x16xf32>,
        %add3A_696 = arith.constant 32 : i32
        %add3A_697 = arith.addi %add3A_696, %scan3A_179 : i32
        %get3A_698 = arith.index_cast %add3A_697 : i32 to index
        %get3A_699 = arith.constant 752 : index
        %get3A_700 = tpu.vector_load %arg7[%get3A_698, %get3A_699] {strides = array<i32>} : memref<64x768xf32, #tpu.memory_space<vmem>>, vector<1x16xf32>,
        %get3A_701 = vector.shape_cast %get3A_700 : vector<1x16xf32> to vector<16xf32>
        %swap3A_702 = arith.index_cast %scan3A_179 : i32 to index
        %swap3A_703 = arith.constant 752 : index
        %swap3A_704 = tpu.vector_load %arg10[%swap3A_702, %swap3A_703] {strides = array<i32>} : memref<16x768xf32, #tpu.memory_space<vmem>>, vector<1x16xf32>,
        %swap3A_705 = vector.shape_cast %swap3A_704 : vector<1x16xf32> to vector<16xf32>
        %swap3A_706 = vector.shape_cast %get3A_701 : vector<16xf32> to vector<1x16xf32>
        tpu.vector_store %arg10[%swap3A_702, %swap3A_703], %swap3A_706 {add = true, strides = array<i32>} : memref<16x768xf32, #tpu.memory_space<vmem>>, vector<1x16xf32>,
        %scan3A_707 = arith.constant 0 : i32
        scf.yield %scan3A_707 : i32
      }
      %scan3A_143 = arith.constant 16 : i32
      %add3A_144 = arith.constant 32 : i32
      %add3A_145 = arith.addi %mul3A_2, %add3A_144 : i32
      %dma_start3A_146 = arith.constant 0 : i32
      %dma_start3A_147 = tpu.memref_slice %arg5[%scan3A_64, %add3A_145, %dma_start3A_146] : memref<4x2048x768xf32, #tpu.memory_space<hbm>> -> memref<1x16x768xf32, #tpu.memory_space<hbm>>
      %dma_start3A_148 = tpu.memref_squeeze %dma_start3A_147 : memref<1x16x768xf32, #tpu.memory_space<hbm>> -> memref<16x768xf32, #tpu.memory_space<hbm>>
      %dma_start3A_149 = arith.constant 0 : i32
      %dma_start3A_150 = tpu.memref_slice %arg5[%scan3A_64, %add3A_145, %dma_start3A_149] : memref<4x2048x768xf32, #tpu.memory_space<hbm>> -> memref<1x16x768xf32, #tpu.memory_space<hbm>>
      %dma_start3A_151 = tpu.memref_squeeze %dma_start3A_150 : memref<1x16x768xf32, #tpu.memory_space<hbm>> -> memref<16x768xf32, #tpu.memory_space<hbm>>
      tpu.enqueue_dma source(%arg10 : memref<16x768xf32, #tpu.memory_space<vmem>>) target(%dma_start3A_151 : memref<16x768xf32, #tpu.memory_space<hbm>>) target_semaphore(%arg18 : memref<!tpu.dma_semaphore, #tpu.memory_space<semaphore_mem>>)
      %dma_wait3A_152 = arith.constant 48 : i32
      %dma_wait3A_153 = tpu.memref_slice %arg6[%scan3A_64, %dma_wait3A_152] : memref<4x64xi32, #tpu.memory_space<vmem>> -> memref<1x16xi32, #tpu.memory_space<vmem>>
      %dma_wait3A_154 = tpu.memref_squeeze %dma_wait3A_153 : memref<1x16xi32, #tpu.memory_space<vmem>> -> memref<16xi32, #tpu.memory_space<vmem>>
      %dma_wait3A_155 = arith.constant 0 : i32
      %dma_wait3A_156 = arith.constant 0 : i32
      %dma_wait3A_157 = tpu.memref_slice %arg3[%dma_wait3A_155, %dma_wait3A_156] : memref<100000x768xf32, #tpu.memory_space<hbm>> -> memref<100000x768xf32, #tpu.memory_space<hbm>>
      tpu.wait_indirect_dma semaphore(%arg15 : memref<!tpu.dma_semaphore, #tpu.memory_space<semaphore_mem>>) src(%dma_wait3A_157 : memref<100000x768xf32, #tpu.memory_space<hbm>>) dst(%arg11 : memref<16x768xf32, #tpu.memory_space<vmem>>)
      %lt3A_158 = arith.constant 3 : i32
      %lt3A_159 = arith.cmpi slt, %scan3A_64, %lt3A_158 : i32
      %convert_element_type3A_160 = arith.extui %lt3A_159 : i1 to i32
      %cond3A_161 = arith.constant 0 : i32
      %cond3A_162 = arith.cmpi ne, %convert_element_type3A_160, %cond3A_161 : i32
      scf.if %cond3A_162 {
        %add3A_179 = arith.constant 16 : i32
        %add3A_180 = arith.addi %mul3A_2, %add3A_179 : i32
        %dma_wait3A_181 = arith.constant 0 : i32
        %dma_wait3A_182 = tpu.memref_slice %arg5[%scan3A_64, %add3A_180, %dma_wait3A_181] : memref<4x2048x768xf32, #tpu.memory_space<hbm>> -> memref<1x16x768xf32, #tpu.memory_space<hbm>>
        %dma_wait3A_183 = tpu.memref_squeeze %dma_wait3A_182 : memref<1x16x768xf32, #tpu.memory_space<hbm>> -> memref<16x768xf32, #tpu.memory_space<hbm>>
        %dma_wait3A_184 = arith.constant 0 : i32
        %dma_wait3A_185 = tpu.memref_slice %arg5[%scan3A_64, %add3A_180, %dma_wait3A_184] : memref<4x2048x768xf32, #tpu.memory_space<hbm>> -> memref<1x16x768xf32, #tpu.memory_space<hbm>>
        %dma_wait3A_186 = tpu.memref_squeeze %dma_wait3A_185 : memref<1x16x768xf32, #tpu.memory_space<hbm>> -> memref<16x768xf32, #tpu.memory_space<hbm>>
        tpu.wait_dma2 semaphore(%arg17 : memref<!tpu.dma_semaphore, #tpu.memory_space<semaphore_mem>>) src(%arg9 : memref<16x768xf32, #tpu.memory_space<vmem>>) dst(%dma_wait3A_186 : memref<16x768xf32, #tpu.memory_space<hbm>>)
        %add3A_187 = arith.constant 1 : i32
        %add3A_188 = arith.addi %scan3A_64, %add3A_187 : i32
        %dma_start3A_189 = arith.constant 16 : i32
        %dma_start3A_190 = tpu.memref_slice %arg6[%add3A_188, %dma_start3A_189] : memref<4x64xi32, #tpu.memory_space<vmem>> -> memref<1x16xi32, #tpu.memory_space<vmem>>
        %dma_start3A_191 = tpu.memref_squeeze %dma_start3A_190 : memref<1x16xi32, #tpu.memory_space<vmem>> -> memref<16xi32, #tpu.memory_space<vmem>>
        %dma_start3A_192 = arith.constant 0 : i32
        %dma_start3A_193 = arith.constant 0 : i32
        %dma_start3A_194 = tpu.memref_slice %arg3[%dma_start3A_192, %dma_start3A_193] : memref<100000x768xf32, #tpu.memory_space<hbm>> -> memref<100000x768xf32, #tpu.memory_space<hbm>>
        tpu.enqueue_indirect_dma source(%dma_start3A_194 : memref<100000x768xf32, #tpu.memory_space<hbm>>) target(%arg9 : memref<16x768xf32, #tpu.memory_space<vmem>>) offsets(%dma_start3A_191 : memref<16xi32, #tpu.memory_space<vmem>>) semaphore(%arg13 : memref<!tpu.dma_semaphore, #tpu.memory_space<semaphore_mem>>)
      } else {
      }
      %scan3A_163 = arith.constant 0 : i32
      %scan3A_164 = arith.constant 0 : i32
      %scan3A_165 = arith.constant 16 : i32
      %scan3A_166 = arith.addi %scan3A_164, %scan3A_165 : i32
      %scan3A_167 = arith.constant 1 : i32
      %scan3A_168 = scf.for %scan3A_179 = %scan3A_164 to %scan3A_166 step %scan3A_167 iter_args(%scan3A_180 = %scan3A_163) -> (i32)  : i32 {
        %add3A_181 = arith.constant 48 : i32
        %add3A_182 = arith.addi %add3A_181, %scan3A_179 : i32
        %get3A = arith.index_cast %add3A_182 : i32 to index
        %get3A_183 = arith.constant 0 : index
        %get3A_184 = tpu.vector_load %arg7[%get3A, %get3A_183] {strides = array<i32>} : memref<64x768xf32, #tpu.memory_space<vmem>>, vector<1x16xf32>,
        %get3A_185 = vector.shape_cast %get3A_184 : vector<1x16xf32> to vector<16xf32>
        %swap3A = arith.index_cast %scan3A_179 : i32 to index
        %swap3A_186 = arith.constant 0 : index
        %swap3A_187 = tpu.vector_load %arg11[%swap3A, %swap3A_186] {strides = array<i32>} : memref<16x768xf32, #tpu.memory_space<vmem>>, vector<1x16xf32>,
        %swap3A_188 = vector.shape_cast %swap3A_187 : vector<1x16xf32> to vector<16xf32>
        %swap3A_189 = vector.shape_cast %get3A_185 : vector<16xf32> to vector<1x16xf32>
        tpu.vector_store %arg11[%swap3A, %swap3A_186], %swap3A_189 {add = true, strides = array<i32>} : memref<16x768xf32, #tpu.memory_space<vmem>>, vector<1x16xf32>,
        %add3A_190 = arith.constant 48 : i32
        %add3A_191 = arith.addi %add3A_190, %scan3A_179 : i32
        %get3A_192 = arith.index_cast %add3A_191 : i32 to index
        %get3A_193 = arith.constant 16 : index
        %get3A_194 = tpu.vector_load %arg7[%get3A_192, %get3A_193] {strides = array<i32>} : memref<64x768xf32, #tpu.memory_space<vmem>>, vector<1x16xf32>,
        %get3A_195 = vector.shape_cast %get3A_194 : vector<1x16xf32> to vector<16xf32>
        %swap3A_196 = arith.index_cast %scan3A_179 : i32 to index
        %swap3A_197 = arith.constant 16 : index
        %swap3A_198 = tpu.vector_load %arg11[%swap3A_196, %swap3A_197] {strides = array<i32>} : memref<16x768xf32, #tpu.memory_space<vmem>>, vector<1x16xf32>,
        %swap3A_199 = vector.shape_cast %swap3A_198 : vector<1x16xf32> to vector<16xf32>
        %swap3A_200 = vector.shape_cast %get3A_195 : vector<16xf32> to vector<1x16xf32>
        tpu.vector_store %arg11[%swap3A_196, %swap3A_197], %swap3A_200 {add = true, strides = array<i32>} : memref<16x768xf32, #tpu.memory_space<vmem>>, vector<1x16xf32>,
        %add3A_201 = arith.constant 48 : i32
        %add3A_202 = arith.addi %add3A_201, %scan3A_179 : i32
        %get3A_203 = arith.index_cast %add3A_202 : i32 to index
        %get3A_204 = arith.constant 32 : index
        %get3A_205 = tpu.vector_load %arg7[%get3A_203, %get3A_204] {strides = array<i32>} : memref<64x768xf32, #tpu.memory_space<vmem>>, vector<1x16xf32>,
        %get3A_206 = vector.shape_cast %get3A_205 : vector<1x16xf32> to vector<16xf32>
        %swap3A_207 = arith.index_cast %scan3A_179 : i32 to index
        %swap3A_208 = arith.constant 32 : index
        %swap3A_209 = tpu.vector_load %arg11[%swap3A_207, %swap3A_208] {strides = array<i32>} : memref<16x768xf32, #tpu.memory_space<vmem>>, vector<1x16xf32>,
        %swap3A_210 = vector.shape_cast %swap3A_209 : vector<1x16xf32> to vector<16xf32>
        %swap3A_211 = vector.shape_cast %get3A_206 : vector<16xf32> to vector<1x16xf32>
        tpu.vector_store %arg11[%swap3A_207, %swap3A_208], %swap3A_211 {add = true, strides = array<i32>} : memref<16x768xf32, #tpu.memory_space<vmem>>, vector<1x16xf32>,
        %add3A_212 = arith.constant 48 : i32
        %add3A_213 = arith.addi %add3A_212, %scan3A_179 : i32
        %get3A_214 = arith.index_cast %add3A_213 : i32 to index
        %get3A_215 = arith.constant 48 : index
        %get3A_216 = tpu.vector_load %arg7[%get3A_214, %get3A_215] {strides = array<i32>} : memref<64x768xf32, #tpu.memory_space<vmem>>, vector<1x16xf32>,
        %get3A_217 = vector.shape_cast %get3A_216 : vector<1x16xf32> to vector<16xf32>
        %swap3A_218 = arith.index_cast %scan3A_179 : i32 to index
        %swap3A_219 = arith.constant 48 : index
        %swap3A_220 = tpu.vector_load %arg11[%swap3A_218, %swap3A_219] {strides = array<i32>} : memref<16x768xf32, #tpu.memory_space<vmem>>, vector<1x16xf32>,
        %swap3A_221 = vector.shape_cast %swap3A_220 : vector<1x16xf32> to vector<16xf32>
        %swap3A_222 = vector.shape_cast %get3A_217 : vector<16xf32> to vector<1x16xf32>
        tpu.vector_store %arg11[%swap3A_218, %swap3A_219], %swap3A_222 {add = true, strides = array<i32>} : memref<16x768xf32, #tpu.memory_space<vmem>>, vector<1x16xf32>,
        %add3A_223 = arith.constant 48 : i32
        %add3A_224 = arith.addi %add3A_223, %scan3A_179 : i32
        %get3A_225 = arith.index_cast %add3A_224 : i32 to index
        %get3A_226 = arith.constant 64 : index
        %get3A_227 = tpu.vector_load %arg7[%get3A_225, %get3A_226] {strides = array<i32>} : memref<64x768xf32, #tpu.memory_space<vmem>>, vector<1x16xf32>,
        %get3A_228 = vector.shape_cast %get3A_227 : vector<1x16xf32> to vector<16xf32>
        %swap3A_229 = arith.index_cast %scan3A_179 : i32 to index
        %swap3A_230 = arith.constant 64 : index
        %swap3A_231 = tpu.vector_load %arg11[%swap3A_229, %swap3A_230] {strides = array<i32>} : memref<16x768xf32, #tpu.memory_space<vmem>>, vector<1x16xf32>,
        %swap3A_232 = vector.shape_cast %swap3A_231 : vector<1x16xf32> to vector<16xf32>
        %swap3A_233 = vector.shape_cast %get3A_228 : vector<16xf32> to vector<1x16xf32>
        tpu.vector_store %arg11[%swap3A_229, %swap3A_230], %swap3A_233 {add = true, strides = array<i32>} : memref<16x768xf32, #tpu.memory_space<vmem>>, vector<1x16xf32>,
        %add3A_234 = arith.constant 48 : i32
        %add3A_235 = arith.addi %add3A_234, %scan3A_179 : i32
        %get3A_236 = arith.index_cast %add3A_235 : i32 to index
        %get3A_237 = arith.constant 80 : index
        %get3A_238 = tpu.vector_load %arg7[%get3A_236, %get3A_237] {strides = array<i32>} : memref<64x768xf32, #tpu.memory_space<vmem>>, vector<1x16xf32>,
        %get3A_239 = vector.shape_cast %get3A_238 : vector<1x16xf32> to vector<16xf32>
        %swap3A_240 = arith.index_cast %scan3A_179 : i32 to index
        %swap3A_241 = arith.constant 80 : index
        %swap3A_242 = tpu.vector_load %arg11[%swap3A_240, %swap3A_241] {strides = array<i32>} : memref<16x768xf32, #tpu.memory_space<vmem>>, vector<1x16xf32>,
        %swap3A_243 = vector.shape_cast %swap3A_242 : vector<1x16xf32> to vector<16xf32>
        %swap3A_244 = vector.shape_cast %get3A_239 : vector<16xf32> to vector<1x16xf32>
        tpu.vector_store %arg11[%swap3A_240, %swap3A_241], %swap3A_244 {add = true, strides = array<i32>} : memref<16x768xf32, #tpu.memory_space<vmem>>, vector<1x16xf32>,
        %add3A_245 = arith.constant 48 : i32
        %add3A_246 = arith.addi %add3A_245, %scan3A_179 : i32
        %get3A_247 = arith.index_cast %add3A_246 : i32 to index
        %get3A_248 = arith.constant 96 : index
        %get3A_249 = tpu.vector_load %arg7[%get3A_247, %get3A_248] {strides = array<i32>} : memref<64x768xf32, #tpu.memory_space<vmem>>, vector<1x16xf32>,
        %get3A_250 = vector.shape_cast %get3A_249 : vector<1x16xf32> to vector<16xf32>
        %swap3A_251 = arith.index_cast %scan3A_179 : i32 to index
        %swap3A_252 = arith.constant 96 : index
        %swap3A_253 = tpu.vector_load %arg11[%swap3A_251, %swap3A_252] {strides = array<i32>} : memref<16x768xf32, #tpu.memory_space<vmem>>, vector<1x16xf32>,
        %swap3A_254 = vector.shape_cast %swap3A_253 : vector<1x16xf32> to vector<16xf32>
        %swap3A_255 = vector.shape_cast %get3A_250 : vector<16xf32> to vector<1x16xf32>
        tpu.vector_store %arg11[%swap3A_251, %swap3A_252], %swap3A_255 {add = true, strides = array<i32>} : memref<16x768xf32, #tpu.memory_space<vmem>>, vector<1x16xf32>,
        %add3A_256 = arith.constant 48 : i32
        %add3A_257 = arith.addi %add3A_256, %scan3A_179 : i32
        %get3A_258 = arith.index_cast %add3A_257 : i32 to index
        %get3A_259 = arith.constant 112 : index
        %get3A_260 = tpu.vector_load %arg7[%get3A_258, %get3A_259] {strides = array<i32>} : memref<64x768xf32, #tpu.memory_space<vmem>>, vector<1x16xf32>,
        %get3A_261 = vector.shape_cast %get3A_260 : vector<1x16xf32> to vector<16xf32>
        %swap3A_262 = arith.index_cast %scan3A_179 : i32 to index
        %swap3A_263 = arith.constant 112 : index
        %swap3A_264 = tpu.vector_load %arg11[%swap3A_262, %swap3A_263] {strides = array<i32>} : memref<16x768xf32, #tpu.memory_space<vmem>>, vector<1x16xf32>,
        %swap3A_265 = vector.shape_cast %swap3A_264 : vector<1x16xf32> to vector<16xf32>
        %swap3A_266 = vector.shape_cast %get3A_261 : vector<16xf32> to vector<1x16xf32>
        tpu.vector_store %arg11[%swap3A_262, %swap3A_263], %swap3A_266 {add = true, strides = array<i32>} : memref<16x768xf32, #tpu.memory_space<vmem>>, vector<1x16xf32>,
        %add3A_267 = arith.constant 48 : i32
        %add3A_268 = arith.addi %add3A_267, %scan3A_179 : i32
        %get3A_269 = arith.index_cast %add3A_268 : i32 to index
        %get3A_270 = arith.constant 128 : index
        %get3A_271 = tpu.vector_load %arg7[%get3A_269, %get3A_270] {strides = array<i32>} : memref<64x768xf32, #tpu.memory_space<vmem>>, vector<1x16xf32>,
        %get3A_272 = vector.shape_cast %get3A_271 : vector<1x16xf32> to vector<16xf32>
        %swap3A_273 = arith.index_cast %scan3A_179 : i32 to index
        %swap3A_274 = arith.constant 128 : index
        %swap3A_275 = tpu.vector_load %arg11[%swap3A_273, %swap3A_274] {strides = array<i32>} : memref<16x768xf32, #tpu.memory_space<vmem>>, vector<1x16xf32>,
        %swap3A_276 = vector.shape_cast %swap3A_275 : vector<1x16xf32> to vector<16xf32>
        %swap3A_277 = vector.shape_cast %get3A_272 : vector<16xf32> to vector<1x16xf32>
        tpu.vector_store %arg11[%swap3A_273, %swap3A_274], %swap3A_277 {add = true, strides = array<i32>} : memref<16x768xf32, #tpu.memory_space<vmem>>, vector<1x16xf32>,
        %add3A_278 = arith.constant 48 : i32
        %add3A_279 = arith.addi %add3A_278, %scan3A_179 : i32
        %get3A_280 = arith.index_cast %add3A_279 : i32 to index
        %get3A_281 = arith.constant 144 : index
        %get3A_282 = tpu.vector_load %arg7[%get3A_280, %get3A_281] {strides = array<i32>} : memref<64x768xf32, #tpu.memory_space<vmem>>, vector<1x16xf32>,
        %get3A_283 = vector.shape_cast %get3A_282 : vector<1x16xf32> to vector<16xf32>
        %swap3A_284 = arith.index_cast %scan3A_179 : i32 to index
        %swap3A_285 = arith.constant 144 : index
        %swap3A_286 = tpu.vector_load %arg11[%swap3A_284, %swap3A_285] {strides = array<i32>} : memref<16x768xf32, #tpu.memory_space<vmem>>, vector<1x16xf32>,
        %swap3A_287 = vector.shape_cast %swap3A_286 : vector<1x16xf32> to vector<16xf32>
        %swap3A_288 = vector.shape_cast %get3A_283 : vector<16xf32> to vector<1x16xf32>
        tpu.vector_store %arg11[%swap3A_284, %swap3A_285], %swap3A_288 {add = true, strides = array<i32>} : memref<16x768xf32, #tpu.memory_space<vmem>>, vector<1x16xf32>,
        %add3A_289 = arith.constant 48 : i32
        %add3A_290 = arith.addi %add3A_289, %scan3A_179 : i32
        %get3A_291 = arith.index_cast %add3A_290 : i32 to index
        %get3A_292 = arith.constant 160 : index
        %get3A_293 = tpu.vector_load %arg7[%get3A_291, %get3A_292] {strides = array<i32>} : memref<64x768xf32, #tpu.memory_space<vmem>>, vector<1x16xf32>,
        %get3A_294 = vector.shape_cast %get3A_293 : vector<1x16xf32> to vector<16xf32>
        %swap3A_295 = arith.index_cast %scan3A_179 : i32 to index
        %swap3A_296 = arith.constant 160 : index
        %swap3A_297 = tpu.vector_load %arg11[%swap3A_295, %swap3A_296] {strides = array<i32>} : memref<16x768xf32, #tpu.memory_space<vmem>>, vector<1x16xf32>,
        %swap3A_298 = vector.shape_cast %swap3A_297 : vector<1x16xf32> to vector<16xf32>
        %swap3A_299 = vector.shape_cast %get3A_294 : vector<16xf32> to vector<1x16xf32>
        tpu.vector_store %arg11[%swap3A_295, %swap3A_296], %swap3A_299 {add = true, strides = array<i32>} : memref<16x768xf32, #tpu.memory_space<vmem>>, vector<1x16xf32>,
        %add3A_300 = arith.constant 48 : i32
        %add3A_301 = arith.addi %add3A_300, %scan3A_179 : i32
        %get3A_302 = arith.index_cast %add3A_301 : i32 to index
        %get3A_303 = arith.constant 176 : index
        %get3A_304 = tpu.vector_load %arg7[%get3A_302, %get3A_303] {strides = array<i32>} : memref<64x768xf32, #tpu.memory_space<vmem>>, vector<1x16xf32>,
        %get3A_305 = vector.shape_cast %get3A_304 : vector<1x16xf32> to vector<16xf32>
        %swap3A_306 = arith.index_cast %scan3A_179 : i32 to index
        %swap3A_307 = arith.constant 176 : index
        %swap3A_308 = tpu.vector_load %arg11[%swap3A_306, %swap3A_307] {strides = array<i32>} : memref<16x768xf32, #tpu.memory_space<vmem>>, vector<1x16xf32>,
        %swap3A_309 = vector.shape_cast %swap3A_308 : vector<1x16xf32> to vector<16xf32>
        %swap3A_310 = vector.shape_cast %get3A_305 : vector<16xf32> to vector<1x16xf32>
        tpu.vector_store %arg11[%swap3A_306, %swap3A_307], %swap3A_310 {add = true, strides = array<i32>} : memref<16x768xf32, #tpu.memory_space<vmem>>, vector<1x16xf32>,
        %add3A_311 = arith.constant 48 : i32
        %add3A_312 = arith.addi %add3A_311, %scan3A_179 : i32
        %get3A_313 = arith.index_cast %add3A_312 : i32 to index
        %get3A_314 = arith.constant 192 : index
        %get3A_315 = tpu.vector_load %arg7[%get3A_313, %get3A_314] {strides = array<i32>} : memref<64x768xf32, #tpu.memory_space<vmem>>, vector<1x16xf32>,
        %get3A_316 = vector.shape_cast %get3A_315 : vector<1x16xf32> to vector<16xf32>
        %swap3A_317 = arith.index_cast %scan3A_179 : i32 to index
        %swap3A_318 = arith.constant 192 : index
        %swap3A_319 = tpu.vector_load %arg11[%swap3A_317, %swap3A_318] {strides = array<i32>} : memref<16x768xf32, #tpu.memory_space<vmem>>, vector<1x16xf32>,
        %swap3A_320 = vector.shape_cast %swap3A_319 : vector<1x16xf32> to vector<16xf32>
        %swap3A_321 = vector.shape_cast %get3A_316 : vector<16xf32> to vector<1x16xf32>
        tpu.vector_store %arg11[%swap3A_317, %swap3A_318], %swap3A_321 {add = true, strides = array<i32>} : memref<16x768xf32, #tpu.memory_space<vmem>>, vector<1x16xf32>,
        %add3A_322 = arith.constant 48 : i32
        %add3A_323 = arith.addi %add3A_322, %scan3A_179 : i32
        %get3A_324 = arith.index_cast %add3A_323 : i32 to index
        %get3A_325 = arith.constant 208 : index
        %get3A_326 = tpu.vector_load %arg7[%get3A_324, %get3A_325] {strides = array<i32>} : memref<64x768xf32, #tpu.memory_space<vmem>>, vector<1x16xf32>,
        %get3A_327 = vector.shape_cast %get3A_326 : vector<1x16xf32> to vector<16xf32>
        %swap3A_328 = arith.index_cast %scan3A_179 : i32 to index
        %swap3A_329 = arith.constant 208 : index
        %swap3A_330 = tpu.vector_load %arg11[%swap3A_328, %swap3A_329] {strides = array<i32>} : memref<16x768xf32, #tpu.memory_space<vmem>>, vector<1x16xf32>,
        %swap3A_331 = vector.shape_cast %swap3A_330 : vector<1x16xf32> to vector<16xf32>
        %swap3A_332 = vector.shape_cast %get3A_327 : vector<16xf32> to vector<1x16xf32>
        tpu.vector_store %arg11[%swap3A_328, %swap3A_329], %swap3A_332 {add = true, strides = array<i32>} : memref<16x768xf32, #tpu.memory_space<vmem>>, vector<1x16xf32>,
        %add3A_333 = arith.constant 48 : i32
        %add3A_334 = arith.addi %add3A_333, %scan3A_179 : i32
        %get3A_335 = arith.index_cast %add3A_334 : i32 to index
        %get3A_336 = arith.constant 224 : index
        %get3A_337 = tpu.vector_load %arg7[%get3A_335, %get3A_336] {strides = array<i32>} : memref<64x768xf32, #tpu.memory_space<vmem>>, vector<1x16xf32>,
        %get3A_338 = vector.shape_cast %get3A_337 : vector<1x16xf32> to vector<16xf32>
        %swap3A_339 = arith.index_cast %scan3A_179 : i32 to index
        %swap3A_340 = arith.constant 224 : index
        %swap3A_341 = tpu.vector_load %arg11[%swap3A_339, %swap3A_340] {strides = array<i32>} : memref<16x768xf32, #tpu.memory_space<vmem>>, vector<1x16xf32>,
        %swap3A_342 = vector.shape_cast %swap3A_341 : vector<1x16xf32> to vector<16xf32>
        %swap3A_343 = vector.shape_cast %get3A_338 : vector<16xf32> to vector<1x16xf32>
        tpu.vector_store %arg11[%swap3A_339, %swap3A_340], %swap3A_343 {add = true, strides = array<i32>} : memref<16x768xf32, #tpu.memory_space<vmem>>, vector<1x16xf32>,
        %add3A_344 = arith.constant 48 : i32
        %add3A_345 = arith.addi %add3A_344, %scan3A_179 : i32
        %get3A_346 = arith.index_cast %add3A_345 : i32 to index
        %get3A_347 = arith.constant 240 : index
        %get3A_348 = tpu.vector_load %arg7[%get3A_346, %get3A_347] {strides = array<i32>} : memref<64x768xf32, #tpu.memory_space<vmem>>, vector<1x16xf32>,
        %get3A_349 = vector.shape_cast %get3A_348 : vector<1x16xf32> to vector<16xf32>
        %swap3A_350 = arith.index_cast %scan3A_179 : i32 to index
        %swap3A_351 = arith.constant 240 : index
        %swap3A_352 = tpu.vector_load %arg11[%swap3A_350, %swap3A_351] {strides = array<i32>} : memref<16x768xf32, #tpu.memory_space<vmem>>, vector<1x16xf32>,
        %swap3A_353 = vector.shape_cast %swap3A_352 : vector<1x16xf32> to vector<16xf32>
        %swap3A_354 = vector.shape_cast %get3A_349 : vector<16xf32> to vector<1x16xf32>
        tpu.vector_store %arg11[%swap3A_350, %swap3A_351], %swap3A_354 {add = true, strides = array<i32>} : memref<16x768xf32, #tpu.memory_space<vmem>>, vector<1x16xf32>,
        %add3A_355 = arith.constant 48 : i32
        %add3A_356 = arith.addi %add3A_355, %scan3A_179 : i32
        %get3A_357 = arith.index_cast %add3A_356 : i32 to index
        %get3A_358 = arith.constant 256 : index
        %get3A_359 = tpu.vector_load %arg7[%get3A_357, %get3A_358] {strides = array<i32>} : memref<64x768xf32, #tpu.memory_space<vmem>>, vector<1x16xf32>,
        %get3A_360 = vector.shape_cast %get3A_359 : vector<1x16xf32> to vector<16xf32>
        %swap3A_361 = arith.index_cast %scan3A_179 : i32 to index
        %swap3A_362 = arith.constant 256 : index
        %swap3A_363 = tpu.vector_load %arg11[%swap3A_361, %swap3A_362] {strides = array<i32>} : memref<16x768xf32, #tpu.memory_space<vmem>>, vector<1x16xf32>,
        %swap3A_364 = vector.shape_cast %swap3A_363 : vector<1x16xf32> to vector<16xf32>
        %swap3A_365 = vector.shape_cast %get3A_360 : vector<16xf32> to vector<1x16xf32>
        tpu.vector_store %arg11[%swap3A_361, %swap3A_362], %swap3A_365 {add = true, strides = array<i32>} : memref<16x768xf32, #tpu.memory_space<vmem>>, vector<1x16xf32>,
        %add3A_366 = arith.constant 48 : i32
        %add3A_367 = arith.addi %add3A_366, %scan3A_179 : i32
        %get3A_368 = arith.index_cast %add3A_367 : i32 to index
        %get3A_369 = arith.constant 272 : index
        %get3A_370 = tpu.vector_load %arg7[%get3A_368, %get3A_369] {strides = array<i32>} : memref<64x768xf32, #tpu.memory_space<vmem>>, vector<1x16xf32>,
        %get3A_371 = vector.shape_cast %get3A_370 : vector<1x16xf32> to vector<16xf32>
        %swap3A_372 = arith.index_cast %scan3A_179 : i32 to index
        %swap3A_373 = arith.constant 272 : index
        %swap3A_374 = tpu.vector_load %arg11[%swap3A_372, %swap3A_373] {strides = array<i32>} : memref<16x768xf32, #tpu.memory_space<vmem>>, vector<1x16xf32>,
        %swap3A_375 = vector.shape_cast %swap3A_374 : vector<1x16xf32> to vector<16xf32>
        %swap3A_376 = vector.shape_cast %get3A_371 : vector<16xf32> to vector<1x16xf32>
        tpu.vector_store %arg11[%swap3A_372, %swap3A_373], %swap3A_376 {add = true, strides = array<i32>} : memref<16x768xf32, #tpu.memory_space<vmem>>, vector<1x16xf32>,
        %add3A_377 = arith.constant 48 : i32
        %add3A_378 = arith.addi %add3A_377, %scan3A_179 : i32
        %get3A_379 = arith.index_cast %add3A_378 : i32 to index
        %get3A_380 = arith.constant 288 : index
        %get3A_381 = tpu.vector_load %arg7[%get3A_379, %get3A_380] {strides = array<i32>} : memref<64x768xf32, #tpu.memory_space<vmem>>, vector<1x16xf32>,
        %get3A_382 = vector.shape_cast %get3A_381 : vector<1x16xf32> to vector<16xf32>
        %swap3A_383 = arith.index_cast %scan3A_179 : i32 to index
        %swap3A_384 = arith.constant 288 : index
        %swap3A_385 = tpu.vector_load %arg11[%swap3A_383, %swap3A_384] {strides = array<i32>} : memref<16x768xf32, #tpu.memory_space<vmem>>, vector<1x16xf32>,
        %swap3A_386 = vector.shape_cast %swap3A_385 : vector<1x16xf32> to vector<16xf32>
        %swap3A_387 = vector.shape_cast %get3A_382 : vector<16xf32> to vector<1x16xf32>
        tpu.vector_store %arg11[%swap3A_383, %swap3A_384], %swap3A_387 {add = true, strides = array<i32>} : memref<16x768xf32, #tpu.memory_space<vmem>>, vector<1x16xf32>,
        %add3A_388 = arith.constant 48 : i32
        %add3A_389 = arith.addi %add3A_388, %scan3A_179 : i32
        %get3A_390 = arith.index_cast %add3A_389 : i32 to index
        %get3A_391 = arith.constant 304 : index
        %get3A_392 = tpu.vector_load %arg7[%get3A_390, %get3A_391] {strides = array<i32>} : memref<64x768xf32, #tpu.memory_space<vmem>>, vector<1x16xf32>,
        %get3A_393 = vector.shape_cast %get3A_392 : vector<1x16xf32> to vector<16xf32>
        %swap3A_394 = arith.index_cast %scan3A_179 : i32 to index
        %swap3A_395 = arith.constant 304 : index
        %swap3A_396 = tpu.vector_load %arg11[%swap3A_394, %swap3A_395] {strides = array<i32>} : memref<16x768xf32, #tpu.memory_space<vmem>>, vector<1x16xf32>,
        %swap3A_397 = vector.shape_cast %swap3A_396 : vector<1x16xf32> to vector<16xf32>
        %swap3A_398 = vector.shape_cast %get3A_393 : vector<16xf32> to vector<1x16xf32>
        tpu.vector_store %arg11[%swap3A_394, %swap3A_395], %swap3A_398 {add = true, strides = array<i32>} : memref<16x768xf32, #tpu.memory_space<vmem>>, vector<1x16xf32>,
        %add3A_399 = arith.constant 48 : i32
        %add3A_400 = arith.addi %add3A_399, %scan3A_179 : i32
        %get3A_401 = arith.index_cast %add3A_400 : i32 to index
        %get3A_402 = arith.constant 320 : index
        %get3A_403 = tpu.vector_load %arg7[%get3A_401, %get3A_402] {strides = array<i32>} : memref<64x768xf32, #tpu.memory_space<vmem>>, vector<1x16xf32>,
        %get3A_404 = vector.shape_cast %get3A_403 : vector<1x16xf32> to vector<16xf32>
        %swap3A_405 = arith.index_cast %scan3A_179 : i32 to index
        %swap3A_406 = arith.constant 320 : index
        %swap3A_407 = tpu.vector_load %arg11[%swap3A_405, %swap3A_406] {strides = array<i32>} : memref<16x768xf32, #tpu.memory_space<vmem>>, vector<1x16xf32>,
        %swap3A_408 = vector.shape_cast %swap3A_407 : vector<1x16xf32> to vector<16xf32>
        %swap3A_409 = vector.shape_cast %get3A_404 : vector<16xf32> to vector<1x16xf32>
        tpu.vector_store %arg11[%swap3A_405, %swap3A_406], %swap3A_409 {add = true, strides = array<i32>} : memref<16x768xf32, #tpu.memory_space<vmem>>, vector<1x16xf32>,
        %add3A_410 = arith.constant 48 : i32
        %add3A_411 = arith.addi %add3A_410, %scan3A_179 : i32
        %get3A_412 = arith.index_cast %add3A_411 : i32 to index
        %get3A_413 = arith.constant 336 : index
        %get3A_414 = tpu.vector_load %arg7[%get3A_412, %get3A_413] {strides = array<i32>} : memref<64x768xf32, #tpu.memory_space<vmem>>, vector<1x16xf32>,
        %get3A_415 = vector.shape_cast %get3A_414 : vector<1x16xf32> to vector<16xf32>
        %swap3A_416 = arith.index_cast %scan3A_179 : i32 to index
        %swap3A_417 = arith.constant 336 : index
        %swap3A_418 = tpu.vector_load %arg11[%swap3A_416, %swap3A_417] {strides = array<i32>} : memref<16x768xf32, #tpu.memory_space<vmem>>, vector<1x16xf32>,
        %swap3A_419 = vector.shape_cast %swap3A_418 : vector<1x16xf32> to vector<16xf32>
        %swap3A_420 = vector.shape_cast %get3A_415 : vector<16xf32> to vector<1x16xf32>
        tpu.vector_store %arg11[%swap3A_416, %swap3A_417], %swap3A_420 {add = true, strides = array<i32>} : memref<16x768xf32, #tpu.memory_space<vmem>>, vector<1x16xf32>,
        %add3A_421 = arith.constant 48 : i32
        %add3A_422 = arith.addi %add3A_421, %scan3A_179 : i32
        %get3A_423 = arith.index_cast %add3A_422 : i32 to index
        %get3A_424 = arith.constant 352 : index
        %get3A_425 = tpu.vector_load %arg7[%get3A_423, %get3A_424] {strides = array<i32>} : memref<64x768xf32, #tpu.memory_space<vmem>>, vector<1x16xf32>,
        %get3A_426 = vector.shape_cast %get3A_425 : vector<1x16xf32> to vector<16xf32>
        %swap3A_427 = arith.index_cast %scan3A_179 : i32 to index
        %swap3A_428 = arith.constant 352 : index
        %swap3A_429 = tpu.vector_load %arg11[%swap3A_427, %swap3A_428] {strides = array<i32>} : memref<16x768xf32, #tpu.memory_space<vmem>>, vector<1x16xf32>,
        %swap3A_430 = vector.shape_cast %swap3A_429 : vector<1x16xf32> to vector<16xf32>
        %swap3A_431 = vector.shape_cast %get3A_426 : vector<16xf32> to vector<1x16xf32>
        tpu.vector_store %arg11[%swap3A_427, %swap3A_428], %swap3A_431 {add = true, strides = array<i32>} : memref<16x768xf32, #tpu.memory_space<vmem>>, vector<1x16xf32>,
        %add3A_432 = arith.constant 48 : i32
        %add3A_433 = arith.addi %add3A_432, %scan3A_179 : i32
        %get3A_434 = arith.index_cast %add3A_433 : i32 to index
        %get3A_435 = arith.constant 368 : index
        %get3A_436 = tpu.vector_load %arg7[%get3A_434, %get3A_435] {strides = array<i32>} : memref<64x768xf32, #tpu.memory_space<vmem>>, vector<1x16xf32>,
        %get3A_437 = vector.shape_cast %get3A_436 : vector<1x16xf32> to vector<16xf32>
        %swap3A_438 = arith.index_cast %scan3A_179 : i32 to index
        %swap3A_439 = arith.constant 368 : index
        %swap3A_440 = tpu.vector_load %arg11[%swap3A_438, %swap3A_439] {strides = array<i32>} : memref<16x768xf32, #tpu.memory_space<vmem>>, vector<1x16xf32>,
        %swap3A_441 = vector.shape_cast %swap3A_440 : vector<1x16xf32> to vector<16xf32>
        %swap3A_442 = vector.shape_cast %get3A_437 : vector<16xf32> to vector<1x16xf32>
        tpu.vector_store %arg11[%swap3A_438, %swap3A_439], %swap3A_442 {add = true, strides = array<i32>} : memref<16x768xf32, #tpu.memory_space<vmem>>, vector<1x16xf32>,
        %add3A_443 = arith.constant 48 : i32
        %add3A_444 = arith.addi %add3A_443, %scan3A_179 : i32
        %get3A_445 = arith.index_cast %add3A_444 : i32 to index
        %get3A_446 = arith.constant 384 : index
        %get3A_447 = tpu.vector_load %arg7[%get3A_445, %get3A_446] {strides = array<i32>} : memref<64x768xf32, #tpu.memory_space<vmem>>, vector<1x16xf32>,
        %get3A_448 = vector.shape_cast %get3A_447 : vector<1x16xf32> to vector<16xf32>
        %swap3A_449 = arith.index_cast %scan3A_179 : i32 to index
        %swap3A_450 = arith.constant 384 : index
        %swap3A_451 = tpu.vector_load %arg11[%swap3A_449, %swap3A_450] {strides = array<i32>} : memref<16x768xf32, #tpu.memory_space<vmem>>, vector<1x16xf32>,
        %swap3A_452 = vector.shape_cast %swap3A_451 : vector<1x16xf32> to vector<16xf32>
        %swap3A_453 = vector.shape_cast %get3A_448 : vector<16xf32> to vector<1x16xf32>
        tpu.vector_store %arg11[%swap3A_449, %swap3A_450], %swap3A_453 {add = true, strides = array<i32>} : memref<16x768xf32, #tpu.memory_space<vmem>>, vector<1x16xf32>,
        %add3A_454 = arith.constant 48 : i32
        %add3A_455 = arith.addi %add3A_454, %scan3A_179 : i32
        %get3A_456 = arith.index_cast %add3A_455 : i32 to index
        %get3A_457 = arith.constant 400 : index
        %get3A_458 = tpu.vector_load %arg7[%get3A_456, %get3A_457] {strides = array<i32>} : memref<64x768xf32, #tpu.memory_space<vmem>>, vector<1x16xf32>,
        %get3A_459 = vector.shape_cast %get3A_458 : vector<1x16xf32> to vector<16xf32>
        %swap3A_460 = arith.index_cast %scan3A_179 : i32 to index
        %swap3A_461 = arith.constant 400 : index
        %swap3A_462 = tpu.vector_load %arg11[%swap3A_460, %swap3A_461] {strides = array<i32>} : memref<16x768xf32, #tpu.memory_space<vmem>>, vector<1x16xf32>,
        %swap3A_463 = vector.shape_cast %swap3A_462 : vector<1x16xf32> to vector<16xf32>
        %swap3A_464 = vector.shape_cast %get3A_459 : vector<16xf32> to vector<1x16xf32>
        tpu.vector_store %arg11[%swap3A_460, %swap3A_461], %swap3A_464 {add = true, strides = array<i32>} : memref<16x768xf32, #tpu.memory_space<vmem>>, vector<1x16xf32>,
        %add3A_465 = arith.constant 48 : i32
        %add3A_466 = arith.addi %add3A_465, %scan3A_179 : i32
        %get3A_467 = arith.index_cast %add3A_466 : i32 to index
        %get3A_468 = arith.constant 416 : index
        %get3A_469 = tpu.vector_load %arg7[%get3A_467, %get3A_468] {strides = array<i32>} : memref<64x768xf32, #tpu.memory_space<vmem>>, vector<1x16xf32>,
        %get3A_470 = vector.shape_cast %get3A_469 : vector<1x16xf32> to vector<16xf32>
        %swap3A_471 = arith.index_cast %scan3A_179 : i32 to index
        %swap3A_472 = arith.constant 416 : index
        %swap3A_473 = tpu.vector_load %arg11[%swap3A_471, %swap3A_472] {strides = array<i32>} : memref<16x768xf32, #tpu.memory_space<vmem>>, vector<1x16xf32>,
        %swap3A_474 = vector.shape_cast %swap3A_473 : vector<1x16xf32> to vector<16xf32>
        %swap3A_475 = vector.shape_cast %get3A_470 : vector<16xf32> to vector<1x16xf32>
        tpu.vector_store %arg11[%swap3A_471, %swap3A_472], %swap3A_475 {add = true, strides = array<i32>} : memref<16x768xf32, #tpu.memory_space<vmem>>, vector<1x16xf32>,
        %add3A_476 = arith.constant 48 : i32
        %add3A_477 = arith.addi %add3A_476, %scan3A_179 : i32
        %get3A_478 = arith.index_cast %add3A_477 : i32 to index
        %get3A_479 = arith.constant 432 : index
        %get3A_480 = tpu.vector_load %arg7[%get3A_478, %get3A_479] {strides = array<i32>} : memref<64x768xf32, #tpu.memory_space<vmem>>, vector<1x16xf32>,
        %get3A_481 = vector.shape_cast %get3A_480 : vector<1x16xf32> to vector<16xf32>
        %swap3A_482 = arith.index_cast %scan3A_179 : i32 to index
        %swap3A_483 = arith.constant 432 : index
        %swap3A_484 = tpu.vector_load %arg11[%swap3A_482, %swap3A_483] {strides = array<i32>} : memref<16x768xf32, #tpu.memory_space<vmem>>, vector<1x16xf32>,
        %swap3A_485 = vector.shape_cast %swap3A_484 : vector<1x16xf32> to vector<16xf32>
        %swap3A_486 = vector.shape_cast %get3A_481 : vector<16xf32> to vector<1x16xf32>
        tpu.vector_store %arg11[%swap3A_482, %swap3A_483], %swap3A_486 {add = true, strides = array<i32>} : memref<16x768xf32, #tpu.memory_space<vmem>>, vector<1x16xf32>,
        %add3A_487 = arith.constant 48 : i32
        %add3A_488 = arith.addi %add3A_487, %scan3A_179 : i32
        %get3A_489 = arith.index_cast %add3A_488 : i32 to index
        %get3A_490 = arith.constant 448 : index
        %get3A_491 = tpu.vector_load %arg7[%get3A_489, %get3A_490] {strides = array<i32>} : memref<64x768xf32, #tpu.memory_space<vmem>>, vector<1x16xf32>,
        %get3A_492 = vector.shape_cast %get3A_491 : vector<1x16xf32> to vector<16xf32>
        %swap3A_493 = arith.index_cast %scan3A_179 : i32 to index
        %swap3A_494 = arith.constant 448 : index
        %swap3A_495 = tpu.vector_load %arg11[%swap3A_493, %swap3A_494] {strides = array<i32>} : memref<16x768xf32, #tpu.memory_space<vmem>>, vector<1x16xf32>,
        %swap3A_496 = vector.shape_cast %swap3A_495 : vector<1x16xf32> to vector<16xf32>
        %swap3A_497 = vector.shape_cast %get3A_492 : vector<16xf32> to vector<1x16xf32>
        tpu.vector_store %arg11[%swap3A_493, %swap3A_494], %swap3A_497 {add = true, strides = array<i32>} : memref<16x768xf32, #tpu.memory_space<vmem>>, vector<1x16xf32>,
        %add3A_498 = arith.constant 48 : i32
        %add3A_499 = arith.addi %add3A_498, %scan3A_179 : i32
        %get3A_500 = arith.index_cast %add3A_499 : i32 to index
        %get3A_501 = arith.constant 464 : index
        %get3A_502 = tpu.vector_load %arg7[%get3A_500, %get3A_501] {strides = array<i32>} : memref<64x768xf32, #tpu.memory_space<vmem>>, vector<1x16xf32>,
        %get3A_503 = vector.shape_cast %get3A_502 : vector<1x16xf32> to vector<16xf32>
        %swap3A_504 = arith.index_cast %scan3A_179 : i32 to index
        %swap3A_505 = arith.constant 464 : index
        %swap3A_506 = tpu.vector_load %arg11[%swap3A_504, %swap3A_505] {strides = array<i32>} : memref<16x768xf32, #tpu.memory_space<vmem>>, vector<1x16xf32>,
        %swap3A_507 = vector.shape_cast %swap3A_506 : vector<1x16xf32> to vector<16xf32>
        %swap3A_508 = vector.shape_cast %get3A_503 : vector<16xf32> to vector<1x16xf32>
        tpu.vector_store %arg11[%swap3A_504, %swap3A_505], %swap3A_508 {add = true, strides = array<i32>} : memref<16x768xf32, #tpu.memory_space<vmem>>, vector<1x16xf32>,
        %add3A_509 = arith.constant 48 : i32
        %add3A_510 = arith.addi %add3A_509, %scan3A_179 : i32
        %get3A_511 = arith.index_cast %add3A_510 : i32 to index
        %get3A_512 = arith.constant 480 : index
        %get3A_513 = tpu.vector_load %arg7[%get3A_511, %get3A_512] {strides = array<i32>} : memref<64x768xf32, #tpu.memory_space<vmem>>, vector<1x16xf32>,
        %get3A_514 = vector.shape_cast %get3A_513 : vector<1x16xf32> to vector<16xf32>
        %swap3A_515 = arith.index_cast %scan3A_179 : i32 to index
        %swap3A_516 = arith.constant 480 : index
        %swap3A_517 = tpu.vector_load %arg11[%swap3A_515, %swap3A_516] {strides = array<i32>} : memref<16x768xf32, #tpu.memory_space<vmem>>, vector<1x16xf32>,
        %swap3A_518 = vector.shape_cast %swap3A_517 : vector<1x16xf32> to vector<16xf32>
        %swap3A_519 = vector.shape_cast %get3A_514 : vector<16xf32> to vector<1x16xf32>
        tpu.vector_store %arg11[%swap3A_515, %swap3A_516], %swap3A_519 {add = true, strides = array<i32>} : memref<16x768xf32, #tpu.memory_space<vmem>>, vector<1x16xf32>,
        %add3A_520 = arith.constant 48 : i32
        %add3A_521 = arith.addi %add3A_520, %scan3A_179 : i32
        %get3A_522 = arith.index_cast %add3A_521 : i32 to index
        %get3A_523 = arith.constant 496 : index
        %get3A_524 = tpu.vector_load %arg7[%get3A_522, %get3A_523] {strides = array<i32>} : memref<64x768xf32, #tpu.memory_space<vmem>>, vector<1x16xf32>,
        %get3A_525 = vector.shape_cast %get3A_524 : vector<1x16xf32> to vector<16xf32>
        %swap3A_526 = arith.index_cast %scan3A_179 : i32 to index
        %swap3A_527 = arith.constant 496 : index
        %swap3A_528 = tpu.vector_load %arg11[%swap3A_526, %swap3A_527] {strides = array<i32>} : memref<16x768xf32, #tpu.memory_space<vmem>>, vector<1x16xf32>,
        %swap3A_529 = vector.shape_cast %swap3A_528 : vector<1x16xf32> to vector<16xf32>
        %swap3A_530 = vector.shape_cast %get3A_525 : vector<16xf32> to vector<1x16xf32>
        tpu.vector_store %arg11[%swap3A_526, %swap3A_527], %swap3A_530 {add = true, strides = array<i32>} : memref<16x768xf32, #tpu.memory_space<vmem>>, vector<1x16xf32>,
        %add3A_531 = arith.constant 48 : i32
        %add3A_532 = arith.addi %add3A_531, %scan3A_179 : i32
        %get3A_533 = arith.index_cast %add3A_532 : i32 to index
        %get3A_534 = arith.constant 512 : index
        %get3A_535 = tpu.vector_load %arg7[%get3A_533, %get3A_534] {strides = array<i32>} : memref<64x768xf32, #tpu.memory_space<vmem>>, vector<1x16xf32>,
        %get3A_536 = vector.shape_cast %get3A_535 : vector<1x16xf32> to vector<16xf32>
        %swap3A_537 = arith.index_cast %scan3A_179 : i32 to index
        %swap3A_538 = arith.constant 512 : index
        %swap3A_539 = tpu.vector_load %arg11[%swap3A_537, %swap3A_538] {strides = array<i32>} : memref<16x768xf32, #tpu.memory_space<vmem>>, vector<1x16xf32>,
        %swap3A_540 = vector.shape_cast %swap3A_539 : vector<1x16xf32> to vector<16xf32>
        %swap3A_541 = vector.shape_cast %get3A_536 : vector<16xf32> to vector<1x16xf32>
        tpu.vector_store %arg11[%swap3A_537, %swap3A_538], %swap3A_541 {add = true, strides = array<i32>} : memref<16x768xf32, #tpu.memory_space<vmem>>, vector<1x16xf32>,
        %add3A_542 = arith.constant 48 : i32
        %add3A_543 = arith.addi %add3A_542, %scan3A_179 : i32
        %get3A_544 = arith.index_cast %add3A_543 : i32 to index
        %get3A_545 = arith.constant 528 : index
        %get3A_546 = tpu.vector_load %arg7[%get3A_544, %get3A_545] {strides = array<i32>} : memref<64x768xf32, #tpu.memory_space<vmem>>, vector<1x16xf32>,
        %get3A_547 = vector.shape_cast %get3A_546 : vector<1x16xf32> to vector<16xf32>
        %swap3A_548 = arith.index_cast %scan3A_179 : i32 to index
        %swap3A_549 = arith.constant 528 : index
        %swap3A_550 = tpu.vector_load %arg11[%swap3A_548, %swap3A_549] {strides = array<i32>} : memref<16x768xf32, #tpu.memory_space<vmem>>, vector<1x16xf32>,
        %swap3A_551 = vector.shape_cast %swap3A_550 : vector<1x16xf32> to vector<16xf32>
        %swap3A_552 = vector.shape_cast %get3A_547 : vector<16xf32> to vector<1x16xf32>
        tpu.vector_store %arg11[%swap3A_548, %swap3A_549], %swap3A_552 {add = true, strides = array<i32>} : memref<16x768xf32, #tpu.memory_space<vmem>>, vector<1x16xf32>,
        %add3A_553 = arith.constant 48 : i32
        %add3A_554 = arith.addi %add3A_553, %scan3A_179 : i32
        %get3A_555 = arith.index_cast %add3A_554 : i32 to index
        %get3A_556 = arith.constant 544 : index
        %get3A_557 = tpu.vector_load %arg7[%get3A_555, %get3A_556] {strides = array<i32>} : memref<64x768xf32, #tpu.memory_space<vmem>>, vector<1x16xf32>,
        %get3A_558 = vector.shape_cast %get3A_557 : vector<1x16xf32> to vector<16xf32>
        %swap3A_559 = arith.index_cast %scan3A_179 : i32 to index
        %swap3A_560 = arith.constant 544 : index
        %swap3A_561 = tpu.vector_load %arg11[%swap3A_559, %swap3A_560] {strides = array<i32>} : memref<16x768xf32, #tpu.memory_space<vmem>>, vector<1x16xf32>,
        %swap3A_562 = vector.shape_cast %swap3A_561 : vector<1x16xf32> to vector<16xf32>
        %swap3A_563 = vector.shape_cast %get3A_558 : vector<16xf32> to vector<1x16xf32>
        tpu.vector_store %arg11[%swap3A_559, %swap3A_560], %swap3A_563 {add = true, strides = array<i32>} : memref<16x768xf32, #tpu.memory_space<vmem>>, vector<1x16xf32>,
        %add3A_564 = arith.constant 48 : i32
        %add3A_565 = arith.addi %add3A_564, %scan3A_179 : i32
        %get3A_566 = arith.index_cast %add3A_565 : i32 to index
        %get3A_567 = arith.constant 560 : index
        %get3A_568 = tpu.vector_load %arg7[%get3A_566, %get3A_567] {strides = array<i32>} : memref<64x768xf32, #tpu.memory_space<vmem>>, vector<1x16xf32>,
        %get3A_569 = vector.shape_cast %get3A_568 : vector<1x16xf32> to vector<16xf32>
        %swap3A_570 = arith.index_cast %scan3A_179 : i32 to index
        %swap3A_571 = arith.constant 560 : index
        %swap3A_572 = tpu.vector_load %arg11[%swap3A_570, %swap3A_571] {strides = array<i32>} : memref<16x768xf32, #tpu.memory_space<vmem>>, vector<1x16xf32>,
        %swap3A_573 = vector.shape_cast %swap3A_572 : vector<1x16xf32> to vector<16xf32>
        %swap3A_574 = vector.shape_cast %get3A_569 : vector<16xf32> to vector<1x16xf32>
        tpu.vector_store %arg11[%swap3A_570, %swap3A_571], %swap3A_574 {add = true, strides = array<i32>} : memref<16x768xf32, #tpu.memory_space<vmem>>, vector<1x16xf32>,
        %add3A_575 = arith.constant 48 : i32
        %add3A_576 = arith.addi %add3A_575, %scan3A_179 : i32
        %get3A_577 = arith.index_cast %add3A_576 : i32 to index
        %get3A_578 = arith.constant 576 : index
        %get3A_579 = tpu.vector_load %arg7[%get3A_577, %get3A_578] {strides = array<i32>} : memref<64x768xf32, #tpu.memory_space<vmem>>, vector<1x16xf32>,
        %get3A_580 = vector.shape_cast %get3A_579 : vector<1x16xf32> to vector<16xf32>
        %swap3A_581 = arith.index_cast %scan3A_179 : i32 to index
        %swap3A_582 = arith.constant 576 : index
        %swap3A_583 = tpu.vector_load %arg11[%swap3A_581, %swap3A_582] {strides = array<i32>} : memref<16x768xf32, #tpu.memory_space<vmem>>, vector<1x16xf32>,
        %swap3A_584 = vector.shape_cast %swap3A_583 : vector<1x16xf32> to vector<16xf32>
        %swap3A_585 = vector.shape_cast %get3A_580 : vector<16xf32> to vector<1x16xf32>
        tpu.vector_store %arg11[%swap3A_581, %swap3A_582], %swap3A_585 {add = true, strides = array<i32>} : memref<16x768xf32, #tpu.memory_space<vmem>>, vector<1x16xf32>,
        %add3A_586 = arith.constant 48 : i32
        %add3A_587 = arith.addi %add3A_586, %scan3A_179 : i32
        %get3A_588 = arith.index_cast %add3A_587 : i32 to index
        %get3A_589 = arith.constant 592 : index
        %get3A_590 = tpu.vector_load %arg7[%get3A_588, %get3A_589] {strides = array<i32>} : memref<64x768xf32, #tpu.memory_space<vmem>>, vector<1x16xf32>,
        %get3A_591 = vector.shape_cast %get3A_590 : vector<1x16xf32> to vector<16xf32>
        %swap3A_592 = arith.index_cast %scan3A_179 : i32 to index
        %swap3A_593 = arith.constant 592 : index
        %swap3A_594 = tpu.vector_load %arg11[%swap3A_592, %swap3A_593] {strides = array<i32>} : memref<16x768xf32, #tpu.memory_space<vmem>>, vector<1x16xf32>,
        %swap3A_595 = vector.shape_cast %swap3A_594 : vector<1x16xf32> to vector<16xf32>
        %swap3A_596 = vector.shape_cast %get3A_591 : vector<16xf32> to vector<1x16xf32>
        tpu.vector_store %arg11[%swap3A_592, %swap3A_593], %swap3A_596 {add = true, strides = array<i32>} : memref<16x768xf32, #tpu.memory_space<vmem>>, vector<1x16xf32>,
        %add3A_597 = arith.constant 48 : i32
        %add3A_598 = arith.addi %add3A_597, %scan3A_179 : i32
        %get3A_599 = arith.index_cast %add3A_598 : i32 to index
        %get3A_600 = arith.constant 608 : index
        %get3A_601 = tpu.vector_load %arg7[%get3A_599, %get3A_600] {strides = array<i32>} : memref<64x768xf32, #tpu.memory_space<vmem>>, vector<1x16xf32>,
        %get3A_602 = vector.shape_cast %get3A_601 : vector<1x16xf32> to vector<16xf32>
        %swap3A_603 = arith.index_cast %scan3A_179 : i32 to index
        %swap3A_604 = arith.constant 608 : index
        %swap3A_605 = tpu.vector_load %arg11[%swap3A_603, %swap3A_604] {strides = array<i32>} : memref<16x768xf32, #tpu.memory_space<vmem>>, vector<1x16xf32>,
        %swap3A_606 = vector.shape_cast %swap3A_605 : vector<1x16xf32> to vector<16xf32>
        %swap3A_607 = vector.shape_cast %get3A_602 : vector<16xf32> to vector<1x16xf32>
        tpu.vector_store %arg11[%swap3A_603, %swap3A_604], %swap3A_607 {add = true, strides = array<i32>} : memref<16x768xf32, #tpu.memory_space<vmem>>, vector<1x16xf32>,
        %add3A_608 = arith.constant 48 : i32
        %add3A_609 = arith.addi %add3A_608, %scan3A_179 : i32
        %get3A_610 = arith.index_cast %add3A_609 : i32 to index
        %get3A_611 = arith.constant 624 : index
        %get3A_612 = tpu.vector_load %arg7[%get3A_610, %get3A_611] {strides = array<i32>} : memref<64x768xf32, #tpu.memory_space<vmem>>, vector<1x16xf32>,
        %get3A_613 = vector.shape_cast %get3A_612 : vector<1x16xf32> to vector<16xf32>
        %swap3A_614 = arith.index_cast %scan3A_179 : i32 to index
        %swap3A_615 = arith.constant 624 : index
        %swap3A_616 = tpu.vector_load %arg11[%swap3A_614, %swap3A_615] {strides = array<i32>} : memref<16x768xf32, #tpu.memory_space<vmem>>, vector<1x16xf32>,
        %swap3A_617 = vector.shape_cast %swap3A_616 : vector<1x16xf32> to vector<16xf32>
        %swap3A_618 = vector.shape_cast %get3A_613 : vector<16xf32> to vector<1x16xf32>
        tpu.vector_store %arg11[%swap3A_614, %swap3A_615], %swap3A_618 {add = true, strides = array<i32>} : memref<16x768xf32, #tpu.memory_space<vmem>>, vector<1x16xf32>,
        %add3A_619 = arith.constant 48 : i32
        %add3A_620 = arith.addi %add3A_619, %scan3A_179 : i32
        %get3A_621 = arith.index_cast %add3A_620 : i32 to index
        %get3A_622 = arith.constant 640 : index
        %get3A_623 = tpu.vector_load %arg7[%get3A_621, %get3A_622] {strides = array<i32>} : memref<64x768xf32, #tpu.memory_space<vmem>>, vector<1x16xf32>,
        %get3A_624 = vector.shape_cast %get3A_623 : vector<1x16xf32> to vector<16xf32>
        %swap3A_625 = arith.index_cast %scan3A_179 : i32 to index
        %swap3A_626 = arith.constant 640 : index
        %swap3A_627 = tpu.vector_load %arg11[%swap3A_625, %swap3A_626] {strides = array<i32>} : memref<16x768xf32, #tpu.memory_space<vmem>>, vector<1x16xf32>,
        %swap3A_628 = vector.shape_cast %swap3A_627 : vector<1x16xf32> to vector<16xf32>
        %swap3A_629 = vector.shape_cast %get3A_624 : vector<16xf32> to vector<1x16xf32>
        tpu.vector_store %arg11[%swap3A_625, %swap3A_626], %swap3A_629 {add = true, strides = array<i32>} : memref<16x768xf32, #tpu.memory_space<vmem>>, vector<1x16xf32>,
        %add3A_630 = arith.constant 48 : i32
        %add3A_631 = arith.addi %add3A_630, %scan3A_179 : i32
        %get3A_632 = arith.index_cast %add3A_631 : i32 to index
        %get3A_633 = arith.constant 656 : index
        %get3A_634 = tpu.vector_load %arg7[%get3A_632, %get3A_633] {strides = array<i32>} : memref<64x768xf32, #tpu.memory_space<vmem>>, vector<1x16xf32>,
        %get3A_635 = vector.shape_cast %get3A_634 : vector<1x16xf32> to vector<16xf32>
        %swap3A_636 = arith.index_cast %scan3A_179 : i32 to index
        %swap3A_637 = arith.constant 656 : index
        %swap3A_638 = tpu.vector_load %arg11[%swap3A_636, %swap3A_637] {strides = array<i32>} : memref<16x768xf32, #tpu.memory_space<vmem>>, vector<1x16xf32>,
        %swap3A_639 = vector.shape_cast %swap3A_638 : vector<1x16xf32> to vector<16xf32>
        %swap3A_640 = vector.shape_cast %get3A_635 : vector<16xf32> to vector<1x16xf32>
        tpu.vector_store %arg11[%swap3A_636, %swap3A_637], %swap3A_640 {add = true, strides = array<i32>} : memref<16x768xf32, #tpu.memory_space<vmem>>, vector<1x16xf32>,
        %add3A_641 = arith.constant 48 : i32
        %add3A_642 = arith.addi %add3A_641, %scan3A_179 : i32
        %get3A_643 = arith.index_cast %add3A_642 : i32 to index
        %get3A_644 = arith.constant 672 : index
        %get3A_645 = tpu.vector_load %arg7[%get3A_643, %get3A_644] {strides = array<i32>} : memref<64x768xf32, #tpu.memory_space<vmem>>, vector<1x16xf32>,
        %get3A_646 = vector.shape_cast %get3A_645 : vector<1x16xf32> to vector<16xf32>
        %swap3A_647 = arith.index_cast %scan3A_179 : i32 to index
        %swap3A_648 = arith.constant 672 : index
        %swap3A_649 = tpu.vector_load %arg11[%swap3A_647, %swap3A_648] {strides = array<i32>} : memref<16x768xf32, #tpu.memory_space<vmem>>, vector<1x16xf32>,
        %swap3A_650 = vector.shape_cast %swap3A_649 : vector<1x16xf32> to vector<16xf32>
        %swap3A_651 = vector.shape_cast %get3A_646 : vector<16xf32> to vector<1x16xf32>
        tpu.vector_store %arg11[%swap3A_647, %swap3A_648], %swap3A_651 {add = true, strides = array<i32>} : memref<16x768xf32, #tpu.memory_space<vmem>>, vector<1x16xf32>,
        %add3A_652 = arith.constant 48 : i32
        %add3A_653 = arith.addi %add3A_652, %scan3A_179 : i32
        %get3A_654 = arith.index_cast %add3A_653 : i32 to index
        %get3A_655 = arith.constant 688 : index
        %get3A_656 = tpu.vector_load %arg7[%get3A_654, %get3A_655] {strides = array<i32>} : memref<64x768xf32, #tpu.memory_space<vmem>>, vector<1x16xf32>,
        %get3A_657 = vector.shape_cast %get3A_656 : vector<1x16xf32> to vector<16xf32>
        %swap3A_658 = arith.index_cast %scan3A_179 : i32 to index
        %swap3A_659 = arith.constant 688 : index
        %swap3A_660 = tpu.vector_load %arg11[%swap3A_658, %swap3A_659] {strides = array<i32>} : memref<16x768xf32, #tpu.memory_space<vmem>>, vector<1x16xf32>,
        %swap3A_661 = vector.shape_cast %swap3A_660 : vector<1x16xf32> to vector<16xf32>
        %swap3A_662 = vector.shape_cast %get3A_657 : vector<16xf32> to vector<1x16xf32>
        tpu.vector_store %arg11[%swap3A_658, %swap3A_659], %swap3A_662 {add = true, strides = array<i32>} : memref<16x768xf32, #tpu.memory_space<vmem>>, vector<1x16xf32>,
        %add3A_663 = arith.constant 48 : i32
        %add3A_664 = arith.addi %add3A_663, %scan3A_179 : i32
        %get3A_665 = arith.index_cast %add3A_664 : i32 to index
        %get3A_666 = arith.constant 704 : index
        %get3A_667 = tpu.vector_load %arg7[%get3A_665, %get3A_666] {strides = array<i32>} : memref<64x768xf32, #tpu.memory_space<vmem>>, vector<1x16xf32>,
        %get3A_668 = vector.shape_cast %get3A_667 : vector<1x16xf32> to vector<16xf32>
        %swap3A_669 = arith.index_cast %scan3A_179 : i32 to index
        %swap3A_670 = arith.constant 704 : index
        %swap3A_671 = tpu.vector_load %arg11[%swap3A_669, %swap3A_670] {strides = array<i32>} : memref<16x768xf32, #tpu.memory_space<vmem>>, vector<1x16xf32>,
        %swap3A_672 = vector.shape_cast %swap3A_671 : vector<1x16xf32> to vector<16xf32>
        %swap3A_673 = vector.shape_cast %get3A_668 : vector<16xf32> to vector<1x16xf32>
        tpu.vector_store %arg11[%swap3A_669, %swap3A_670], %swap3A_673 {add = true, strides = array<i32>} : memref<16x768xf32, #tpu.memory_space<vmem>>, vector<1x16xf32>,
        %add3A_674 = arith.constant 48 : i32
        %add3A_675 = arith.addi %add3A_674, %scan3A_179 : i32
        %get3A_676 = arith.index_cast %add3A_675 : i32 to index
        %get3A_677 = arith.constant 720 : index
        %get3A_678 = tpu.vector_load %arg7[%get3A_676, %get3A_677] {strides = array<i32>} : memref<64x768xf32, #tpu.memory_space<vmem>>, vector<1x16xf32>,
        %get3A_679 = vector.shape_cast %get3A_678 : vector<1x16xf32> to vector<16xf32>
        %swap3A_680 = arith.index_cast %scan3A_179 : i32 to index
        %swap3A_681 = arith.constant 720 : index
        %swap3A_682 = tpu.vector_load %arg11[%swap3A_680, %swap3A_681] {strides = array<i32>} : memref<16x768xf32, #tpu.memory_space<vmem>>, vector<1x16xf32>,
        %swap3A_683 = vector.shape_cast %swap3A_682 : vector<1x16xf32> to vector<16xf32>
        %swap3A_684 = vector.shape_cast %get3A_679 : vector<16xf32> to vector<1x16xf32>
        tpu.vector_store %arg11[%swap3A_680, %swap3A_681], %swap3A_684 {add = true, strides = array<i32>} : memref<16x768xf32, #tpu.memory_space<vmem>>, vector<1x16xf32>,
        %add3A_685 = arith.constant 48 : i32
        %add3A_686 = arith.addi %add3A_685, %scan3A_179 : i32
        %get3A_687 = arith.index_cast %add3A_686 : i32 to index
        %get3A_688 = arith.constant 736 : index
        %get3A_689 = tpu.vector_load %arg7[%get3A_687, %get3A_688] {strides = array<i32>} : memref<64x768xf32, #tpu.memory_space<vmem>>, vector<1x16xf32>,
        %get3A_690 = vector.shape_cast %get3A_689 : vector<1x16xf32> to vector<16xf32>
        %swap3A_691 = arith.index_cast %scan3A_179 : i32 to index
        %swap3A_692 = arith.constant 736 : index
        %swap3A_693 = tpu.vector_load %arg11[%swap3A_691, %swap3A_692] {strides = array<i32>} : memref<16x768xf32, #tpu.memory_space<vmem>>, vector<1x16xf32>,
        %swap3A_694 = vector.shape_cast %swap3A_693 : vector<1x16xf32> to vector<16xf32>
        %swap3A_695 = vector.shape_cast %get3A_690 : vector<16xf32> to vector<1x16xf32>
        tpu.vector_store %arg11[%swap3A_691, %swap3A_692], %swap3A_695 {add = true, strides = array<i32>} : memref<16x768xf32, #tpu.memory_space<vmem>>, vector<1x16xf32>,
        %add3A_696 = arith.constant 48 : i32
        %add3A_697 = arith.addi %add3A_696, %scan3A_179 : i32
        %get3A_698 = arith.index_cast %add3A_697 : i32 to index
        %get3A_699 = arith.constant 752 : index
        %get3A_700 = tpu.vector_load %arg7[%get3A_698, %get3A_699] {strides = array<i32>} : memref<64x768xf32, #tpu.memory_space<vmem>>, vector<1x16xf32>,
        %get3A_701 = vector.shape_cast %get3A_700 : vector<1x16xf32> to vector<16xf32>
        %swap3A_702 = arith.index_cast %scan3A_179 : i32 to index
        %swap3A_703 = arith.constant 752 : index
        %swap3A_704 = tpu.vector_load %arg11[%swap3A_702, %swap3A_703] {strides = array<i32>} : memref<16x768xf32, #tpu.memory_space<vmem>>, vector<1x16xf32>,
        %swap3A_705 = vector.shape_cast %swap3A_704 : vector<1x16xf32> to vector<16xf32>
        %swap3A_706 = vector.shape_cast %get3A_701 : vector<16xf32> to vector<1x16xf32>
        tpu.vector_store %arg11[%swap3A_702, %swap3A_703], %swap3A_706 {add = true, strides = array<i32>} : memref<16x768xf32, #tpu.memory_space<vmem>>, vector<1x16xf32>,
        %scan3A_707 = arith.constant 0 : i32
        scf.yield %scan3A_707 : i32
      }
      %scan3A_169 = arith.constant 16 : i32
      %add3A_170 = arith.constant 48 : i32
      %add3A_171 = arith.addi %mul3A_2, %add3A_170 : i32
      %dma_start3A_172 = arith.constant 0 : i32
      %dma_start3A_173 = tpu.memref_slice %arg5[%scan3A_64, %add3A_171, %dma_start3A_172] : memref<4x2048x768xf32, #tpu.memory_space<hbm>> -> memref<1x16x768xf32, #tpu.memory_space<hbm>>
      %dma_start3A_174 = tpu.memref_squeeze %dma_start3A_173 : memref<1x16x768xf32, #tpu.memory_space<hbm>> -> memref<16x768xf32, #tpu.memory_space<hbm>>
      %dma_start3A_175 = arith.constant 0 : i32
      %dma_start3A_176 = tpu.memref_slice %arg5[%scan3A_64, %add3A_171, %dma_start3A_175] : memref<4x2048x768xf32, #tpu.memory_space<hbm>> -> memref<1x16x768xf32, #tpu.memory_space<hbm>>
      %dma_start3A_177 = tpu.memref_squeeze %dma_start3A_176 : memref<1x16x768xf32, #tpu.memory_space<hbm>> -> memref<16x768xf32, #tpu.memory_space<hbm>>
      tpu.enqueue_dma source(%arg11 : memref<16x768xf32, #tpu.memory_space<vmem>>) target(%dma_start3A_177 : memref<16x768xf32, #tpu.memory_space<hbm>>) target_semaphore(%arg19 : memref<!tpu.dma_semaphore, #tpu.memory_space<semaphore_mem>>)
      %scan3A_178 = arith.constant 0 : i32
      scf.yield %scan3A_178 : i32
    }
    %scan3A_28 = arith.constant 4 : i32
    %add3A_29 = arith.constant 0 : i32
    %add3A_30 = arith.addi %mul3A_2, %add3A_29 : i32
    %dma_wait3A = arith.constant 3 : i32
    %dma_wait3A_31 = arith.constant 0 : i32
    %dma_wait3A_32 = tpu.memref_slice %arg5[%dma_wait3A, %add3A_30, %dma_wait3A_31] : memref<4x2048x768xf32, #tpu.memory_space<hbm>> -> memref<1x16x768xf32, #tpu.memory_space<hbm>>
    %dma_wait3A_33 = tpu.memref_squeeze %dma_wait3A_32 : memref<1x16x768xf32, #tpu.memory_space<hbm>> -> memref<16x768xf32, #tpu.memory_space<hbm>>
    %dma_wait3A_34 = arith.constant 0 : i32
    %dma_wait3A_35 = tpu.memref_slice %arg5[%dma_wait3A, %add3A_30, %dma_wait3A_34] : memref<4x2048x768xf32, #tpu.memory_space<hbm>> -> memref<1x16x768xf32, #tpu.memory_space<hbm>>
    %dma_wait3A_36 = tpu.memref_squeeze %dma_wait3A_35 : memref<1x16x768xf32, #tpu.memory_space<hbm>> -> memref<16x768xf32, #tpu.memory_space<hbm>>
    tpu.wait_dma2 semaphore(%arg16 : memref<!tpu.dma_semaphore, #tpu.memory_space<semaphore_mem>>) src(%arg8 : memref<16x768xf32, #tpu.memory_space<vmem>>) dst(%dma_wait3A_36 : memref<16x768xf32, #tpu.memory_space<hbm>>)
    %add3A_37 = arith.constant 16 : i32
    %add3A_38 = arith.addi %mul3A_2, %add3A_37 : i32
    %dma_wait3A_39 = arith.constant 3 : i32
    %dma_wait3A_40 = arith.constant 0 : i32
    %dma_wait3A_41 = tpu.memref_slice %arg5[%dma_wait3A_39, %add3A_38, %dma_wait3A_40] : memref<4x2048x768xf32, #tpu.memory_space<hbm>> -> memref<1x16x768xf32, #tpu.memory_space<hbm>>
    %dma_wait3A_42 = tpu.memref_squeeze %dma_wait3A_41 : memref<1x16x768xf32, #tpu.memory_space<hbm>> -> memref<16x768xf32, #tpu.memory_space<hbm>>
    %dma_wait3A_43 = arith.constant 0 : i32
    %dma_wait3A_44 = tpu.memref_slice %arg5[%dma_wait3A_39, %add3A_38, %dma_wait3A_43] : memref<4x2048x768xf32, #tpu.memory_space<hbm>> -> memref<1x16x768xf32, #tpu.memory_space<hbm>>
    %dma_wait3A_45 = tpu.memref_squeeze %dma_wait3A_44 : memref<1x16x768xf32, #tpu.memory_space<hbm>> -> memref<16x768xf32, #tpu.memory_space<hbm>>
    tpu.wait_dma2 semaphore(%arg17 : memref<!tpu.dma_semaphore, #tpu.memory_space<semaphore_mem>>) src(%arg9 : memref<16x768xf32, #tpu.memory_space<vmem>>) dst(%dma_wait3A_45 : memref<16x768xf32, #tpu.memory_space<hbm>>)
    %add3A_46 = arith.constant 32 : i32
    %add3A_47 = arith.addi %mul3A_2, %add3A_46 : i32
    %dma_wait3A_48 = arith.constant 3 : i32
    %dma_wait3A_49 = arith.constant 0 : i32
    %dma_wait3A_50 = tpu.memref_slice %arg5[%dma_wait3A_48, %add3A_47, %dma_wait3A_49] : memref<4x2048x768xf32, #tpu.memory_space<hbm>> -> memref<1x16x768xf32, #tpu.memory_space<hbm>>
    %dma_wait3A_51 = tpu.memref_squeeze %dma_wait3A_50 : memref<1x16x768xf32, #tpu.memory_space<hbm>> -> memref<16x768xf32, #tpu.memory_space<hbm>>
    %dma_wait3A_52 = arith.constant 0 : i32
    %dma_wait3A_53 = tpu.memref_slice %arg5[%dma_wait3A_48, %add3A_47, %dma_wait3A_52] : memref<4x2048x768xf32, #tpu.memory_space<hbm>> -> memref<1x16x768xf32, #tpu.memory_space<hbm>>
    %dma_wait3A_54 = tpu.memref_squeeze %dma_wait3A_53 : memref<1x16x768xf32, #tpu.memory_space<hbm>> -> memref<16x768xf32, #tpu.memory_space<hbm>>
    tpu.wait_dma2 semaphore(%arg18 : memref<!tpu.dma_semaphore, #tpu.memory_space<semaphore_mem>>) src(%arg10 : memref<16x768xf32, #tpu.memory_space<vmem>>) dst(%dma_wait3A_54 : memref<16x768xf32, #tpu.memory_space<hbm>>)
    %add3A_55 = arith.constant 48 : i32
    %add3A_56 = arith.addi %mul3A_2, %add3A_55 : i32
    %dma_wait3A_57 = arith.constant 3 : i32
    %dma_wait3A_58 = arith.constant 0 : i32
    %dma_wait3A_59 = tpu.memref_slice %arg5[%dma_wait3A_57, %add3A_56, %dma_wait3A_58] : memref<4x2048x768xf32, #tpu.memory_space<hbm>> -> memref<1x16x768xf32, #tpu.memory_space<hbm>>
    %dma_wait3A_60 = tpu.memref_squeeze %dma_wait3A_59 : memref<1x16x768xf32, #tpu.memory_space<hbm>> -> memref<16x768xf32, #tpu.memory_space<hbm>>
    %dma_wait3A_61 = arith.constant 0 : i32
    %dma_wait3A_62 = tpu.memref_slice %arg5[%dma_wait3A_57, %add3A_56, %dma_wait3A_61] : memref<4x2048x768xf32, #tpu.memory_space<hbm>> -> memref<1x16x768xf32, #tpu.memory_space<hbm>>
    %dma_wait3A_63 = tpu.memref_squeeze %dma_wait3A_62 : memref<1x16x768xf32, #tpu.memory_space<hbm>> -> memref<16x768xf32, #tpu.memory_space<hbm>>
    tpu.wait_dma2 semaphore(%arg19 : memref<!tpu.dma_semaphore, #tpu.memory_space<semaphore_mem>>) src(%arg11 : memref<16x768xf32, #tpu.memory_space<vmem>>) dst(%dma_wait3A_63 : memref<16x768xf32, #tpu.memory_space<hbm>>)
    return
  }
}

</mosaic_0001>

<sc_bundles>
// kernel: _embed.3.cloned.1.call-start
scs
__scs_entry_jumppad:
0x0: {  	(pc) =	sbr.rel $0x88, $3  }
0x1: {  	(tag) =	ssettag $0x0;
	lr =	simm.s32 $0x1  }
0x2: {  	[smem:$0x3F9E] =	sst lr;
	_ =	strace $0xD0000000  }
0x3: {  	_ = 	snop  }
0x4: {  	_ = 	snop  }
0x5: {  	_ = 	snop  }
0x6: {  	_ = 	snop  }
0x7: {  	_ = 	snop  }
__scs_overlays_trampoline_lowered:
0x8: {  	[smem:$0x3FAD] =	sst s0  }
0x9: {  	[smem:$0x3FAE] =	sst s1  }
0xa: {  	[smem:$0x3FAF] =	sst s2  }
0xb: {  	[smem:$0x3FB0] =	sst s3  }
0xc: {  	[smem:$0x3FB1] =	sst s4  }
0xd: {  	[smem:$0x3FB2] =	sst s5  }
0xe: {  	[smem:$0x3FB3] =	sst s6  }
0xf: {  	[smem:$0x3FB4] =	sst s7  }
0x10: {  	[smem:$0x3FB5] =	sst s8  }
0x11: {  	[smem:$0x3FB6] =	sst s9;
	s0 =	simm.s32 @!p0 $0x0  }
0x12: {  	s1 =	sld [smem:$0x3F9C];
	s0 =	simm.s32 @p0 $0x1  }
0x13: {  	[smem:$0x3FB7] =	sst s0;
	s0 =	simm.s32 @!p1 $0x0  }
0x14: {  	s2 =	sld [smem:$0x3F9B];
	s0 =	simm.s32 @p1 $0x1  }
0x15: {  	[smem:$0x3FB8] =	sst s0;
	s0 =	simm.s32 @!p2 $0x0  }
0x16: {  	s3 =	sld [smem:$0x3FDB];
	s0 =	simm.s32 @p2 $0x1  }
0x17: {  	s4 =	simm.s32 $0x1BF5;
	[smem:$0x3FBA] =	sst s0  }
0x18: {  	s0 =	sld [smem:$0x3F9D];
	_ =	swait.ge [sflag:s4], $0x0  }
0x19: {  	s7 =	sld [smem:$0x3F9E]  }
0x1a: {  	s8 =	sadd.s32 $0xFFFFE003, lr  }
0x1b: {  	s9 =	sadd.s32 $0xFFFFFEF7, lr;
	s5 =	simm.s32 $0xFFFFFFFF;
	p2 =	slt.u32 s8, $0xFFFFF086  }
0x1c: {  	p1 =	slt.u32 s9, $0xF7A;
	s5 =	simm.s32 @!p2 $0x0  }
0x1d: {  	s5 =	simm.s32 @p1 $0x1;
	p0 =	seq.s32 s7, s2  }
0x1e: {  	s7 =	smul.u32 @!p0 $0xF7A, s2;
	p2 =	seq.s32 @!p0 s5, $0x0  }
0x1f: {  	s9 =	smul.u32 $0xF7A, s1;
	s8 =	simm.s32 @!p0 $0x1BF5;
	p2 =	por !p2, p0  }
0x20: {  	[sflag:s8] =	ssyncset.s32 @!p0 $0xFFFFF086;
	s6 =	sadd.s32 @!p0 s3, s7;
	s7 =	simm.s32 @!p0 $0x108  }
0x21: {  	s3 =	sadd.s32 s3, s9;
	s6 =	sadd.s32 @!p0 $0x88, s6;
	s7 =	simm.s32 @p2 $0x1082  }
0x22: {  	[simem:s7], [sflag:s8] =	dma.local @!p0 [hbm:s6], $0xF7A  }
0x23: {  	s9 =	sor.u32 $0xD0000000, s2;
	s6 =	simm.s32 $0x108;
	_ =	swait.ge @!p0 [sflag:s8], $0x0  }
0x24: {  	s3 =	sadd.s32 $0x88, s3;
	s6 =	simm.s32 @!p1 $0x1082;
	[sflag:s4] =	ssyncset.s32 $0xFFFFF086  }
0x25: {  	[simem:s6], [sflag:s4] =	dma.local [hbm:s3], $0xF7A  }
0x26: {  	[smem:$0x3F9E] =	sst s1;
	(tag) =	ssettag s2;
	_ =	strace s9  }
0x27: {  	s1 =	sld [smem:$0x3FAE]  }
0x28: {  	s2 =	sld [smem:$0x3FAF]  }
0x29: {  	s4 =	sld [smem:$0x3FB1]  }
0x2a: {  	p0 =	seq.s32 s5, $0x0;
	s5 =	sld [smem:$0x3FB2]  }
0x2b: {  	s6 =	sld [smem:$0x3FB3]  }
0x2c: {  	s7 =	sld [smem:$0x3FB4]  }
0x2d: {  	s3 =	simm.s32 $0x108;
	s8 =	sld [smem:$0x3FB5]  }
0x2e: {  	s3 =	simm.s32 @!p0 $0x1082;
	s9 =	sld [smem:$0x3FB6]  }
0x2f: {  	lr =	sadd.s32 s0, s3;
	s0 =	sld [smem:$0x3FAD]  }
0x30: {  	s3 =	sld [smem:$0x3FB0]  }
0x31: {  	[smem:$0x3FB9] =	sst s10  }
0x32: {  	s10 =	sld [smem:$0x3FB7];
	_ =	sdelay $0x3  }
0x33: {  	p0 =	seq.s32 s10, $0x1;
	s10 =	sld [smem:$0x3FB9];
	_ =	sdelay $0x3  }
0x34: {  	[smem:$0x3FB9] =	sst s10  }
0x35: {  	s10 =	sld [smem:$0x3FB8];
	_ =	sdelay $0x3  }
0x36: {  	p1 =	seq.s32 s10, $0x1;
	s10 =	sld [smem:$0x3FB9];
	_ =	sdelay $0x3  }
0x37: {  	[smem:$0x3FB9] =	sst s10  }
0x38: {  	s10 =	sld [smem:$0x3FBA]  }
0x39: {  	_ = 	snop;
	(pc) =	sbr.ind lr, $3  }
0x3a: {  	_ = 	snop  }
0x3b: {  	_ = 	snop  }
0x3c: {  	p2 =	seq.s32 s10, $0x1;
	s10 =	sld [smem:$0x3FB9]  }
0x3d: {  	_ =	shalt  }
0x3e: {  	_ =	shalt  }
0x3f: {  	_ =	shalt  }
0x40: {  	_ =	shalt  }
0x41: {  	_ =	shalt  }
0x42: {  	_ =	shalt  }
0x43: {  	_ =	shalt  }
0x44: {  	_ =	shalt  }
0x45: {  	_ =	shalt  }
0x46: {  	_ =	shalt  }
0x47: {  	_ =	shalt  }
0x48: {  	_ =	shalt  }
0x49: {  	_ =	shalt  }
0x4a: {  	_ =	shalt  }
0x4b: {  	_ =	shalt  }
0x4c: {  	_ =	shalt  }
0x4d: {  	_ =	shalt  }
0x4e: {  	_ =	shalt  }
0x4f: {  	_ =	shalt  }
0x50: {  	_ =	shalt  }
0x51: {  	_ =	shalt  }
0x52: {  	_ =	shalt  }
0x53: {  	_ =	shalt  }
0x54: {  	_ =	shalt  }
0x55: {  	_ =	shalt  }
0x56: {  	_ =	shalt  }
0x57: {  	_ =	shalt  }
0x58: {  	_ =	shalt  }
0x59: {  	_ =	shalt  }
0x5a: {  	_ =	shalt  }
0x5b: {  	_ =	shalt  }
0x5c: {  	_ =	shalt  }
0x5d: {  	_ =	shalt  }
0x5e: {  	_ =	shalt  }
0x5f: {  	_ =	shalt  }
0x60: {  	_ =	shalt  }
0x61: {  	_ =	shalt  }
0x62: {  	_ =	shalt  }
0x63: {  	_ =	shalt  }
0x64: {  	_ =	shalt  }
0x65: {  	_ =	shalt  }
0x66: {  	_ =	shalt  }
0x67: {  	_ =	shalt  }
0x68: {  	_ =	shalt  }
0x69: {  	_ =	shalt  }
0x6a: {  	_ =	shalt  }
0x6b: {  	_ =	shalt  }
0x6c: {  	_ =	shalt  }
0x6d: {  	_ =	shalt  }
0x6e: {  	_ =	shalt  }
0x6f: {  	_ =	shalt  }
0x70: {  	_ =	shalt  }
0x71: {  	_ =	shalt  }
0x72: {  	_ =	shalt  }
0x73: {  	_ =	shalt  }
0x74: {  	_ =	shalt  }
0x75: {  	_ =	shalt  }
0x76: {  	_ =	shalt  }
0x77: {  	_ =	shalt  }
0x78: {  	_ =	shalt  }
0x79: {  	_ =	shalt  }
0x7a: {  	_ =	shalt  }
0x7b: {  	_ =	shalt  }
0x7c: {  	_ =	shalt  }
0x7d: {  	_ =	shalt  }
0x7e: {  	_ =	shalt  }
0x7f: {  	_ =	shalt  }
0x80: {  	_ =	shalt  }
0x81: {  	_ =	shalt  }
0x82: {  	_ =	shalt  }
0x83: {  	_ =	shalt  }
0x84: {  	_ =	shalt  }
0x85: {  	_ =	shalt  }
0x86: {  	_ =	shalt  }
0x87: {  	_ =	shalt  }
.Lfunc_end0:
.L_simem_size_0:
called_computation_lowered:
.L_overlay_start_0:
0x88: {  	s2 =	sld [smem:$0x3FD9]  }
0x89: {  	s3 =	sld [smem:$0x3FFE];
	_ =	sdelay $0x1  }
0x8a: {  	s1 =	srdreg.scid  }
0x8b: {  	s0 =	sand.u32 $0x1, s1  }
0x8c: {  	s18 =	sshll.u32 s0, $0xA;
	s2 =	sadd.s32 s3, s2  }
0x8d: {  	s2 =	sadd.s32 s2, s18  }
0x8e: {  	[smem:$0x3FC5] =	sst s2  }
0x8f: {  	_ = 	snop  }
0x90: {  	s2 =	sld [smem:$0x3FC9]  }
0x91: {  	s19 =	sld [smem:$0x3FC8]  }
0x92: {  	s4 =	sld [smem:$0x3FC7]  }
0x93: {  	s5 =	sld [smem:$0x3FD0];
	(tm) =	ssettm $0x1  }
0x94: {  	s6 =	sld [smem:$0x3FFB];
	_ =	sdelay $0x3  }
0x95: {  	_ =	strace s6  }
0x96: {  	s6 =	sld [smem:$0x3FFC];
	_ =	sdelay $0x3  }
0x97: {  	_ =	strace s6  }
0x98: {  	s6 =	sld [smem:$0x3FFD];
	_ =	sdelay $0x3  }
0x99: {  	_ =	strace s6  }
0x9a: {  	_ =	strace $0x8FFFFFFF  }
0x9b: {  	s20 =	sld [smem:$0x3FDB];
	_ =	sdelay $0x1  }
0x9c: {  	s7 =	simm.s32 $_scs_section_size  }
0x9d: {  	s8 =	simm.s32 $_size__tile_overlayer_lowered;
	s9 =	simm.s32 $_tile_overlayer_lowered  }
0x9e: {  	s23 =	simm.s32 $0x1BFF;
	s22 =	sshll.u32 s9, $0x1;
	s6 =	sadd.s32 s7, s20  }
0x9f: {  	s10 =	simm.s32 $0x0;
	s21 =	sshll.u32 s8, $0x1;
	s8 =	sadd.s32 s22, s6  }
0xa0: {  	[timem:s10], [sflag:s23] =	dma.local [hbm:s8], s21  }
0xa1: {  	_ =	swait.ge [sflag:s23], s21  }
0xa2: {  	s7 =	ssub.s32 $0x0, s21;
	[sflag:s23] =	ssyncset.done $0x0  }
0xa3: {  	[sflag:s23] =	ssyncadd.s32 s7;
	_ =	sdelay $0x1  }
0xa4: {  	s24 =	simm.s32 $0x1B8B  }
0xa5: {  	_ =	swait.ge [sflag:s24], $0x1  }
0xa6: {  	[sflag:s24] =	ssyncset.done $0x0  }
0xa7: {  	s25 =	simm.s32 $0x1B8E;
	[sflag:s24] =	ssyncadd.s32 $0xFFFFFFFF  }
0xa8: {  	s26 =	simm.s32 $execute0_lowered;
	[smem:$0x3FD2] =	sst s25  }
0xa9: {  	s7 =	sshll.u32 s26, $0x1;
	_ =	strace $0x80000046;
	[dreg:$0x1] =	wrdreg $0xFFFFFFFF  }
0xaa: {  	s28 =	simm.s32 $_size_execute0_lowered;
	s6 =	sadd.s32 s6, s7;
	[dreg:$0x0] =	wrdreg $0x0  }
0xab: {  	s7 =	sshll.u32 s28, $0x1;
	[dreg:$0x2] =	wrdreg s6  }
0xac: {  	[dreg:$0x3] =	wrdreg s7  }
0xad: {  	[dreg:$0x4] =	wrdreg $0xC0  }
0xae: {  	_ =	task [dreg:s10], $0x5FFFF  }
0xaf: {  	[dreg:$0x1] =	wrdreg $0xFFFFFFFF  }
0xb0: {  	[dreg:$0x0] =	wrdreg $0x60  }
0xb1: {  	[dreg:$0x2] =	wrdreg s2  }
0xb2: {  	[dreg:$0x3] =	wrdreg s19  }
0xb3: {  	[dreg:$0x4] =	wrdreg s4  }
0xb4: {  	[dreg:$0x5] =	wrdreg s5  }
0xb5: {  	[dreg:$0x6] =	wrdreg $0x9  }
0xb6: {  	_ =	task.clear_ibuf [dreg:s10], $0x7FFFF;
	_ =	strace $0x90000046  }
0xb7: {  	s29 =	simm.s32 $0x9;
	_ =	strace $0x80000048  }
0xb8: {  	_ =	swait.ge [sflag:s29], $0x1  }
0xb9: {  	[sflag:s29] =	ssyncadd.s32 $0xFFFFFFFF  }
0xba: {  	_ =	strace $0x90000048  }
0xbb: {  	_ =	sfence  }
0xbc: {  	s30 =	sld [smem:$0x0];
	_ =	sdelay $0x2  }
0xbd: {  	s31 =	sshll.u32 s1, $0xD;
	s1 =	sshrl.u32 s1, $0x2  }
0xbe: {  	s3 =	sand.u32 $0x4000, s31;
	s1 =	sadd.s32 s1, s30  }
0xbf: {  	s0 =	sor.u32 s3, s0;
	s1 =	sshll.u32 s1, $0x11  }
0xc0: {  	s0 =	sor.u32 s1, s0  }
0xc1: {  	s0 =	sadd.s32 $0x8F2B, s0  }
0xc2: {  	[sflag:s0] =	ssyncadd.remote.s32 $0x1  }
0xc3: {  	_ =	sfence.sel $0xFFFF  }
0xc4: {  	[dreg:$0x0] =	wrdreg $0xFFFFFFFF;
	(pc) =	sbr.abs _section_cstart, $3  }
0xc5: {  	[dreg:$0x1] =	wrdreg $0xFFFFFFFF  }
0xc6: {  	_ =	task.clear_ibuf [dreg:s10], $0x2FFFF;
	_ =	strace $0x9FFFFFFF  }
0xc7: {  	(tm) =	ssettm $0x7FFFFFFF  }
tec
execute0_lowered:
.L_overlay_start_1:
0x0: {  	(tag) =	ssettag $0x1  }
0x1: {  	s0 =	rddreg [dreg:$0x0]  }
0x2: {  	s1 =	rddreg [dreg:$0x1]  }
0x3: {  	s2 =	srdreg.scid;
	s5 =	rddreg [dreg:$0x2]  }
0x4: {  	s4 =	stileid.u32;
	s3 =	rddreg [dreg:$0x3]  }
0x5: {  	s22 =	simm.s32 $0xC200;
	s29 =	simm.s32 $0xF200;
	s19 =	simm.s32 $0x1  }
0x6: {  	s20 =	simm.s32 $0x12200;
	s28 =	simm.s32 $0x2;
	s30 =	simm.s32 $0x15200  }
0x7: {  	s2 =	sand.u32 $0x1, s2;
	s4 =	sshll.u32 s4, $0x7;
	s11 =	sadd.s32 $0x100, s1  }
0x8: {  	s12 =	sadd.s32 $0x200, s1;
	s6 =	sshll.u32 s2, $0x6;
	s2 =	ssub.s32 $0x2, s2  }
0x9: {  	s7 =	sor.u32 s6, s4;
	s4 =	simm.s32 $0x0;
	s9 =	sshrl.u32 s2, $0x1  }
0xa: {  	s8 =	sshll.u32 s7, $0x2;
	[smem:$0x7FF] =	sst s4;
	s2 =	ssub.s32 s2, s9  }
0xb: {  	s7 =	sshrl.u32 s7, $0x3;
	s10 =	sand.u32 $0x1E00, s8;
	_ =	strace $0x80000047  }
0xc: {  	s31 =	smax.u32 s2, $0x1;
	s23 =	sor.u32 s6, s10;
	s6 =	sor.u32 s6, s8  }
0xd: {  	[dreg:$0xa] =	wrdreg s31;
	s9 =	sshrl.u32 s23, $0x3;
	s8 =	sshrl.u32 s6, $0x3  }
0xe: {  	s6 =	smul.u32 $0x1800, s7;
	s9 =	sadd.s32 s0, s9;
	s25 =	sor.u32 $0x20, s8  }
0xf: {  	s8 =	sor.u32 $0x30, s8;
	[dreg:$0x5] =	wrdreg s9;
	s24 =	sadd.s32 $0x10, s9  }
0x10: {  	s7 =	sadd.s32 s0, s25;
	s0 =	sadd.s32 s0, s8;
	s26 =	sshrl.u32 s6, $0x3  }
0x11: {  	s13 =	sor.u32 $0x3000, s6;
	s14 =	sadd.s32 $0x6000, s6;
	[dreg:$0x6] =	wrdreg s24  }
0x12: {  	v2 =	vlaneseq.u32;
	s15 =	sadd.s32 $0x9000, s6;
	s8 =	simm.s32 $0x3;
	[dreg:$0x7] =	wrdreg s7  }
0x13: {  	vm0 =	vmmov $0xffff;
	v1 =	vshrl.u32 v2, $0x3;
	s9 =	simm.s32 $0x4;
	[dreg:$0x8] =	wrdreg s0;
	s0 =	sadd.s32 s5, s26  }
0x14: {  	v0 =	vand.u32 $0x7, v2;
	v2 =	vor.u32 $0x8, v2;
	v1 =	vmul.u32 $0x8, v1;
	s7 =	simm.s32 $0x17A00;
	s5 =	simm.s32 $0x0;
	[dreg:$0x9] =	wrdreg s0  }
.LBB2_1:
0x15: {  	[dreg:$0xb] =	wrdreg s5  }
0x16: {  	s0 =	rddreg [dreg:$0x5];
	s2 =	simm.s32 $0x9  }
0x17: {  	[tilespmem:s4], [sflag:$0x9] =	stream.linear.gather [hbm4b:s0+s4], $0x40, $0x38;
	[tilespmem:$0x18200] =	vst v63  }
0x18: {  	_ =	swait.ge [sflag:s2], $0x40  }
0x19: {  	[sflag:s2] =	ssyncset.done $0x0  }
0x1a: {  	s18 =	simm.s32 $0x80;
	s17 =	rddreg [dreg:$0x6];
	[sflag:s2] =	ssyncadd.s32 $0xFFFFFFC0  }
0x1b: {  	[tilespmem:s18], [sflag:$0x9] =	stream.linear.gather [hbm4b:s17+s4], $0x40, $0x38;
	[tilespmem:$0x18200] =	vst v63  }
0x1c: {  	_ =	swait.ge [sflag:s2], $0x40  }
0x1d: {  	[sflag:s2] =	ssyncset.done $0x0  }
0x1e: {  	s23 =	simm.s32 $0x100;
	s21 =	rddreg [dreg:$0x7];
	[sflag:s2] =	ssyncadd.s32 $0xFFFFFFC0  }
0x1f: {  	[tilespmem:s23], [sflag:$0x9] =	stream.linear.gather [hbm4b:s21+s4], $0x40, $0x38;
	[tilespmem:$0x18200] =	vst v63  }
0x20: {  	_ =	swait.ge [sflag:s2], $0x40  }
0x21: {  	[sflag:s2] =	ssyncset.done $0x0  }
0x22: {  	s25 =	simm.s32 $0x180;
	s24 =	rddreg [dreg:$0x8];
	[sflag:s2] =	ssyncadd.s32 $0xFFFFFFC0  }
0x23: {  	[tilespmem:s25], [sflag:$0x9] =	stream.linear.gather [hbm4b:s24+s4], $0x40, $0x38;
	[tilespmem:$0x18200] =	vst v63  }
0x24: {  	_ =	swait.ge [sflag:s2], $0x40  }
0x25: {  	[sflag:s2] =	ssyncset.done $0x0  }
0x26: {  	s31 =	simm.s32 $0x200;
	s26 =	rddreg [dreg:$0x9];
	[sflag:s2] =	ssyncadd.s32 $0xFFFFFFC0  }
0x27: {  	[tilespmem:s31], [sflag:$0x9] =	stream.linear.gather [hbm4b:s26+s4], $0xC000, $0x38;
	[tilespmem:$0x18200] =	vst v63  }
0x28: {  	_ =	swait.ge [sflag:s2], $0xC000  }
0x29: {  	[sflag:s2] =	ssyncset.done $0x0  }
0x2a: {  	[sflag:s2] =	ssyncadd.s32 $0xFFFF4000  }
0x2b: {  	v3 =	vld [tilespmem:$0x0];
	_ =	sdelay $0x4  }
0x2c: {  	v4 =	vshrl.u32 v3, $0x3  }
0x2d: {  	v4 =	vmul.u32 $0x30, v4  }
0x2e: {  	v3 =	vand.u32 $0x7, v3  }
0x2f: {  	v3 =	vor.u32 v3, v4  }
0x30: {  	v4 =	vperm.xlane v3, v0;
	_ =	sdelay $0x1  }
0x31: {  	v4 =	vadd.s32 v1, v4;
	_ =	sdelay $0x3  }
0x32: {  	v3 =	vperm.xlane v3, v2  }
0x33: {  	[tilespmem:s22], [sflag:$0x1] =	stream.indirect_vreg.gather [hbm4b:s1+s4], $0x80, v4, vm0, $0xb8;
	[tilespmem:$0x18200] =	vst v63  }
0x34: {  	s10 =	simm.s32 $0xCA00;
	v3 =	vadd.s32 v1, v3  }
0x35: {  	[tilespmem:s10], [sflag:$0x1] =	stream.indirect_vreg.gather [hbm4b:s11+s4], $0x80, v4, vm0, $0xb8;
	[tilespmem:$0x18200] =	vst v63  }
0x36: {  	s16 =	simm.s32 $0xD200  }
0x37: {  	[tilespmem:s16], [sflag:$0x1] =	stream.indirect_vreg.gather [hbm4b:s12+s4], $0x80, v4, vm0, $0xb8;
	[tilespmem:$0x18200] =	vst v63  }
0x38: {  	s17 =	simm.s32 $0xDA00  }
0x39: {  	[tilespmem:s17], [sflag:$0x1] =	stream.indirect_vreg.gather [hbm4b:s1+s4], $0x80, v3, vm0, $0xb8;
	[tilespmem:$0x18200] =	vst v63  }
0x3a: {  	s18 =	simm.s32 $0xE200  }
0x3b: {  	[tilespmem:s18], [sflag:$0x1] =	stream.indirect_vreg.gather [hbm4b:s11+s4], $0x80, v3, vm0, $0xb8;
	[tilespmem:$0x18200] =	vst v63  }
0x3c: {  	s21 =	simm.s32 $0xEA00  }
0x3d: {  	[tilespmem:s21], [sflag:$0x1] =	stream.indirect_vreg.gather [hbm4b:s12+s4], $0x80, v3, vm0, $0xb8;
	[tilespmem:$0x18200] =	vst v63  }
0x3e: {  	v3 =	vld [tilespmem:$0x10];
	_ =	sdelay $0x4  }
0x3f: {  	v63 =	vshrl.u32 v3, $0x3  }
0x40: {  	v4 =	vmul.u32 $0x30, v63  }
0x41: {  	v3 =	vand.u32 $0x7, v3  }
0x42: {  	v3 =	vor.u32 v3, v4  }
0x43: {  	v4 =	vperm.xlane v3, v0;
	_ =	sdelay $0x1  }
0x44: {  	v4 =	vadd.s32 v1, v4;
	_ =	sdelay $0x3  }
0x45: {  	v3 =	vperm.xlane v3, v2  }
0x46: {  	[tilespmem:s29], [sflag:$0x2] =	stream.indirect_vreg.gather [hbm4b:s1+s4], $0x80, v4, vm0, $0xb8;
	[tilespmem:$0x18200] =	vst v63  }
0x47: {  	s23 =	simm.s32 $0xFA00;
	v3 =	vadd.s32 v1, v3  }
0x48: {  	[tilespmem:s23], [sflag:$0x2] =	stream.indirect_vreg.gather [hbm4b:s11+s4], $0x80, v4, vm0, $0xb8;
	[tilespmem:$0x18200] =	vst v63  }
0x49: {  	s24 =	simm.s32 $0x10200  }
0x4a: {  	[tilespmem:s24], [sflag:$0x2] =	stream.indirect_vreg.gather [hbm4b:s12+s4], $0x80, v4, vm0, $0xb8;
	[tilespmem:$0x18200] =	vst v63  }
0x4b: {  	s25 =	simm.s32 $0x10A00  }
0x4c: {  	[tilespmem:s25], [sflag:$0x2] =	stream.indirect_vreg.gather [hbm4b:s1+s4], $0x80, v3, vm0, $0xb8;
	[tilespmem:$0x18200] =	vst v63  }
0x4d: {  	s26 =	simm.s32 $0x11200  }
0x4e: {  	[tilespmem:s26], [sflag:$0x2] =	stream.indirect_vreg.gather [hbm4b:s11+s4], $0x80, v3, vm0, $0xb8;
	[tilespmem:$0x18200] =	vst v63  }
0x4f: {  	s5 =	simm.s32 $0x0;
	s31 =	simm.s32 $0x11A00  }
0x50: {  	[tilespmem:s31], [sflag:$0x2] =	stream.indirect_vreg.gather [hbm4b:s12+s4], $0x80, v3, vm0, $0xb8;
	[tilespmem:$0x18200] =	vst v63  }
.LBB2_2:
0x51: {  	_ =	swait.ge [sflag:s19], $0x3000  }
0x52: {  	p0 =	seq.s32 s5, $0x0;
	[sflag:s19] =	ssyncset.done $0x0  }
0x53: {  	s0 =	simm.s32 @!p0 $0x7;
	[sflag:s19] =	ssyncadd.s32 $0xFFFFD000  }
0x54: {  	_ =	swait.ge @!p0 [sflag:s0], $0x3000  }
0x55: {  	s2 =	sshll.u32 s5, $0x7;
	[sflag:s0] =	ssyncset.done @!p0 $0x0  }
0x56: {  	s16 =	sand.u32 $0x3FFFFF80, s2;
	[sflag:s0] =	ssyncadd.s32 @!p0 $0xFFFFD000  }
0x57: {  	v3 =	vld [tilespmem:s16+$0x20];
	_ =	sdelay $0x4  }
0x58: {  	v4 =	vshrl.u32 v3, $0x3  }
0x59: {  	v4 =	vmul.u32 $0x30, v4  }
0x5a: {  	v3 =	vand.u32 $0x7, v3  }
0x5b: {  	v3 =	vor.u32 v3, v4  }
0x5c: {  	v4 =	vperm.xlane v3, v0;
	_ =	sdelay $0x1  }
0x5d: {  	v4 =	vadd.s32 v1, v4;
	_ =	sdelay $0x3  }
0x5e: {  	s10 =	simm.s32 $0x0;
	v3 =	vperm.xlane v3, v2  }
0x5f: {  	[tilespmem:s20], [sflag:$0x3] =	stream.indirect_vreg.gather [hbm4b:s1+s10], $0x80, v4, vm0, $0xb8;
	[tilespmem:$0x18200] =	vst v63  }
0x60: {  	s18 =	simm.s32 $0x12A00;
	v3 =	vadd.s32 v1, v3  }
0x61: {  	[tilespmem:s18], [sflag:$0x3] =	stream.indirect_vreg.gather [hbm4b:s11+s10], $0x80, v4, vm0, $0xb8;
	[tilespmem:$0x18200] =	vst v63  }
0x62: {  	s21 =	simm.s32 $0x13200  }
0x63: {  	[tilespmem:s21], [sflag:$0x3] =	stream.indirect_vreg.gather [hbm4b:s12+s10], $0x80, v4, vm0, $0xb8;
	[tilespmem:$0x18200] =	vst v63  }
0x64: {  	s23 =	simm.s32 $0x13A00;
	s26 =	simm.s32 $0x0  }
0x65: {  	[tilespmem:s23], [sflag:$0x3] =	stream.indirect_vreg.gather [hbm4b:s1+s10], $0x80, v3, vm0, $0xb8;
	[tilespmem:$0x18200] =	vst v63  }
0x66: {  	s24 =	simm.s32 $0x14200;
	s31 =	sand.u32 $0x380, s10;
	s0 =	smul.u32 $0x1800, s26  }
0x67: {  	[tilespmem:s24], [sflag:$0x3] =	stream.indirect_vreg.gather [hbm4b:s11+s10], $0x80, v3, vm0, $0xb8;
	[tilespmem:$0x18200] =	vst v63  }
0x68: {  	s25 =	simm.s32 $0x14A00;
	s17 =	sor.u32 s31, s0  }
0x69: {  	[tilespmem:s25], [sflag:$0x3] =	stream.indirect_vreg.gather [hbm4b:s12+s10], $0x80, v3, vm0, $0xb8;
	[tilespmem:$0x18200] =	vst v63  }
0x6a: {  	v3 =	vld [tilespmem:s17+$0x1670]  }
0x6b: {  	v6 =	vld [tilespmem:s17+$0x200]  }
0x6c: {  	v7 =	vld [tilespmem:s17+$0x210]  }
0x6d: {  	v8 =	vld [tilespmem:s17+$0x220]  }
0x6e: {  	v9 =	vld [tilespmem:s17+$0x230]  }
0x6f: {  	v10 =	vld [tilespmem:s17+$0x240]  }
0x70: {  	v11 =	vld [tilespmem:s17+$0x250]  }
0x71: {  	v12 =	vld [tilespmem:s17+$0x260]  }
0x72: {  	v13 =	vld [tilespmem:s17+$0x270]  }
0x73: {  	v14 =	vld [tilespmem:s17+$0x600]  }
0x74: {  	v15 =	vld [tilespmem:s17+$0x610]  }
0x75: {  	v16 =	vld [tilespmem:s17+$0x620]  }
0x76: {  	v17 =	vld [tilespmem:s17+$0x630]  }
0x77: {  	v18 =	vld [tilespmem:s17+$0x640]  }
0x78: {  	v19 =	vld [tilespmem:s17+$0x650]  }
0x79: {  	v20 =	vld [tilespmem:s17+$0x660]  }
0x7a: {  	v21 =	vld [tilespmem:s17+$0x670]  }
0x7b: {  	v22 =	vld [tilespmem:s17+$0xA00]  }
0x7c: {  	v23 =	vld [tilespmem:s17+$0xA10]  }
0x7d: {  	v24 =	vld [tilespmem:s17+$0xA20]  }
0x7e: {  	v25 =	vld [tilespmem:s17+$0xA30]  }
0x7f: {  	v26 =	vld [tilespmem:s17+$0xA40]  }
0x80: {  	v27 =	vld [tilespmem:s17+$0xA50]  }
0x81: {  	v28 =	vld [tilespmem:s17+$0xA60]  }
0x82: {  	v29 =	vld [tilespmem:s17+$0xA70]  }
0x83: {  	v30 =	vld [tilespmem:s17+$0xE00]  }
0x84: {  	v31 =	vld [tilespmem:s17+$0xE10]  }
0x85: {  	v32 =	vld [tilespmem:s17+$0xE20]  }
0x86: {  	v33 =	vld [tilespmem:s17+$0xE30]  }
0x87: {  	v34 =	vld [tilespmem:s17+$0xE40]  }
0x88: {  	v35 =	vld [tilespmem:s17+$0xE50]  }
0x89: {  	v36 =	vld [tilespmem:s17+$0xE60]  }
0x8a: {  	v37 =	vld [tilespmem:s17+$0xE70]  }
0x8b: {  	v38 =	vld [tilespmem:s17+$0x1200]  }
0x8c: {  	v39 =	vld [tilespmem:s17+$0x1210]  }
0x8d: {  	v40 =	vld [tilespmem:s17+$0x1220]  }
0x8e: {  	v41 =	vld [tilespmem:s17+$0x1230]  }
0x8f: {  	v42 =	vld [tilespmem:s17+$0x1240]  }
0x90: {  	v43 =	vld [tilespmem:s17+$0x1250]  }
0x91: {  	v44 =	vld [tilespmem:s17+$0x1260]  }
0x92: {  	v45 =	vld [tilespmem:s17+$0x1270]  }
0x93: {  	v46 =	vld [tilespmem:s17+$0x1600]  }
0x94: {  	v47 =	vld [tilespmem:s17+$0x1610]  }
0x95: {  	v48 =	vld [tilespmem:s17+$0x1620]  }
0x96: {  	v49 =	vld [tilespmem:s17+$0x1630]  }
0x97: {  	v5 =	vld [tilespmem:s17+$0x1640]  }
0x98: {  	v4 =	vld [tilespmem:s17+$0x1650]  }
0x99: {  	[tilespmem:s17+$0xD670] =	vst.add.f32.msk $0xffff, v3  }
0x9a: {  	v3 =	vld [tilespmem:s17+$0x1660]  }
0x9b: {  	[tilespmem:s17+$0xC200] =	vst.add.f32.msk $0xffff, v6  }
0x9c: {  	[tilespmem:s17+$0xC210] =	vst.add.f32.msk $0xffff, v7  }
0x9d: {  	[tilespmem:s17+$0xC220] =	vst.add.f32.msk $0xffff, v8  }
0x9e: {  	[tilespmem:s17+$0xC230] =	vst.add.f32.msk $0xffff, v9  }
0x9f: {  	[tilespmem:s17+$0xC240] =	vst.add.f32.msk $0xffff, v10  }
0xa0: {  	[tilespmem:s17+$0xC250] =	vst.add.f32.msk $0xffff, v11  }
0xa1: {  	[tilespmem:s17+$0xC260] =	vst.add.f32.msk $0xffff, v12  }
0xa2: {  	[tilespmem:s17+$0xC270] =	vst.add.f32.msk $0xffff, v13  }
0xa3: {  	[tilespmem:s17+$0xC600] =	vst.add.f32.msk $0xffff, v14  }
0xa4: {  	[tilespmem:s17+$0xC610] =	vst.add.f32.msk $0xffff, v15  }
0xa5: {  	[tilespmem:s17+$0xC620] =	vst.add.f32.msk $0xffff, v16  }
0xa6: {  	[tilespmem:s17+$0xC630] =	vst.add.f32.msk $0xffff, v17  }
0xa7: {  	[tilespmem:s17+$0xC640] =	vst.add.f32.msk $0xffff, v18  }
0xa8: {  	[tilespmem:s17+$0xC650] =	vst.add.f32.msk $0xffff, v19  }
0xa9: {  	[tilespmem:s17+$0xC660] =	vst.add.f32.msk $0xffff, v20  }
0xaa: {  	[tilespmem:s17+$0xC670] =	vst.add.f32.msk $0xffff, v21  }
0xab: {  	[tilespmem:s17+$0xCA00] =	vst.add.f32.msk $0xffff, v22  }
0xac: {  	[tilespmem:s17+$0xCA10] =	vst.add.f32.msk $0xffff, v23  }
0xad: {  	[tilespmem:s17+$0xCA20] =	vst.add.f32.msk $0xffff, v24  }
0xae: {  	[tilespmem:s17+$0xCA30] =	vst.add.f32.msk $0xffff, v25  }
0xaf: {  	[tilespmem:s17+$0xCA40] =	vst.add.f32.msk $0xffff, v26  }
0xb0: {  	[tilespmem:s17+$0xCA50] =	vst.add.f32.msk $0xffff, v27  }
0xb1: {  	[tilespmem:s17+$0xCA60] =	vst.add.f32.msk $0xffff, v28  }
0xb2: {  	[tilespmem:s17+$0xCA70] =	vst.add.f32.msk $0xffff, v29  }
0xb3: {  	[tilespmem:s17+$0xCE00] =	vst.add.f32.msk $0xffff, v30  }
0xb4: {  	[tilespmem:s17+$0xCE10] =	vst.add.f32.msk $0xffff, v31  }
0xb5: {  	[tilespmem:s17+$0xCE20] =	vst.add.f32.msk $0xffff, v32  }
0xb6: {  	[tilespmem:s17+$0xCE30] =	vst.add.f32.msk $0xffff, v33  }
0xb7: {  	[tilespmem:s17+$0xCE40] =	vst.add.f32.msk $0xffff, v34  }
0xb8: {  	[tilespmem:s17+$0xCE50] =	vst.add.f32.msk $0xffff, v35  }
0xb9: {  	[tilespmem:s17+$0xCE60] =	vst.add.f32.msk $0xffff, v36  }
0xba: {  	[tilespmem:s17+$0xCE70] =	vst.add.f32.msk $0xffff, v37  }
0xbb: {  	[tilespmem:s17+$0xD200] =	vst.add.f32.msk $0xffff, v38  }
0xbc: {  	[tilespmem:s17+$0xD210] =	vst.add.f32.msk $0xffff, v39  }
0xbd: {  	[tilespmem:s17+$0xD220] =	vst.add.f32.msk $0xffff, v40  }
0xbe: {  	[tilespmem:s17+$0xD230] =	vst.add.f32.msk $0xffff, v41  }
0xbf: {  	[tilespmem:s17+$0xD240] =	vst.add.f32.msk $0xffff, v42  }
0xc0: {  	[tilespmem:s17+$0xD250] =	vst.add.f32.msk $0xffff, v43  }
0xc1: {  	[tilespmem:s17+$0xD260] =	vst.add.f32.msk $0xffff, v44  }
0xc2: {  	[tilespmem:s17+$0xD270] =	vst.add.f32.msk $0xffff, v45  }
0xc3: {  	[tilespmem:s17+$0xD600] =	vst.add.f32.msk $0xffff, v46  }
0xc4: {  	[tilespmem:s17+$0xD610] =	vst.add.f32.msk $0xffff, v47  }
0xc5: {  	[tilespmem:s17+$0xD620] =	vst.add.f32.msk $0xffff, v48  }
0xc6: {  	s0 =	simm.s32 $0x0;
	s21 =	simm.s32 $0x2;
	[tilespmem:s17+$0xD630] =	vst.add.f32.msk $0xffff, v49  }
.LBB2_3:
0xc7: {  	p1 =	sne.s32 s21, $0xF;
	s0 =	smul.u32 $0x1800, s0;
	[tilespmem:s17+$0xD640] =	vst.add.f32.msk $0xffff, v5;
	s10 =	sadd.s32 $0x80, s10  }
0xc8: {  	s2 =	sand.u32 $0x380, s10;
	[tilespmem:s17+$0xD650] =	vst.add.f32.msk $0xffff, v4  }
0xc9: {  	[tilespmem:s17+$0xD660] =	vst.add.f32.msk $0xffff, v3;
	s17 =	sor.u32 s2, s0  }
0xca: {  	v3 =	vld [tilespmem:s17+$0x1670]  }
0xcb: {  	v6 =	vld [tilespmem:s17+$0x200]  }
0xcc: {  	v7 =	vld [tilespmem:s17+$0x210]  }
0xcd: {  	v8 =	vld [tilespmem:s17+$0x220]  }
0xce: {  	v9 =	vld [tilespmem:s17+$0x230]  }
0xcf: {  	[tilespmem:s17+$0xD670] =	vst.add.f32.msk $0xffff, v3  }
0xd0: {  	v10 =	vld [tilespmem:s17+$0x240]  }
0xd1: {  	v11 =	vld [tilespmem:s17+$0x250]  }
0xd2: {  	v12 =	vld [tilespmem:s17+$0x260]  }
0xd3: {  	v13 =	vld [tilespmem:s17+$0x270]  }
0xd4: {  	v14 =	vld [tilespmem:s17+$0x600]  }
0xd5: {  	v15 =	vld [tilespmem:s17+$0x610]  }
0xd6: {  	v16 =	vld [tilespmem:s17+$0x620]  }
0xd7: {  	v17 =	vld [tilespmem:s17+$0x630]  }
0xd8: {  	v18 =	vld [tilespmem:s17+$0x640]  }
0xd9: {  	v19 =	vld [tilespmem:s17+$0x650]  }
0xda: {  	v20 =	vld [tilespmem:s17+$0x660]  }
0xdb: {  	v21 =	vld [tilespmem:s17+$0x670]  }
0xdc: {  	v22 =	vld [tilespmem:s17+$0xA00]  }
0xdd: {  	v23 =	vld [tilespmem:s17+$0xA10]  }
0xde: {  	v24 =	vld [tilespmem:s17+$0xA20]  }
0xdf: {  	v25 =	vld [tilespmem:s17+$0xA30]  }
0xe0: {  	v26 =	vld [tilespmem:s17+$0xA40]  }
0xe1: {  	v27 =	vld [tilespmem:s17+$0xA50]  }
0xe2: {  	v28 =	vld [tilespmem:s17+$0xA60]  }
0xe3: {  	v29 =	vld [tilespmem:s17+$0xA70]  }
0xe4: {  	v30 =	vld [tilespmem:s17+$0xE00]  }
0xe5: {  	v31 =	vld [tilespmem:s17+$0xE10]  }
0xe6: {  	v32 =	vld [tilespmem:s17+$0xE20]  }
0xe7: {  	v33 =	vld [tilespmem:s17+$0xE30]  }
0xe8: {  	v34 =	vld [tilespmem:s17+$0xE40]  }
0xe9: {  	v35 =	vld [tilespmem:s17+$0xE50]  }
0xea: {  	v36 =	vld [tilespmem:s17+$0xE60]  }
0xeb: {  	v37 =	vld [tilespmem:s17+$0xE70]  }
0xec: {  	v38 =	vld [tilespmem:s17+$0x1200]  }
0xed: {  	v39 =	vld [tilespmem:s17+$0x1210]  }
0xee: {  	v40 =	vld [tilespmem:s17+$0x1220]  }
0xef: {  	v41 =	vld [tilespmem:s17+$0x1230]  }
0xf0: {  	v42 =	vld [tilespmem:s17+$0x1240]  }
0xf1: {  	v43 =	vld [tilespmem:s17+$0x1250]  }
0xf2: {  	v44 =	vld [tilespmem:s17+$0x1260]  }
0xf3: {  	v45 =	vld [tilespmem:s17+$0x1270]  }
0xf4: {  	v46 =	vld [tilespmem:s17+$0x1600]  }
0xf5: {  	v47 =	vld [tilespmem:s17+$0x1610]  }
0xf6: {  	v48 =	vld [tilespmem:s17+$0x1620]  }
0xf7: {  	v49 =	vld [tilespmem:s17+$0x1630]  }
0xf8: {  	v5 =	vld [tilespmem:s17+$0x1640]  }
0xf9: {  	v4 =	vld [tilespmem:s17+$0x1650]  }
0xfa: {  	v3 =	vld [tilespmem:s17+$0x1660]  }
0xfb: {  	[tilespmem:s17+$0xC200] =	vst.add.f32.msk $0xffff, v6  }
0xfc: {  	[tilespmem:s17+$0xC210] =	vst.add.f32.msk $0xffff, v7  }
0xfd: {  	[tilespmem:s17+$0xC220] =	vst.add.f32.msk $0xffff, v8  }
0xfe: {  	[tilespmem:s17+$0xC230] =	vst.add.f32.msk $0xffff, v9  }
0xff: {  	[tilespmem:s17+$0xC240] =	vst.add.f32.msk $0xffff, v10  }
0x100: {  	[tilespmem:s17+$0xC250] =	vst.add.f32.msk $0xffff, v11  }
0x101: {  	[tilespmem:s17+$0xC260] =	vst.add.f32.msk $0xffff, v12  }
0x102: {  	[tilespmem:s17+$0xC270] =	vst.add.f32.msk $0xffff, v13  }
0x103: {  	[tilespmem:s17+$0xC600] =	vst.add.f32.msk $0xffff, v14  }
0x104: {  	[tilespmem:s17+$0xC610] =	vst.add.f32.msk $0xffff, v15  }
0x105: {  	[tilespmem:s17+$0xC620] =	vst.add.f32.msk $0xffff, v16  }
0x106: {  	[tilespmem:s17+$0xC630] =	vst.add.f32.msk $0xffff, v17  }
0x107: {  	[tilespmem:s17+$0xC640] =	vst.add.f32.msk $0xffff, v18  }
0x108: {  	[tilespmem:s17+$0xC650] =	vst.add.f32.msk $0xffff, v19  }
0x109: {  	[tilespmem:s17+$0xC660] =	vst.add.f32.msk $0xffff, v20  }
0x10a: {  	[tilespmem:s17+$0xC670] =	vst.add.f32.msk $0xffff, v21  }
0x10b: {  	[tilespmem:s17+$0xCA00] =	vst.add.f32.msk $0xffff, v22  }
0x10c: {  	[tilespmem:s17+$0xCA10] =	vst.add.f32.msk $0xffff, v23  }
0x10d: {  	[tilespmem:s17+$0xCA20] =	vst.add.f32.msk $0xffff, v24  }
0x10e: {  	[tilespmem:s17+$0xCA30] =	vst.add.f32.msk $0xffff, v25  }
0x10f: {  	[tilespmem:s17+$0xCA40] =	vst.add.f32.msk $0xffff, v26  }
0x110: {  	[tilespmem:s17+$0xCA50] =	vst.add.f32.msk $0xffff, v27  }
0x111: {  	[tilespmem:s17+$0xCA60] =	vst.add.f32.msk $0xffff, v28  }
0x112: {  	[tilespmem:s17+$0xCA70] =	vst.add.f32.msk $0xffff, v29  }
0x113: {  	[tilespmem:s17+$0xCE00] =	vst.add.f32.msk $0xffff, v30  }
0x114: {  	[tilespmem:s17+$0xCE10] =	vst.add.f32.msk $0xffff, v31  }
0x115: {  	[tilespmem:s17+$0xCE20] =	vst.add.f32.msk $0xffff, v32  }
0x116: {  	[tilespmem:s17+$0xCE30] =	vst.add.f32.msk $0xffff, v33  }
0x117: {  	[tilespmem:s17+$0xCE40] =	vst.add.f32.msk $0xffff, v34  }
0x118: {  	[tilespmem:s17+$0xCE50] =	vst.add.f32.msk $0xffff, v35  }
0x119: {  	[tilespmem:s17+$0xCE60] =	vst.add.f32.msk $0xffff, v36  }
0x11a: {  	[tilespmem:s17+$0xCE70] =	vst.add.f32.msk $0xffff, v37  }
0x11b: {  	[tilespmem:s17+$0xD200] =	vst.add.f32.msk $0xffff, v38  }
0x11c: {  	[tilespmem:s17+$0xD210] =	vst.add.f32.msk $0xffff, v39  }
0x11d: {  	[tilespmem:s17+$0xD220] =	vst.add.f32.msk $0xffff, v40  }
0x11e: {  	[tilespmem:s17+$0xD230] =	vst.add.f32.msk $0xffff, v41  }
0x11f: {  	[tilespmem:s17+$0xD240] =	vst.add.f32.msk $0xffff, v42  }
0x120: {  	[tilespmem:s17+$0xD250] =	vst.add.f32.msk $0xffff, v43  }
0x121: {  	[tilespmem:s17+$0xD260] =	vst.add.f32.msk $0xffff, v44  }
.Ltmp0:
0x122: {  	[tilespmem:s17+$0xD270] =	vst.add.f32.msk $0xffff, v45;
	(pc) =	sbr.rel @p1 .LBB2_3-.Ltmp0, $4  }
0x123: {  	[tilespmem:s17+$0xD600] =	vst.add.f32.msk $0xffff, v46  }
0x124: {  	[tilespmem:s17+$0xD610] =	vst.add.f32.msk $0xffff, v47  }
0x125: {  	[tilespmem:s17+$0xD620] =	vst.add.f32.msk $0xffff, v48  }
0x126: {  	s0 =	sshrl.u32 s21, $0x3;
	s21 =	sadd.s32 $0x1, s21;
	[tilespmem:s17+$0xD630] =	vst.add.f32.msk $0xffff, v49  }
0x127: {  	s0 =	smul.u32 $0x1800, s0;
	[tilespmem:s17+$0xD640] =	vst.add.f32.msk $0xffff, v5;
	s2 =	sadd.s32 $0x80, s10  }
0x128: {  	[tilespmem:s17+$0xD650] =	vst.add.f32.msk $0xffff, v4;
	s2 =	sand.u32 $0x380, s2  }
0x129: {  	[tilespmem:s17+$0xD660] =	vst.add.f32.msk $0xffff, v3;
	s0 =	sor.u32 s2, s0  }
0x12a: {  	v3 =	vld [tilespmem:s0+$0x1670]  }
0x12b: {  	v4 =	vld [tilespmem:s0+$0x200]  }
0x12c: {  	v5 =	vld [tilespmem:s0+$0x210]  }
0x12d: {  	v6 =	vld [tilespmem:s0+$0x220]  }
0x12e: {  	v7 =	vld [tilespmem:s0+$0x230]  }
0x12f: {  	v8 =	vld [tilespmem:s0+$0x250]  }
0x130: {  	v9 =	vld [tilespmem:s0+$0x260]  }
0x131: {  	v10 =	vld [tilespmem:s0+$0x270]  }
0x132: {  	v11 =	vld [tilespmem:s0+$0x600]  }
0x133: {  	v12 =	vld [tilespmem:s0+$0x610]  }
0x134: {  	v13 =	vld [tilespmem:s0+$0x620]  }
0x135: {  	v14 =	vld [tilespmem:s0+$0x630]  }
0x136: {  	v15 =	vld [tilespmem:s0+$0x640]  }
0x137: {  	v16 =	vld [tilespmem:s0+$0x650]  }
0x138: {  	v17 =	vld [tilespmem:s0+$0x660]  }
0x139: {  	v18 =	vld [tilespmem:s0+$0x670]  }
0x13a: {  	v19 =	vld [tilespmem:s0+$0xA00]  }
0x13b: {  	v20 =	vld [tilespmem:s0+$0xA10]  }
0x13c: {  	v21 =	vld [tilespmem:s0+$0xA20]  }
0x13d: {  	v22 =	vld [tilespmem:s0+$0xA30]  }
0x13e: {  	v23 =	vld [tilespmem:s0+$0xA40]  }
0x13f: {  	v24 =	vld [tilespmem:s0+$0xA50]  }
0x140: {  	v25 =	vld [tilespmem:s0+$0xA60]  }
0x141: {  	v26 =	vld [tilespmem:s0+$0xA70]  }
0x142: {  	v27 =	vld [tilespmem:s0+$0xE00]  }
0x143: {  	v28 =	vld [tilespmem:s0+$0xE10]  }
0x144: {  	v29 =	vld [tilespmem:s0+$0xE20]  }
0x145: {  	v30 =	vld [tilespmem:s0+$0xE30]  }
0x146: {  	v31 =	vld [tilespmem:s0+$0xE40]  }
0x147: {  	v32 =	vld [tilespmem:s0+$0xE50]  }
0x148: {  	v33 =	vld [tilespmem:s0+$0xE60]  }
0x149: {  	v34 =	vld [tilespmem:s0+$0xE70]  }
0x14a: {  	v35 =	vld [tilespmem:s0+$0x1200]  }
0x14b: {  	v36 =	vld [tilespmem:s0+$0x1210]  }
0x14c: {  	v37 =	vld [tilespmem:s0+$0x1220]  }
0x14d: {  	v38 =	vld [tilespmem:s0+$0x1230]  }
0x14e: {  	v39 =	vld [tilespmem:s0+$0x1240]  }
0x14f: {  	v40 =	vld [tilespmem:s0+$0x1250]  }
0x150: {  	v41 =	vld [tilespmem:s0+$0x1260]  }
0x151: {  	v42 =	vld [tilespmem:s0+$0x1270]  }
0x152: {  	v43 =	vld [tilespmem:s0+$0x1600]  }
0x153: {  	v44 =	vld [tilespmem:s0+$0x1610]  }
0x154: {  	v45 =	vld [tilespmem:s0+$0x1620]  }
0x155: {  	v46 =	vld [tilespmem:s0+$0x1630]  }
0x156: {  	v47 =	vld [tilespmem:s0+$0x1640]  }
0x157: {  	v48 =	vld [tilespmem:s0+$0x1650]  }
0x158: {  	v49 =	vld [tilespmem:s0+$0x1660]  }
0x159: {  	[tilespmem:s0+$0xD670] =	vst.add.f32.msk $0xffff, v3  }
0x15a: {  	v3 =	vld [tilespmem:s0+$0x240]  }
0x15b: {  	[tilespmem:s0+$0xC200] =	vst.add.f32.msk $0xffff, v4  }
0x15c: {  	[tilespmem:s0+$0xC210] =	vst.add.f32.msk $0xffff, v5  }
0x15d: {  	[tilespmem:s0+$0xC220] =	vst.add.f32.msk $0xffff, v6  }
0x15e: {  	[tilespmem:s0+$0xC230] =	vst.add.f32.msk $0xffff, v7  }
0x15f: {  	[tilespmem:s0+$0xC250] =	vst.add.f32.msk $0xffff, v8  }
0x160: {  	[tilespmem:s0+$0xC260] =	vst.add.f32.msk $0xffff, v9  }
0x161: {  	[tilespmem:s0+$0xC270] =	vst.add.f32.msk $0xffff, v10  }
0x162: {  	[tilespmem:s0+$0xC600] =	vst.add.f32.msk $0xffff, v11  }
0x163: {  	[tilespmem:s0+$0xC610] =	vst.add.f32.msk $0xffff, v12  }
0x164: {  	[tilespmem:s0+$0xC620] =	vst.add.f32.msk $0xffff, v13  }
0x165: {  	[tilespmem:s0+$0xC630] =	vst.add.f32.msk $0xffff, v14  }
0x166: {  	[tilespmem:s0+$0xC640] =	vst.add.f32.msk $0xffff, v15  }
0x167: {  	[tilespmem:s0+$0xC650] =	vst.add.f32.msk $0xffff, v16  }
0x168: {  	[tilespmem:s0+$0xC660] =	vst.add.f32.msk $0xffff, v17  }
0x169: {  	[tilespmem:s0+$0xC670] =	vst.add.f32.msk $0xffff, v18  }
0x16a: {  	[tilespmem:s0+$0xCA00] =	vst.add.f32.msk $0xffff, v19  }
0x16b: {  	[tilespmem:s0+$0xCA10] =	vst.add.f32.msk $0xffff, v20  }
0x16c: {  	[tilespmem:s0+$0xCA20] =	vst.add.f32.msk $0xffff, v21  }
0x16d: {  	[tilespmem:s0+$0xCA30] =	vst.add.f32.msk $0xffff, v22  }
0x16e: {  	[tilespmem:s0+$0xCA40] =	vst.add.f32.msk $0xffff, v23  }
0x16f: {  	[tilespmem:s0+$0xCA50] =	vst.add.f32.msk $0xffff, v24  }
0x170: {  	[tilespmem:s0+$0xCA60] =	vst.add.f32.msk $0xffff, v25  }
0x171: {  	[tilespmem:s0+$0xCA70] =	vst.add.f32.msk $0xffff, v26  }
0x172: {  	[tilespmem:s0+$0xCE00] =	vst.add.f32.msk $0xffff, v27  }
0x173: {  	[tilespmem:s0+$0xCE10] =	vst.add.f32.msk $0xffff, v28  }
0x174: {  	[tilespmem:s0+$0xCE20] =	vst.add.f32.msk $0xffff, v29  }
0x175: {  	[tilespmem:s0+$0xCE30] =	vst.add.f32.msk $0xffff, v30  }
0x176: {  	[tilespmem:s0+$0xCE40] =	vst.add.f32.msk $0xffff, v31  }
0x177: {  	[tilespmem:s0+$0xCE50] =	vst.add.f32.msk $0xffff, v32  }
0x178: {  	[tilespmem:s0+$0xCE60] =	vst.add.f32.msk $0xffff, v33  }
0x179: {  	[tilespmem:s0+$0xCE70] =	vst.add.f32.msk $0xffff, v34  }
0x17a: {  	[tilespmem:s0+$0xD200] =	vst.add.f32.msk $0xffff, v35  }
0x17b: {  	[tilespmem:s0+$0xD210] =	vst.add.f32.msk $0xffff, v36  }
0x17c: {  	[tilespmem:s0+$0xD220] =	vst.add.f32.msk $0xffff, v37  }
0x17d: {  	[tilespmem:s0+$0xD230] =	vst.add.f32.msk $0xffff, v38  }
0x17e: {  	[tilespmem:s0+$0xD240] =	vst.add.f32.msk $0xffff, v39  }
0x17f: {  	[tilespmem:s0+$0xD250] =	vst.add.f32.msk $0xffff, v40  }
0x180: {  	[tilespmem:s0+$0xD260] =	vst.add.f32.msk $0xffff, v41  }
0x181: {  	[tilespmem:s0+$0xD270] =	vst.add.f32.msk $0xffff, v42  }
0x182: {  	[tilespmem:s0+$0xD600] =	vst.add.f32.msk $0xffff, v43  }
0x183: {  	[tilespmem:s0+$0xD610] =	vst.add.f32.msk $0xffff, v44  }
0x184: {  	[tilespmem:s0+$0xD620] =	vst.add.f32.msk $0xffff, v45  }
0x185: {  	s10 =	smul.u32 $0x180000, s5;
	[tilespmem:s0+$0xD630] =	vst.add.f32.msk $0xffff, v46  }
0x186: {  	[tilespmem:s0+$0xD640] =	vst.add.f32.msk $0xffff, v47  }
0x187: {  	s21 =	sadd.s32 s6, s10;
	[tilespmem:s0+$0xD650] =	vst.add.f32.msk $0xffff, v48  }
0x188: {  	s2 =	sshrl.u32 s21, $0x3;
	[tilespmem:s0+$0xD660] =	vst.add.f32.msk $0xffff, v49  }
0x189: {  	s23 =	sadd.s32 s3, s2;
	[tilespmem:s0+$0xC240] =	vst.add.f32.msk $0xffff, v3  }
0x18a: {  	[hbm4b:s23+s4] =	stream.linear.scatter [tilespmem:s22], [sflag:$0x5], $0x3000, $0x38;
	[tilespmem:$0x18200] =	vst v63  }
0x18b: {  	_ =	swait.ge [sflag:s28], $0x3000  }
0x18c: {  	[sflag:s28] =	ssyncset.done $0x0  }
0x18d: {  	s0 =	simm.s32 @!p0 $0x8;
	[sflag:s28] =	ssyncadd.s32 $0xFFFFD000  }
0x18e: {  	_ =	swait.ge @!p0 [sflag:s0], $0x3000  }
0x18f: {  	[sflag:s0] =	ssyncset.done @!p0 $0x0  }
0x190: {  	[sflag:s0] =	ssyncadd.s32 @!p0 $0xFFFFD000  }
0x191: {  	v3 =	vld [tilespmem:s16+$0x30];
	_ =	sdelay $0x4  }
0x192: {  	v63 =	vshrl.u32 v3, $0x3  }
0x193: {  	v4 =	vmul.u32 $0x30, v63  }
0x194: {  	v3 =	vand.u32 $0x7, v3  }
0x195: {  	v3 =	vor.u32 v3, v4  }
0x196: {  	v4 =	vperm.xlane v3, v0;
	_ =	sdelay $0x1  }
0x197: {  	v4 =	vadd.s32 v1, v4;
	_ =	sdelay $0x3  }
0x198: {  	s2 =	simm.s32 $0x0;
	v3 =	vperm.xlane v3, v2  }
0x199: {  	[tilespmem:s30], [sflag:$0x4] =	stream.indirect_vreg.gather [hbm4b:s1+s2], $0x80, v4, vm0, $0xb8;
	[tilespmem:$0x18200] =	vst v63  }
0x19a: {  	s24 =	simm.s32 $0x15A00;
	v3 =	vadd.s32 v1, v3  }
0x19b: {  	[tilespmem:s24], [sflag:$0x4] =	stream.indirect_vreg.gather [hbm4b:s11+s2], $0x80, v4, vm0, $0xb8;
	[tilespmem:$0x18200] =	vst v63  }
0x19c: {  	s25 =	simm.s32 $0x16200  }
0x19d: {  	[tilespmem:s25], [sflag:$0x4] =	stream.indirect_vreg.gather [hbm4b:s12+s2], $0x80, v4, vm0, $0xb8;
	[tilespmem:$0x18200] =	vst v63  }
0x19e: {  	s26 =	simm.s32 $0x16A00  }
0x19f: {  	[tilespmem:s26], [sflag:$0x4] =	stream.indirect_vreg.gather [hbm4b:s1+s2], $0x80, v3, vm0, $0xb8;
	[tilespmem:$0x18200] =	vst v63  }
0x1a0: {  	s31 =	simm.s32 $0x17200  }
0x1a1: {  	[tilespmem:s31], [sflag:$0x4] =	stream.indirect_vreg.gather [hbm4b:s11+s2], $0x80, v3, vm0, $0xb8;
	[tilespmem:$0x18200] =	vst v63  }
0x1a2: {  	s17 =	simm.s32 $0x0  }
0x1a3: {  	[tilespmem:s7], [sflag:$0x4] =	stream.indirect_vreg.gather [hbm4b:s12+s2], $0x80, v3, vm0, $0xb8;
	[tilespmem:$0x18200] =	vst v63  }
.LBB2_5:
0x1a4: {  	s0 =	sshrl.u32 s17, $0x3  }
0x1a5: {  	s21 =	smul.u32 $0x1800, s0  }
0x1a6: {  	s25 =	sand.u32 $0x380, s2  }
0x1a7: {  	s0 =	sor.u32 s25, s21  }
0x1a8: {  	v3 =	vld [tilespmem:s0+$0x3200]  }
0x1a9: {  	v4 =	vld [tilespmem:s0+$0x3210]  }
0x1aa: {  	v5 =	vld [tilespmem:s0+$0x3220]  }
0x1ab: {  	v6 =	vld [tilespmem:s0+$0x3230]  }
0x1ac: {  	v41 =	vld [tilespmem:s0+$0x3250]  }
0x1ad: {  	v42 =	vld [tilespmem:s0+$0x3260]  }
0x1ae: {  	v43 =	vld [tilespmem:s0+$0x3270]  }
0x1af: {  	v7 =	vld [tilespmem:s0+$0x3600]  }
0x1b0: {  	v44 =	vld [tilespmem:s0+$0x3620]  }
0x1b1: {  	v45 =	vld [tilespmem:s0+$0x3630]  }
0x1b2: {  	v46 =	vld [tilespmem:s0+$0x3640]  }
0x1b3: {  	v47 =	vld [tilespmem:s0+$0x3650]  }
0x1b4: {  	v48 =	vld [tilespmem:s0+$0x3670]  }
0x1b5: {  	v49 =	vld [tilespmem:s0+$0x3A00]  }
0x1b6: {  	v50 =	vld [tilespmem:s0+$0x3A10]  }
0x1b7: {  	v51 =	vld [tilespmem:s0+$0x3A20]  }
0x1b8: {  	v52 =	vld [tilespmem:s0+$0x3A40]  }
0x1b9: {  	v53 =	vld [tilespmem:s0+$0x3A50]  }
0x1ba: {  	v54 =	vld [tilespmem:s0+$0x3A60]  }
0x1bb: {  	v55 =	vld [tilespmem:s0+$0x3A70]  }
0x1bc: {  	v56 =	vld [tilespmem:s0+$0x3E10]  }
0x1bd: {  	v57 =	vld [tilespmem:s0+$0x3E20]  }
0x1be: {  	v58 =	vld [tilespmem:s0+$0x3E30]  }
0x1bf: {  	v59 =	vld [tilespmem:s0+$0x3E40]  }
0x1c0: {  	v60 =	vld [tilespmem:s0+$0x3E60]  }
0x1c1: {  	v61 =	vld [tilespmem:s0+$0x3E70]  }
0x1c2: {  	v62 =	vld [tilespmem:s0+$0x4200]  }
0x1c3: {  	v63 =	vld [tilespmem:s0+$0x4210]  }
0x1c4: {  	[tilespmem:s0+$0xF200] =	vst.add.f32.msk $0xffff, v3  }
0x1c5: {  	[tilespmem:s0+$0xF210] =	vst.add.f32.msk $0xffff, v4  }
0x1c6: {  	[tilespmem:s0+$0xF220] =	vst.add.f32.msk $0xffff, v5  }
0x1c7: {  	v3 =	vld [tilespmem:s0+$0x3240]  }
0x1c8: {  	[tilespmem:s0+$0xF230] =	vst.add.f32.msk $0xffff, v6  }
0x1c9: {  	[tilespmem:s0+$0xF250] =	vst.add.f32.msk $0xffff, v41  }
0x1ca: {  	[tilespmem:s0+$0xF260] =	vst.add.f32.msk $0xffff, v42  }
0x1cb: {  	[tilespmem:s0+$0xF270] =	vst.add.f32.msk $0xffff, v43  }
0x1cc: {  	[tilespmem:s0+$0xF240] =	vst.add.f32.msk $0xffff, v3  }
0x1cd: {  	v3 =	vld [tilespmem:s0+$0x3610]  }
0x1ce: {  	[tilespmem:s0+$0xF600] =	vst.add.f32.msk $0xffff, v7  }
0x1cf: {  	[tilespmem:s0+$0xF620] =	vst.add.f32.msk $0xffff, v44  }
0x1d0: {  	[tilespmem:s0+$0xF630] =	vst.add.f32.msk $0xffff, v45  }
0x1d1: {  	[tilespmem:s0+$0xF640] =	vst.add.f32.msk $0xffff, v46  }
0x1d2: {  	[tilespmem:s0+$0xF610] =	vst.add.f32.msk $0xffff, v3  }
0x1d3: {  	v3 =	vld [tilespmem:s0+$0x3660]  }
0x1d4: {  	[tilespmem:s0+$0xF650] =	vst.add.f32.msk $0xffff, v47  }
0x1d5: {  	[tilespmem:s0+$0xF670] =	vst.add.f32.msk $0xffff, v48  }
0x1d6: {  	[tilespmem:s0+$0xFA00] =	vst.add.f32.msk $0xffff, v49  }
0x1d7: {  	[tilespmem:s0+$0xFA10] =	vst.add.f32.msk $0xffff, v50  }
0x1d8: {  	[tilespmem:s0+$0xF660] =	vst.add.f32.msk $0xffff, v3  }
0x1d9: {  	v3 =	vld [tilespmem:s0+$0x3A30]  }
0x1da: {  	[tilespmem:s0+$0xFA20] =	vst.add.f32.msk $0xffff, v51  }
0x1db: {  	[tilespmem:s0+$0xFA40] =	vst.add.f32.msk $0xffff, v52  }
0x1dc: {  	[tilespmem:s0+$0xFA50] =	vst.add.f32.msk $0xffff, v53  }
0x1dd: {  	[tilespmem:s0+$0xFA60] =	vst.add.f32.msk $0xffff, v54  }
0x1de: {  	[tilespmem:s0+$0xFA30] =	vst.add.f32.msk $0xffff, v3  }
0x1df: {  	v3 =	vld [tilespmem:s0+$0x3E00]  }
0x1e0: {  	[tilespmem:s0+$0xFA70] =	vst.add.f32.msk $0xffff, v55  }
0x1e1: {  	[tilespmem:s0+$0xFE10] =	vst.add.f32.msk $0xffff, v56  }
0x1e2: {  	[tilespmem:s0+$0xFE20] =	vst.add.f32.msk $0xffff, v57  }
0x1e3: {  	[tilespmem:s0+$0xFE30] =	vst.add.f32.msk $0xffff, v58  }
0x1e4: {  	[tilespmem:s0+$0xFE00] =	vst.add.f32.msk $0xffff, v3  }
0x1e5: {  	v3 =	vld [tilespmem:s0+$0x3E50]  }
0x1e6: {  	[tilespmem:s0+$0xFE40] =	vst.add.f32.msk $0xffff, v59  }
0x1e7: {  	[tilespmem:s0+$0xFE60] =	vst.add.f32.msk $0xffff, v60  }
0x1e8: {  	[tilespmem:s0+$0xFE70] =	vst.add.f32.msk $0xffff, v61  }
0x1e9: {  	s23 =	sadd.s32 $0x10200, s0;
	[tilespmem:s0+$0x10200] =	vst.add.f32.msk $0xffff, v62  }
0x1ea: {  	s24 =	sor.u32 $0x10, s23;
	[tilespmem:s0+$0xFE50] =	vst.add.f32.msk $0xffff, v3  }
0x1eb: {  	[tilespmem:s24+$0x0] =	vst.add.f32.msk $0xffff, v63  }
0x1ec: {  	v3 =	vld [tilespmem:s0+$0x4220];
	_ =	sdelay $0x3  }
0x1ed: {  	s26 =	sor.u32 $0x20, s23  }
0x1ee: {  	[tilespmem:s26+$0x0] =	vst.add.f32.msk $0xffff, v3  }
0x1ef: {  	v3 =	vld [tilespmem:s0+$0x4230];
	_ =	sdelay $0x3  }
0x1f0: {  	s31 =	sor.u32 $0x30, s23  }
0x1f1: {  	[tilespmem:s31+$0x0] =	vst.add.f32.msk $0xffff, v3  }
0x1f2: {  	v3 =	vld [tilespmem:s0+$0x4240];
	_ =	sdelay $0x3  }
0x1f3: {  	s18 =	sor.u32 $0x40, s23  }
0x1f4: {  	[tilespmem:s18+$0x0] =	vst.add.f32.msk $0xffff, v3  }
0x1f5: {  	v3 =	vld [tilespmem:s0+$0x4250];
	_ =	sdelay $0x3  }
0x1f6: {  	s25 =	sor.u32 $0x50, s23  }
0x1f7: {  	[tilespmem:s25+$0x0] =	vst.add.f32.msk $0xffff, v3  }
0x1f8: {  	v3 =	vld [tilespmem:s0+$0x4260];
	_ =	sdelay $0x3  }
0x1f9: {  	s26 =	sor.u32 $0x60, s23  }
0x1fa: {  	[tilespmem:s26+$0x0] =	vst.add.f32.msk $0xffff, v3  }
0x1fb: {  	v3 =	vld [tilespmem:s0+$0x4270];
	_ =	sdelay $0x3  }
0x1fc: {  	s21 =	sor.u32 s21, s2;
	s23 =	sor.u32 $0x70, s23  }
0x1fd: {  	s21 =	sor.u32 $0x4400, s21;
	[tilespmem:s23+$0x0] =	vst.add.f32.msk $0xffff, v3  }
0x1fe: {  	v3 =	vld [tilespmem:s21+$0x200];
	_ =	sdelay $0x4  }
0x1ff: {  	[tilespmem:s0+$0x10600] =	vst.add.f32.msk $0xffff, v3  }
0x200: {  	v3 =	vld [tilespmem:s21+$0x210];
	_ =	sdelay $0x2  }
0x201: {  	s0 =	sadd.s32 $0x10600, s0  }
0x202: {  	s31 =	sor.u32 $0x10, s0  }
0x203: {  	[tilespmem:s31+$0x0] =	vst.add.f32.msk $0xffff, v3  }
0x204: {  	v3 =	vld [tilespmem:s21+$0x220];
	_ =	sdelay $0x3  }
0x205: {  	s18 =	sor.u32 $0x20, s0  }
0x206: {  	[tilespmem:s18+$0x0] =	vst.add.f32.msk $0xffff, v3  }
0x207: {  	v3 =	vld [tilespmem:s21+$0x230];
	_ =	sdelay $0x3  }
0x208: {  	s24 =	sor.u32 $0x30, s0  }
0x209: {  	[tilespmem:s24+$0x0] =	vst.add.f32.msk $0xffff, v3  }
0x20a: {  	v3 =	vld [tilespmem:s21+$0x240];
	_ =	sdelay $0x3  }
0x20b: {  	s25 =	sor.u32 $0x40, s0  }
0x20c: {  	[tilespmem:s25+$0x0] =	vst.add.f32.msk $0xffff, v3  }
0x20d: {  	v3 =	vld [tilespmem:s21+$0x250];
	_ =	sdelay $0x3  }
0x20e: {  	s26 =	sor.u32 $0x50, s0  }
0x20f: {  	[tilespmem:s26+$0x0] =	vst.add.f32.msk $0xffff, v3  }
0x210: {  	v3 =	vld [tilespmem:s21+$0x260];
	_ =	sdelay $0x3  }
0x211: {  	s31 =	sor.u32 $0x60, s0  }
0x212: {  	[tilespmem:s31+$0x0] =	vst.add.f32.msk $0xffff, v3  }
0x213: {  	p0 =	sne.s32 s17, $0xF;
	v3 =	vld [tilespmem:s21+$0x270]  }
.Ltmp1:
0x214: {  	_ = 	snop;
	(pc) =	sbr.rel @p0 .LBB2_5-.Ltmp1, $3  }
0x215: {  	_ =	sdelay $0x1  }
0x216: {  	s0 =	sor.u32 $0x70, s0  }
0x217: {  	s17 =	sadd.s32 $0x1, s17;
	s2 =	sadd.s32 $0x80, s2;
	[tilespmem:s0+$0x0] =	vst.add.f32.msk $0xffff, v3  }
0x218: {  	s0 =	sadd.s32 s10, s13  }
0x219: {  	s0 =	sshrl.u32 s0, $0x3  }
0x21a: {  	s0 =	sadd.s32 s3, s0  }
0x21b: {  	[hbm4b:s0+s4] =	stream.linear.scatter [tilespmem:s29], [sflag:$0x6], $0x3000, $0x38;
	[tilespmem:$0x18200] =	vst v63  }
0x21c: {  	_ =	swait.ge [sflag:s8], $0x3000  }
0x21d: {  	p0 =	seq.s32 s5, $0x3;
	[sflag:s8] =	ssyncset.done $0x0  }
0x21e: {  	s0 =	simm.s32 @!p0 $0x5;
	[sflag:s8] =	ssyncadd.s32 $0xFFFFD000  }
0x21f: {  	_ =	swait.ge @!p0 [sflag:s0], $0x3000  }
0x220: {  	[sflag:s0] =	ssyncset.done @!p0 $0x0  }
0x221: {  	[sflag:s0] =	ssyncadd.s32 @!p0 $0xFFFFD000  }
0x222: {  	v3 =	vld @!p0 [tilespmem:s16+$0x80];
	_ =	sdelay $0x4  }
0x223: {  	v4 =	vshrl.u32 @!p0 v3, $0x3  }
0x224: {  	v4 =	vmul.u32 @!p0 $0x30, v4  }
0x225: {  	v5 =	vlaneseq.u32 @!p0;
	v3 =	vand.u32 @!p0 $0x7, v3  }
0x226: {  	v6 =	vshrl.u32 @!p0 v5, $0x3;
	v3 =	vor.u32 @!p0 v3, v4;
	v4 =	vand.u32 @!p0 $0x7, v5  }
0x227: {  	v6 =	vmul.u32 @!p0 $0x8, v6;
	v4 =	vperm.xlane @!p0 v3, v4;
	_ =	sdelay $0x1  }
0x228: {  	v4 =	vadd.s32 @!p0 v6, v4;
	_ =	sdelay $0x2  }
0x229: {  	v5 =	vor.u32 @!p0 $0x8, v5  }
0x22a: {  	vm1 =	vmmov @!p0 $0xffff;
	s2 =	simm.s32 @!p0 $0xC200;
	s0 =	simm.s32 @!p0 $0x0;
	v3 =	vperm.xlane @!p0 v3, v5  }
0x22b: {  	[tilespmem:s2], [sflag:$0x1] =	stream.indirect_vreg.gather @!p0 [hbm4b:s1+s0], $0x80, v4, vm1, $0xb8;
	[tilespmem:$0x18200] =	vst v63  }
0x22c: {  	v3 =	vadd.s32 @!p0 v6, v3;
	s2 =	simm.s32 @!p0 $0xCA00  }
0x22d: {  	[tilespmem:s2], [sflag:$0x1] =	stream.indirect_vreg.gather @!p0 [hbm4b:s11+s0], $0x80, v4, vm1, $0xb8;
	[tilespmem:$0x18200] =	vst v63  }
0x22e: {  	s2 =	simm.s32 @!p0 $0xD200  }
0x22f: {  	[tilespmem:s2], [sflag:$0x1] =	stream.indirect_vreg.gather @!p0 [hbm4b:s12+s0], $0x80, v4, vm1, $0xb8;
	[tilespmem:$0x18200] =	vst v63  }
0x230: {  	s2 =	simm.s32 @!p0 $0xDA00  }
0x231: {  	[tilespmem:s2], [sflag:$0x1] =	stream.indirect_vreg.gather @!p0 [hbm4b:s1+s0], $0x80, v3, vm1, $0xb8;
	[tilespmem:$0x18200] =	vst v63  }
0x232: {  	s2 =	simm.s32 @!p0 $0xE200  }
0x233: {  	[tilespmem:s2], [sflag:$0x1] =	stream.indirect_vreg.gather @!p0 [hbm4b:s11+s0], $0x80, v3, vm1, $0xb8;
	[tilespmem:$0x18200] =	vst v63  }
0x234: {  	s17 =	simm.s32 $0x0;
	s2 =	simm.s32 @!p0 $0xEA00  }
0x235: {  	[tilespmem:s2], [sflag:$0x1] =	stream.indirect_vreg.gather @!p0 [hbm4b:s12+s0], $0x80, v3, vm1, $0xb8;
	[tilespmem:$0x18200] =	vst v63  }
0x236: {  	s18 =	simm.s32 $0x0;
	s0 =	smul.u32 $0x1800, s17  }
0x237: {  	s2 =	sand.u32 $0x380, s18  }
0x238: {  	s2 =	sor.u32 s2, s0  }
0x239: {  	v3 =	vld [tilespmem:s2+$0x6200]  }
0x23a: {  	v4 =	vld [tilespmem:s2+$0x6210];
	_ =	sdelay $0x2  }
0x23b: {  	s0 =	sadd.s32 $0x12200, s2  }
0x23c: {  	s17 =	sor.u32 $0x10, s0;
	[tilespmem:s2+$0x12200] =	vst.add.f32.msk $0xffff, v3  }
0x23d: {  	[tilespmem:s17+$0x0] =	vst.add.f32.msk $0xffff, v4  }
0x23e: {  	v3 =	vld [tilespmem:s2+$0x6220];
	_ =	sdelay $0x3  }
0x23f: {  	s21 =	sor.u32 $0x20, s0  }
0x240: {  	[tilespmem:s21+$0x0] =	vst.add.f32.msk $0xffff, v3  }
0x241: {  	v3 =	vld [tilespmem:s2+$0x6230];
	_ =	sdelay $0x3  }
0x242: {  	s23 =	sor.u32 $0x30, s0  }
0x243: {  	[tilespmem:s23+$0x0] =	vst.add.f32.msk $0xffff, v3  }
0x244: {  	v3 =	vld [tilespmem:s2+$0x6240];
	_ =	sdelay $0x3  }
0x245: {  	s24 =	sor.u32 $0x40, s0  }
0x246: {  	[tilespmem:s24+$0x0] =	vst.add.f32.msk $0xffff, v3  }
0x247: {  	v3 =	vld [tilespmem:s2+$0x6250];
	_ =	sdelay $0x3  }
0x248: {  	s25 =	sor.u32 $0x50, s0  }
0x249: {  	[tilespmem:s25+$0x0] =	vst.add.f32.msk $0xffff, v3  }
0x24a: {  	v3 =	vld [tilespmem:s2+$0x6260];
	_ =	sdelay $0x3  }
0x24b: {  	s26 =	sor.u32 $0x60, s0  }
0x24c: {  	[tilespmem:s26+$0x0] =	vst.add.f32.msk $0xffff, v3  }
0x24d: {  	v3 =	vld [tilespmem:s2+$0x6270];
	_ =	sdelay $0x3  }
0x24e: {  	s31 =	sor.u32 $0x70, s0  }
0x24f: {  	[tilespmem:s31+$0x0] =	vst.add.f32.msk $0xffff, v3  }
0x250: {  	v3 =	vld [tilespmem:s2+$0x6600];
	_ =	sdelay $0x4  }
0x251: {  	[tilespmem:s0+$0x400] =	vst.add.f32.msk $0xffff, v3  }
0x252: {  	v3 =	vld [tilespmem:s2+$0x6610];
	_ =	sdelay $0x4  }
0x253: {  	[tilespmem:s0+$0x410] =	vst.add.f32.msk $0xffff, v3  }
0x254: {  	v3 =	vld [tilespmem:s2+$0x6620];
	_ =	sdelay $0x4  }
0x255: {  	[tilespmem:s0+$0x420] =	vst.add.f32.msk $0xffff, v3  }
0x256: {  	v3 =	vld [tilespmem:s2+$0x6630];
	_ =	sdelay $0x4  }
0x257: {  	[tilespmem:s0+$0x430] =	vst.add.f32.msk $0xffff, v3  }
0x258: {  	v3 =	vld [tilespmem:s2+$0x6640];
	_ =	sdelay $0x4  }
0x259: {  	[tilespmem:s0+$0x440] =	vst.add.f32.msk $0xffff, v3  }
0x25a: {  	v3 =	vld [tilespmem:s2+$0x6650];
	_ =	sdelay $0x4  }
0x25b: {  	[tilespmem:s0+$0x450] =	vst.add.f32.msk $0xffff, v3  }
0x25c: {  	v3 =	vld [tilespmem:s2+$0x6660];
	_ =	sdelay $0x4  }
0x25d: {  	[tilespmem:s0+$0x460] =	vst.add.f32.msk $0xffff, v3  }
0x25e: {  	v3 =	vld [tilespmem:s2+$0x6670];
	_ =	sdelay $0x4  }
0x25f: {  	[tilespmem:s0+$0x470] =	vst.add.f32.msk $0xffff, v3  }
0x260: {  	v3 =	vld [tilespmem:s2+$0x6A00]  }
0x261: {  	v4 =	vld [tilespmem:s2+$0x6A10];
	_ =	sdelay $0x2  }
0x262: {  	s18 =	sadd.s32 $0x12A00, s2  }
0x263: {  	s21 =	sor.u32 $0x10, s18;
	[tilespmem:s2+$0x12A00] =	vst.add.f32.msk $0xffff, v3  }
0x264: {  	[tilespmem:s21+$0x0] =	vst.add.f32.msk $0xffff, v4  }
0x265: {  	v3 =	vld [tilespmem:s2+$0x6A20];
	_ =	sdelay $0x3  }
0x266: {  	s23 =	sor.u32 $0x20, s18  }
0x267: {  	[tilespmem:s23+$0x0] =	vst.add.f32.msk $0xffff, v3  }
0x268: {  	v3 =	vld [tilespmem:s2+$0x6A30];
	_ =	sdelay $0x3  }
0x269: {  	s24 =	sor.u32 $0x30, s18  }
0x26a: {  	[tilespmem:s24+$0x0] =	vst.add.f32.msk $0xffff, v3  }
0x26b: {  	v3 =	vld [tilespmem:s2+$0x6A40];
	_ =	sdelay $0x3  }
0x26c: {  	s25 =	sor.u32 $0x40, s18  }
0x26d: {  	[tilespmem:s25+$0x0] =	vst.add.f32.msk $0xffff, v3  }
0x26e: {  	v3 =	vld [tilespmem:s2+$0x6A50];
	_ =	sdelay $0x3  }
0x26f: {  	s26 =	sor.u32 $0x50, s18  }
0x270: {  	[tilespmem:s26+$0x0] =	vst.add.f32.msk $0xffff, v3  }
0x271: {  	v3 =	vld [tilespmem:s2+$0x6A60];
	_ =	sdelay $0x3  }
0x272: {  	s31 =	sor.u32 $0x60, s18  }
0x273: {  	[tilespmem:s31+$0x0] =	vst.add.f32.msk $0xffff, v3  }
0x274: {  	v3 =	vld [tilespmem:s2+$0x6A70];
	_ =	sdelay $0x3  }
0x275: {  	s0 =	sor.u32 $0x70, s18  }
0x276: {  	[tilespmem:s0+$0x0] =	vst.add.f32.msk $0xffff, v3  }
0x277: {  	v3 =	vld [tilespmem:s2+$0x6E00]  }
0x278: {  	v4 =	vld [tilespmem:s2+$0x6E10];
	_ =	sdelay $0x2  }
0x279: {  	s18 =	sadd.s32 $0x12E00, s2  }
0x27a: {  	s21 =	sor.u32 $0x10, s18;
	[tilespmem:s2+$0x12E00] =	vst.add.f32.msk $0xffff, v3  }
0x27b: {  	[tilespmem:s21+$0x0] =	vst.add.f32.msk $0xffff, v4  }
0x27c: {  	v3 =	vld [tilespmem:s2+$0x6E20];
	_ =	sdelay $0x3  }
0x27d: {  	s23 =	sor.u32 $0x20, s18  }
0x27e: {  	[tilespmem:s23+$0x0] =	vst.add.f32.msk $0xffff, v3  }
0x27f: {  	v3 =	vld [tilespmem:s2+$0x6E30];
	_ =	sdelay $0x3  }
0x280: {  	s24 =	sor.u32 $0x30, s18  }
0x281: {  	[tilespmem:s24+$0x0] =	vst.add.f32.msk $0xffff, v3  }
0x282: {  	v3 =	vld [tilespmem:s2+$0x6E40];
	_ =	sdelay $0x3  }
0x283: {  	s25 =	sor.u32 $0x40, s18  }
0x284: {  	[tilespmem:s25+$0x0] =	vst.add.f32.msk $0xffff, v3  }
0x285: {  	v3 =	vld [tilespmem:s2+$0x6E50];
	_ =	sdelay $0x3  }
0x286: {  	s26 =	sor.u32 $0x50, s18  }
0x287: {  	[tilespmem:s26+$0x0] =	vst.add.f32.msk $0xffff, v3  }
0x288: {  	v3 =	vld [tilespmem:s2+$0x6E60];
	_ =	sdelay $0x3  }
0x289: {  	s31 =	sor.u32 $0x60, s18  }
0x28a: {  	[tilespmem:s31+$0x0] =	vst.add.f32.msk $0xffff, v3  }
0x28b: {  	v3 =	vld [tilespmem:s2+$0x6E70];
	_ =	sdelay $0x3  }
0x28c: {  	s0 =	sor.u32 $0x70, s18  }
0x28d: {  	[tilespmem:s0+$0x0] =	vst.add.f32.msk $0xffff, v3  }
0x28e: {  	v3 =	vld [tilespmem:s2+$0x7200]  }
0x28f: {  	v4 =	vld [tilespmem:s2+$0x7210];
	_ =	sdelay $0x2  }
0x290: {  	s18 =	sadd.s32 $0x13200, s2  }
0x291: {  	s21 =	sor.u32 $0x10, s18;
	[tilespmem:s2+$0x13200] =	vst.add.f32.msk $0xffff, v3  }
0x292: {  	[tilespmem:s21+$0x0] =	vst.add.f32.msk $0xffff, v4  }
0x293: {  	v3 =	vld [tilespmem:s2+$0x7220];
	_ =	sdelay $0x3  }
0x294: {  	s23 =	sor.u32 $0x20, s18  }
0x295: {  	[tilespmem:s23+$0x0] =	vst.add.f32.msk $0xffff, v3  }
0x296: {  	v3 =	vld [tilespmem:s2+$0x7230];
	_ =	sdelay $0x3  }
0x297: {  	s24 =	sor.u32 $0x30, s18  }
0x298: {  	[tilespmem:s24+$0x0] =	vst.add.f32.msk $0xffff, v3  }
0x299: {  	v3 =	vld [tilespmem:s2+$0x7240];
	_ =	sdelay $0x3  }
0x29a: {  	s25 =	sor.u32 $0x40, s18  }
0x29b: {  	[tilespmem:s25+$0x0] =	vst.add.f32.msk $0xffff, v3  }
0x29c: {  	v3 =	vld [tilespmem:s2+$0x7250];
	_ =	sdelay $0x3  }
0x29d: {  	s26 =	sor.u32 $0x50, s18  }
0x29e: {  	[tilespmem:s26+$0x0] =	vst.add.f32.msk $0xffff, v3  }
0x29f: {  	v3 =	vld [tilespmem:s2+$0x7260];
	_ =	sdelay $0x3  }
0x2a0: {  	s31 =	sor.u32 $0x60, s18  }
0x2a1: {  	[tilespmem:s31+$0x0] =	vst.add.f32.msk $0xffff, v3  }
0x2a2: {  	v3 =	vld [tilespmem:s2+$0x7270];
	_ =	sdelay $0x3  }
0x2a3: {  	s0 =	sor.u32 $0x70, s18  }
0x2a4: {  	[tilespmem:s0+$0x0] =	vst.add.f32.msk $0xffff, v3  }
0x2a5: {  	v3 =	vld [tilespmem:s2+$0x7600]  }
0x2a6: {  	v4 =	vld [tilespmem:s2+$0x7610];
	_ =	sdelay $0x2  }
0x2a7: {  	s23 =	sadd.s32 $0x13600, s2  }
0x2a8: {  	s17 =	sor.u32 $0x10, s23;
	[tilespmem:s2+$0x13600] =	vst.add.f32.msk $0xffff, v3  }
0x2a9: {  	[tilespmem:s17+$0x0] =	vst.add.f32.msk $0xffff, v4  }
0x2aa: {  	v3 =	vld [tilespmem:s2+$0x7620];
	_ =	sdelay $0x3  }
0x2ab: {  	s18 =	sor.u32 $0x20, s23  }
0x2ac: {  	[tilespmem:s18+$0x0] =	vst.add.f32.msk $0xffff, v3  }
0x2ad: {  	v3 =	vld [tilespmem:s2+$0x7630];
	_ =	sdelay $0x3  }
0x2ae: {  	s21 =	sor.u32 $0x30, s23  }
0x2af: {  	[tilespmem:s21+$0x0] =	vst.add.f32.msk $0xffff, v3  }
0x2b0: {  	v3 =	vld [tilespmem:s2+$0x7640];
	_ =	sdelay $0x3  }
0x2b1: {  	s24 =	sor.u32 $0x40, s23  }
0x2b2: {  	[tilespmem:s24+$0x0] =	vst.add.f32.msk $0xffff, v3  }
0x2b3: {  	v3 =	vld [tilespmem:s2+$0x7650];
	_ =	sdelay $0x3  }
0x2b4: {  	s25 =	sor.u32 $0x50, s23  }
0x2b5: {  	[tilespmem:s25+$0x0] =	vst.add.f32.msk $0xffff, v3  }
0x2b6: {  	v3 =	vld [tilespmem:s2+$0x7660];
	_ =	sdelay $0x3  }
0x2b7: {  	s26 =	sor.u32 $0x60, s23  }
0x2b8: {  	[tilespmem:s26+$0x0] =	vst.add.f32.msk $0xffff, v3  }
0x2b9: {  	v3 =	vld [tilespmem:s2+$0x7670];
	_ =	sdelay $0x1  }
0x2ba: {  	s23 =	sor.u32 $0x70, s23;
	s31 =	simm.s32 $0x0;
	s21 =	simm.s32 $0x80  }
0x2bb: {  	s0 =	smul.u32 $0x1800, s31;
	s17 =	simm.s32 $0x2;
	s2 =	sand.u32 $0x380, s21  }
.LBB2_7:
0x2bc: {  	p1 =	sne.s32 s17, $0xF  }
0x2bd: {  	s24 =	sor.u32 s2, s0;
	[tilespmem:s23+$0x0] =	vst.add.f32.msk $0xffff, v3;
	s23 =	smov.u32 s17;
	s17 =	sadd.s32 $0x1, s17  }
0x2be: {  	v3 =	vld [tilespmem:s24+$0x6200];
	s2 =	sadd.s32 $0x12A00, s24;
	s31 =	sadd.s32 $0x12E00, s24;
	s26 =	sadd.s32 $0x13200, s24  }
0x2bf: {  	s25 =	sadd.s32 $0x13600, s24;
	v4 =	vld [tilespmem:s24+$0x6210];
	_ =	sdelay $0x2  }
0x2c0: {  	s0 =	sadd.s32 $0x12200, s24  }
0x2c1: {  	s18 =	sor.u32 $0x10, s0;
	[tilespmem:s24+$0x12200] =	vst.add.f32.msk $0xffff, v3  }
0x2c2: {  	[tilespmem:s18+$0x0] =	vst.add.f32.msk $0xffff, v4  }
0x2c3: {  	v3 =	vld [tilespmem:s24+$0x6220];
	_ =	sdelay $0x3  }
0x2c4: {  	s18 =	sor.u32 $0x20, s0  }
0x2c5: {  	[tilespmem:s18+$0x0] =	vst.add.f32.msk $0xffff, v3  }
0x2c6: {  	v3 =	vld [tilespmem:s24+$0x6230];
	_ =	sdelay $0x3  }
0x2c7: {  	s18 =	sor.u32 $0x30, s0  }
0x2c8: {  	[tilespmem:s18+$0x0] =	vst.add.f32.msk $0xffff, v3  }
0x2c9: {  	v3 =	vld [tilespmem:s24+$0x6240];
	_ =	sdelay $0x3  }
0x2ca: {  	s18 =	sor.u32 $0x40, s0  }
0x2cb: {  	[tilespmem:s18+$0x0] =	vst.add.f32.msk $0xffff, v3  }
0x2cc: {  	v3 =	vld [tilespmem:s24+$0x6250];
	_ =	sdelay $0x3  }
0x2cd: {  	s18 =	sor.u32 $0x50, s0  }
0x2ce: {  	[tilespmem:s18+$0x0] =	vst.add.f32.msk $0xffff, v3  }
0x2cf: {  	v3 =	vld [tilespmem:s24+$0x6260];
	_ =	sdelay $0x3  }
0x2d0: {  	s18 =	sor.u32 $0x60, s0  }
0x2d1: {  	[tilespmem:s18+$0x0] =	vst.add.f32.msk $0xffff, v3  }
0x2d2: {  	v3 =	vld [tilespmem:s24+$0x6270];
	_ =	sdelay $0x3  }
0x2d3: {  	s18 =	sor.u32 $0x70, s0  }
0x2d4: {  	[tilespmem:s18+$0x0] =	vst.add.f32.msk $0xffff, v3  }
0x2d5: {  	v3 =	vld [tilespmem:s24+$0x6600];
	_ =	sdelay $0x4  }
0x2d6: {  	[tilespmem:s0+$0x400] =	vst.add.f32.msk $0xffff, v3  }
0x2d7: {  	v3 =	vld [tilespmem:s24+$0x6610];
	_ =	sdelay $0x4  }
0x2d8: {  	[tilespmem:s0+$0x410] =	vst.add.f32.msk $0xffff, v3  }
0x2d9: {  	v3 =	vld [tilespmem:s24+$0x6620];
	_ =	sdelay $0x4  }
0x2da: {  	[tilespmem:s0+$0x420] =	vst.add.f32.msk $0xffff, v3  }
0x2db: {  	v3 =	vld [tilespmem:s24+$0x6630];
	_ =	sdelay $0x4  }
0x2dc: {  	[tilespmem:s0+$0x430] =	vst.add.f32.msk $0xffff, v3  }
0x2dd: {  	v3 =	vld [tilespmem:s24+$0x6640];
	_ =	sdelay $0x4  }
0x2de: {  	[tilespmem:s0+$0x440] =	vst.add.f32.msk $0xffff, v3  }
0x2df: {  	v3 =	vld [tilespmem:s24+$0x6650];
	_ =	sdelay $0x4  }
0x2e0: {  	[tilespmem:s0+$0x450] =	vst.add.f32.msk $0xffff, v3  }
0x2e1: {  	v3 =	vld [tilespmem:s24+$0x6660];
	_ =	sdelay $0x4  }
0x2e2: {  	[tilespmem:s0+$0x460] =	vst.add.f32.msk $0xffff, v3  }
0x2e3: {  	v3 =	vld [tilespmem:s24+$0x6670];
	_ =	sdelay $0x4  }
0x2e4: {  	[tilespmem:s0+$0x470] =	vst.add.f32.msk $0xffff, v3  }
0x2e5: {  	v3 =	vld [tilespmem:s24+$0x6A00]  }
0x2e6: {  	v4 =	vld [tilespmem:s24+$0x6A10];
	_ =	sdelay $0x3  }
0x2e7: {  	s0 =	sor.u32 $0x10, s2;
	[tilespmem:s24+$0x12A00] =	vst.add.f32.msk $0xffff, v3  }
0x2e8: {  	[tilespmem:s0+$0x0] =	vst.add.f32.msk $0xffff, v4  }
0x2e9: {  	v3 =	vld [tilespmem:s24+$0x6A20];
	_ =	sdelay $0x3  }
0x2ea: {  	s0 =	sor.u32 $0x20, s2  }
0x2eb: {  	[tilespmem:s0+$0x0] =	vst.add.f32.msk $0xffff, v3  }
0x2ec: {  	v3 =	vld [tilespmem:s24+$0x6A30];
	_ =	sdelay $0x3  }
0x2ed: {  	s0 =	sor.u32 $0x30, s2  }
0x2ee: {  	[tilespmem:s0+$0x0] =	vst.add.f32.msk $0xffff, v3  }
0x2ef: {  	v3 =	vld [tilespmem:s24+$0x6A40];
	_ =	sdelay $0x3  }
0x2f0: {  	s0 =	sor.u32 $0x40, s2  }
0x2f1: {  	[tilespmem:s0+$0x0] =	vst.add.f32.msk $0xffff, v3  }
0x2f2: {  	v3 =	vld [tilespmem:s24+$0x6A50];
	_ =	sdelay $0x3  }
0x2f3: {  	s0 =	sor.u32 $0x50, s2  }
0x2f4: {  	[tilespmem:s0+$0x0] =	vst.add.f32.msk $0xffff, v3  }
0x2f5: {  	v3 =	vld [tilespmem:s24+$0x6A60];
	_ =	sdelay $0x3  }
0x2f6: {  	s0 =	sor.u32 $0x60, s2  }
0x2f7: {  	[tilespmem:s0+$0x0] =	vst.add.f32.msk $0xffff, v3  }
0x2f8: {  	v3 =	vld [tilespmem:s24+$0x6A70];
	_ =	sdelay $0x3  }
0x2f9: {  	s0 =	sor.u32 $0x70, s2  }
0x2fa: {  	[tilespmem:s0+$0x0] =	vst.add.f32.msk $0xffff, v3  }
0x2fb: {  	v3 =	vld [tilespmem:s24+$0x6E00]  }
0x2fc: {  	v4 =	vld [tilespmem:s24+$0x6E10];
	_ =	sdelay $0x3  }
0x2fd: {  	s0 =	sor.u32 $0x10, s31;
	[tilespmem:s24+$0x12E00] =	vst.add.f32.msk $0xffff, v3  }
0x2fe: {  	[tilespmem:s0+$0x0] =	vst.add.f32.msk $0xffff, v4  }
0x2ff: {  	v3 =	vld [tilespmem:s24+$0x6E20];
	_ =	sdelay $0x3  }
0x300: {  	s0 =	sor.u32 $0x20, s31  }
0x301: {  	[tilespmem:s0+$0x0] =	vst.add.f32.msk $0xffff, v3  }
0x302: {  	v3 =	vld [tilespmem:s24+$0x6E30];
	_ =	sdelay $0x3  }
0x303: {  	s0 =	sor.u32 $0x30, s31  }
0x304: {  	[tilespmem:s0+$0x0] =	vst.add.f32.msk $0xffff, v3  }
0x305: {  	v3 =	vld [tilespmem:s24+$0x6E40];
	_ =	sdelay $0x3  }
0x306: {  	s0 =	sor.u32 $0x40, s31  }
0x307: {  	[tilespmem:s0+$0x0] =	vst.add.f32.msk $0xffff, v3  }
0x308: {  	v3 =	vld [tilespmem:s24+$0x6E50];
	_ =	sdelay $0x3  }
0x309: {  	s0 =	sor.u32 $0x50, s31  }
0x30a: {  	[tilespmem:s0+$0x0] =	vst.add.f32.msk $0xffff, v3  }
0x30b: {  	v3 =	vld [tilespmem:s24+$0x6E60];
	_ =	sdelay $0x3  }
0x30c: {  	s0 =	sor.u32 $0x60, s31  }
0x30d: {  	[tilespmem:s0+$0x0] =	vst.add.f32.msk $0xffff, v3  }
0x30e: {  	v3 =	vld [tilespmem:s24+$0x6E70];
	_ =	sdelay $0x3  }
0x30f: {  	s0 =	sor.u32 $0x70, s31  }
0x310: {  	[tilespmem:s0+$0x0] =	vst.add.f32.msk $0xffff, v3  }
0x311: {  	v3 =	vld [tilespmem:s24+$0x7200]  }
0x312: {  	v4 =	vld [tilespmem:s24+$0x7210];
	_ =	sdelay $0x3  }
0x313: {  	s0 =	sor.u32 $0x10, s26;
	[tilespmem:s24+$0x13200] =	vst.add.f32.msk $0xffff, v3  }
0x314: {  	[tilespmem:s0+$0x0] =	vst.add.f32.msk $0xffff, v4  }
0x315: {  	v3 =	vld [tilespmem:s24+$0x7220];
	_ =	sdelay $0x3  }
0x316: {  	s0 =	sor.u32 $0x20, s26  }
0x317: {  	[tilespmem:s0+$0x0] =	vst.add.f32.msk $0xffff, v3  }
0x318: {  	v3 =	vld [tilespmem:s24+$0x7230];
	_ =	sdelay $0x3  }
0x319: {  	s0 =	sor.u32 $0x30, s26  }
0x31a: {  	[tilespmem:s0+$0x0] =	vst.add.f32.msk $0xffff, v3  }
0x31b: {  	v3 =	vld [tilespmem:s24+$0x7240];
	_ =	sdelay $0x3  }
0x31c: {  	s0 =	sor.u32 $0x40, s26  }
0x31d: {  	[tilespmem:s0+$0x0] =	vst.add.f32.msk $0xffff, v3  }
0x31e: {  	v3 =	vld [tilespmem:s24+$0x7250];
	_ =	sdelay $0x3  }
0x31f: {  	s0 =	sor.u32 $0x50, s26  }
0x320: {  	[tilespmem:s0+$0x0] =	vst.add.f32.msk $0xffff, v3  }
0x321: {  	v3 =	vld [tilespmem:s24+$0x7260];
	_ =	sdelay $0x3  }
0x322: {  	s0 =	sor.u32 $0x60, s26  }
0x323: {  	[tilespmem:s0+$0x0] =	vst.add.f32.msk $0xffff, v3  }
0x324: {  	v3 =	vld [tilespmem:s24+$0x7270];
	_ =	sdelay $0x3  }
0x325: {  	s0 =	sor.u32 $0x70, s26  }
0x326: {  	[tilespmem:s0+$0x0] =	vst.add.f32.msk $0xffff, v3  }
0x327: {  	v3 =	vld [tilespmem:s24+$0x7600]  }
0x328: {  	v4 =	vld [tilespmem:s24+$0x7610];
	_ =	sdelay $0x3  }
0x329: {  	s0 =	sor.u32 $0x10, s25;
	[tilespmem:s24+$0x13600] =	vst.add.f32.msk $0xffff, v3  }
0x32a: {  	[tilespmem:s0+$0x0] =	vst.add.f32.msk $0xffff, v4  }
0x32b: {  	v3 =	vld [tilespmem:s24+$0x7620];
	_ =	sdelay $0x3  }
0x32c: {  	s0 =	sor.u32 $0x20, s25  }
0x32d: {  	[tilespmem:s0+$0x0] =	vst.add.f32.msk $0xffff, v3  }
0x32e: {  	v3 =	vld [tilespmem:s24+$0x7630];
	_ =	sdelay $0x3  }
0x32f: {  	s0 =	sor.u32 $0x30, s25  }
0x330: {  	[tilespmem:s0+$0x0] =	vst.add.f32.msk $0xffff, v3  }
0x331: {  	v3 =	vld [tilespmem:s24+$0x7640];
	_ =	sdelay $0x3  }
0x332: {  	s0 =	sor.u32 $0x40, s25  }
0x333: {  	[tilespmem:s0+$0x0] =	vst.add.f32.msk $0xffff, v3  }
0x334: {  	v3 =	vld [tilespmem:s24+$0x7650];
	_ =	sdelay $0x3  }
0x335: {  	s0 =	sor.u32 $0x50, s25  }
0x336: {  	[tilespmem:s0+$0x0] =	vst.add.f32.msk $0xffff, v3  }
0x337: {  	v3 =	vld [tilespmem:s24+$0x7660];
	_ =	sdelay $0x3  }
0x338: {  	s0 =	sor.u32 $0x60, s25  }
0x339: {  	[tilespmem:s0+$0x0] =	vst.add.f32.msk $0xffff, v3  }
.Ltmp2:
0x33a: {  	v3 =	vld [tilespmem:s24+$0x7670];
	(pc) =	sbr.rel @p1 .LBB2_7-.Ltmp2, $4  }
0x33b: {  	_ = 	snop  }
0x33c: {  	s0 =	sshrl.u32 s23, $0x3  }
0x33d: {  	s21 =	sadd.s32 $0x80, s21;
	s0 =	smul.u32 $0x1800, s0  }
0x33e: {  	s2 =	sand.u32 $0x380, s21;
	s23 =	sor.u32 $0x70, s25  }
0x33f: {  	s2 =	sor.u32 s2, s0;
	[tilespmem:s23+$0x0] =	vst.add.f32.msk $0xffff, v3  }
0x340: {  	v3 =	vld [tilespmem:s2+$0x6200]  }
0x341: {  	v4 =	vld [tilespmem:s2+$0x6210];
	_ =	sdelay $0x2  }
0x342: {  	s0 =	sadd.s32 $0x12200, s2  }
0x343: {  	s17 =	sor.u32 $0x10, s0;
	[tilespmem:s2+$0x12200] =	vst.add.f32.msk $0xffff, v3  }
0x344: {  	[tilespmem:s17+$0x0] =	vst.add.f32.msk $0xffff, v4  }
0x345: {  	v3 =	vld [tilespmem:s2+$0x6220];
	_ =	sdelay $0x3  }
0x346: {  	s25 =	sor.u32 $0x20, s0  }
0x347: {  	[tilespmem:s25+$0x0] =	vst.add.f32.msk $0xffff, v3  }
0x348: {  	v3 =	vld [tilespmem:s2+$0x6230];
	_ =	sdelay $0x3  }
0x349: {  	s26 =	sor.u32 $0x30, s0  }
0x34a: {  	[tilespmem:s26+$0x0] =	vst.add.f32.msk $0xffff, v3  }
0x34b: {  	v3 =	vld [tilespmem:s2+$0x6240];
	_ =	sdelay $0x3  }
0x34c: {  	s31 =	sor.u32 $0x40, s0  }
0x34d: {  	[tilespmem:s31+$0x0] =	vst.add.f32.msk $0xffff, v3  }
0x34e: {  	v3 =	vld [tilespmem:s2+$0x6250];
	_ =	sdelay $0x3  }
0x34f: {  	s18 =	sor.u32 $0x50, s0  }
0x350: {  	[tilespmem:s18+$0x0] =	vst.add.f32.msk $0xffff, v3  }
0x351: {  	v3 =	vld [tilespmem:s2+$0x6260];
	_ =	sdelay $0x3  }
0x352: {  	s21 =	sor.u32 $0x60, s0  }
0x353: {  	[tilespmem:s21+$0x0] =	vst.add.f32.msk $0xffff, v3  }
0x354: {  	v3 =	vld [tilespmem:s2+$0x6270];
	_ =	sdelay $0x3  }
0x355: {  	s23 =	sor.u32 $0x70, s0  }
0x356: {  	[tilespmem:s23+$0x0] =	vst.add.f32.msk $0xffff, v3  }
0x357: {  	v3 =	vld [tilespmem:s2+$0x6600];
	_ =	sdelay $0x4  }
0x358: {  	[tilespmem:s0+$0x400] =	vst.add.f32.msk $0xffff, v3  }
0x359: {  	v3 =	vld [tilespmem:s2+$0x6610];
	_ =	sdelay $0x4  }
0x35a: {  	[tilespmem:s0+$0x410] =	vst.add.f32.msk $0xffff, v3  }
0x35b: {  	v3 =	vld [tilespmem:s2+$0x6620];
	_ =	sdelay $0x4  }
0x35c: {  	[tilespmem:s0+$0x420] =	vst.add.f32.msk $0xffff, v3  }
0x35d: {  	v3 =	vld [tilespmem:s2+$0x6630];
	_ =	sdelay $0x4  }
0x35e: {  	[tilespmem:s0+$0x430] =	vst.add.f32.msk $0xffff, v3  }
0x35f: {  	v3 =	vld [tilespmem:s2+$0x6640];
	_ =	sdelay $0x4  }
0x360: {  	[tilespmem:s0+$0x440] =	vst.add.f32.msk $0xffff, v3  }
0x361: {  	v3 =	vld [tilespmem:s2+$0x6650];
	_ =	sdelay $0x4  }
0x362: {  	[tilespmem:s0+$0x450] =	vst.add.f32.msk $0xffff, v3  }
0x363: {  	v3 =	vld [tilespmem:s2+$0x6660];
	_ =	sdelay $0x4  }
0x364: {  	[tilespmem:s0+$0x460] =	vst.add.f32.msk $0xffff, v3  }
0x365: {  	v3 =	vld [tilespmem:s2+$0x6670];
	_ =	sdelay $0x4  }
0x366: {  	[tilespmem:s0+$0x470] =	vst.add.f32.msk $0xffff, v3  }
0x367: {  	v3 =	vld [tilespmem:s2+$0x6A00]  }
0x368: {  	v4 =	vld [tilespmem:s2+$0x6A10];
	_ =	sdelay $0x2  }
0x369: {  	s24 =	sadd.s32 $0x12A00, s2  }
0x36a: {  	s25 =	sor.u32 $0x10, s24;
	[tilespmem:s2+$0x12A00] =	vst.add.f32.msk $0xffff, v3  }
0x36b: {  	[tilespmem:s25+$0x0] =	vst.add.f32.msk $0xffff, v4  }
0x36c: {  	v3 =	vld [tilespmem:s2+$0x6A20];
	_ =	sdelay $0x3  }
0x36d: {  	s26 =	sor.u32 $0x20, s24  }
0x36e: {  	[tilespmem:s26+$0x0] =	vst.add.f32.msk $0xffff, v3  }
0x36f: {  	v3 =	vld [tilespmem:s2+$0x6A30];
	_ =	sdelay $0x3  }
0x370: {  	s31 =	sor.u32 $0x30, s24  }
0x371: {  	[tilespmem:s31+$0x0] =	vst.add.f32.msk $0xffff, v3  }
0x372: {  	v3 =	vld [tilespmem:s2+$0x6A40];
	_ =	sdelay $0x3  }
0x373: {  	s18 =	sor.u32 $0x40, s24  }
0x374: {  	[tilespmem:s18+$0x0] =	vst.add.f32.msk $0xffff, v3  }
0x375: {  	v3 =	vld [tilespmem:s2+$0x6A50];
	_ =	sdelay $0x3  }
0x376: {  	s21 =	sor.u32 $0x50, s24  }
0x377: {  	[tilespmem:s21+$0x0] =	vst.add.f32.msk $0xffff, v3  }
0x378: {  	v3 =	vld [tilespmem:s2+$0x6A60];
	_ =	sdelay $0x3  }
0x379: {  	s23 =	sor.u32 $0x60, s24  }
0x37a: {  	[tilespmem:s23+$0x0] =	vst.add.f32.msk $0xffff, v3  }
0x37b: {  	v3 =	vld [tilespmem:s2+$0x6A70];
	_ =	sdelay $0x3  }
0x37c: {  	s0 =	sor.u32 $0x70, s24  }
0x37d: {  	[tilespmem:s0+$0x0] =	vst.add.f32.msk $0xffff, v3  }
0x37e: {  	v3 =	vld [tilespmem:s2+$0x6E00]  }
0x37f: {  	v4 =	vld [tilespmem:s2+$0x6E10];
	_ =	sdelay $0x2  }
0x380: {  	s24 =	sadd.s32 $0x12E00, s2  }
0x381: {  	s25 =	sor.u32 $0x10, s24;
	[tilespmem:s2+$0x12E00] =	vst.add.f32.msk $0xffff, v3  }
0x382: {  	[tilespmem:s25+$0x0] =	vst.add.f32.msk $0xffff, v4  }
0x383: {  	v3 =	vld [tilespmem:s2+$0x6E20];
	_ =	sdelay $0x3  }
0x384: {  	s26 =	sor.u32 $0x20, s24  }
0x385: {  	[tilespmem:s26+$0x0] =	vst.add.f32.msk $0xffff, v3  }
0x386: {  	v3 =	vld [tilespmem:s2+$0x6E30];
	_ =	sdelay $0x3  }
0x387: {  	s31 =	sor.u32 $0x30, s24  }
0x388: {  	[tilespmem:s31+$0x0] =	vst.add.f32.msk $0xffff, v3  }
0x389: {  	v3 =	vld [tilespmem:s2+$0x6E40];
	_ =	sdelay $0x3  }
0x38a: {  	s18 =	sor.u32 $0x40, s24  }
0x38b: {  	[tilespmem:s18+$0x0] =	vst.add.f32.msk $0xffff, v3  }
0x38c: {  	v3 =	vld [tilespmem:s2+$0x6E50];
	_ =	sdelay $0x3  }
0x38d: {  	s21 =	sor.u32 $0x50, s24  }
0x38e: {  	[tilespmem:s21+$0x0] =	vst.add.f32.msk $0xffff, v3  }
0x38f: {  	v3 =	vld [tilespmem:s2+$0x6E60];
	_ =	sdelay $0x3  }
0x390: {  	s23 =	sor.u32 $0x60, s24  }
0x391: {  	[tilespmem:s23+$0x0] =	vst.add.f32.msk $0xffff, v3  }
0x392: {  	v3 =	vld [tilespmem:s2+$0x6E70];
	_ =	sdelay $0x3  }
0x393: {  	s0 =	sor.u32 $0x70, s24  }
0x394: {  	[tilespmem:s0+$0x0] =	vst.add.f32.msk $0xffff, v3  }
0x395: {  	v3 =	vld [tilespmem:s2+$0x7200]  }
0x396: {  	v4 =	vld [tilespmem:s2+$0x7210];
	_ =	sdelay $0x2  }
0x397: {  	s24 =	sadd.s32 $0x13200, s2  }
0x398: {  	s25 =	sor.u32 $0x10, s24;
	[tilespmem:s2+$0x13200] =	vst.add.f32.msk $0xffff, v3  }
0x399: {  	[tilespmem:s25+$0x0] =	vst.add.f32.msk $0xffff, v4  }
0x39a: {  	v3 =	vld [tilespmem:s2+$0x7220];
	_ =	sdelay $0x3  }
0x39b: {  	s26 =	sor.u32 $0x20, s24  }
0x39c: {  	[tilespmem:s26+$0x0] =	vst.add.f32.msk $0xffff, v3  }
0x39d: {  	v3 =	vld [tilespmem:s2+$0x7230];
	_ =	sdelay $0x3  }
0x39e: {  	s31 =	sor.u32 $0x30, s24  }
0x39f: {  	[tilespmem:s31+$0x0] =	vst.add.f32.msk $0xffff, v3  }
0x3a0: {  	v3 =	vld [tilespmem:s2+$0x7240];
	_ =	sdelay $0x3  }
0x3a1: {  	s18 =	sor.u32 $0x40, s24  }
0x3a2: {  	[tilespmem:s18+$0x0] =	vst.add.f32.msk $0xffff, v3  }
0x3a3: {  	v3 =	vld [tilespmem:s2+$0x7250];
	_ =	sdelay $0x3  }
0x3a4: {  	s21 =	sor.u32 $0x50, s24  }
0x3a5: {  	[tilespmem:s21+$0x0] =	vst.add.f32.msk $0xffff, v3  }
0x3a6: {  	v3 =	vld [tilespmem:s2+$0x7260];
	_ =	sdelay $0x3  }
0x3a7: {  	s23 =	sor.u32 $0x60, s24  }
0x3a8: {  	[tilespmem:s23+$0x0] =	vst.add.f32.msk $0xffff, v3  }
0x3a9: {  	v3 =	vld [tilespmem:s2+$0x7270];
	_ =	sdelay $0x3  }
0x3aa: {  	s0 =	sor.u32 $0x70, s24  }
0x3ab: {  	[tilespmem:s0+$0x0] =	vst.add.f32.msk $0xffff, v3  }
0x3ac: {  	v3 =	vld [tilespmem:s2+$0x7600]  }
0x3ad: {  	v4 =	vld [tilespmem:s2+$0x7610];
	_ =	sdelay $0x2  }
0x3ae: {  	s0 =	sadd.s32 $0x13600, s2  }
0x3af: {  	s24 =	sor.u32 $0x10, s0;
	[tilespmem:s2+$0x13600] =	vst.add.f32.msk $0xffff, v3  }
0x3b0: {  	[tilespmem:s24+$0x0] =	vst.add.f32.msk $0xffff, v4  }
0x3b1: {  	v3 =	vld [tilespmem:s2+$0x7620];
	_ =	sdelay $0x3  }
0x3b2: {  	s25 =	sor.u32 $0x20, s0  }
0x3b3: {  	[tilespmem:s25+$0x0] =	vst.add.f32.msk $0xffff, v3  }
0x3b4: {  	v3 =	vld [tilespmem:s2+$0x7630];
	_ =	sdelay $0x3  }
0x3b5: {  	s26 =	sor.u32 $0x30, s0  }
0x3b6: {  	[tilespmem:s26+$0x0] =	vst.add.f32.msk $0xffff, v3  }
0x3b7: {  	v3 =	vld [tilespmem:s2+$0x7640];
	_ =	sdelay $0x3  }
0x3b8: {  	s31 =	sor.u32 $0x40, s0  }
0x3b9: {  	[tilespmem:s31+$0x0] =	vst.add.f32.msk $0xffff, v3  }
0x3ba: {  	v3 =	vld [tilespmem:s2+$0x7650];
	_ =	sdelay $0x3  }
0x3bb: {  	s18 =	sor.u32 $0x50, s0  }
0x3bc: {  	[tilespmem:s18+$0x0] =	vst.add.f32.msk $0xffff, v3  }
0x3bd: {  	v3 =	vld [tilespmem:s2+$0x7660];
	_ =	sdelay $0x3  }
0x3be: {  	s21 =	sor.u32 $0x60, s0  }
0x3bf: {  	[tilespmem:s21+$0x0] =	vst.add.f32.msk $0xffff, v3  }
0x3c0: {  	v3 =	vld [tilespmem:s2+$0x7670];
	_ =	sdelay $0x2  }
0x3c1: {  	s23 =	sadd.s32 s10, s14  }
0x3c2: {  	s0 =	sor.u32 $0x70, s0;
	s2 =	sshrl.u32 s23, $0x3  }
0x3c3: {  	s24 =	sadd.s32 s3, s2;
	[tilespmem:s0+$0x0] =	vst.add.f32.msk $0xffff, v3  }
0x3c4: {  	[hbm4b:s24+s4] =	stream.linear.scatter [tilespmem:s20], [sflag:$0x7], $0x3000, $0x38;
	[tilespmem:$0x18200] =	vst v63  }
0x3c5: {  	_ =	swait.ge [sflag:s9], $0x3000  }
0x3c6: {  	[sflag:s9] =	ssyncset.done $0x0  }
0x3c7: {  	s0 =	simm.s32 @!p0 $0x6;
	[sflag:s9] =	ssyncadd.s32 $0xFFFFD000  }
0x3c8: {  	_ =	swait.ge @!p0 [sflag:s0], $0x3000  }
0x3c9: {  	[sflag:s0] =	ssyncset.done @!p0 $0x0  }
0x3ca: {  	[sflag:s0] =	ssyncadd.s32 @!p0 $0xFFFFD000  }
0x3cb: {  	v3 =	vld @!p0 [tilespmem:s16+$0x90];
	_ =	sdelay $0x4  }
0x3cc: {  	v4 =	vshrl.u32 @!p0 v3, $0x3  }
0x3cd: {  	v4 =	vmul.u32 @!p0 $0x30, v4  }
0x3ce: {  	v5 =	vlaneseq.u32 @!p0;
	v3 =	vand.u32 @!p0 $0x7, v3  }
0x3cf: {  	v6 =	vshrl.u32 @!p0 v5, $0x3;
	v3 =	vor.u32 @!p0 v3, v4;
	v4 =	vand.u32 @!p0 $0x7, v5  }
0x3d0: {  	v6 =	vmul.u32 @!p0 $0x8, v6;
	v4 =	vperm.xlane @!p0 v3, v4;
	_ =	sdelay $0x1  }
0x3d1: {  	v4 =	vadd.s32 @!p0 v6, v4;
	_ =	sdelay $0x2  }
0x3d2: {  	v5 =	vor.u32 @!p0 $0x8, v5  }
0x3d3: {  	s2 =	simm.s32 @!p0 $0xF200;
	s0 =	simm.s32 @!p0 $0x0;
	v3 =	vperm.xlane @!p0 v3, v5  }
0x3d4: {  	[tilespmem:s2], [sflag:$0x2] =	stream.indirect_vreg.gather @!p0 [hbm4b:s1+s0], $0x80, v4, vm1, $0xb8;
	[tilespmem:$0x18200] =	vst v63  }
0x3d5: {  	v3 =	vadd.s32 @!p0 v6, v3;
	s2 =	simm.s32 @!p0 $0xFA00  }
0x3d6: {  	[tilespmem:s2], [sflag:$0x2] =	stream.indirect_vreg.gather @!p0 [hbm4b:s11+s0], $0x80, v4, vm1, $0xb8;
	[tilespmem:$0x18200] =	vst v63  }
0x3d7: {  	s2 =	simm.s32 @!p0 $0x10200  }
0x3d8: {  	[tilespmem:s2], [sflag:$0x2] =	stream.indirect_vreg.gather @!p0 [hbm4b:s12+s0], $0x80, v4, vm1, $0xb8;
	[tilespmem:$0x18200] =	vst v63  }
0x3d9: {  	s2 =	simm.s32 @!p0 $0x10A00  }
0x3da: {  	[tilespmem:s2], [sflag:$0x2] =	stream.indirect_vreg.gather @!p0 [hbm4b:s1+s0], $0x80, v3, vm1, $0xb8;
	[tilespmem:$0x18200] =	vst v63  }
0x3db: {  	s2 =	simm.s32 @!p0 $0x11200  }
0x3dc: {  	[tilespmem:s2], [sflag:$0x2] =	stream.indirect_vreg.gather @!p0 [hbm4b:s11+s0], $0x80, v3, vm1, $0xb8;
	[tilespmem:$0x18200] =	vst v63  }
0x3dd: {  	s25 =	simm.s32 $0x0;
	s2 =	simm.s32 @!p0 $0x11A00  }
0x3de: {  	[tilespmem:s2], [sflag:$0x2] =	stream.indirect_vreg.gather @!p0 [hbm4b:s12+s0], $0x80, v3, vm1, $0xb8;
	[tilespmem:$0x18200] =	vst v63  }
0x3df: {  	s16 =	simm.s32 $0x0;
	s2 =	smul.u32 $0x1800, s25  }
0x3e0: {  	s26 =	sand.u32 $0x380, s16  }
0x3e1: {  	s0 =	sor.u32 s26, s2  }
0x3e2: {  	v3 =	vld [tilespmem:s0+$0x9A10]  }
0x3e3: {  	v4 =	vld [tilespmem:s0+$0x9A00]  }
0x3e4: {  	v54 =	vld [tilespmem:s0+$0x9670]  }
0x3e5: {  	v55 =	vld [tilespmem:s0+$0x9650]  }
0x3e6: {  	v7 =	vld [tilespmem:s0+$0x9630]  }
0x3e7: {  	v8 =	vld [tilespmem:s0+$0x9660]  }
0x3e8: {  	v9 =	vld [tilespmem:s0+$0x9640]  }
0x3e9: {  	v56 =	vld [tilespmem:s0+$0x9610]  }
0x3ea: {  	v57 =	vld [tilespmem:s0+$0x9620]  }
0x3eb: {  	v58 =	vld [tilespmem:s0+$0x9270]  }
0x3ec: {  	v59 =	vld [tilespmem:s0+$0x9200]  }
0x3ed: {  	v60 =	vld [tilespmem:s0+$0x9260]  }
0x3ee: {  	v10 =	vld [tilespmem:s0+$0x9600]  }
0x3ef: {  	v61 =	vld [tilespmem:s0+$0x9250]  }
0x3f0: {  	v11 =	vld [tilespmem:s0+$0x9230]  }
0x3f1: {  	v62 =	vld [tilespmem:s0+$0x9210]  }
0x3f2: {  	v12 =	vld [tilespmem:s0+$0x9220]  }
0x3f3: {  	v13 =	vld [tilespmem:s0+$0x9240]  }
0x3f4: {  	[tilespmem:s0+$0x15A00] =	vst.add.f32.msk $0xffff, v4  }
0x3f5: {  	[tilespmem:s0+$0x15670] =	vst.add.f32.msk $0xffff, v54  }
0x3f6: {  	[tilespmem:s0+$0x15650] =	vst.add.f32.msk $0xffff, v55  }
0x3f7: {  	[tilespmem:s0+$0x15630] =	vst.add.f32.msk $0xffff, v7  }
0x3f8: {  	[tilespmem:s0+$0x15660] =	vst.add.f32.msk $0xffff, v8  }
0x3f9: {  	[tilespmem:s0+$0x15640] =	vst.add.f32.msk $0xffff, v9  }
0x3fa: {  	[tilespmem:s0+$0x15620] =	vst.add.f32.msk $0xffff, v57  }
0x3fb: {  	[tilespmem:s0+$0x15610] =	vst.add.f32.msk $0xffff, v56  }
0x3fc: {  	[tilespmem:s0+$0x15600] =	vst.add.f32.msk $0xffff, v10  }
0x3fd: {  	[tilespmem:s0+$0x15270] =	vst.add.f32.msk $0xffff, v58  }
0x3fe: {  	[tilespmem:s0+$0x15260] =	vst.add.f32.msk $0xffff, v60  }
0x3ff: {  	[tilespmem:s0+$0x15230] =	vst.add.f32.msk $0xffff, v11  }
0x400: {  	[tilespmem:s0+$0x15250] =	vst.add.f32.msk $0xffff, v61  }
0x401: {  	[tilespmem:s0+$0x15220] =	vst.add.f32.msk $0xffff, v12  }
0x402: {  	[tilespmem:s0+$0x15240] =	vst.add.f32.msk $0xffff, v13  }
0x403: {  	s31 =	sadd.s32 $0x15A00, s0;
	[tilespmem:s0+$0x15210] =	vst.add.f32.msk $0xffff, v62  }
0x404: {  	s18 =	sor.u32 $0x10, s31;
	[tilespmem:s0+$0x15200] =	vst.add.f32.msk $0xffff, v59  }
0x405: {  	[tilespmem:s18+$0x0] =	vst.add.f32.msk $0xffff, v3  }
0x406: {  	v3 =	vld [tilespmem:s0+$0x9A20];
	_ =	sdelay $0x3  }
0x407: {  	s21 =	sor.u32 $0x20, s31  }
0x408: {  	[tilespmem:s21+$0x0] =	vst.add.f32.msk $0xffff, v3  }
0x409: {  	v3 =	vld [tilespmem:s0+$0x9A30];
	_ =	sdelay $0x3  }
0x40a: {  	s23 =	sor.u32 $0x30, s31  }
0x40b: {  	[tilespmem:s23+$0x0] =	vst.add.f32.msk $0xffff, v3  }
0x40c: {  	v3 =	vld [tilespmem:s0+$0x9A40];
	_ =	sdelay $0x3  }
0x40d: {  	s24 =	sor.u32 $0x40, s31  }
0x40e: {  	[tilespmem:s24+$0x0] =	vst.add.f32.msk $0xffff, v3  }
0x40f: {  	v3 =	vld [tilespmem:s0+$0x9A50];
	_ =	sdelay $0x3  }
0x410: {  	s25 =	sor.u32 $0x50, s31  }
0x411: {  	[tilespmem:s25+$0x0] =	vst.add.f32.msk $0xffff, v3  }
0x412: {  	v3 =	vld [tilespmem:s0+$0x9A60];
	_ =	sdelay $0x3  }
0x413: {  	s26 =	sor.u32 $0x60, s31  }
0x414: {  	[tilespmem:s26+$0x0] =	vst.add.f32.msk $0xffff, v3  }
0x415: {  	v3 =	vld [tilespmem:s0+$0x9A70];
	_ =	sdelay $0x3  }
0x416: {  	s17 =	sor.u32 $0x70, s31  }
0x417: {  	[tilespmem:s17+$0x0] =	vst.add.f32.msk $0xffff, v3  }
0x418: {  	v3 =	vld [tilespmem:s0+$0x9E00]  }
0x419: {  	v63 =	vld [tilespmem:s0+$0x9E10];
	_ =	sdelay $0x2  }
0x41a: {  	s17 =	sadd.s32 $0x15E00, s0  }
0x41b: {  	s31 =	sor.u32 $0x10, s17;
	[tilespmem:s0+$0x15E00] =	vst.add.f32.msk $0xffff, v3  }
0x41c: {  	[tilespmem:s31+$0x0] =	vst.add.f32.msk $0xffff, v63  }
0x41d: {  	v3 =	vld [tilespmem:s0+$0x9E20];
	_ =	sdelay $0x3  }
0x41e: {  	s21 =	sor.u32 $0x20, s17  }
0x41f: {  	[tilespmem:s21+$0x0] =	vst.add.f32.msk $0xffff, v3  }
0x420: {  	v3 =	vld [tilespmem:s0+$0x9E30];
	_ =	sdelay $0x3  }
0x421: {  	s23 =	sor.u32 $0x30, s17  }
0x422: {  	[tilespmem:s23+$0x0] =	vst.add.f32.msk $0xffff, v3  }
0x423: {  	v3 =	vld [tilespmem:s0+$0x9E40];
	_ =	sdelay $0x3  }
0x424: {  	s24 =	sor.u32 $0x40, s17  }
0x425: {  	[tilespmem:s24+$0x0] =	vst.add.f32.msk $0xffff, v3  }
0x426: {  	v3 =	vld [tilespmem:s0+$0x9E50];
	_ =	sdelay $0x3  }
0x427: {  	s25 =	sor.u32 $0x50, s17  }
0x428: {  	[tilespmem:s25+$0x0] =	vst.add.f32.msk $0xffff, v3  }
0x429: {  	v3 =	vld [tilespmem:s0+$0x9E60];
	_ =	sdelay $0x3  }
0x42a: {  	s26 =	sor.u32 $0x60, s17  }
0x42b: {  	[tilespmem:s26+$0x0] =	vst.add.f32.msk $0xffff, v3  }
0x42c: {  	v3 =	vld [tilespmem:s0+$0x9E70];
	_ =	sdelay $0x3  }
0x42d: {  	s17 =	sor.u32 $0x70, s17  }
0x42e: {  	[tilespmem:s17+$0x0] =	vst.add.f32.msk $0xffff, v3  }
0x42f: {  	v3 =	vld [tilespmem:s0+$0xA200]  }
0x430: {  	v4 =	vld [tilespmem:s0+$0xA210];
	_ =	sdelay $0x2  }
0x431: {  	s17 =	sadd.s32 $0x16200, s0  }
0x432: {  	s31 =	sor.u32 $0x10, s17;
	[tilespmem:s0+$0x16200] =	vst.add.f32.msk $0xffff, v3  }
0x433: {  	[tilespmem:s31+$0x0] =	vst.add.f32.msk $0xffff, v4  }
0x434: {  	v3 =	vld [tilespmem:s0+$0xA220];
	_ =	sdelay $0x3  }
0x435: {  	s21 =	sor.u32 $0x20, s17  }
0x436: {  	[tilespmem:s21+$0x0] =	vst.add.f32.msk $0xffff, v3  }
0x437: {  	v3 =	vld [tilespmem:s0+$0xA230];
	_ =	sdelay $0x3  }
0x438: {  	s23 =	sor.u32 $0x30, s17  }
0x439: {  	[tilespmem:s23+$0x0] =	vst.add.f32.msk $0xffff, v3  }
0x43a: {  	v3 =	vld [tilespmem:s0+$0xA240];
	_ =	sdelay $0x3  }
0x43b: {  	s24 =	sor.u32 $0x40, s17  }
0x43c: {  	[tilespmem:s24+$0x0] =	vst.add.f32.msk $0xffff, v3  }
0x43d: {  	v3 =	vld [tilespmem:s0+$0xA250];
	_ =	sdelay $0x3  }
0x43e: {  	s25 =	sor.u32 $0x50, s17  }
0x43f: {  	[tilespmem:s25+$0x0] =	vst.add.f32.msk $0xffff, v3  }
0x440: {  	v3 =	vld [tilespmem:s0+$0xA260];
	_ =	sdelay $0x3  }
0x441: {  	s26 =	sor.u32 $0x60, s17  }
0x442: {  	[tilespmem:s26+$0x0] =	vst.add.f32.msk $0xffff, v3  }
0x443: {  	v3 =	vld [tilespmem:s0+$0xA270];
	_ =	sdelay $0x3  }
0x444: {  	s2 =	sor.u32 s2, s16;
	s17 =	sor.u32 $0x70, s17  }
0x445: {  	s2 =	sor.u32 $0xA400, s2;
	[tilespmem:s17+$0x0] =	vst.add.f32.msk $0xffff, v3  }
0x446: {  	v3 =	vld [tilespmem:s2+$0x200];
	_ =	sdelay $0x4  }
0x447: {  	[tilespmem:s0+$0x16600] =	vst.add.f32.msk $0xffff, v3  }
0x448: {  	v3 =	vld [tilespmem:s2+$0x210];
	_ =	sdelay $0x2  }
0x449: {  	s17 =	sadd.s32 $0x16600, s0  }
0x44a: {  	s0 =	sor.u32 $0x10, s17  }
0x44b: {  	[tilespmem:s0+$0x0] =	vst.add.f32.msk $0xffff, v3  }
0x44c: {  	v3 =	vld [tilespmem:s2+$0x220];
	_ =	sdelay $0x3  }
0x44d: {  	s31 =	sor.u32 $0x20, s17  }
0x44e: {  	s21 =	simm.s32 $0x1;
	[tilespmem:s31+$0x0] =	vst.add.f32.msk $0xffff, v3  }
.LBB2_9:
0x44f: {  	p0 =	sne.s32 s21, $0xF  }
0x450: {  	v3 =	vld [tilespmem:s2+$0x230];
	s16 =	sadd.s32 $0x80, s16;
	s0 =	smov.u32 s21;
	s21 =	sadd.s32 $0x1, s21  }
0x451: {  	_ =	sdelay $0x1  }
0x452: {  	s18 =	sor.u32 $0x30, s17;
	_ =	sdelay $0x1  }
0x453: {  	[tilespmem:s18+$0x0] =	vst.add.f32.msk $0xffff, v3  }
0x454: {  	v3 =	vld [tilespmem:s2+$0x240];
	_ =	sdelay $0x2  }
0x455: {  	s18 =	sor.u32 $0x40, s17;
	_ =	sdelay $0x1  }
0x456: {  	[tilespmem:s18+$0x0] =	vst.add.f32.msk $0xffff, v3  }
0x457: {  	v3 =	vld [tilespmem:s2+$0x250];
	_ =	sdelay $0x2  }
0x458: {  	s18 =	sor.u32 $0x50, s17;
	_ =	sdelay $0x1  }
0x459: {  	[tilespmem:s18+$0x0] =	vst.add.f32.msk $0xffff, v3  }
0x45a: {  	v3 =	vld [tilespmem:s2+$0x260];
	_ =	sdelay $0x2  }
0x45b: {  	s18 =	sor.u32 $0x60, s17;
	_ =	sdelay $0x1  }
0x45c: {  	[tilespmem:s18+$0x0] =	vst.add.f32.msk $0xffff, v3  }
0x45d: {  	v3 =	vld [tilespmem:s2+$0x270];
	_ =	sdelay $0x1  }
0x45e: {  	s0 =	sshrl.u32 s0, $0x3  }
0x45f: {  	s0 =	smul.u32 $0x1800, s0;
	s2 =	sor.u32 $0x70, s17  }
0x460: {  	s17 =	sand.u32 $0x380, s16  }
0x461: {  	s24 =	sor.u32 s0, s16;
	s23 =	sor.u32 s17, s0;
	[tilespmem:s2+$0x0] =	vst.add.f32.msk $0xffff, v3  }
0x462: {  	s26 =	sadd.s32 $0x15A00, s23;
	s25 =	sadd.s32 $0x16200, s23;
	s2 =	sadd.s32 $0x15E00, s23;
	v3 =	vld [tilespmem:s23+$0x9A10]  }
0x463: {  	s17 =	sadd.s32 $0x16600, s23;
	v4 =	vld [tilespmem:s23+$0x9A00]  }
0x464: {  	v5 =	vld [tilespmem:s23+$0x9670]  }
0x465: {  	v6 =	vld [tilespmem:s23+$0x9650]  }
0x466: {  	v7 =	vld [tilespmem:s23+$0x9630]  }
0x467: {  	v8 =	vld [tilespmem:s23+$0x9660]  }
0x468: {  	v9 =	vld [tilespmem:s23+$0x9640]  }
0x469: {  	[tilespmem:s23+$0x15A00] =	vst.add.f32.msk $0xffff, v4  }
0x46a: {  	v4 =	vld [tilespmem:s23+$0x9610]  }
0x46b: {  	[tilespmem:s23+$0x15670] =	vst.add.f32.msk $0xffff, v5  }
0x46c: {  	[tilespmem:s23+$0x15650] =	vst.add.f32.msk $0xffff, v6  }
0x46d: {  	v5 =	vld [tilespmem:s23+$0x9620]  }
0x46e: {  	[tilespmem:s23+$0x15630] =	vst.add.f32.msk $0xffff, v7  }
0x46f: {  	v6 =	vld [tilespmem:s23+$0x9270]  }
0x470: {  	v7 =	vld [tilespmem:s23+$0x9200]  }
0x471: {  	[tilespmem:s23+$0x15660] =	vst.add.f32.msk $0xffff, v8  }
0x472: {  	v8 =	vld [tilespmem:s23+$0x9260]  }
0x473: {  	v10 =	vld [tilespmem:s23+$0x9600]  }
0x474: {  	[tilespmem:s23+$0x15640] =	vst.add.f32.msk $0xffff, v9  }
0x475: {  	v9 =	vld [tilespmem:s23+$0x9250]  }
0x476: {  	v11 =	vld [tilespmem:s23+$0x9230]  }
0x477: {  	[tilespmem:s23+$0x15620] =	vst.add.f32.msk $0xffff, v5  }
0x478: {  	v5 =	vld [tilespmem:s23+$0x9210]  }
0x479: {  	v12 =	vld [tilespmem:s23+$0x9220]  }
0x47a: {  	v13 =	vld [tilespmem:s23+$0x9240]  }
0x47b: {  	[tilespmem:s23+$0x15610] =	vst.add.f32.msk $0xffff, v4  }
0x47c: {  	[tilespmem:s23+$0x15600] =	vst.add.f32.msk $0xffff, v10  }
0x47d: {  	[tilespmem:s23+$0x15270] =	vst.add.f32.msk $0xffff, v6  }
0x47e: {  	[tilespmem:s23+$0x15260] =	vst.add.f32.msk $0xffff, v8  }
0x47f: {  	[tilespmem:s23+$0x15230] =	vst.add.f32.msk $0xffff, v11  }
0x480: {  	[tilespmem:s23+$0x15250] =	vst.add.f32.msk $0xffff, v9  }
0x481: {  	[tilespmem:s23+$0x15220] =	vst.add.f32.msk $0xffff, v12  }
0x482: {  	[tilespmem:s23+$0x15240] =	vst.add.f32.msk $0xffff, v13  }
0x483: {  	s0 =	sor.u32 $0x10, s26;
	[tilespmem:s23+$0x15210] =	vst.add.f32.msk $0xffff, v5  }
0x484: {  	[tilespmem:s23+$0x15200] =	vst.add.f32.msk $0xffff, v7  }
0x485: {  	[tilespmem:s0+$0x0] =	vst.add.f32.msk $0xffff, v3  }
0x486: {  	v3 =	vld [tilespmem:s23+$0x9A20];
	_ =	sdelay $0x2  }
0x487: {  	s0 =	sor.u32 $0x20, s26;
	_ =	sdelay $0x1  }
0x488: {  	[tilespmem:s0+$0x0] =	vst.add.f32.msk $0xffff, v3  }
0x489: {  	v3 =	vld [tilespmem:s23+$0x9A30];
	_ =	sdelay $0x2  }
0x48a: {  	s0 =	sor.u32 $0x30, s26;
	_ =	sdelay $0x1  }
0x48b: {  	[tilespmem:s0+$0x0] =	vst.add.f32.msk $0xffff, v3  }
0x48c: {  	v3 =	vld [tilespmem:s23+$0x9A40];
	_ =	sdelay $0x2  }
0x48d: {  	s0 =	sor.u32 $0x40, s26;
	_ =	sdelay $0x1  }
0x48e: {  	[tilespmem:s0+$0x0] =	vst.add.f32.msk $0xffff, v3  }
0x48f: {  	v3 =	vld [tilespmem:s23+$0x9A50];
	_ =	sdelay $0x2  }
0x490: {  	s0 =	sor.u32 $0x50, s26;
	_ =	sdelay $0x1  }
0x491: {  	[tilespmem:s0+$0x0] =	vst.add.f32.msk $0xffff, v3  }
0x492: {  	v3 =	vld [tilespmem:s23+$0x9A60];
	_ =	sdelay $0x2  }
0x493: {  	s0 =	sor.u32 $0x60, s26;
	_ =	sdelay $0x1  }
0x494: {  	[tilespmem:s0+$0x0] =	vst.add.f32.msk $0xffff, v3  }
0x495: {  	v3 =	vld [tilespmem:s23+$0x9A70];
	_ =	sdelay $0x2  }
0x496: {  	s0 =	sor.u32 $0x70, s26;
	_ =	sdelay $0x1  }
0x497: {  	[tilespmem:s0+$0x0] =	vst.add.f32.msk $0xffff, v3  }
0x498: {  	v3 =	vld [tilespmem:s23+$0x9E00]  }
0x499: {  	v4 =	vld [tilespmem:s23+$0x9E10];
	_ =	sdelay $0x2  }
0x49a: {  	s0 =	sor.u32 $0x10, s2  }
0x49b: {  	[tilespmem:s23+$0x15E00] =	vst.add.f32.msk $0xffff, v3  }
0x49c: {  	[tilespmem:s0+$0x0] =	vst.add.f32.msk $0xffff, v4  }
0x49d: {  	v3 =	vld [tilespmem:s23+$0x9E20];
	_ =	sdelay $0x2  }
0x49e: {  	s0 =	sor.u32 $0x20, s2;
	_ =	sdelay $0x1  }
0x49f: {  	[tilespmem:s0+$0x0] =	vst.add.f32.msk $0xffff, v3  }
0x4a0: {  	v3 =	vld [tilespmem:s23+$0x9E30];
	_ =	sdelay $0x2  }
0x4a1: {  	s0 =	sor.u32 $0x30, s2;
	_ =	sdelay $0x1  }
0x4a2: {  	[tilespmem:s0+$0x0] =	vst.add.f32.msk $0xffff, v3  }
0x4a3: {  	v3 =	vld [tilespmem:s23+$0x9E40];
	_ =	sdelay $0x2  }
0x4a4: {  	s0 =	sor.u32 $0x40, s2;
	_ =	sdelay $0x1  }
0x4a5: {  	[tilespmem:s0+$0x0] =	vst.add.f32.msk $0xffff, v3  }
0x4a6: {  	v3 =	vld [tilespmem:s23+$0x9E50];
	_ =	sdelay $0x2  }
0x4a7: {  	s0 =	sor.u32 $0x50, s2;
	_ =	sdelay $0x1  }
0x4a8: {  	[tilespmem:s0+$0x0] =	vst.add.f32.msk $0xffff, v3  }
0x4a9: {  	v3 =	vld [tilespmem:s23+$0x9E60];
	_ =	sdelay $0x2  }
0x4aa: {  	s0 =	sor.u32 $0x60, s2;
	_ =	sdelay $0x1  }
0x4ab: {  	[tilespmem:s0+$0x0] =	vst.add.f32.msk $0xffff, v3  }
0x4ac: {  	v3 =	vld [tilespmem:s23+$0x9E70];
	_ =	sdelay $0x2  }
0x4ad: {  	s0 =	sor.u32 $0x70, s2;
	_ =	sdelay $0x1  }
0x4ae: {  	[tilespmem:s0+$0x0] =	vst.add.f32.msk $0xffff, v3  }
0x4af: {  	v3 =	vld [tilespmem:s23+$0xA200]  }
0x4b0: {  	v4 =	vld [tilespmem:s23+$0xA210];
	_ =	sdelay $0x2  }
0x4b1: {  	s0 =	sor.u32 $0x10, s25  }
0x4b2: {  	[tilespmem:s23+$0x16200] =	vst.add.f32.msk $0xffff, v3  }
0x4b3: {  	[tilespmem:s0+$0x0] =	vst.add.f32.msk $0xffff, v4  }
0x4b4: {  	v3 =	vld [tilespmem:s23+$0xA220];
	_ =	sdelay $0x2  }
0x4b5: {  	s0 =	sor.u32 $0x20, s25;
	_ =	sdelay $0x1  }
0x4b6: {  	[tilespmem:s0+$0x0] =	vst.add.f32.msk $0xffff, v3  }
0x4b7: {  	v3 =	vld [tilespmem:s23+$0xA230];
	_ =	sdelay $0x2  }
0x4b8: {  	s0 =	sor.u32 $0x30, s25;
	_ =	sdelay $0x1  }
0x4b9: {  	[tilespmem:s0+$0x0] =	vst.add.f32.msk $0xffff, v3  }
0x4ba: {  	v3 =	vld [tilespmem:s23+$0xA240];
	_ =	sdelay $0x2  }
0x4bb: {  	s0 =	sor.u32 $0x40, s25;
	_ =	sdelay $0x1  }
0x4bc: {  	[tilespmem:s0+$0x0] =	vst.add.f32.msk $0xffff, v3  }
0x4bd: {  	v3 =	vld [tilespmem:s23+$0xA250];
	_ =	sdelay $0x2  }
0x4be: {  	s0 =	sor.u32 $0x50, s25;
	_ =	sdelay $0x1  }
0x4bf: {  	[tilespmem:s0+$0x0] =	vst.add.f32.msk $0xffff, v3  }
0x4c0: {  	v3 =	vld [tilespmem:s23+$0xA260];
	_ =	sdelay $0x2  }
0x4c1: {  	s0 =	sor.u32 $0x60, s25;
	_ =	sdelay $0x1  }
0x4c2: {  	[tilespmem:s0+$0x0] =	vst.add.f32.msk $0xffff, v3  }
0x4c3: {  	v3 =	vld [tilespmem:s23+$0xA270];
	_ =	sdelay $0x2  }
0x4c4: {  	s0 =	sor.u32 $0x70, s25  }
0x4c5: {  	s2 =	sor.u32 $0xA400, s24  }
0x4c6: {  	[tilespmem:s0+$0x0] =	vst.add.f32.msk $0xffff, v3  }
0x4c7: {  	v3 =	vld [tilespmem:s2+$0x200];
	_ =	sdelay $0x4  }
0x4c8: {  	[tilespmem:s23+$0x16600] =	vst.add.f32.msk $0xffff, v3  }
0x4c9: {  	v3 =	vld [tilespmem:s2+$0x210];
	_ =	sdelay $0x2  }
0x4ca: {  	s0 =	sor.u32 $0x10, s17;
	_ =	sdelay $0x1  }
0x4cb: {  	[tilespmem:s0+$0x0] =	vst.add.f32.msk $0xffff, v3  }
0x4cc: {  	v3 =	vld [tilespmem:s2+$0x220]  }
.Ltmp3:
0x4cd: {  	(pc) =	sbr.rel @p0 .LBB2_9-.Ltmp3, $3  }
0x4ce: {  	_ = 	snop  }
0x4cf: {  	s0 =	sor.u32 $0x20, s17;
	_ =	sdelay $0x1  }
0x4d0: {  	[tilespmem:s0+$0x0] =	vst.add.f32.msk $0xffff, v3  }
0x4d1: {  	v3 =	vld [tilespmem:s2+$0x230];
	_ =	sdelay $0x3  }
0x4d2: {  	s0 =	sor.u32 $0x30, s17  }
0x4d3: {  	[tilespmem:s0+$0x0] =	vst.add.f32.msk $0xffff, v3  }
0x4d4: {  	v3 =	vld [tilespmem:s2+$0x240];
	_ =	sdelay $0x3  }
0x4d5: {  	s23 =	sor.u32 $0x40, s17  }
0x4d6: {  	[tilespmem:s23+$0x0] =	vst.add.f32.msk $0xffff, v3  }
0x4d7: {  	v3 =	vld [tilespmem:s2+$0x250];
	_ =	sdelay $0x3  }
0x4d8: {  	s24 =	sor.u32 $0x50, s17  }
0x4d9: {  	[tilespmem:s24+$0x0] =	vst.add.f32.msk $0xffff, v3  }
0x4da: {  	v3 =	vld [tilespmem:s2+$0x260];
	_ =	sdelay $0x3  }
0x4db: {  	s25 =	sor.u32 $0x60, s17  }
0x4dc: {  	[tilespmem:s25+$0x0] =	vst.add.f32.msk $0xffff, v3  }
0x4dd: {  	s5 =	sadd.s32 $0x1, s5;
	v3 =	vld [tilespmem:s2+$0x270]  }
0x4de: {  	p0 =	sne.s32 s5, $0x4  }
.Ltmp4:
0x4df: {  	_ = 	snop;
	(pc) =	sbr.rel @p0 .LBB2_2-.Ltmp4, $4  }
0x4e0: {  	s26 =	sadd.s32 s10, s15  }
0x4e1: {  	s31 =	sor.u32 $0x70, s17;
	s0 =	sshrl.u32 s26, $0x3  }
0x4e2: {  	s0 =	sadd.s32 s3, s0;
	[tilespmem:s31+$0x0] =	vst.add.f32.msk $0xffff, v3  }
0x4e3: {  	[hbm4b:s0+s4] =	stream.linear.scatter [tilespmem:s30], [sflag:$0x8], $0x3000, $0x38;
	[tilespmem:$0x18200] =	vst v63  }
0x4e4: {  	s0 =	simm.s32 $0x5  }
0x4e5: {  	_ =	swait.ge [sflag:s0], $0x3000  }
0x4e6: {  	[sflag:s0] =	ssyncset.done $0x0  }
0x4e7: {  	s25 =	simm.s32 $0x6;
	[sflag:s0] =	ssyncadd.s32 $0xFFFFD000  }
0x4e8: {  	_ =	swait.ge [sflag:s25], $0x3000  }
0x4e9: {  	[sflag:s25] =	ssyncset.done $0x0  }
0x4ea: {  	s26 =	simm.s32 $0x7;
	[sflag:s25] =	ssyncadd.s32 $0xFFFFD000  }
0x4eb: {  	_ =	swait.ge [sflag:s26], $0x3000  }
0x4ec: {  	[sflag:s26] =	ssyncset.done $0x0  }
0x4ed: {  	s2 =	simm.s32 $0x8;
	[sflag:s26] =	ssyncadd.s32 $0xFFFFD000  }
0x4ee: {  	_ =	swait.ge [sflag:s2], $0x3000  }
0x4ef: {  	s5 =	rddreg [dreg:$0xb]  }
0x4f0: {  	s31 =	rddreg [dreg:$0xa];
	s5 =	sadd.s32 $0x1, s5  }
0x4f1: {  	p0 =	sne.s32 s5, s31  }
.Ltmp5:
0x4f2: {  	_ = 	snop;
	(pc) =	sbr.rel @p0 .LBB2_1-.Ltmp5, $3  }
0x4f3: {  	_ =	sdelay $0x1  }
0x4f4: {  	[sflag:s2] =	ssyncset.done $0x0  }
0x4f5: {  	[sflag:s2] =	ssyncadd.s32 $0xFFFFD000  }
0x4f6: {  	_ =	sfence.sel $0x180000  }
0x4f7: {  	[bflag:$0x0] =	sbarrier.arrive $0xFFFF  }
0x4f8: {  	_ =	strace $0x90000047  }
0x4f9: {  	s0 =	stileid.u32;
	[bflag:$0x2] =	sbarrier.arrive $0xFFFF  }
0x4fa: {  	p0 =	sne.s32 s0, $0x0;
	s0 =	rddreg [dreg:$0x4]  }
0x4fb: {  	s0 =	sadd.s32 @!p0 $0x100000, s0  }
0x4fc: {  	[sflag:s0] =	ssyncadd.tile.s32 @!p0 $0x1;
	_ =	shalt  }
.Lfunc_end2:
_tile_overlayer_lowered:
.L_overlay_start_2:
0x4fd: {  	(tag) =	ssettag $0x2  }
0x4fe: {  	s0 =	rddreg [dreg:$0x0];
	s2 =	stileid.u32  }
0x4ff: {  	s1 =	rddreg [dreg:$0x1];
	p0 =	sne.s32 s2, $0x0  }
0x500: {  	s3 =	rddreg [dreg:$0x2];
	[bflag:$0x3] =	sbarrier.arrive $0xFFFF;
	s2 =	simm.s32 @!p0 $0x1C09  }
0x501: {  	[timem:s3], [sflag:s2] =	dma.local @!p0 [hbm:s0], s1  }
0x502: {  	s0 =	simm.s32 @!p0 $0x9  }
0x503: {  	_ =	swait.ge @!p0 [sflag:s0], s1  }
0x504: {  	s1 =	ssub.s32 @!p0 $0x0, s1;
	[sflag:s0] =	ssyncset.done @!p0 $0x0  }
0x505: {  	[sflag:s0] =	ssyncadd.s32 @!p0 s1  }
0x506: {  	[bflag:$0x3] =	sbarrier.arrive $0xFFFF  }
0x507: {  	_ =	shalt  }

</sc_bundles>
